<compile_context>
chip_gen: v7x
topology: tpu7x:2x2x1
jax: 0.10.2.dev20260603
libtpu: 0.0.44.dev20260713+nightly
codegen_flags: <defaults>
</compile_context>

<pallas_src>
import functools

import jax
import jax.numpy as jnp
from jax import lax
from jax.experimental import pallas as pl
from jax.experimental.pallas import tpu as pltpu
from jax.experimental.pallas import tpu_sc as plsc

NN = 10000
EE = 320000
DD = 128
GG = 64
NC = 2
NS = 16
CHUNK = 128
CPT = 80
EP = NC * NS * CPT * CHUNK
ROWS_PAD = 10112
RPT = ROWS_PAD // NS
RB = 1000
NB = NN // RB


def _sc_mesh():
    return plsc.VectorSubcoreMesh(
        core_axis_name="c", subcore_axis_name="s",
        num_cores=NC, num_subcores=NS)


def _load_chunk_idx(big_ref, j, idx1):
    for kk in range(8):
        idx1[pl.ds(kk * 16, 16)] = big_ref[j, pl.ds(kk * 16, 16)]


def _fill_rows(rows_v, val):
    def fill(i, _):
        for kk in range(8):
            rows_v[i, pl.ds(kk * 16, 16)] = jnp.full((16,), val, jnp.float32)
        return 0
    lax.fori_loop(0, CHUNK, fill, 0)


def _zero_acc_slice(rows_v, acc, s):
    for q in range(4):
        pltpu.sync_copy(rows_v, acc.at[pl.ds(s * RPT + q * CHUNK, CHUNK)])
    pltpu.sync_copy(rows_v.at[pl.ds(0, RPT - 4 * CHUNK)],
                    acc.at[pl.ds(s * RPT + 4 * CHUNK, RPT - 4 * CHUNK)])


def _deg_body(dst_hbm, out_hbm, dst_v, idx1, rows_v, dacc):
    c = lax.axis_index("c")
    s = lax.axis_index("s")

    _fill_rows(rows_v, 0.0)
    pltpu.sync_copy(dst_hbm.at[c, s], dst_v)
    _zero_acc_slice(rows_v, dacc, s)
    plsc.subcore_barrier()
    _fill_rows(rows_v, 1.0)

    def body(j, _):
        _load_chunk_idx(dst_v, j, idx1)
        pltpu.sync_copy(rows_v, dacc.at[idx1], add=True)
        return 0
    lax.fori_loop(0, CPT, body, 0)

    plsc.subcore_barrier()
    pltpu.sync_copy(dacc.at[pl.ds(s * RPT, RPT)],
                    out_hbm.at[c, pl.ds(s * RPT, RPT)])


def _sc_deg(dstI):
    k = pl.kernel(
        _deg_body,
        out_type=jax.ShapeDtypeStruct((NC, ROWS_PAD, DD), jnp.float32),
        mesh=_sc_mesh(),
        scratch_types=[
            pltpu.VMEM((CPT, CHUNK), jnp.int32),
            pltpu.VMEM((CHUNK,), jnp.int32),
            pltpu.VMEM((CHUNK, DD), jnp.float32),
            pltpu.VMEM_SHARED((ROWS_PAD, DD), jnp.float32),
        ],
    )
    return k(dstI)


def _spmm_body(hp_hbm, src_hbm, dst_hbm, out_hbm,
               dst_v, idx_s, idx_d, rows, acc, gsem, isem):
    c = lax.axis_index("c")
    s = lax.axis_index("s")

    _fill_rows(rows[0], 0.0)
    _fill_rows(rows[1], 0.0)
    pltpu.sync_copy(dst_hbm.at[c, s], dst_v)
    _zero_acc_slice(rows[0], acc, s)
    plsc.subcore_barrier()

    def _gather_chunk(q):
        for u in range(4):
            pltpu.async_copy(hp_hbm.at[idx_s[q].at[pl.ds(32 * u, 32)]],
                             rows[q].at[pl.ds(32 * u, 32)], gsem[q][u])

    def _wait_chunk(q):
        for u in range(4):
            pltpu.make_async_copy(hp_hbm.at[idx_s[q].at[pl.ds(32 * u, 32)]],
                                  rows[q].at[pl.ds(32 * u, 32)],
                                  gsem[q][u]).wait()

    pltpu.sync_copy(src_hbm.at[c, s, 0, 0], idx_s[0])
    _gather_chunk(0)
    pltpu.async_copy(src_hbm.at[c, s, 1, 0], idx_s[1], isem[1])

    def body(m, _):
        for q in range(2):
            j = 2 * m + q
            qo = 1 - q
            pltpu.make_async_copy(src_hbm.at[c, s, 0, 0], idx_s[qo],
                                  isem[qo]).wait()
            _gather_chunk(qo)
            _wait_chunk(q)
            pltpu.async_copy(src_hbm.at[c, s, lax.rem(j + 2, CPT), 0],
                             idx_s[q], isem[q])
            _load_chunk_idx(dst_v, j, idx_d)
            pltpu.sync_copy(rows[q], acc.at[idx_d], add=True)
        return 0
    lax.fori_loop(0, CPT // 2, body, 0)

    _wait_chunk(0)
    pltpu.make_async_copy(src_hbm.at[c, s, 0, 0], idx_s[1], isem[1]).wait()

    plsc.subcore_barrier()
    pltpu.sync_copy(acc.at[pl.ds(s * RPT, RPT)],
                    out_hbm.at[c, pl.ds(s * RPT, RPT)])


def _sc_spmm(hp, srcI, dstI):
    k = pl.kernel(
        _spmm_body,
        out_type=jax.ShapeDtypeStruct((NC, ROWS_PAD, DD), jnp.float32),
        mesh=_sc_mesh(),
        scratch_types=[
            pltpu.VMEM((CPT, CHUNK), jnp.int32),
            tuple(pltpu.VMEM((CHUNK,), jnp.int32) for _ in range(2)),
            pltpu.VMEM((CHUNK,), jnp.int32),
            tuple(pltpu.VMEM((CHUNK, DD), jnp.float32) for _ in range(2)),
            pltpu.VMEM_SHARED((ROWS_PAD, DD), jnp.float32),
            tuple(tuple(pltpu.SemaphoreType.DMA for _ in range(4))
                  for _ in range(2)),
            tuple(pltpu.SemaphoreType.DMA for _ in range(2)),
        ],
    )
    return k(hp, srcI, dstI)


def _dinv_of(degp_blk):
    dsum = degp_blk[0][:, 0:1] + degp_blk[1][:, 0:1] + 1.0
    return lax.rsqrt(dsum)


def _prologue_body(x_ref, degp_ref, w_ref, hp_ref):
    dinv = _dinv_of(degp_ref)
    hp_ref[...] = dinv * jnp.dot(x_ref[...], w_ref[...],
                                 preferred_element_type=jnp.float32)


def _tc_prologue(x, degp, W0):
    return pl.pallas_call(
        _prologue_body,
        grid=(NB,),
        in_specs=[
            pl.BlockSpec((RB, DD), lambda i: (i, 0)),
            pl.BlockSpec((NC, RB, DD), lambda i: (0, i, 0)),
            pl.BlockSpec((DD, DD), lambda i: (0, 0)),
        ],
        out_specs=pl.BlockSpec((RB, DD), lambda i: (i, 0)),
        out_shape=jax.ShapeDtypeStruct((NN, DD), jnp.float32),
    )(x, degp, W0)


def _layer_block(accp_ref, hp_ref, degp_ref, b_ref, g_ref, bb_ref, resid_ref):
    dinv = _dinv_of(degp_ref)
    conv = dinv * (accp_ref[0] + accp_ref[1] + hp_ref[...]) + b_ref[...]
    mu = jnp.mean(conv, axis=1, keepdims=True)
    cc = conv - mu
    var = jnp.mean(cc * cc, axis=1, keepdims=True)
    t = cc * lax.rsqrt(var + 1e-5) * g_ref[...] + bb_ref[...]
    t = jnp.where(t > 0, t, 0.1 * t)
    if resid_ref is not None:
        t = t + resid_ref[...]
    return t, dinv


def _epi_body(has_resid, *refs):
    if has_resid:
        (accp_ref, hp_ref, degp_ref, b_ref, g_ref, bb_ref, wn_ref,
         resid_ref, out_ref, hpn_ref) = refs
    else:
        (accp_ref, hp_ref, degp_ref, b_ref, g_ref, bb_ref, wn_ref,
         out_ref, hpn_ref) = refs
        resid_ref = None
    t, dinv = _layer_block(accp_ref, hp_ref, degp_ref, b_ref, g_ref,
                           bb_ref, resid_ref)
    out_ref[...] = t
    hpn_ref[...] = dinv * jnp.dot(t, wn_ref[...],
                                  preferred_element_type=jnp.float32)


def _tc_epilogue(accp, hp, degp, b, g, bb, Wn, resid):
    has_resid = resid is not None
    row = pl.BlockSpec((RB, DD), lambda i: (i, 0))
    vec = pl.BlockSpec((1, DD), lambda i: (0, 0))
    in_specs = [
        pl.BlockSpec((NC, RB, DD), lambda i: (0, i, 0)),
        row,
        pl.BlockSpec((NC, RB, DD), lambda i: (0, i, 0)),
        vec, vec, vec,
        pl.BlockSpec((DD, DD), lambda i: (0, 0)),
    ]
    args = [accp, hp, degp, b, g, bb, Wn]
    aliases = {1: 1}
    if has_resid:
        in_specs.append(row)
        args.append(resid)
        aliases[7] = 0
    return pl.pallas_call(
        functools.partial(_epi_body, has_resid),
        grid=(NB,),
        in_specs=in_specs,
        out_specs=[row, row],
        out_shape=[jax.ShapeDtypeStruct((NN, DD), jnp.float32),
                   jax.ShapeDtypeStruct((NN, DD), jnp.float32)],
        input_output_aliases=aliases,
    )(*args)


def _final_body(accp_ref, hp_ref, degp_ref, b_ref, g_ref, bb_ref, resid_ref,
                ba_ref, bl_ref, wlmax_ref, wlmean_ref, blin_ref, out_ref,
                maxacc, sumacc, cntacc):
    i = pl.program_id(0)

    @pl.when(i == 0)
    def _init():
        maxacc[...] = jnp.full((GG, 1, DD), -jnp.inf, jnp.float32)
        sumacc[...] = jnp.zeros((GG, DD), jnp.float32)
        cntacc[...] = jnp.zeros((GG, DD), jnp.float32)

    t, _ = _layer_block(accp_ref, hp_ref, degp_ref, b_ref, g_ref, bb_ref,
                        resid_ref)

    bvec = ba_ref[0]
    blane = bl_ref[0]
    onehot_t = (lax.broadcasted_iota(jnp.int32, (GG, RB), 0)
                == blane).astype(jnp.float32)
    sumacc[...] = sumacc[...] + jnp.dot(onehot_t, t,
                                        preferred_element_type=jnp.float32)
    cntacc[...] = cntacc[...] + jnp.sum(onehot_t, axis=1, keepdims=True)

    g_lo = jnp.min(bvec)
    g_hi = jnp.max(bvec)

    def seg(gidx, _):
        m = jnp.max(jnp.where(bvec == gidx, t, -jnp.inf), axis=0,
                    keepdims=True)
        maxacc[gidx] = jnp.maximum(maxacc[gidx], m)
        return 0
    lax.fori_loop(g_lo, g_hi + 1, seg, 0)

    @pl.when(i == NB - 1)
    def _emit():
        meanp = sumacc[...] / jnp.maximum(cntacc[...], 1.0)
        maxp = maxacc[...][:, 0, :]
        out_ref[...] = (
            jnp.dot(maxp, wlmax_ref[...], preferred_element_type=jnp.float32)
            + jnp.dot(meanp, wlmean_ref[...],
                      preferred_element_type=jnp.float32)
            + blin_ref[...])


def _tc_final(accp, hp, degp, b, g, bb, resid, batch_a, batch_b,
              Wl_max, Wl_mean, b_lin):
    row = pl.BlockSpec((RB, DD), lambda i: (i, 0))
    vec = pl.BlockSpec((1, DD), lambda i: (0, 0))
    mat = pl.BlockSpec((DD, DD), lambda i: (0, 0))
    return pl.pallas_call(
        _final_body,
        grid=(NB,),
        in_specs=[
            pl.BlockSpec((NC, RB, DD), lambda i: (0, i, 0)),
            row,
            pl.BlockSpec((NC, RB, DD), lambda i: (0, i, 0)),
            vec, vec, vec,
            row,
            pl.BlockSpec((1, RB, 1), lambda i: (i, 0, 0)),
            pl.BlockSpec((1, 1, RB), lambda i: (i, 0, 0)),
            mat, mat, vec,
        ],
        out_specs=pl.BlockSpec((GG, DD), lambda i: (0, 0)),
        out_shape=jax.ShapeDtypeStruct((GG, DD), jnp.float32),
        scratch_shapes=[
            pltpu.VMEM((GG, 1, DD), jnp.float32),
            pltpu.VMEM((GG, DD), jnp.float32),
            pltpu.VMEM((GG, DD), jnp.float32),
        ],
    )(accp, hp, degp, b, g, bb, resid, batch_a, batch_b,
      Wl_max, Wl_mean, b_lin)


def kernel(x, edge_index, edge_attr, batch,
           W_gcn0, b_gcn0, W_gcn1, b_gcn1, W_gcn2, b_gcn2,
           ln_g0, ln_b0, ln_g1, ln_b1, ln_g2, ln_b2,
           W_lin, b_lin):
    src = edge_index[0].astype(jnp.int32)
    dst = edge_index[1].astype(jnp.int32)
    pad = EP - EE
    srcI = jnp.concatenate(
        [src, jnp.zeros((pad,), jnp.int32)]).reshape(NC, NS, CPT, 1, CHUNK)
    dstI = jnp.concatenate(
        [dst, jnp.full((pad,), NN, jnp.int32)]).reshape(NC, NS, CPT, CHUNK)

    degp = _sc_deg(dstI)
    b0 = b_gcn0.reshape(1, DD)
    b1 = b_gcn1.reshape(1, DD)
    b2 = b_gcn2.reshape(1, DD)
    g0, g1, g2 = (v.reshape(1, DD) for v in (ln_g0, ln_g1, ln_g2))
    bb0, bb1, bb2 = (v.reshape(1, DD) for v in (ln_b0, ln_b1, ln_b2))

    hp0 = _tc_prologue(x, degp, W_gcn0)
    acc0 = _sc_spmm(hp0, srcI, dstI)
    out0, hp1 = _tc_epilogue(acc0, hp0, degp, b0, g0, bb0, W_gcn1, None)
    acc1 = _sc_spmm(hp1, srcI, dstI)
    out1, hp2 = _tc_epilogue(acc1, hp1, degp, b1, g1, bb1, W_gcn2, out0)
    acc2 = _sc_spmm(hp2, srcI, dstI)

    batch_i = batch.astype(jnp.int32)
    batch_a = batch_i.reshape(NB, RB, 1)
    batch_b = batch_i.reshape(NB, 1, RB)
    return _tc_final(acc2, hp2, degp, b2, g2, bb2, out1, batch_a, batch_b,
                     W_lin[:DD], W_lin[DD:], b_lin.reshape(1, DD))

# --- scband reference (transcript-rebuilt; emitter-appended) ---
"""Pipeline reference for scband-gcn-graph-86535001080544 (READ-ONLY COPY).

The authoritative reference and input builder live on the scoring server;
editing this copy changes nothing except your own understanding.
"""

import jax, jax.numpy as jnp
import numpy as np

N = 10000
E = 320000
D = 128
HID = 128
EMB = 128
G = 64
NEG = 0.1
NUM_LAYERS = 3


def layer_norm(x, g, b):
    mu = jnp.mean(x, axis=-1, keepdims=True)
    var = jnp.mean((x - mu) ** 2, axis=-1, keepdims=True)
    return (x - mu) / jnp.sqrt(var + 1e-5) * g + b


def gcn_conv(x, src, dst, W, b):
    # torch_geometric GCNConv: add self-loops, symmetric normalization, scatter-add
    n = x.shape[0]
    loop = jnp.arange(n, dtype=src.dtype)
    s = jnp.concatenate([src, loop])
    d = jnp.concatenate([dst, loop])
    xW = x @ W
    deg = jnp.zeros((n,), x.dtype).at[d].add(1.0)
    dinv = jnp.where(deg > 0, deg ** -0.5, 0.0)
    norm = dinv[s] * dinv[d]
    msg = jnp.take(xW, s, axis=0) * norm[:, None]
    out = jnp.zeros((n, W.shape[1]), x.dtype).at[d].add(msg)
    return out + b


def setup_inputs(seed: int = 0) -> dict:
    key = jax.random.key(seed)
    ks = jax.random.split(key, 24)
    inp = {}
    inp["x"] = jax.random.normal(ks[0], (N, D), jnp.float32)
    inp["edge_index"] = jax.random.randint(ks[1], (2, E), 0, N)
    inp["edge_attr"] = jax.random.normal(ks[2], (E, 16), jnp.float32)
    inp["batch"] = jnp.sort(jax.random.randint(ks[3], (N,), 0, G))
    # GCN layer params
    inp["W_gcn0"] = jax.random.normal(ks[4], (D, HID), jnp.float32) * 0.05
    inp["b_gcn0"] = jnp.zeros((HID,), jnp.float32)
    inp["W_gcn1"] = jax.random.normal(ks[5], (HID, HID), jnp.float32) * 0.05
    inp["b_gcn1"] = jnp.zeros((HID,), jnp.float32)
    inp["W_gcn2"] = jax.random.normal(ks[6], (HID, HID), jnp.float32) * 0.05
    inp["b_gcn2"] = jnp.zeros((HID,), jnp.float32)
    # LayerNorm params
    inp["ln_g0"] = jnp.ones((HID,), jnp.float32)
    inp["ln_b0"] = jnp.zeros((HID,), jnp.float32)
    inp["ln_g1"] = jnp.ones((HID,), jnp.float32)
    inp["ln_b1"] = jnp.zeros((HID,), jnp.float32)
    inp["ln_g2"] = jnp.ones((HID,), jnp.float32)
    inp["ln_b2"] = jnp.zeros((HID,), jnp.float32)
    # final linear: hidden_dim*2 -> embed_dim
    inp["W_lin"] = jax.random.normal(ks[7], (HID * 2, EMB), jnp.float32) * 0.05
    inp["b_lin"] = jnp.zeros((EMB,), jnp.float32)
    return inp


def reference(x, edge_index, edge_attr, batch,
              W_gcn0, b_gcn0, W_gcn1, b_gcn1, W_gcn2, b_gcn2,
              ln_g0, ln_b0, ln_g1, ln_b1, ln_g2, ln_b2,
              W_lin, b_lin):
    # input_dim == hidden_dim, so input_proj is None in the torch module
    src, dst = edge_index[0], edge_index[1]
    gcns = [(W_gcn0, b_gcn0), (W_gcn1, b_gcn1), (W_gcn2, b_gcn2)]
    lns = [(ln_g0, ln_b0), (ln_g1, ln_b1), (ln_g2, ln_b2)]
    out = x
    for idx in range(NUM_LAYERS):
        residual = out
        W, b = gcns[idx]
        out = gcn_conv(out, src, dst, W, b)
        g, bb = lns[idx]
        out = layer_norm(out, g, bb)
        out = jnp.where(out > 0, out, NEG * out)  # leaky_relu(0.1)
        if idx > 0:
            out = out + residual
    maxp = jax.ops.segment_max(out, batch, num_segments=G)
    sump = jax.ops.segment_sum(out, batch, num_segments=G)
    cnt = jax.ops.segment_sum(jnp.ones((out.shape[0], 1), out.dtype), batch, num_segments=G)
    meanp = sump / jnp.clip(cnt, 1.0, None)
    pooled = jnp.concatenate([maxp, meanp], axis=1)
    return pooled @ W_lin + b_lin

if __name__ == "__main__":
    import jax
    _d = setup_inputs()
    print(jax.jit(kernel)(*tuple(_d.values())))

</pallas_src>

<mosaic_0001>
#map = affine_map<(d0, d1) -> (0, 0)>
#map1 = affine_map<(d0, d1) -> (0, 0, 0, 0, 0)>
#map2 = affine_map<(d0, d1) -> (0, 0, 0, 0)>
#map3 = affine_map<(d0, d1) -> (0, 0, 0)>
module attributes {stable_mosaic.version = 14 : i64} {
  func.func @_spmm_body(%arg0: i32, %arg1: i32, %arg2: memref<10000x128xf32, #tpu.memory_space<hbm>>, %arg3: memref<2x16x80x1x128xi32, #tpu.memory_space<hbm>>, %arg4: memref<2x16x80x128xi32, #tpu.memory_space<hbm>>, %arg5: memref<2x10112x128xf32, #tpu.memory_space<hbm>>, %arg6: memref<80x128xi32, #tpu.memory_space<vmem>>, %arg7: memref<128xi32, #tpu.memory_space<vmem>>, %arg8: memref<128xi32, #tpu.memory_space<vmem>>, %arg9: memref<128xi32, #tpu.memory_space<vmem>>, %arg10: memref<128x128xf32, #tpu.memory_space<vmem>>, %arg11: memref<128x128xf32, #tpu.memory_space<vmem>>, %arg12: memref<10112x128xf32, #tpu.memory_space<vmem_shared>>, %arg13: memref<!tpu.dma_semaphore, #tpu.memory_space<semaphore_mem>>, %arg14: memref<!tpu.dma_semaphore, #tpu.memory_space<semaphore_mem>>, %arg15: memref<!tpu.dma_semaphore, #tpu.memory_space<semaphore_mem>>, %arg16: memref<!tpu.dma_semaphore, #tpu.memory_space<semaphore_mem>>, %arg17: memref<!tpu.dma_semaphore, #tpu.memory_space<semaphore_mem>>, %arg18: memref<!tpu.dma_semaphore, #tpu.memory_space<semaphore_mem>>, %arg19: memref<!tpu.dma_semaphore, #tpu.memory_space<semaphore_mem>>, %arg20: memref<!tpu.dma_semaphore, #tpu.memory_space<semaphore_mem>>, %arg21: memref<!tpu.dma_semaphore, #tpu.memory_space<semaphore_mem>>, %arg22: memref<!tpu.dma_semaphore, #tpu.memory_space<semaphore_mem>>) attributes {dimension_semantics = [#tpu.dimension_semantics<core_parallel>, #tpu.dimension_semantics<subcore_parallel>], iteration_bounds = array<i64: 2, 16>, scalar_prefetch = 0 : i64, scratch_operands = 17 : i64, tpu.core_type = #tpu.core_type<sc_vector_subcore>, window_params = [{transform_indices = #map}, {transform_indices = #map1}, {transform_indices = #map2}, {transform_indices = #map3}]} {
    %scan3A = arith.constant 0 : i32
    %scan3A_0 = arith.constant 0 : i32
    %scan3A_1 = arith.constant 128 : i32
    %scan3A_2 = arith.addi %scan3A_0, %scan3A_1 : i32
    %scan3A_3 = arith.constant 1 : i32
    %scan3A_4 = scf.for %scan3A_122 = %scan3A_0 to %scan3A_2 step %scan3A_3 iter_args(%scan3A_123 = %scan3A) -> (i32)  : i32 {
      %broadcast_in_dim3A = arith.constant 0.000000e+00 : f32
      %broadcast_in_dim3A_124 = vector.broadcast %broadcast_in_dim3A : f32 to vector<16xf32>
      %swap3A = arith.index_cast %scan3A_122 : i32 to index
      %swap3A_125 = arith.constant 0 : index
      %swap3A_126 = tpu.vector_load %arg10[%swap3A, %swap3A_125] {strides = array<i32>} : memref<128x128xf32, #tpu.memory_space<vmem>>, vector<1x16xf32>,
      %swap3A_127 = vector.shape_cast %swap3A_126 : vector<1x16xf32> to vector<16xf32>
      %swap3A_128 = vector.shape_cast %broadcast_in_dim3A_124 : vector<16xf32> to vector<1x16xf32>
      tpu.vector_store %arg10[%swap3A, %swap3A_125], %swap3A_128 {strides = array<i32>} : memref<128x128xf32, #tpu.memory_space<vmem>>, vector<1x16xf32>,
      %broadcast_in_dim3A_129 = arith.constant 0.000000e+00 : f32
      %broadcast_in_dim3A_130 = vector.broadcast %broadcast_in_dim3A_129 : f32 to vector<16xf32>
      %swap3A_131 = arith.index_cast %scan3A_122 : i32 to index
      %swap3A_132 = arith.constant 16 : index
      %swap3A_133 = tpu.vector_load %arg10[%swap3A_131, %swap3A_132] {strides = array<i32>} : memref<128x128xf32, #tpu.memory_space<vmem>>, vector<1x16xf32>,
      %swap3A_134 = vector.shape_cast %swap3A_133 : vector<1x16xf32> to vector<16xf32>
      %swap3A_135 = vector.shape_cast %broadcast_in_dim3A_130 : vector<16xf32> to vector<1x16xf32>
      tpu.vector_store %arg10[%swap3A_131, %swap3A_132], %swap3A_135 {strides = array<i32>} : memref<128x128xf32, #tpu.memory_space<vmem>>, vector<1x16xf32>,
      %broadcast_in_dim3A_136 = arith.constant 0.000000e+00 : f32
      %broadcast_in_dim3A_137 = vector.broadcast %broadcast_in_dim3A_136 : f32 to vector<16xf32>
      %swap3A_138 = arith.index_cast %scan3A_122 : i32 to index
      %swap3A_139 = arith.constant 32 : index
      %swap3A_140 = tpu.vector_load %arg10[%swap3A_138, %swap3A_139] {strides = array<i32>} : memref<128x128xf32, #tpu.memory_space<vmem>>, vector<1x16xf32>,
      %swap3A_141 = vector.shape_cast %swap3A_140 : vector<1x16xf32> to vector<16xf32>
      %swap3A_142 = vector.shape_cast %broadcast_in_dim3A_137 : vector<16xf32> to vector<1x16xf32>
      tpu.vector_store %arg10[%swap3A_138, %swap3A_139], %swap3A_142 {strides = array<i32>} : memref<128x128xf32, #tpu.memory_space<vmem>>, vector<1x16xf32>,
      %broadcast_in_dim3A_143 = arith.constant 0.000000e+00 : f32
      %broadcast_in_dim3A_144 = vector.broadcast %broadcast_in_dim3A_143 : f32 to vector<16xf32>
      %swap3A_145 = arith.index_cast %scan3A_122 : i32 to index
      %swap3A_146 = arith.constant 48 : index
      %swap3A_147 = tpu.vector_load %arg10[%swap3A_145, %swap3A_146] {strides = array<i32>} : memref<128x128xf32, #tpu.memory_space<vmem>>, vector<1x16xf32>,
      %swap3A_148 = vector.shape_cast %swap3A_147 : vector<1x16xf32> to vector<16xf32>
      %swap3A_149 = vector.shape_cast %broadcast_in_dim3A_144 : vector<16xf32> to vector<1x16xf32>
      tpu.vector_store %arg10[%swap3A_145, %swap3A_146], %swap3A_149 {strides = array<i32>} : memref<128x128xf32, #tpu.memory_space<vmem>>, vector<1x16xf32>,
      %broadcast_in_dim3A_150 = arith.constant 0.000000e+00 : f32
      %broadcast_in_dim3A_151 = vector.broadcast %broadcast_in_dim3A_150 : f32 to vector<16xf32>
      %swap3A_152 = arith.index_cast %scan3A_122 : i32 to index
      %swap3A_153 = arith.constant 64 : index
      %swap3A_154 = tpu.vector_load %arg10[%swap3A_152, %swap3A_153] {strides = array<i32>} : memref<128x128xf32, #tpu.memory_space<vmem>>, vector<1x16xf32>,
      %swap3A_155 = vector.shape_cast %swap3A_154 : vector<1x16xf32> to vector<16xf32>
      %swap3A_156 = vector.shape_cast %broadcast_in_dim3A_151 : vector<16xf32> to vector<1x16xf32>
      tpu.vector_store %arg10[%swap3A_152, %swap3A_153], %swap3A_156 {strides = array<i32>} : memref<128x128xf32, #tpu.memory_space<vmem>>, vector<1x16xf32>,
      %broadcast_in_dim3A_157 = arith.constant 0.000000e+00 : f32
      %broadcast_in_dim3A_158 = vector.broadcast %broadcast_in_dim3A_157 : f32 to vector<16xf32>
      %swap3A_159 = arith.index_cast %scan3A_122 : i32 to index
      %swap3A_160 = arith.constant 80 : index
      %swap3A_161 = tpu.vector_load %arg10[%swap3A_159, %swap3A_160] {strides = array<i32>} : memref<128x128xf32, #tpu.memory_space<vmem>>, vector<1x16xf32>,
      %swap3A_162 = vector.shape_cast %swap3A_161 : vector<1x16xf32> to vector<16xf32>
      %swap3A_163 = vector.shape_cast %broadcast_in_dim3A_158 : vector<16xf32> to vector<1x16xf32>
      tpu.vector_store %arg10[%swap3A_159, %swap3A_160], %swap3A_163 {strides = array<i32>} : memref<128x128xf32, #tpu.memory_space<vmem>>, vector<1x16xf32>,
      %broadcast_in_dim3A_164 = arith.constant 0.000000e+00 : f32
      %broadcast_in_dim3A_165 = vector.broadcast %broadcast_in_dim3A_164 : f32 to vector<16xf32>
      %swap3A_166 = arith.index_cast %scan3A_122 : i32 to index
      %swap3A_167 = arith.constant 96 : index
      %swap3A_168 = tpu.vector_load %arg10[%swap3A_166, %swap3A_167] {strides = array<i32>} : memref<128x128xf32, #tpu.memory_space<vmem>>, vector<1x16xf32>,
      %swap3A_169 = vector.shape_cast %swap3A_168 : vector<1x16xf32> to vector<16xf32>
      %swap3A_170 = vector.shape_cast %broadcast_in_dim3A_165 : vector<16xf32> to vector<1x16xf32>
      tpu.vector_store %arg10[%swap3A_166, %swap3A_167], %swap3A_170 {strides = array<i32>} : memref<128x128xf32, #tpu.memory_space<vmem>>, vector<1x16xf32>,
      %broadcast_in_dim3A_171 = arith.constant 0.000000e+00 : f32
      %broadcast_in_dim3A_172 = vector.broadcast %broadcast_in_dim3A_171 : f32 to vector<16xf32>
      %swap3A_173 = arith.index_cast %scan3A_122 : i32 to index
      %swap3A_174 = arith.constant 112 : index
      %swap3A_175 = tpu.vector_load %arg10[%swap3A_173, %swap3A_174] {strides = array<i32>} : memref<128x128xf32, #tpu.memory_space<vmem>>, vector<1x16xf32>,
      %swap3A_176 = vector.shape_cast %swap3A_175 : vector<1x16xf32> to vector<16xf32>
      %swap3A_177 = vector.shape_cast %broadcast_in_dim3A_172 : vector<16xf32> to vector<1x16xf32>
      tpu.vector_store %arg10[%swap3A_173, %swap3A_174], %swap3A_177 {strides = array<i32>} : memref<128x128xf32, #tpu.memory_space<vmem>>, vector<1x16xf32>,
      %scan3A_178 = arith.constant 0 : i32
      scf.yield %scan3A_178 : i32
    }
    %scan3A_5 = arith.constant 128 : i32
    %scan3A_6 = arith.constant 0 : i32
    %scan3A_7 = arith.constant 0 : i32
    %scan3A_8 = arith.constant 128 : i32
    %scan3A_9 = arith.addi %scan3A_7, %scan3A_8 : i32
    %scan3A_10 = arith.constant 1 : i32
    %scan3A_11 = scf.for %scan3A_122 = %scan3A_7 to %scan3A_9 step %scan3A_10 iter_args(%scan3A_123 = %scan3A_6) -> (i32)  : i32 {
      %broadcast_in_dim3A = arith.constant 0.000000e+00 : f32
      %broadcast_in_dim3A_124 = vector.broadcast %broadcast_in_dim3A : f32 to vector<16xf32>
      %swap3A = arith.index_cast %scan3A_122 : i32 to index
      %swap3A_125 = arith.constant 0 : index
      %swap3A_126 = tpu.vector_load %arg11[%swap3A, %swap3A_125] {strides = array<i32>} : memref<128x128xf32, #tpu.memory_space<vmem>>, vector<1x16xf32>,
      %swap3A_127 = vector.shape_cast %swap3A_126 : vector<1x16xf32> to vector<16xf32>
      %swap3A_128 = vector.shape_cast %broadcast_in_dim3A_124 : vector<16xf32> to vector<1x16xf32>
      tpu.vector_store %arg11[%swap3A, %swap3A_125], %swap3A_128 {strides = array<i32>} : memref<128x128xf32, #tpu.memory_space<vmem>>, vector<1x16xf32>,
      %broadcast_in_dim3A_129 = arith.constant 0.000000e+00 : f32
      %broadcast_in_dim3A_130 = vector.broadcast %broadcast_in_dim3A_129 : f32 to vector<16xf32>
      %swap3A_131 = arith.index_cast %scan3A_122 : i32 to index
      %swap3A_132 = arith.constant 16 : index
      %swap3A_133 = tpu.vector_load %arg11[%swap3A_131, %swap3A_132] {strides = array<i32>} : memref<128x128xf32, #tpu.memory_space<vmem>>, vector<1x16xf32>,
      %swap3A_134 = vector.shape_cast %swap3A_133 : vector<1x16xf32> to vector<16xf32>
      %swap3A_135 = vector.shape_cast %broadcast_in_dim3A_130 : vector<16xf32> to vector<1x16xf32>
      tpu.vector_store %arg11[%swap3A_131, %swap3A_132], %swap3A_135 {strides = array<i32>} : memref<128x128xf32, #tpu.memory_space<vmem>>, vector<1x16xf32>,
      %broadcast_in_dim3A_136 = arith.constant 0.000000e+00 : f32
      %broadcast_in_dim3A_137 = vector.broadcast %broadcast_in_dim3A_136 : f32 to vector<16xf32>
      %swap3A_138 = arith.index_cast %scan3A_122 : i32 to index
      %swap3A_139 = arith.constant 32 : index
      %swap3A_140 = tpu.vector_load %arg11[%swap3A_138, %swap3A_139] {strides = array<i32>} : memref<128x128xf32, #tpu.memory_space<vmem>>, vector<1x16xf32>,
      %swap3A_141 = vector.shape_cast %swap3A_140 : vector<1x16xf32> to vector<16xf32>
      %swap3A_142 = vector.shape_cast %broadcast_in_dim3A_137 : vector<16xf32> to vector<1x16xf32>
      tpu.vector_store %arg11[%swap3A_138, %swap3A_139], %swap3A_142 {strides = array<i32>} : memref<128x128xf32, #tpu.memory_space<vmem>>, vector<1x16xf32>,
      %broadcast_in_dim3A_143 = arith.constant 0.000000e+00 : f32
      %broadcast_in_dim3A_144 = vector.broadcast %broadcast_in_dim3A_143 : f32 to vector<16xf32>
      %swap3A_145 = arith.index_cast %scan3A_122 : i32 to index
      %swap3A_146 = arith.constant 48 : index
      %swap3A_147 = tpu.vector_load %arg11[%swap3A_145, %swap3A_146] {strides = array<i32>} : memref<128x128xf32, #tpu.memory_space<vmem>>, vector<1x16xf32>,
      %swap3A_148 = vector.shape_cast %swap3A_147 : vector<1x16xf32> to vector<16xf32>
      %swap3A_149 = vector.shape_cast %broadcast_in_dim3A_144 : vector<16xf32> to vector<1x16xf32>
      tpu.vector_store %arg11[%swap3A_145, %swap3A_146], %swap3A_149 {strides = array<i32>} : memref<128x128xf32, #tpu.memory_space<vmem>>, vector<1x16xf32>,
      %broadcast_in_dim3A_150 = arith.constant 0.000000e+00 : f32
      %broadcast_in_dim3A_151 = vector.broadcast %broadcast_in_dim3A_150 : f32 to vector<16xf32>
      %swap3A_152 = arith.index_cast %scan3A_122 : i32 to index
      %swap3A_153 = arith.constant 64 : index
      %swap3A_154 = tpu.vector_load %arg11[%swap3A_152, %swap3A_153] {strides = array<i32>} : memref<128x128xf32, #tpu.memory_space<vmem>>, vector<1x16xf32>,
      %swap3A_155 = vector.shape_cast %swap3A_154 : vector<1x16xf32> to vector<16xf32>
      %swap3A_156 = vector.shape_cast %broadcast_in_dim3A_151 : vector<16xf32> to vector<1x16xf32>
      tpu.vector_store %arg11[%swap3A_152, %swap3A_153], %swap3A_156 {strides = array<i32>} : memref<128x128xf32, #tpu.memory_space<vmem>>, vector<1x16xf32>,
      %broadcast_in_dim3A_157 = arith.constant 0.000000e+00 : f32
      %broadcast_in_dim3A_158 = vector.broadcast %broadcast_in_dim3A_157 : f32 to vector<16xf32>
      %swap3A_159 = arith.index_cast %scan3A_122 : i32 to index
      %swap3A_160 = arith.constant 80 : index
      %swap3A_161 = tpu.vector_load %arg11[%swap3A_159, %swap3A_160] {strides = array<i32>} : memref<128x128xf32, #tpu.memory_space<vmem>>, vector<1x16xf32>,
      %swap3A_162 = vector.shape_cast %swap3A_161 : vector<1x16xf32> to vector<16xf32>
      %swap3A_163 = vector.shape_cast %broadcast_in_dim3A_158 : vector<16xf32> to vector<1x16xf32>
      tpu.vector_store %arg11[%swap3A_159, %swap3A_160], %swap3A_163 {strides = array<i32>} : memref<128x128xf32, #tpu.memory_space<vmem>>, vector<1x16xf32>,
      %broadcast_in_dim3A_164 = arith.constant 0.000000e+00 : f32
      %broadcast_in_dim3A_165 = vector.broadcast %broadcast_in_dim3A_164 : f32 to vector<16xf32>
      %swap3A_166 = arith.index_cast %scan3A_122 : i32 to index
      %swap3A_167 = arith.constant 96 : index
      %swap3A_168 = tpu.vector_load %arg11[%swap3A_166, %swap3A_167] {strides = array<i32>} : memref<128x128xf32, #tpu.memory_space<vmem>>, vector<1x16xf32>,
      %swap3A_169 = vector.shape_cast %swap3A_168 : vector<1x16xf32> to vector<16xf32>
      %swap3A_170 = vector.shape_cast %broadcast_in_dim3A_165 : vector<16xf32> to vector<1x16xf32>
      tpu.vector_store %arg11[%swap3A_166, %swap3A_167], %swap3A_170 {strides = array<i32>} : memref<128x128xf32, #tpu.memory_space<vmem>>, vector<1x16xf32>,
      %broadcast_in_dim3A_171 = arith.constant 0.000000e+00 : f32
      %broadcast_in_dim3A_172 = vector.broadcast %broadcast_in_dim3A_171 : f32 to vector<16xf32>
      %swap3A_173 = arith.index_cast %scan3A_122 : i32 to index
      %swap3A_174 = arith.constant 112 : index
      %swap3A_175 = tpu.vector_load %arg11[%swap3A_173, %swap3A_174] {strides = array<i32>} : memref<128x128xf32, #tpu.memory_space<vmem>>, vector<1x16xf32>,
      %swap3A_176 = vector.shape_cast %swap3A_175 : vector<1x16xf32> to vector<16xf32>
      %swap3A_177 = vector.shape_cast %broadcast_in_dim3A_172 : vector<16xf32> to vector<1x16xf32>
      tpu.vector_store %arg11[%swap3A_173, %swap3A_174], %swap3A_177 {strides = array<i32>} : memref<128x128xf32, #tpu.memory_space<vmem>>, vector<1x16xf32>,
      %scan3A_178 = arith.constant 0 : i32
      scf.yield %scan3A_178 : i32
    }
    %scan3A_12 = arith.constant 128 : i32
    "tpu.region"() ({
      %run_scoped3A_122 = tpu.sem_alloc : memref<!tpu.dma_semaphore, #tpu.memory_space<semaphore_mem>>
      %dma_start3A_123 = arith.constant 0 : i32
      %dma_start3A_124 = arith.constant 0 : i32
      %dma_start3A_125 = tpu.memref_slice %arg4[%arg0, %arg1, %dma_start3A_123, %dma_start3A_124] : memref<2x16x80x128xi32, #tpu.memory_space<hbm>> -> memref<1x1x80x128xi32, #tpu.memory_space<hbm>>
      %dma_start3A_126 = tpu.memref_squeeze %dma_start3A_125 : memref<1x1x80x128xi32, #tpu.memory_space<hbm>> -> memref<80x128xi32, #tpu.memory_space<hbm>>
      %dma_start3A_127 = arith.constant 0 : i32
      %dma_start3A_128 = arith.constant 0 : i32
      %dma_start3A_129 = tpu.memref_slice %arg4[%arg0, %arg1, %dma_start3A_127, %dma_start3A_128] : memref<2x16x80x128xi32, #tpu.memory_space<hbm>> -> memref<1x1x80x128xi32, #tpu.memory_space<hbm>>
      %dma_start3A_130 = tpu.memref_squeeze %dma_start3A_129 : memref<1x1x80x128xi32, #tpu.memory_space<hbm>> -> memref<80x128xi32, #tpu.memory_space<hbm>>
      tpu.enqueue_dma source(%dma_start3A_130 : memref<80x128xi32, #tpu.memory_space<hbm>>) target(%arg6 : memref<80x128xi32, #tpu.memory_space<vmem>>) target_semaphore(%run_scoped3A_122 : memref<!tpu.dma_semaphore, #tpu.memory_space<semaphore_mem>>)
      %dma_wait3A_131 = arith.constant 0 : i32
      %dma_wait3A_132 = arith.constant 0 : i32
      %dma_wait3A_133 = tpu.memref_slice %arg4[%arg0, %arg1, %dma_wait3A_131, %dma_wait3A_132] : memref<2x16x80x128xi32, #tpu.memory_space<hbm>> -> memref<1x1x80x128xi32, #tpu.memory_space<hbm>>
      %dma_wait3A_134 = tpu.memref_squeeze %dma_wait3A_133 : memref<1x1x80x128xi32, #tpu.memory_space<hbm>> -> memref<80x128xi32, #tpu.memory_space<hbm>>
      %dma_wait3A_135 = arith.constant 0 : i32
      %dma_wait3A_136 = arith.constant 0 : i32
      %dma_wait3A_137 = tpu.memref_slice %arg4[%arg0, %arg1, %dma_wait3A_135, %dma_wait3A_136] : memref<2x16x80x128xi32, #tpu.memory_space<hbm>> -> memref<1x1x80x128xi32, #tpu.memory_space<hbm>>
      %dma_wait3A_138 = tpu.memref_squeeze %dma_wait3A_137 : memref<1x1x80x128xi32, #tpu.memory_space<hbm>> -> memref<80x128xi32, #tpu.memory_space<hbm>>
      tpu.wait_dma2 semaphore(%run_scoped3A_122 : memref<!tpu.dma_semaphore, #tpu.memory_space<semaphore_mem>>) src(%dma_wait3A_138 : memref<80x128xi32, #tpu.memory_space<hbm>>) dst(%arg6 : memref<80x128xi32, #tpu.memory_space<vmem>>)
      tpu.yield
    }) : () -> ()
    %mul3A = arith.constant 632 : i32
    %mul3A_13 = arith.muli %arg1, %mul3A : i32
    %add3A = arith.constant 0 : i32
    %add3A_14 = arith.addi %mul3A_13, %add3A : i32
    "tpu.region"() ({
      %run_scoped3A_122 = tpu.sem_alloc : memref<!tpu.dma_semaphore, #tpu.memory_space<semaphore_mem>>
      %dma_start3A_123 = arith.constant 0 : i32
      %dma_start3A_124 = tpu.memref_slice %arg12[%add3A_14, %dma_start3A_123] : memref<10112x128xf32, #tpu.memory_space<vmem_shared>> -> memref<128x128xf32, #tpu.memory_space<vmem_shared>>
      %dma_start3A_125 = arith.constant 0 : i32
      %dma_start3A_126 = tpu.memref_slice %arg12[%add3A_14, %dma_start3A_125] : memref<10112x128xf32, #tpu.memory_space<vmem_shared>> -> memref<128x128xf32, #tpu.memory_space<vmem_shared>>
      tpu.enqueue_dma source(%arg10 : memref<128x128xf32, #tpu.memory_space<vmem>>) target(%dma_start3A_126 : memref<128x128xf32, #tpu.memory_space<vmem_shared>>) target_semaphore(%run_scoped3A_122 : memref<!tpu.dma_semaphore, #tpu.memory_space<semaphore_mem>>)
      %dma_wait3A_127 = arith.constant 0 : i32
      %dma_wait3A_128 = tpu.memref_slice %arg12[%add3A_14, %dma_wait3A_127] : memref<10112x128xf32, #tpu.memory_space<vmem_shared>> -> memref<128x128xf32, #tpu.memory_space<vmem_shared>>
      %dma_wait3A_129 = arith.constant 0 : i32
      %dma_wait3A_130 = tpu.memref_slice %arg12[%add3A_14, %dma_wait3A_129] : memref<10112x128xf32, #tpu.memory_space<vmem_shared>> -> memref<128x128xf32, #tpu.memory_space<vmem_shared>>
      tpu.wait_dma2 semaphore(%run_scoped3A_122 : memref<!tpu.dma_semaphore, #tpu.memory_space<semaphore_mem>>) src(%arg10 : memref<128x128xf32, #tpu.memory_space<vmem>>) dst(%dma_wait3A_130 : memref<128x128xf32, #tpu.memory_space<vmem_shared>>)
      tpu.yield
    }) : () -> ()
    %mul3A_15 = arith.constant 632 : i32
    %mul3A_16 = arith.muli %arg1, %mul3A_15 : i32
    %add3A_17 = arith.constant 128 : i32
    %add3A_18 = arith.addi %mul3A_16, %add3A_17 : i32
    "tpu.region"() ({
      %run_scoped3A_122 = tpu.sem_alloc : memref<!tpu.dma_semaphore, #tpu.memory_space<semaphore_mem>>
      %dma_start3A_123 = arith.constant 0 : i32
      %dma_start3A_124 = tpu.memref_slice %arg12[%add3A_18, %dma_start3A_123] : memref<10112x128xf32, #tpu.memory_space<vmem_shared>> -> memref<128x128xf32, #tpu.memory_space<vmem_shared>>
      %dma_start3A_125 = arith.constant 0 : i32
      %dma_start3A_126 = tpu.memref_slice %arg12[%add3A_18, %dma_start3A_125] : memref<10112x128xf32, #tpu.memory_space<vmem_shared>> -> memref<128x128xf32, #tpu.memory_space<vmem_shared>>
      tpu.enqueue_dma source(%arg10 : memref<128x128xf32, #tpu.memory_space<vmem>>) target(%dma_start3A_126 : memref<128x128xf32, #tpu.memory_space<vmem_shared>>) target_semaphore(%run_scoped3A_122 : memref<!tpu.dma_semaphore, #tpu.memory_space<semaphore_mem>>)
      %dma_wait3A_127 = arith.constant 0 : i32
      %dma_wait3A_128 = tpu.memref_slice %arg12[%add3A_18, %dma_wait3A_127] : memref<10112x128xf32, #tpu.memory_space<vmem_shared>> -> memref<128x128xf32, #tpu.memory_space<vmem_shared>>
      %dma_wait3A_129 = arith.constant 0 : i32
      %dma_wait3A_130 = tpu.memref_slice %arg12[%add3A_18, %dma_wait3A_129] : memref<10112x128xf32, #tpu.memory_space<vmem_shared>> -> memref<128x128xf32, #tpu.memory_space<vmem_shared>>
      tpu.wait_dma2 semaphore(%run_scoped3A_122 : memref<!tpu.dma_semaphore, #tpu.memory_space<semaphore_mem>>) src(%arg10 : memref<128x128xf32, #tpu.memory_space<vmem>>) dst(%dma_wait3A_130 : memref<128x128xf32, #tpu.memory_space<vmem_shared>>)
      tpu.yield
    }) : () -> ()
    %mul3A_19 = arith.constant 632 : i32
    %mul3A_20 = arith.muli %arg1, %mul3A_19 : i32
    %add3A_21 = arith.constant 256 : i32
    %add3A_22 = arith.addi %mul3A_20, %add3A_21 : i32
    "tpu.region"() ({
      %run_scoped3A_122 = tpu.sem_alloc : memref<!tpu.dma_semaphore, #tpu.memory_space<semaphore_mem>>
      %dma_start3A_123 = arith.constant 0 : i32
      %dma_start3A_124 = tpu.memref_slice %arg12[%add3A_22, %dma_start3A_123] : memref<10112x128xf32, #tpu.memory_space<vmem_shared>> -> memref<128x128xf32, #tpu.memory_space<vmem_shared>>
      %dma_start3A_125 = arith.constant 0 : i32
      %dma_start3A_126 = tpu.memref_slice %arg12[%add3A_22, %dma_start3A_125] : memref<10112x128xf32, #tpu.memory_space<vmem_shared>> -> memref<128x128xf32, #tpu.memory_space<vmem_shared>>
      tpu.enqueue_dma source(%arg10 : memref<128x128xf32, #tpu.memory_space<vmem>>) target(%dma_start3A_126 : memref<128x128xf32, #tpu.memory_space<vmem_shared>>) target_semaphore(%run_scoped3A_122 : memref<!tpu.dma_semaphore, #tpu.memory_space<semaphore_mem>>)
      %dma_wait3A_127 = arith.constant 0 : i32
      %dma_wait3A_128 = tpu.memref_slice %arg12[%add3A_22, %dma_wait3A_127] : memref<10112x128xf32, #tpu.memory_space<vmem_shared>> -> memref<128x128xf32, #tpu.memory_space<vmem_shared>>
      %dma_wait3A_129 = arith.constant 0 : i32
      %dma_wait3A_130 = tpu.memref_slice %arg12[%add3A_22, %dma_wait3A_129] : memref<10112x128xf32, #tpu.memory_space<vmem_shared>> -> memref<128x128xf32, #tpu.memory_space<vmem_shared>>
      tpu.wait_dma2 semaphore(%run_scoped3A_122 : memref<!tpu.dma_semaphore, #tpu.memory_space<semaphore_mem>>) src(%arg10 : memref<128x128xf32, #tpu.memory_space<vmem>>) dst(%dma_wait3A_130 : memref<128x128xf32, #tpu.memory_space<vmem_shared>>)
      tpu.yield
    }) : () -> ()
    %mul3A_23 = arith.constant 632 : i32
    %mul3A_24 = arith.muli %arg1, %mul3A_23 : i32
    %add3A_25 = arith.constant 384 : i32
    %add3A_26 = arith.addi %mul3A_24, %add3A_25 : i32
    "tpu.region"() ({
      %run_scoped3A_122 = tpu.sem_alloc : memref<!tpu.dma_semaphore, #tpu.memory_space<semaphore_mem>>
      %dma_start3A_123 = arith.constant 0 : i32
      %dma_start3A_124 = tpu.memref_slice %arg12[%add3A_26, %dma_start3A_123] : memref<10112x128xf32, #tpu.memory_space<vmem_shared>> -> memref<128x128xf32, #tpu.memory_space<vmem_shared>>
      %dma_start3A_125 = arith.constant 0 : i32
      %dma_start3A_126 = tpu.memref_slice %arg12[%add3A_26, %dma_start3A_125] : memref<10112x128xf32, #tpu.memory_space<vmem_shared>> -> memref<128x128xf32, #tpu.memory_space<vmem_shared>>
      tpu.enqueue_dma source(%arg10 : memref<128x128xf32, #tpu.memory_space<vmem>>) target(%dma_start3A_126 : memref<128x128xf32, #tpu.memory_space<vmem_shared>>) target_semaphore(%run_scoped3A_122 : memref<!tpu.dma_semaphore, #tpu.memory_space<semaphore_mem>>)
      %dma_wait3A_127 = arith.constant 0 : i32
      %dma_wait3A_128 = tpu.memref_slice %arg12[%add3A_26, %dma_wait3A_127] : memref<10112x128xf32, #tpu.memory_space<vmem_shared>> -> memref<128x128xf32, #tpu.memory_space<vmem_shared>>
      %dma_wait3A_129 = arith.constant 0 : i32
      %dma_wait3A_130 = tpu.memref_slice %arg12[%add3A_26, %dma_wait3A_129] : memref<10112x128xf32, #tpu.memory_space<vmem_shared>> -> memref<128x128xf32, #tpu.memory_space<vmem_shared>>
      tpu.wait_dma2 semaphore(%run_scoped3A_122 : memref<!tpu.dma_semaphore, #tpu.memory_space<semaphore_mem>>) src(%arg10 : memref<128x128xf32, #tpu.memory_space<vmem>>) dst(%dma_wait3A_130 : memref<128x128xf32, #tpu.memory_space<vmem_shared>>)
      tpu.yield
    }) : () -> ()
    %mul3A_27 = arith.constant 632 : i32
    %mul3A_28 = arith.muli %arg1, %mul3A_27 : i32
    %add3A_29 = arith.constant 512 : i32
    %add3A_30 = arith.addi %mul3A_28, %add3A_29 : i32
    "tpu.region"() ({
      %run_scoped3A_122 = tpu.sem_alloc : memref<!tpu.dma_semaphore, #tpu.memory_space<semaphore_mem>>
      %dma_start3A_123 = arith.constant 0 : i32
      %dma_start3A_124 = arith.constant 0 : i32
      %dma_start3A_125 = tpu.memref_slice %arg10[%dma_start3A_123, %dma_start3A_124] : memref<128x128xf32, #tpu.memory_space<vmem>> -> memref<120x128xf32, #tpu.memory_space<vmem>>
      %dma_start3A_126 = arith.constant 0 : i32
      %dma_start3A_127 = tpu.memref_slice %arg12[%add3A_30, %dma_start3A_126] : memref<10112x128xf32, #tpu.memory_space<vmem_shared>> -> memref<120x128xf32, #tpu.memory_space<vmem_shared>>
      %dma_start3A_128 = arith.constant 0 : i32
      %dma_start3A_129 = tpu.memref_slice %arg12[%add3A_30, %dma_start3A_128] : memref<10112x128xf32, #tpu.memory_space<vmem_shared>> -> memref<120x128xf32, #tpu.memory_space<vmem_shared>>
      %dma_start3A_130 = arith.constant 0 : i32
      %dma_start3A_131 = arith.constant 0 : i32
      %dma_start3A_132 = tpu.memref_slice %arg10[%dma_start3A_130, %dma_start3A_131] : memref<128x128xf32, #tpu.memory_space<vmem>> -> memref<120x128xf32, #tpu.memory_space<vmem>>
      tpu.enqueue_dma source(%dma_start3A_132 : memref<120x128xf32, #tpu.memory_space<vmem>>) target(%dma_start3A_129 : memref<120x128xf32, #tpu.memory_space<vmem_shared>>) target_semaphore(%run_scoped3A_122 : memref<!tpu.dma_semaphore, #tpu.memory_space<semaphore_mem>>)
      %dma_wait3A_133 = arith.constant 0 : i32
      %dma_wait3A_134 = arith.constant 0 : i32
      %dma_wait3A_135 = tpu.memref_slice %arg10[%dma_wait3A_133, %dma_wait3A_134] : memref<128x128xf32, #tpu.memory_space<vmem>> -> memref<120x128xf32, #tpu.memory_space<vmem>>
      %dma_wait3A_136 = arith.constant 0 : i32
      %dma_wait3A_137 = tpu.memref_slice %arg12[%add3A_30, %dma_wait3A_136] : memref<10112x128xf32, #tpu.memory_space<vmem_shared>> -> memref<120x128xf32, #tpu.memory_space<vmem_shared>>
      %dma_wait3A_138 = arith.constant 0 : i32
      %dma_wait3A_139 = tpu.memref_slice %arg12[%add3A_30, %dma_wait3A_138] : memref<10112x128xf32, #tpu.memory_space<vmem_shared>> -> memref<120x128xf32, #tpu.memory_space<vmem_shared>>
      %dma_wait3A_140 = arith.constant 0 : i32
      %dma_wait3A_141 = arith.constant 0 : i32
      %dma_wait3A_142 = tpu.memref_slice %arg10[%dma_wait3A_140, %dma_wait3A_141] : memref<128x128xf32, #tpu.memory_space<vmem>> -> memref<120x128xf32, #tpu.memory_space<vmem>>
      tpu.wait_dma2 semaphore(%run_scoped3A_122 : memref<!tpu.dma_semaphore, #tpu.memory_space<semaphore_mem>>) src(%dma_wait3A_142 : memref<120x128xf32, #tpu.memory_space<vmem>>) dst(%dma_wait3A_139 : memref<120x128xf32, #tpu.memory_space<vmem_shared>>)
      tpu.yield
    }) : () -> ()
    %barrier3A = arith.constant 0 : index
    tpu.barrier barrier_id(%barrier3A)
    %run_scoped3A = arith.constant 0 : i32
    %run_scoped3A_31 = arith.constant 0 : i32
    "tpu.region"() ({
      %run_scoped3A_122 = tpu.sem_alloc : memref<!tpu.dma_semaphore, #tpu.memory_space<semaphore_mem>>
      %dma_start3A_123 = arith.constant 0 : i32
      %dma_start3A_124 = tpu.memref_slice %arg3[%arg0, %arg1, %run_scoped3A, %run_scoped3A_31, %dma_start3A_123] : memref<2x16x80x1x128xi32, #tpu.memory_space<hbm>> -> memref<1x1x1x1x128xi32, #tpu.memory_space<hbm>>
      %dma_start3A_125 = tpu.memref_squeeze %dma_start3A_124 : memref<1x1x1x1x128xi32, #tpu.memory_space<hbm>> -> memref<128xi32, #tpu.memory_space<hbm>>
      %dma_start3A_126 = arith.constant 0 : i32
      %dma_start3A_127 = tpu.memref_slice %arg3[%arg0, %arg1, %run_scoped3A, %run_scoped3A_31, %dma_start3A_126] : memref<2x16x80x1x128xi32, #tpu.memory_space<hbm>> -> memref<1x1x1x1x128xi32, #tpu.memory_space<hbm>>
      %dma_start3A_128 = tpu.memref_squeeze %dma_start3A_127 : memref<1x1x1x1x128xi32, #tpu.memory_space<hbm>> -> memref<128xi32, #tpu.memory_space<hbm>>
      tpu.enqueue_dma source(%dma_start3A_128 : memref<128xi32, #tpu.memory_space<hbm>>) target(%arg7 : memref<128xi32, #tpu.memory_space<vmem>>) target_semaphore(%run_scoped3A_122 : memref<!tpu.dma_semaphore, #tpu.memory_space<semaphore_mem>>)
      %dma_wait3A_129 = arith.constant 0 : i32
      %dma_wait3A_130 = tpu.memref_slice %arg3[%arg0, %arg1, %run_scoped3A, %run_scoped3A_31, %dma_wait3A_129] : memref<2x16x80x1x128xi32, #tpu.memory_space<hbm>> -> memref<1x1x1x1x128xi32, #tpu.memory_space<hbm>>
      %dma_wait3A_131 = tpu.memref_squeeze %dma_wait3A_130 : memref<1x1x1x1x128xi32, #tpu.memory_space<hbm>> -> memref<128xi32, #tpu.memory_space<hbm>>
      %dma_wait3A_132 = arith.constant 0 : i32
      %dma_wait3A_133 = tpu.memref_slice %arg3[%arg0, %arg1, %run_scoped3A, %run_scoped3A_31, %dma_wait3A_132] : memref<2x16x80x1x128xi32, #tpu.memory_space<hbm>> -> memref<1x1x1x1x128xi32, #tpu.memory_space<hbm>>
      %dma_wait3A_134 = tpu.memref_squeeze %dma_wait3A_133 : memref<1x1x1x1x128xi32, #tpu.memory_space<hbm>> -> memref<128xi32, #tpu.memory_space<hbm>>
      tpu.wait_dma2 semaphore(%run_scoped3A_122 : memref<!tpu.dma_semaphore, #tpu.memory_space<semaphore_mem>>) src(%dma_wait3A_134 : memref<128xi32, #tpu.memory_space<hbm>>) dst(%arg7 : memref<128xi32, #tpu.memory_space<vmem>>)
      tpu.yield
    }) : () -> ()
    %dma_start3A = arith.constant 0 : i32
    %dma_start3A_32 = arith.constant 0 : i32
    %dma_start3A_33 = tpu.memref_slice %arg10[%dma_start3A, %dma_start3A_32] : memref<128x128xf32, #tpu.memory_space<vmem>> -> memref<32x128xf32, #tpu.memory_space<vmem>>
    %dma_start3A_34 = arith.constant 0 : i32
    %dma_start3A_35 = tpu.memref_slice %arg7[%dma_start3A_34] : memref<128xi32, #tpu.memory_space<vmem>> -> memref<32xi32, #tpu.memory_space<vmem>>
    %dma_start3A_36 = arith.constant 0 : i32
    %dma_start3A_37 = arith.constant 0 : i32
    %dma_start3A_38 = tpu.memref_slice %arg2[%dma_start3A_36, %dma_start3A_37] : memref<10000x128xf32, #tpu.memory_space<hbm>> -> memref<10000x128xf32, #tpu.memory_space<hbm>>
    tpu.enqueue_indirect_dma source(%dma_start3A_38 : memref<10000x128xf32, #tpu.memory_space<hbm>>) target(%dma_start3A_33 : memref<32x128xf32, #tpu.memory_space<vmem>>) offsets(%dma_start3A_35 : memref<32xi32, #tpu.memory_space<vmem>>) semaphore(%arg13 : memref<!tpu.dma_semaphore, #tpu.memory_space<semaphore_mem>>)
    %dma_start3A_39 = arith.constant 32 : i32
    %dma_start3A_40 = arith.constant 0 : i32
    %dma_start3A_41 = tpu.memref_slice %arg10[%dma_start3A_39, %dma_start3A_40] : memref<128x128xf32, #tpu.memory_space<vmem>> -> memref<32x128xf32, #tpu.memory_space<vmem>>
    %dma_start3A_42 = arith.constant 32 : i32
    %dma_start3A_43 = tpu.memref_slice %arg7[%dma_start3A_42] : memref<128xi32, #tpu.memory_space<vmem>> -> memref<32xi32, #tpu.memory_space<vmem>>
    %dma_start3A_44 = arith.constant 0 : i32
    %dma_start3A_45 = arith.constant 0 : i32
    %dma_start3A_46 = tpu.memref_slice %arg2[%dma_start3A_44, %dma_start3A_45] : memref<10000x128xf32, #tpu.memory_space<hbm>> -> memref<10000x128xf32, #tpu.memory_space<hbm>>
    tpu.enqueue_indirect_dma source(%dma_start3A_46 : memref<10000x128xf32, #tpu.memory_space<hbm>>) target(%dma_start3A_41 : memref<32x128xf32, #tpu.memory_space<vmem>>) offsets(%dma_start3A_43 : memref<32xi32, #tpu.memory_space<vmem>>) semaphore(%arg14 : memref<!tpu.dma_semaphore, #tpu.memory_space<semaphore_mem>>)
    %dma_start3A_47 = arith.constant 64 : i32
    %dma_start3A_48 = arith.constant 0 : i32
    %dma_start3A_49 = tpu.memref_slice %arg10[%dma_start3A_47, %dma_start3A_48] : memref<128x128xf32, #tpu.memory_space<vmem>> -> memref<32x128xf32, #tpu.memory_space<vmem>>
    %dma_start3A_50 = arith.constant 64 : i32
    %dma_start3A_51 = tpu.memref_slice %arg7[%dma_start3A_50] : memref<128xi32, #tpu.memory_space<vmem>> -> memref<32xi32, #tpu.memory_space<vmem>>
    %dma_start3A_52 = arith.constant 0 : i32
    %dma_start3A_53 = arith.constant 0 : i32
    %dma_start3A_54 = tpu.memref_slice %arg2[%dma_start3A_52, %dma_start3A_53] : memref<10000x128xf32, #tpu.memory_space<hbm>> -> memref<10000x128xf32, #tpu.memory_space<hbm>>
    tpu.enqueue_indirect_dma source(%dma_start3A_54 : memref<10000x128xf32, #tpu.memory_space<hbm>>) target(%dma_start3A_49 : memref<32x128xf32, #tpu.memory_space<vmem>>) offsets(%dma_start3A_51 : memref<32xi32, #tpu.memory_space<vmem>>) semaphore(%arg15 : memref<!tpu.dma_semaphore, #tpu.memory_space<semaphore_mem>>)
    %dma_start3A_55 = arith.constant 96 : i32
    %dma_start3A_56 = arith.constant 0 : i32
    %dma_start3A_57 = tpu.memref_slice %arg10[%dma_start3A_55, %dma_start3A_56] : memref<128x128xf32, #tpu.memory_space<vmem>> -> memref<32x128xf32, #tpu.memory_space<vmem>>
    %dma_start3A_58 = arith.constant 96 : i32
    %dma_start3A_59 = tpu.memref_slice %arg7[%dma_start3A_58] : memref<128xi32, #tpu.memory_space<vmem>> -> memref<32xi32, #tpu.memory_space<vmem>>
    %dma_start3A_60 = arith.constant 0 : i32
    %dma_start3A_61 = arith.constant 0 : i32
    %dma_start3A_62 = tpu.memref_slice %arg2[%dma_start3A_60, %dma_start3A_61] : memref<10000x128xf32, #tpu.memory_space<hbm>> -> memref<10000x128xf32, #tpu.memory_space<hbm>>
    tpu.enqueue_indirect_dma source(%dma_start3A_62 : memref<10000x128xf32, #tpu.memory_space<hbm>>) target(%dma_start3A_57 : memref<32x128xf32, #tpu.memory_space<vmem>>) offsets(%dma_start3A_59 : memref<32xi32, #tpu.memory_space<vmem>>) semaphore(%arg16 : memref<!tpu.dma_semaphore, #tpu.memory_space<semaphore_mem>>)
    %dma_start3A_63 = arith.constant 1 : i32
    %dma_start3A_64 = arith.constant 0 : i32
    %dma_start3A_65 = arith.constant 0 : i32
    %dma_start3A_66 = tpu.memref_slice %arg3[%arg0, %arg1, %dma_start3A_63, %dma_start3A_64, %dma_start3A_65] : memref<2x16x80x1x128xi32, #tpu.memory_space<hbm>> -> memref<1x1x1x1x128xi32, #tpu.memory_space<hbm>>
    %dma_start3A_67 = tpu.memref_squeeze %dma_start3A_66 : memref<1x1x1x1x128xi32, #tpu.memory_space<hbm>> -> memref<128xi32, #tpu.memory_space<hbm>>
    %dma_start3A_68 = arith.constant 0 : i32
    %dma_start3A_69 = tpu.memref_slice %arg3[%arg0, %arg1, %dma_start3A_63, %dma_start3A_64, %dma_start3A_68] : memref<2x16x80x1x128xi32, #tpu.memory_space<hbm>> -> memref<1x1x1x1x128xi32, #tpu.memory_space<hbm>>
    %dma_start3A_70 = tpu.memref_squeeze %dma_start3A_69 : memref<1x1x1x1x128xi32, #tpu.memory_space<hbm>> -> memref<128xi32, #tpu.memory_space<hbm>>
    tpu.enqueue_dma source(%dma_start3A_70 : memref<128xi32, #tpu.memory_space<hbm>>) target(%arg8 : memref<128xi32, #tpu.memory_space<vmem>>) target_semaphore(%arg22 : memref<!tpu.dma_semaphore, #tpu.memory_space<semaphore_mem>>)
    %scan3A_71 = arith.constant 0 : i32
    %scan3A_72 = arith.constant 0 : i32
    %scan3A_73 = arith.constant 40 : i32
    %scan3A_74 = arith.addi %scan3A_72, %scan3A_73 : i32
    %scan3A_75 = arith.constant 1 : i32
    %scan3A_76 = scf.for %scan3A_122 = %scan3A_72 to %scan3A_74 step %scan3A_75 iter_args(%scan3A_123 = %scan3A_71) -> (i32)  : i32 {
      %mul3A_124 = arith.constant 2 : i32
      %mul3A_125 = arith.muli %mul3A_124, %scan3A_122 : i32
      %add3A_126 = arith.constant 0 : i32
      %add3A_127 = arith.addi %mul3A_125, %add3A_126 : i32
      %dma_wait3A_128 = arith.constant 0 : i32
      %dma_wait3A_129 = arith.constant 0 : i32
      %dma_wait3A_130 = arith.constant 0 : i32
      %dma_wait3A_131 = tpu.memref_slice %arg3[%arg0, %arg1, %dma_wait3A_128, %dma_wait3A_129, %dma_wait3A_130] : memref<2x16x80x1x128xi32, #tpu.memory_space<hbm>> -> memref<1x1x1x1x128xi32, #tpu.memory_space<hbm>>
      %dma_wait3A_132 = tpu.memref_squeeze %dma_wait3A_131 : memref<1x1x1x1x128xi32, #tpu.memory_space<hbm>> -> memref<128xi32, #tpu.memory_space<hbm>>
      %dma_wait3A_133 = arith.constant 0 : i32
      %dma_wait3A_134 = tpu.memref_slice %arg3[%arg0, %arg1, %dma_wait3A_128, %dma_wait3A_129, %dma_wait3A_133] : memref<2x16x80x1x128xi32, #tpu.memory_space<hbm>> -> memref<1x1x1x1x128xi32, #tpu.memory_space<hbm>>
      %dma_wait3A_135 = tpu.memref_squeeze %dma_wait3A_134 : memref<1x1x1x1x128xi32, #tpu.memory_space<hbm>> -> memref<128xi32, #tpu.memory_space<hbm>>
      tpu.wait_dma2 semaphore(%arg22 : memref<!tpu.dma_semaphore, #tpu.memory_space<semaphore_mem>>) src(%dma_wait3A_135 : memref<128xi32, #tpu.memory_space<hbm>>) dst(%arg8 : memref<128xi32, #tpu.memory_space<vmem>>)
      %dma_start3A_136 = arith.constant 0 : i32
      %dma_start3A_137 = arith.constant 0 : i32
      %dma_start3A_138 = tpu.memref_slice %arg11[%dma_start3A_136, %dma_start3A_137] : memref<128x128xf32, #tpu.memory_space<vmem>> -> memref<32x128xf32, #tpu.memory_space<vmem>>
      %dma_start3A_139 = arith.constant 0 : i32
      %dma_start3A_140 = tpu.memref_slice %arg8[%dma_start3A_139] : memref<128xi32, #tpu.memory_space<vmem>> -> memref<32xi32, #tpu.memory_space<vmem>>
      %dma_start3A_141 = arith.constant 0 : i32
      %dma_start3A_142 = arith.constant 0 : i32
      %dma_start3A_143 = tpu.memref_slice %arg2[%dma_start3A_141, %dma_start3A_142] : memref<10000x128xf32, #tpu.memory_space<hbm>> -> memref<10000x128xf32, #tpu.memory_space<hbm>>
      tpu.enqueue_indirect_dma source(%dma_start3A_143 : memref<10000x128xf32, #tpu.memory_space<hbm>>) target(%dma_start3A_138 : memref<32x128xf32, #tpu.memory_space<vmem>>) offsets(%dma_start3A_140 : memref<32xi32, #tpu.memory_space<vmem>>) semaphore(%arg17 : memref<!tpu.dma_semaphore, #tpu.memory_space<semaphore_mem>>)
      %dma_start3A_144 = arith.constant 32 : i32
      %dma_start3A_145 = arith.constant 0 : i32
      %dma_start3A_146 = tpu.memref_slice %arg11[%dma_start3A_144, %dma_start3A_145] : memref<128x128xf32, #tpu.memory_space<vmem>> -> memref<32x128xf32, #tpu.memory_space<vmem>>
      %dma_start3A_147 = arith.constant 32 : i32
      %dma_start3A_148 = tpu.memref_slice %arg8[%dma_start3A_147] : memref<128xi32, #tpu.memory_space<vmem>> -> memref<32xi32, #tpu.memory_space<vmem>>
      %dma_start3A_149 = arith.constant 0 : i32
      %dma_start3A_150 = arith.constant 0 : i32
      %dma_start3A_151 = tpu.memref_slice %arg2[%dma_start3A_149, %dma_start3A_150] : memref<10000x128xf32, #tpu.memory_space<hbm>> -> memref<10000x128xf32, #tpu.memory_space<hbm>>
      tpu.enqueue_indirect_dma source(%dma_start3A_151 : memref<10000x128xf32, #tpu.memory_space<hbm>>) target(%dma_start3A_146 : memref<32x128xf32, #tpu.memory_space<vmem>>) offsets(%dma_start3A_148 : memref<32xi32, #tpu.memory_space<vmem>>) semaphore(%arg18 : memref<!tpu.dma_semaphore, #tpu.memory_space<semaphore_mem>>)
      %dma_start3A_152 = arith.constant 64 : i32
      %dma_start3A_153 = arith.constant 0 : i32
      %dma_start3A_154 = tpu.memref_slice %arg11[%dma_start3A_152, %dma_start3A_153] : memref<128x128xf32, #tpu.memory_space<vmem>> -> memref<32x128xf32, #tpu.memory_space<vmem>>
      %dma_start3A_155 = arith.constant 64 : i32
      %dma_start3A_156 = tpu.memref_slice %arg8[%dma_start3A_155] : memref<128xi32, #tpu.memory_space<vmem>> -> memref<32xi32, #tpu.memory_space<vmem>>
      %dma_start3A_157 = arith.constant 0 : i32
      %dma_start3A_158 = arith.constant 0 : i32
      %dma_start3A_159 = tpu.memref_slice %arg2[%dma_start3A_157, %dma_start3A_158] : memref<10000x128xf32, #tpu.memory_space<hbm>> -> memref<10000x128xf32, #tpu.memory_space<hbm>>
      tpu.enqueue_indirect_dma source(%dma_start3A_159 : memref<10000x128xf32, #tpu.memory_space<hbm>>) target(%dma_start3A_154 : memref<32x128xf32, #tpu.memory_space<vmem>>) offsets(%dma_start3A_156 : memref<32xi32, #tpu.memory_space<vmem>>) semaphore(%arg19 : memref<!tpu.dma_semaphore, #tpu.memory_space<semaphore_mem>>)
      %dma_start3A_160 = arith.constant 96 : i32
      %dma_start3A_161 = arith.constant 0 : i32
      %dma_start3A_162 = tpu.memref_slice %arg11[%dma_start3A_160, %dma_start3A_161] : memref<128x128xf32, #tpu.memory_space<vmem>> -> memref<32x128xf32, #tpu.memory_space<vmem>>
      %dma_start3A_163 = arith.constant 96 : i32
      %dma_start3A_164 = tpu.memref_slice %arg8[%dma_start3A_163] : memref<128xi32, #tpu.memory_space<vmem>> -> memref<32xi32, #tpu.memory_space<vmem>>
      %dma_start3A_165 = arith.constant 0 : i32
      %dma_start3A_166 = arith.constant 0 : i32
      %dma_start3A_167 = tpu.memref_slice %arg2[%dma_start3A_165, %dma_start3A_166] : memref<10000x128xf32, #tpu.memory_space<hbm>> -> memref<10000x128xf32, #tpu.memory_space<hbm>>
      tpu.enqueue_indirect_dma source(%dma_start3A_167 : memref<10000x128xf32, #tpu.memory_space<hbm>>) target(%dma_start3A_162 : memref<32x128xf32, #tpu.memory_space<vmem>>) offsets(%dma_start3A_164 : memref<32xi32, #tpu.memory_space<vmem>>) semaphore(%arg20 : memref<!tpu.dma_semaphore, #tpu.memory_space<semaphore_mem>>)
      %dma_wait3A_168 = arith.constant 0 : i32
      %dma_wait3A_169 = arith.constant 0 : i32
      %dma_wait3A_170 = tpu.memref_slice %arg10[%dma_wait3A_168, %dma_wait3A_169] : memref<128x128xf32, #tpu.memory_space<vmem>> -> memref<32x128xf32, #tpu.memory_space<vmem>>
      %dma_wait3A_171 = arith.constant 0 : i32
      %dma_wait3A_172 = tpu.memref_slice %arg7[%dma_wait3A_171] : memref<128xi32, #tpu.memory_space<vmem>> -> memref<32xi32, #tpu.memory_space<vmem>>
      %dma_wait3A_173 = arith.constant 0 : i32
      %dma_wait3A_174 = arith.constant 0 : i32
      %dma_wait3A_175 = tpu.memref_slice %arg2[%dma_wait3A_173, %dma_wait3A_174] : memref<10000x128xf32, #tpu.memory_space<hbm>> -> memref<10000x128xf32, #tpu.memory_space<hbm>>
      tpu.wait_indirect_dma semaphore(%arg13 : memref<!tpu.dma_semaphore, #tpu.memory_space<semaphore_mem>>) src(%dma_wait3A_175 : memref<10000x128xf32, #tpu.memory_space<hbm>>) dst(%dma_wait3A_170 : memref<32x128xf32, #tpu.memory_space<vmem>>)
      %dma_wait3A_176 = arith.constant 32 : i32
      %dma_wait3A_177 = arith.constant 0 : i32
      %dma_wait3A_178 = tpu.memref_slice %arg10[%dma_wait3A_176, %dma_wait3A_177] : memref<128x128xf32, #tpu.memory_space<vmem>> -> memref<32x128xf32, #tpu.memory_space<vmem>>
      %dma_wait3A_179 = arith.constant 32 : i32
      %dma_wait3A_180 = tpu.memref_slice %arg7[%dma_wait3A_179] : memref<128xi32, #tpu.memory_space<vmem>> -> memref<32xi32, #tpu.memory_space<vmem>>
      %dma_wait3A_181 = arith.constant 0 : i32
      %dma_wait3A_182 = arith.constant 0 : i32
      %dma_wait3A_183 = tpu.memref_slice %arg2[%dma_wait3A_181, %dma_wait3A_182] : memref<10000x128xf32, #tpu.memory_space<hbm>> -> memref<10000x128xf32, #tpu.memory_space<hbm>>
      tpu.wait_indirect_dma semaphore(%arg14 : memref<!tpu.dma_semaphore, #tpu.memory_space<semaphore_mem>>) src(%dma_wait3A_183 : memref<10000x128xf32, #tpu.memory_space<hbm>>) dst(%dma_wait3A_178 : memref<32x128xf32, #tpu.memory_space<vmem>>)
      %dma_wait3A_184 = arith.constant 64 : i32
      %dma_wait3A_185 = arith.constant 0 : i32
      %dma_wait3A_186 = tpu.memref_slice %arg10[%dma_wait3A_184, %dma_wait3A_185] : memref<128x128xf32, #tpu.memory_space<vmem>> -> memref<32x128xf32, #tpu.memory_space<vmem>>
      %dma_wait3A_187 = arith.constant 64 : i32
      %dma_wait3A_188 = tpu.memref_slice %arg7[%dma_wait3A_187] : memref<128xi32, #tpu.memory_space<vmem>> -> memref<32xi32, #tpu.memory_space<vmem>>
      %dma_wait3A_189 = arith.constant 0 : i32
      %dma_wait3A_190 = arith.constant 0 : i32
      %dma_wait3A_191 = tpu.memref_slice %arg2[%dma_wait3A_189, %dma_wait3A_190] : memref<10000x128xf32, #tpu.memory_space<hbm>> -> memref<10000x128xf32, #tpu.memory_space<hbm>>
      tpu.wait_indirect_dma semaphore(%arg15 : memref<!tpu.dma_semaphore, #tpu.memory_space<semaphore_mem>>) src(%dma_wait3A_191 : memref<10000x128xf32, #tpu.memory_space<hbm>>) dst(%dma_wait3A_186 : memref<32x128xf32, #tpu.memory_space<vmem>>)
      %dma_wait3A_192 = arith.constant 96 : i32
      %dma_wait3A_193 = arith.constant 0 : i32
      %dma_wait3A_194 = tpu.memref_slice %arg10[%dma_wait3A_192, %dma_wait3A_193] : memref<128x128xf32, #tpu.memory_space<vmem>> -> memref<32x128xf32, #tpu.memory_space<vmem>>
      %dma_wait3A_195 = arith.constant 96 : i32
      %dma_wait3A_196 = tpu.memref_slice %arg7[%dma_wait3A_195] : memref<128xi32, #tpu.memory_space<vmem>> -> memref<32xi32, #tpu.memory_space<vmem>>
      %dma_wait3A_197 = arith.constant 0 : i32
      %dma_wait3A_198 = arith.constant 0 : i32
      %dma_wait3A_199 = tpu.memref_slice %arg2[%dma_wait3A_197, %dma_wait3A_198] : memref<10000x128xf32, #tpu.memory_space<hbm>> -> memref<10000x128xf32, #tpu.memory_space<hbm>>
      tpu.wait_indirect_dma semaphore(%arg16 : memref<!tpu.dma_semaphore, #tpu.memory_space<semaphore_mem>>) src(%dma_wait3A_199 : memref<10000x128xf32, #tpu.memory_space<hbm>>) dst(%dma_wait3A_194 : memref<32x128xf32, #tpu.memory_space<vmem>>)
      %add3A_200 = arith.constant 2 : i32
      %add3A_201 = arith.addi %add3A_127, %add3A_200 : i32
      %rem3A = arith.constant 80 : i32
      %rem3A_202 = arith.remsi %add3A_201, %rem3A : i32
      %dma_start3A_203 = arith.constant 0 : i32
      %dma_start3A_204 = arith.constant 0 : i32
      %dma_start3A_205 = tpu.memref_slice %arg3[%arg0, %arg1, %rem3A_202, %dma_start3A_203, %dma_start3A_204] : memref<2x16x80x1x128xi32, #tpu.memory_space<hbm>> -> memref<1x1x1x1x128xi32, #tpu.memory_space<hbm>>
      %dma_start3A_206 = tpu.memref_squeeze %dma_start3A_205 : memref<1x1x1x1x128xi32, #tpu.memory_space<hbm>> -> memref<128xi32, #tpu.memory_space<hbm>>
      %dma_start3A_207 = arith.constant 0 : i32
      %dma_start3A_208 = tpu.memref_slice %arg3[%arg0, %arg1, %rem3A_202, %dma_start3A_203, %dma_start3A_207] : memref<2x16x80x1x128xi32, #tpu.memory_space<hbm>> -> memref<1x1x1x1x128xi32, #tpu.memory_space<hbm>>
      %dma_start3A_209 = tpu.memref_squeeze %dma_start3A_208 : memref<1x1x1x1x128xi32, #tpu.memory_space<hbm>> -> memref<128xi32, #tpu.memory_space<hbm>>
      tpu.enqueue_dma source(%dma_start3A_209 : memref<128xi32, #tpu.memory_space<hbm>>) target(%arg7 : memref<128xi32, #tpu.memory_space<vmem>>) target_semaphore(%arg21 : memref<!tpu.dma_semaphore, #tpu.memory_space<semaphore_mem>>)
      %get3A = arith.index_cast %add3A_127 : i32 to index
      %get3A_210 = arith.constant 0 : index
      %get3A_211 = tpu.vector_load %arg6[%get3A, %get3A_210] {strides = array<i32>} : memref<80x128xi32, #tpu.memory_space<vmem>>, vector<1x16xi32>,
      %get3A_212 = vector.shape_cast %get3A_211 : vector<1x16xi32> to vector<16xi32>
      %swap3A = arith.constant 0 : index
      %swap3A_213 = tpu.vector_load %arg9[%swap3A] {strides = array<i32>} : memref<128xi32, #tpu.memory_space<vmem>>, vector<16xi32>,
      %swap3A_214 = vector.shape_cast %swap3A_213 : vector<16xi32> to vector<16xi32>
      %swap3A_215 = vector.shape_cast %get3A_212 : vector<16xi32> to vector<16xi32>
      tpu.vector_store %arg9[%swap3A], %swap3A_215 {strides = array<i32>} : memref<128xi32, #tpu.memory_space<vmem>>, vector<16xi32>,
      %get3A_216 = arith.index_cast %add3A_127 : i32 to index
      %get3A_217 = arith.constant 16 : index
      %get3A_218 = tpu.vector_load %arg6[%get3A_216, %get3A_217] {strides = array<i32>} : memref<80x128xi32, #tpu.memory_space<vmem>>, vector<1x16xi32>,
      %get3A_219 = vector.shape_cast %get3A_218 : vector<1x16xi32> to vector<16xi32>
      %swap3A_220 = arith.constant 16 : index
      %swap3A_221 = tpu.vector_load %arg9[%swap3A_220] {strides = array<i32>} : memref<128xi32, #tpu.memory_space<vmem>>, vector<16xi32>,
      %swap3A_222 = vector.shape_cast %swap3A_221 : vector<16xi32> to vector<16xi32>
      %swap3A_223 = vector.shape_cast %get3A_219 : vector<16xi32> to vector<16xi32>
      tpu.vector_store %arg9[%swap3A_220], %swap3A_223 {strides = array<i32>} : memref<128xi32, #tpu.memory_space<vmem>>, vector<16xi32>,
      %get3A_224 = arith.index_cast %add3A_127 : i32 to index
      %get3A_225 = arith.constant 32 : index
      %get3A_226 = tpu.vector_load %arg6[%get3A_224, %get3A_225] {strides = array<i32>} : memref<80x128xi32, #tpu.memory_space<vmem>>, vector<1x16xi32>,
      %get3A_227 = vector.shape_cast %get3A_226 : vector<1x16xi32> to vector<16xi32>
      %swap3A_228 = arith.constant 32 : index
      %swap3A_229 = tpu.vector_load %arg9[%swap3A_228] {strides = array<i32>} : memref<128xi32, #tpu.memory_space<vmem>>, vector<16xi32>,
      %swap3A_230 = vector.shape_cast %swap3A_229 : vector<16xi32> to vector<16xi32>
      %swap3A_231 = vector.shape_cast %get3A_227 : vector<16xi32> to vector<16xi32>
      tpu.vector_store %arg9[%swap3A_228], %swap3A_231 {strides = array<i32>} : memref<128xi32, #tpu.memory_space<vmem>>, vector<16xi32>,
      %get3A_232 = arith.index_cast %add3A_127 : i32 to index
      %get3A_233 = arith.constant 48 : index
      %get3A_234 = tpu.vector_load %arg6[%get3A_232, %get3A_233] {strides = array<i32>} : memref<80x128xi32, #tpu.memory_space<vmem>>, vector<1x16xi32>,
      %get3A_235 = vector.shape_cast %get3A_234 : vector<1x16xi32> to vector<16xi32>
      %swap3A_236 = arith.constant 48 : index
      %swap3A_237 = tpu.vector_load %arg9[%swap3A_236] {strides = array<i32>} : memref<128xi32, #tpu.memory_space<vmem>>, vector<16xi32>,
      %swap3A_238 = vector.shape_cast %swap3A_237 : vector<16xi32> to vector<16xi32>
      %swap3A_239 = vector.shape_cast %get3A_235 : vector<16xi32> to vector<16xi32>
      tpu.vector_store %arg9[%swap3A_236], %swap3A_239 {strides = array<i32>} : memref<128xi32, #tpu.memory_space<vmem>>, vector<16xi32>,
      %get3A_240 = arith.index_cast %add3A_127 : i32 to index
      %get3A_241 = arith.constant 64 : index
      %get3A_242 = tpu.vector_load %arg6[%get3A_240, %get3A_241] {strides = array<i32>} : memref<80x128xi32, #tpu.memory_space<vmem>>, vector<1x16xi32>,
      %get3A_243 = vector.shape_cast %get3A_242 : vector<1x16xi32> to vector<16xi32>
      %swap3A_244 = arith.constant 64 : index
      %swap3A_245 = tpu.vector_load %arg9[%swap3A_244] {strides = array<i32>} : memref<128xi32, #tpu.memory_space<vmem>>, vector<16xi32>,
      %swap3A_246 = vector.shape_cast %swap3A_245 : vector<16xi32> to vector<16xi32>
      %swap3A_247 = vector.shape_cast %get3A_243 : vector<16xi32> to vector<16xi32>
      tpu.vector_store %arg9[%swap3A_244], %swap3A_247 {strides = array<i32>} : memref<128xi32, #tpu.memory_space<vmem>>, vector<16xi32>,
      %get3A_248 = arith.index_cast %add3A_127 : i32 to index
      %get3A_249 = arith.constant 80 : index
      %get3A_250 = tpu.vector_load %arg6[%get3A_248, %get3A_249] {strides = array<i32>} : memref<80x128xi32, #tpu.memory_space<vmem>>, vector<1x16xi32>,
      %get3A_251 = vector.shape_cast %get3A_250 : vector<1x16xi32> to vector<16xi32>
      %swap3A_252 = arith.constant 80 : index
      %swap3A_253 = tpu.vector_load %arg9[%swap3A_252] {strides = array<i32>} : memref<128xi32, #tpu.memory_space<vmem>>, vector<16xi32>,
      %swap3A_254 = vector.shape_cast %swap3A_253 : vector<16xi32> to vector<16xi32>
      %swap3A_255 = vector.shape_cast %get3A_251 : vector<16xi32> to vector<16xi32>
      tpu.vector_store %arg9[%swap3A_252], %swap3A_255 {strides = array<i32>} : memref<128xi32, #tpu.memory_space<vmem>>, vector<16xi32>,
      %get3A_256 = arith.index_cast %add3A_127 : i32 to index
      %get3A_257 = arith.constant 96 : index
      %get3A_258 = tpu.vector_load %arg6[%get3A_256, %get3A_257] {strides = array<i32>} : memref<80x128xi32, #tpu.memory_space<vmem>>, vector<1x16xi32>,
      %get3A_259 = vector.shape_cast %get3A_258 : vector<1x16xi32> to vector<16xi32>
      %swap3A_260 = arith.constant 96 : index
      %swap3A_261 = tpu.vector_load %arg9[%swap3A_260] {strides = array<i32>} : memref<128xi32, #tpu.memory_space<vmem>>, vector<16xi32>,
      %swap3A_262 = vector.shape_cast %swap3A_261 : vector<16xi32> to vector<16xi32>
      %swap3A_263 = vector.shape_cast %get3A_259 : vector<16xi32> to vector<16xi32>
      tpu.vector_store %arg9[%swap3A_260], %swap3A_263 {strides = array<i32>} : memref<128xi32, #tpu.memory_space<vmem>>, vector<16xi32>,
      %get3A_264 = arith.index_cast %add3A_127 : i32 to index
      %get3A_265 = arith.constant 112 : index
      %get3A_266 = tpu.vector_load %arg6[%get3A_264, %get3A_265] {strides = array<i32>} : memref<80x128xi32, #tpu.memory_space<vmem>>, vector<1x16xi32>,
      %get3A_267 = vector.shape_cast %get3A_266 : vector<1x16xi32> to vector<16xi32>
      %swap3A_268 = arith.constant 112 : index
      %swap3A_269 = tpu.vector_load %arg9[%swap3A_268] {strides = array<i32>} : memref<128xi32, #tpu.memory_space<vmem>>, vector<16xi32>,
      %swap3A_270 = vector.shape_cast %swap3A_269 : vector<16xi32> to vector<16xi32>
      %swap3A_271 = vector.shape_cast %get3A_267 : vector<16xi32> to vector<16xi32>
      tpu.vector_store %arg9[%swap3A_268], %swap3A_271 {strides = array<i32>} : memref<128xi32, #tpu.memory_space<vmem>>, vector<16xi32>,
      "tpu.region"() ({
        %run_scoped3A_424 = tpu.sem_alloc : memref<!tpu.dma_semaphore, #tpu.memory_space<semaphore_mem>>
        %dma_start3A_425 = arith.constant 0 : i32
        %dma_start3A_426 = arith.constant 0 : i32
        %dma_start3A_427 = tpu.memref_slice %arg12[%dma_start3A_425, %dma_start3A_426] : memref<10112x128xf32, #tpu.memory_space<vmem_shared>> -> memref<10112x128xf32, #tpu.memory_space<vmem_shared>>
        tpu.enqueue_indirect_dma source(%arg10 : memref<128x128xf32, #tpu.memory_space<vmem>>) target(%dma_start3A_427 : memref<10112x128xf32, #tpu.memory_space<vmem_shared>>) offsets(%arg9 : memref<128xi32, #tpu.memory_space<vmem>>) semaphore(%run_scoped3A_424 : memref<!tpu.dma_semaphore, #tpu.memory_space<semaphore_mem>>) {add = true}
        %dma_wait3A_428 = arith.constant 0 : i32
        %dma_wait3A_429 = arith.constant 0 : i32
        %dma_wait3A_430 = tpu.memref_slice %arg12[%dma_wait3A_428, %dma_wait3A_429] : memref<10112x128xf32, #tpu.memory_space<vmem_shared>> -> memref<10112x128xf32, #tpu.memory_space<vmem_shared>>
        tpu.wait_indirect_dma semaphore(%run_scoped3A_424 : memref<!tpu.dma_semaphore, #tpu.memory_space<semaphore_mem>>) src(%arg10 : memref<128x128xf32, #tpu.memory_space<vmem>>) dst(%dma_wait3A_430 : memref<10112x128xf32, #tpu.memory_space<vmem_shared>>)
        tpu.yield
      }) : () -> ()
      %mul3A_272 = arith.constant 2 : i32
      %mul3A_273 = arith.muli %mul3A_272, %scan3A_122 : i32
      %add3A_274 = arith.constant 1 : i32
      %add3A_275 = arith.addi %mul3A_273, %add3A_274 : i32
      %dma_wait3A_276 = arith.constant 0 : i32
      %dma_wait3A_277 = arith.constant 0 : i32
      %dma_wait3A_278 = arith.constant 0 : i32
      %dma_wait3A_279 = tpu.memref_slice %arg3[%arg0, %arg1, %dma_wait3A_276, %dma_wait3A_277, %dma_wait3A_278] : memref<2x16x80x1x128xi32, #tpu.memory_space<hbm>> -> memref<1x1x1x1x128xi32, #tpu.memory_space<hbm>>
      %dma_wait3A_280 = tpu.memref_squeeze %dma_wait3A_279 : memref<1x1x1x1x128xi32, #tpu.memory_space<hbm>> -> memref<128xi32, #tpu.memory_space<hbm>>
      %dma_wait3A_281 = arith.constant 0 : i32
      %dma_wait3A_282 = tpu.memref_slice %arg3[%arg0, %arg1, %dma_wait3A_276, %dma_wait3A_277, %dma_wait3A_281] : memref<2x16x80x1x128xi32, #tpu.memory_space<hbm>> -> memref<1x1x1x1x128xi32, #tpu.memory_space<hbm>>
      %dma_wait3A_283 = tpu.memref_squeeze %dma_wait3A_282 : memref<1x1x1x1x128xi32, #tpu.memory_space<hbm>> -> memref<128xi32, #tpu.memory_space<hbm>>
      tpu.wait_dma2 semaphore(%arg21 : memref<!tpu.dma_semaphore, #tpu.memory_space<semaphore_mem>>) src(%dma_wait3A_283 : memref<128xi32, #tpu.memory_space<hbm>>) dst(%arg7 : memref<128xi32, #tpu.memory_space<vmem>>)
      %dma_start3A_284 = arith.constant 0 : i32
      %dma_start3A_285 = arith.constant 0 : i32
      %dma_start3A_286 = tpu.memref_slice %arg10[%dma_start3A_284, %dma_start3A_285] : memref<128x128xf32, #tpu.memory_space<vmem>> -> memref<32x128xf32, #tpu.memory_space<vmem>>
      %dma_start3A_287 = arith.constant 0 : i32
      %dma_start3A_288 = tpu.memref_slice %arg7[%dma_start3A_287] : memref<128xi32, #tpu.memory_space<vmem>> -> memref<32xi32, #tpu.memory_space<vmem>>
      %dma_start3A_289 = arith.constant 0 : i32
      %dma_start3A_290 = arith.constant 0 : i32
      %dma_start3A_291 = tpu.memref_slice %arg2[%dma_start3A_289, %dma_start3A_290] : memref<10000x128xf32, #tpu.memory_space<hbm>> -> memref<10000x128xf32, #tpu.memory_space<hbm>>
      tpu.enqueue_indirect_dma source(%dma_start3A_291 : memref<10000x128xf32, #tpu.memory_space<hbm>>) target(%dma_start3A_286 : memref<32x128xf32, #tpu.memory_space<vmem>>) offsets(%dma_start3A_288 : memref<32xi32, #tpu.memory_space<vmem>>) semaphore(%arg13 : memref<!tpu.dma_semaphore, #tpu.memory_space<semaphore_mem>>)
      %dma_start3A_292 = arith.constant 32 : i32
      %dma_start3A_293 = arith.constant 0 : i32
      %dma_start3A_294 = tpu.memref_slice %arg10[%dma_start3A_292, %dma_start3A_293] : memref<128x128xf32, #tpu.memory_space<vmem>> -> memref<32x128xf32, #tpu.memory_space<vmem>>
      %dma_start3A_295 = arith.constant 32 : i32
      %dma_start3A_296 = tpu.memref_slice %arg7[%dma_start3A_295] : memref<128xi32, #tpu.memory_space<vmem>> -> memref<32xi32, #tpu.memory_space<vmem>>
      %dma_start3A_297 = arith.constant 0 : i32
      %dma_start3A_298 = arith.constant 0 : i32
      %dma_start3A_299 = tpu.memref_slice %arg2[%dma_start3A_297, %dma_start3A_298] : memref<10000x128xf32, #tpu.memory_space<hbm>> -> memref<10000x128xf32, #tpu.memory_space<hbm>>
      tpu.enqueue_indirect_dma source(%dma_start3A_299 : memref<10000x128xf32, #tpu.memory_space<hbm>>) target(%dma_start3A_294 : memref<32x128xf32, #tpu.memory_space<vmem>>) offsets(%dma_start3A_296 : memref<32xi32, #tpu.memory_space<vmem>>) semaphore(%arg14 : memref<!tpu.dma_semaphore, #tpu.memory_space<semaphore_mem>>)
      %dma_start3A_300 = arith.constant 64 : i32
      %dma_start3A_301 = arith.constant 0 : i32
      %dma_start3A_302 = tpu.memref_slice %arg10[%dma_start3A_300, %dma_start3A_301] : memref<128x128xf32, #tpu.memory_space<vmem>> -> memref<32x128xf32, #tpu.memory_space<vmem>>
      %dma_start3A_303 = arith.constant 64 : i32
      %dma_start3A_304 = tpu.memref_slice %arg7[%dma_start3A_303] : memref<128xi32, #tpu.memory_space<vmem>> -> memref<32xi32, #tpu.memory_space<vmem>>
      %dma_start3A_305 = arith.constant 0 : i32
      %dma_start3A_306 = arith.constant 0 : i32
      %dma_start3A_307 = tpu.memref_slice %arg2[%dma_start3A_305, %dma_start3A_306] : memref<10000x128xf32, #tpu.memory_space<hbm>> -> memref<10000x128xf32, #tpu.memory_space<hbm>>
      tpu.enqueue_indirect_dma source(%dma_start3A_307 : memref<10000x128xf32, #tpu.memory_space<hbm>>) target(%dma_start3A_302 : memref<32x128xf32, #tpu.memory_space<vmem>>) offsets(%dma_start3A_304 : memref<32xi32, #tpu.memory_space<vmem>>) semaphore(%arg15 : memref<!tpu.dma_semaphore, #tpu.memory_space<semaphore_mem>>)
      %dma_start3A_308 = arith.constant 96 : i32
      %dma_start3A_309 = arith.constant 0 : i32
      %dma_start3A_310 = tpu.memref_slice %arg10[%dma_start3A_308, %dma_start3A_309] : memref<128x128xf32, #tpu.memory_space<vmem>> -> memref<32x128xf32, #tpu.memory_space<vmem>>
      %dma_start3A_311 = arith.constant 96 : i32
      %dma_start3A_312 = tpu.memref_slice %arg7[%dma_start3A_311] : memref<128xi32, #tpu.memory_space<vmem>> -> memref<32xi32, #tpu.memory_space<vmem>>
      %dma_start3A_313 = arith.constant 0 : i32
      %dma_start3A_314 = arith.constant 0 : i32
      %dma_start3A_315 = tpu.memref_slice %arg2[%dma_start3A_313, %dma_start3A_314] : memref<10000x128xf32, #tpu.memory_space<hbm>> -> memref<10000x128xf32, #tpu.memory_space<hbm>>
      tpu.enqueue_indirect_dma source(%dma_start3A_315 : memref<10000x128xf32, #tpu.memory_space<hbm>>) target(%dma_start3A_310 : memref<32x128xf32, #tpu.memory_space<vmem>>) offsets(%dma_start3A_312 : memref<32xi32, #tpu.memory_space<vmem>>) semaphore(%arg16 : memref<!tpu.dma_semaphore, #tpu.memory_space<semaphore_mem>>)
      %dma_wait3A_316 = arith.constant 0 : i32
      %dma_wait3A_317 = arith.constant 0 : i32
      %dma_wait3A_318 = tpu.memref_slice %arg11[%dma_wait3A_316, %dma_wait3A_317] : memref<128x128xf32, #tpu.memory_space<vmem>> -> memref<32x128xf32, #tpu.memory_space<vmem>>
      %dma_wait3A_319 = arith.constant 0 : i32
      %dma_wait3A_320 = tpu.memref_slice %arg8[%dma_wait3A_319] : memref<128xi32, #tpu.memory_space<vmem>> -> memref<32xi32, #tpu.memory_space<vmem>>
      %dma_wait3A_321 = arith.constant 0 : i32
      %dma_wait3A_322 = arith.constant 0 : i32
      %dma_wait3A_323 = tpu.memref_slice %arg2[%dma_wait3A_321, %dma_wait3A_322] : memref<10000x128xf32, #tpu.memory_space<hbm>> -> memref<10000x128xf32, #tpu.memory_space<hbm>>
      tpu.wait_indirect_dma semaphore(%arg17 : memref<!tpu.dma_semaphore, #tpu.memory_space<semaphore_mem>>) src(%dma_wait3A_323 : memref<10000x128xf32, #tpu.memory_space<hbm>>) dst(%dma_wait3A_318 : memref<32x128xf32, #tpu.memory_space<vmem>>)
      %dma_wait3A_324 = arith.constant 32 : i32
      %dma_wait3A_325 = arith.constant 0 : i32
      %dma_wait3A_326 = tpu.memref_slice %arg11[%dma_wait3A_324, %dma_wait3A_325] : memref<128x128xf32, #tpu.memory_space<vmem>> -> memref<32x128xf32, #tpu.memory_space<vmem>>
      %dma_wait3A_327 = arith.constant 32 : i32
      %dma_wait3A_328 = tpu.memref_slice %arg8[%dma_wait3A_327] : memref<128xi32, #tpu.memory_space<vmem>> -> memref<32xi32, #tpu.memory_space<vmem>>
      %dma_wait3A_329 = arith.constant 0 : i32
      %dma_wait3A_330 = arith.constant 0 : i32
      %dma_wait3A_331 = tpu.memref_slice %arg2[%dma_wait3A_329, %dma_wait3A_330] : memref<10000x128xf32, #tpu.memory_space<hbm>> -> memref<10000x128xf32, #tpu.memory_space<hbm>>
      tpu.wait_indirect_dma semaphore(%arg18 : memref<!tpu.dma_semaphore, #tpu.memory_space<semaphore_mem>>) src(%dma_wait3A_331 : memref<10000x128xf32, #tpu.memory_space<hbm>>) dst(%dma_wait3A_326 : memref<32x128xf32, #tpu.memory_space<vmem>>)
      %dma_wait3A_332 = arith.constant 64 : i32
      %dma_wait3A_333 = arith.constant 0 : i32
      %dma_wait3A_334 = tpu.memref_slice %arg11[%dma_wait3A_332, %dma_wait3A_333] : memref<128x128xf32, #tpu.memory_space<vmem>> -> memref<32x128xf32, #tpu.memory_space<vmem>>
      %dma_wait3A_335 = arith.constant 64 : i32
      %dma_wait3A_336 = tpu.memref_slice %arg8[%dma_wait3A_335] : memref<128xi32, #tpu.memory_space<vmem>> -> memref<32xi32, #tpu.memory_space<vmem>>
      %dma_wait3A_337 = arith.constant 0 : i32
      %dma_wait3A_338 = arith.constant 0 : i32
      %dma_wait3A_339 = tpu.memref_slice %arg2[%dma_wait3A_337, %dma_wait3A_338] : memref<10000x128xf32, #tpu.memory_space<hbm>> -> memref<10000x128xf32, #tpu.memory_space<hbm>>
      tpu.wait_indirect_dma semaphore(%arg19 : memref<!tpu.dma_semaphore, #tpu.memory_space<semaphore_mem>>) src(%dma_wait3A_339 : memref<10000x128xf32, #tpu.memory_space<hbm>>) dst(%dma_wait3A_334 : memref<32x128xf32, #tpu.memory_space<vmem>>)
      %dma_wait3A_340 = arith.constant 96 : i32
      %dma_wait3A_341 = arith.constant 0 : i32
      %dma_wait3A_342 = tpu.memref_slice %arg11[%dma_wait3A_340, %dma_wait3A_341] : memref<128x128xf32, #tpu.memory_space<vmem>> -> memref<32x128xf32, #tpu.memory_space<vmem>>
      %dma_wait3A_343 = arith.constant 96 : i32
      %dma_wait3A_344 = tpu.memref_slice %arg8[%dma_wait3A_343] : memref<128xi32, #tpu.memory_space<vmem>> -> memref<32xi32, #tpu.memory_space<vmem>>
      %dma_wait3A_345 = arith.constant 0 : i32
      %dma_wait3A_346 = arith.constant 0 : i32
      %dma_wait3A_347 = tpu.memref_slice %arg2[%dma_wait3A_345, %dma_wait3A_346] : memref<10000x128xf32, #tpu.memory_space<hbm>> -> memref<10000x128xf32, #tpu.memory_space<hbm>>
      tpu.wait_indirect_dma semaphore(%arg20 : memref<!tpu.dma_semaphore, #tpu.memory_space<semaphore_mem>>) src(%dma_wait3A_347 : memref<10000x128xf32, #tpu.memory_space<hbm>>) dst(%dma_wait3A_342 : memref<32x128xf32, #tpu.memory_space<vmem>>)
      %add3A_348 = arith.constant 2 : i32
      %add3A_349 = arith.addi %add3A_275, %add3A_348 : i32
      %rem3A_350 = arith.constant 80 : i32
      %rem3A_351 = arith.remsi %add3A_349, %rem3A_350 : i32
      %dma_start3A_352 = arith.constant 0 : i32
      %dma_start3A_353 = arith.constant 0 : i32
      %dma_start3A_354 = tpu.memref_slice %arg3[%arg0, %arg1, %rem3A_351, %dma_start3A_352, %dma_start3A_353] : memref<2x16x80x1x128xi32, #tpu.memory_space<hbm>> -> memref<1x1x1x1x128xi32, #tpu.memory_space<hbm>>
      %dma_start3A_355 = tpu.memref_squeeze %dma_start3A_354 : memref<1x1x1x1x128xi32, #tpu.memory_space<hbm>> -> memref<128xi32, #tpu.memory_space<hbm>>
      %dma_start3A_356 = arith.constant 0 : i32
      %dma_start3A_357 = tpu.memref_slice %arg3[%arg0, %arg1, %rem3A_351, %dma_start3A_352, %dma_start3A_356] : memref<2x16x80x1x128xi32, #tpu.memory_space<hbm>> -> memref<1x1x1x1x128xi32, #tpu.memory_space<hbm>>
      %dma_start3A_358 = tpu.memref_squeeze %dma_start3A_357 : memref<1x1x1x1x128xi32, #tpu.memory_space<hbm>> -> memref<128xi32, #tpu.memory_space<hbm>>
      tpu.enqueue_dma source(%dma_start3A_358 : memref<128xi32, #tpu.memory_space<hbm>>) target(%arg8 : memref<128xi32, #tpu.memory_space<vmem>>) target_semaphore(%arg22 : memref<!tpu.dma_semaphore, #tpu.memory_space<semaphore_mem>>)
      %get3A_359 = arith.index_cast %add3A_275 : i32 to index
      %get3A_360 = arith.constant 0 : index
      %get3A_361 = tpu.vector_load %arg6[%get3A_359, %get3A_360] {strides = array<i32>} : memref<80x128xi32, #tpu.memory_space<vmem>>, vector<1x16xi32>,
      %get3A_362 = vector.shape_cast %get3A_361 : vector<1x16xi32> to vector<16xi32>
      %swap3A_363 = arith.constant 0 : index
      %swap3A_364 = tpu.vector_load %arg9[%swap3A_363] {strides = array<i32>} : memref<128xi32, #tpu.memory_space<vmem>>, vector<16xi32>,
      %swap3A_365 = vector.shape_cast %swap3A_364 : vector<16xi32> to vector<16xi32>
      %swap3A_366 = vector.shape_cast %get3A_362 : vector<16xi32> to vector<16xi32>
      tpu.vector_store %arg9[%swap3A_363], %swap3A_366 {strides = array<i32>} : memref<128xi32, #tpu.memory_space<vmem>>, vector<16xi32>,
      %get3A_367 = arith.index_cast %add3A_275 : i32 to index
      %get3A_368 = arith.constant 16 : index
      %get3A_369 = tpu.vector_load %arg6[%get3A_367, %get3A_368] {strides = array<i32>} : memref<80x128xi32, #tpu.memory_space<vmem>>, vector<1x16xi32>,
      %get3A_370 = vector.shape_cast %get3A_369 : vector<1x16xi32> to vector<16xi32>
      %swap3A_371 = arith.constant 16 : index
      %swap3A_372 = tpu.vector_load %arg9[%swap3A_371] {strides = array<i32>} : memref<128xi32, #tpu.memory_space<vmem>>, vector<16xi32>,
      %swap3A_373 = vector.shape_cast %swap3A_372 : vector<16xi32> to vector<16xi32>
      %swap3A_374 = vector.shape_cast %get3A_370 : vector<16xi32> to vector<16xi32>
      tpu.vector_store %arg9[%swap3A_371], %swap3A_374 {strides = array<i32>} : memref<128xi32, #tpu.memory_space<vmem>>, vector<16xi32>,
      %get3A_375 = arith.index_cast %add3A_275 : i32 to index
      %get3A_376 = arith.constant 32 : index
      %get3A_377 = tpu.vector_load %arg6[%get3A_375, %get3A_376] {strides = array<i32>} : memref<80x128xi32, #tpu.memory_space<vmem>>, vector<1x16xi32>,
      %get3A_378 = vector.shape_cast %get3A_377 : vector<1x16xi32> to vector<16xi32>
      %swap3A_379 = arith.constant 32 : index
      %swap3A_380 = tpu.vector_load %arg9[%swap3A_379] {strides = array<i32>} : memref<128xi32, #tpu.memory_space<vmem>>, vector<16xi32>,
      %swap3A_381 = vector.shape_cast %swap3A_380 : vector<16xi32> to vector<16xi32>
      %swap3A_382 = vector.shape_cast %get3A_378 : vector<16xi32> to vector<16xi32>
      tpu.vector_store %arg9[%swap3A_379], %swap3A_382 {strides = array<i32>} : memref<128xi32, #tpu.memory_space<vmem>>, vector<16xi32>,
      %get3A_383 = arith.index_cast %add3A_275 : i32 to index
      %get3A_384 = arith.constant 48 : index
      %get3A_385 = tpu.vector_load %arg6[%get3A_383, %get3A_384] {strides = array<i32>} : memref<80x128xi32, #tpu.memory_space<vmem>>, vector<1x16xi32>,
      %get3A_386 = vector.shape_cast %get3A_385 : vector<1x16xi32> to vector<16xi32>
      %swap3A_387 = arith.constant 48 : index
      %swap3A_388 = tpu.vector_load %arg9[%swap3A_387] {strides = array<i32>} : memref<128xi32, #tpu.memory_space<vmem>>, vector<16xi32>,
      %swap3A_389 = vector.shape_cast %swap3A_388 : vector<16xi32> to vector<16xi32>
      %swap3A_390 = vector.shape_cast %get3A_386 : vector<16xi32> to vector<16xi32>
      tpu.vector_store %arg9[%swap3A_387], %swap3A_390 {strides = array<i32>} : memref<128xi32, #tpu.memory_space<vmem>>, vector<16xi32>,
      %get3A_391 = arith.index_cast %add3A_275 : i32 to index
      %get3A_392 = arith.constant 64 : index
      %get3A_393 = tpu.vector_load %arg6[%get3A_391, %get3A_392] {strides = array<i32>} : memref<80x128xi32, #tpu.memory_space<vmem>>, vector<1x16xi32>,
      %get3A_394 = vector.shape_cast %get3A_393 : vector<1x16xi32> to vector<16xi32>
      %swap3A_395 = arith.constant 64 : index
      %swap3A_396 = tpu.vector_load %arg9[%swap3A_395] {strides = array<i32>} : memref<128xi32, #tpu.memory_space<vmem>>, vector<16xi32>,
      %swap3A_397 = vector.shape_cast %swap3A_396 : vector<16xi32> to vector<16xi32>
      %swap3A_398 = vector.shape_cast %get3A_394 : vector<16xi32> to vector<16xi32>
      tpu.vector_store %arg9[%swap3A_395], %swap3A_398 {strides = array<i32>} : memref<128xi32, #tpu.memory_space<vmem>>, vector<16xi32>,
      %get3A_399 = arith.index_cast %add3A_275 : i32 to index
      %get3A_400 = arith.constant 80 : index
      %get3A_401 = tpu.vector_load %arg6[%get3A_399, %get3A_400] {strides = array<i32>} : memref<80x128xi32, #tpu.memory_space<vmem>>, vector<1x16xi32>,
      %get3A_402 = vector.shape_cast %get3A_401 : vector<1x16xi32> to vector<16xi32>
      %swap3A_403 = arith.constant 80 : index
      %swap3A_404 = tpu.vector_load %arg9[%swap3A_403] {strides = array<i32>} : memref<128xi32, #tpu.memory_space<vmem>>, vector<16xi32>,
      %swap3A_405 = vector.shape_cast %swap3A_404 : vector<16xi32> to vector<16xi32>
      %swap3A_406 = vector.shape_cast %get3A_402 : vector<16xi32> to vector<16xi32>
      tpu.vector_store %arg9[%swap3A_403], %swap3A_406 {strides = array<i32>} : memref<128xi32, #tpu.memory_space<vmem>>, vector<16xi32>,
      %get3A_407 = arith.index_cast %add3A_275 : i32 to index
      %get3A_408 = arith.constant 96 : index
      %get3A_409 = tpu.vector_load %arg6[%get3A_407, %get3A_408] {strides = array<i32>} : memref<80x128xi32, #tpu.memory_space<vmem>>, vector<1x16xi32>,
      %get3A_410 = vector.shape_cast %get3A_409 : vector<1x16xi32> to vector<16xi32>
      %swap3A_411 = arith.constant 96 : index
      %swap3A_412 = tpu.vector_load %arg9[%swap3A_411] {strides = array<i32>} : memref<128xi32, #tpu.memory_space<vmem>>, vector<16xi32>,
      %swap3A_413 = vector.shape_cast %swap3A_412 : vector<16xi32> to vector<16xi32>
      %swap3A_414 = vector.shape_cast %get3A_410 : vector<16xi32> to vector<16xi32>
      tpu.vector_store %arg9[%swap3A_411], %swap3A_414 {strides = array<i32>} : memref<128xi32, #tpu.memory_space<vmem>>, vector<16xi32>,
      %get3A_415 = arith.index_cast %add3A_275 : i32 to index
      %get3A_416 = arith.constant 112 : index
      %get3A_417 = tpu.vector_load %arg6[%get3A_415, %get3A_416] {strides = array<i32>} : memref<80x128xi32, #tpu.memory_space<vmem>>, vector<1x16xi32>,
      %get3A_418 = vector.shape_cast %get3A_417 : vector<1x16xi32> to vector<16xi32>
      %swap3A_419 = arith.constant 112 : index
      %swap3A_420 = tpu.vector_load %arg9[%swap3A_419] {strides = array<i32>} : memref<128xi32, #tpu.memory_space<vmem>>, vector<16xi32>,
      %swap3A_421 = vector.shape_cast %swap3A_420 : vector<16xi32> to vector<16xi32>
      %swap3A_422 = vector.shape_cast %get3A_418 : vector<16xi32> to vector<16xi32>
      tpu.vector_store %arg9[%swap3A_419], %swap3A_422 {strides = array<i32>} : memref<128xi32, #tpu.memory_space<vmem>>, vector<16xi32>,
      "tpu.region"() ({
        %run_scoped3A_424 = tpu.sem_alloc : memref<!tpu.dma_semaphore, #tpu.memory_space<semaphore_mem>>
        %dma_start3A_425 = arith.constant 0 : i32
        %dma_start3A_426 = arith.constant 0 : i32
        %dma_start3A_427 = tpu.memref_slice %arg12[%dma_start3A_425, %dma_start3A_426] : memref<10112x128xf32, #tpu.memory_space<vmem_shared>> -> memref<10112x128xf32, #tpu.memory_space<vmem_shared>>
        tpu.enqueue_indirect_dma source(%arg11 : memref<128x128xf32, #tpu.memory_space<vmem>>) target(%dma_start3A_427 : memref<10112x128xf32, #tpu.memory_space<vmem_shared>>) offsets(%arg9 : memref<128xi32, #tpu.memory_space<vmem>>) semaphore(%run_scoped3A_424 : memref<!tpu.dma_semaphore, #tpu.memory_space<semaphore_mem>>) {add = true}
        %dma_wait3A_428 = arith.constant 0 : i32
        %dma_wait3A_429 = arith.constant 0 : i32
        %dma_wait3A_430 = tpu.memref_slice %arg12[%dma_wait3A_428, %dma_wait3A_429] : memref<10112x128xf32, #tpu.memory_space<vmem_shared>> -> memref<10112x128xf32, #tpu.memory_space<vmem_shared>>
        tpu.wait_indirect_dma semaphore(%run_scoped3A_424 : memref<!tpu.dma_semaphore, #tpu.memory_space<semaphore_mem>>) src(%arg11 : memref<128x128xf32, #tpu.memory_space<vmem>>) dst(%dma_wait3A_430 : memref<10112x128xf32, #tpu.memory_space<vmem_shared>>)
        tpu.yield
      }) : () -> ()
      %scan3A_423 = arith.constant 0 : i32
      scf.yield %scan3A_423 : i32
    }
    %scan3A_77 = arith.constant 40 : i32
    %dma_wait3A = arith.constant 0 : i32
    %dma_wait3A_78 = arith.constant 0 : i32
    %dma_wait3A_79 = tpu.memref_slice %arg10[%dma_wait3A, %dma_wait3A_78] : memref<128x128xf32, #tpu.memory_space<vmem>> -> memref<32x128xf32, #tpu.memory_space<vmem>>
    %dma_wait3A_80 = arith.constant 0 : i32
    %dma_wait3A_81 = tpu.memref_slice %arg7[%dma_wait3A_80] : memref<128xi32, #tpu.memory_space<vmem>> -> memref<32xi32, #tpu.memory_space<vmem>>
    %dma_wait3A_82 = arith.constant 0 : i32
    %dma_wait3A_83 = arith.constant 0 : i32
    %dma_wait3A_84 = tpu.memref_slice %arg2[%dma_wait3A_82, %dma_wait3A_83] : memref<10000x128xf32, #tpu.memory_space<hbm>> -> memref<10000x128xf32, #tpu.memory_space<hbm>>
    tpu.wait_indirect_dma semaphore(%arg13 : memref<!tpu.dma_semaphore, #tpu.memory_space<semaphore_mem>>) src(%dma_wait3A_84 : memref<10000x128xf32, #tpu.memory_space<hbm>>) dst(%dma_wait3A_79 : memref<32x128xf32, #tpu.memory_space<vmem>>)
    %dma_wait3A_85 = arith.constant 32 : i32
    %dma_wait3A_86 = arith.constant 0 : i32
    %dma_wait3A_87 = tpu.memref_slice %arg10[%dma_wait3A_85, %dma_wait3A_86] : memref<128x128xf32, #tpu.memory_space<vmem>> -> memref<32x128xf32, #tpu.memory_space<vmem>>
    %dma_wait3A_88 = arith.constant 32 : i32
    %dma_wait3A_89 = tpu.memref_slice %arg7[%dma_wait3A_88] : memref<128xi32, #tpu.memory_space<vmem>> -> memref<32xi32, #tpu.memory_space<vmem>>
    %dma_wait3A_90 = arith.constant 0 : i32
    %dma_wait3A_91 = arith.constant 0 : i32
    %dma_wait3A_92 = tpu.memref_slice %arg2[%dma_wait3A_90, %dma_wait3A_91] : memref<10000x128xf32, #tpu.memory_space<hbm>> -> memref<10000x128xf32, #tpu.memory_space<hbm>>
    tpu.wait_indirect_dma semaphore(%arg14 : memref<!tpu.dma_semaphore, #tpu.memory_space<semaphore_mem>>) src(%dma_wait3A_92 : memref<10000x128xf32, #tpu.memory_space<hbm>>) dst(%dma_wait3A_87 : memref<32x128xf32, #tpu.memory_space<vmem>>)
    %dma_wait3A_93 = arith.constant 64 : i32
    %dma_wait3A_94 = arith.constant 0 : i32
    %dma_wait3A_95 = tpu.memref_slice %arg10[%dma_wait3A_93, %dma_wait3A_94] : memref<128x128xf32, #tpu.memory_space<vmem>> -> memref<32x128xf32, #tpu.memory_space<vmem>>
    %dma_wait3A_96 = arith.constant 64 : i32
    %dma_wait3A_97 = tpu.memref_slice %arg7[%dma_wait3A_96] : memref<128xi32, #tpu.memory_space<vmem>> -> memref<32xi32, #tpu.memory_space<vmem>>
    %dma_wait3A_98 = arith.constant 0 : i32
    %dma_wait3A_99 = arith.constant 0 : i32
    %dma_wait3A_100 = tpu.memref_slice %arg2[%dma_wait3A_98, %dma_wait3A_99] : memref<10000x128xf32, #tpu.memory_space<hbm>> -> memref<10000x128xf32, #tpu.memory_space<hbm>>
    tpu.wait_indirect_dma semaphore(%arg15 : memref<!tpu.dma_semaphore, #tpu.memory_space<semaphore_mem>>) src(%dma_wait3A_100 : memref<10000x128xf32, #tpu.memory_space<hbm>>) dst(%dma_wait3A_95 : memref<32x128xf32, #tpu.memory_space<vmem>>)
    %dma_wait3A_101 = arith.constant 96 : i32
    %dma_wait3A_102 = arith.constant 0 : i32
    %dma_wait3A_103 = tpu.memref_slice %arg10[%dma_wait3A_101, %dma_wait3A_102] : memref<128x128xf32, #tpu.memory_space<vmem>> -> memref<32x128xf32, #tpu.memory_space<vmem>>
    %dma_wait3A_104 = arith.constant 96 : i32
    %dma_wait3A_105 = tpu.memref_slice %arg7[%dma_wait3A_104] : memref<128xi32, #tpu.memory_space<vmem>> -> memref<32xi32, #tpu.memory_space<vmem>>
    %dma_wait3A_106 = arith.constant 0 : i32
    %dma_wait3A_107 = arith.constant 0 : i32
    %dma_wait3A_108 = tpu.memref_slice %arg2[%dma_wait3A_106, %dma_wait3A_107] : memref<10000x128xf32, #tpu.memory_space<hbm>> -> memref<10000x128xf32, #tpu.memory_space<hbm>>
    tpu.wait_indirect_dma semaphore(%arg16 : memref<!tpu.dma_semaphore, #tpu.memory_space<semaphore_mem>>) src(%dma_wait3A_108 : memref<10000x128xf32, #tpu.memory_space<hbm>>) dst(%dma_wait3A_103 : memref<32x128xf32, #tpu.memory_space<vmem>>)
    %dma_wait3A_109 = arith.constant 0 : i32
    %dma_wait3A_110 = arith.constant 0 : i32
    %dma_wait3A_111 = arith.constant 0 : i32
    %dma_wait3A_112 = tpu.memref_slice %arg3[%arg0, %arg1, %dma_wait3A_109, %dma_wait3A_110, %dma_wait3A_111] : memref<2x16x80x1x128xi32, #tpu.memory_space<hbm>> -> memref<1x1x1x1x128xi32, #tpu.memory_space<hbm>>
    %dma_wait3A_113 = tpu.memref_squeeze %dma_wait3A_112 : memref<1x1x1x1x128xi32, #tpu.memory_space<hbm>> -> memref<128xi32, #tpu.memory_space<hbm>>
    %dma_wait3A_114 = arith.constant 0 : i32
    %dma_wait3A_115 = tpu.memref_slice %arg3[%arg0, %arg1, %dma_wait3A_109, %dma_wait3A_110, %dma_wait3A_114] : memref<2x16x80x1x128xi32, #tpu.memory_space<hbm>> -> memref<1x1x1x1x128xi32, #tpu.memory_space<hbm>>
    %dma_wait3A_116 = tpu.memref_squeeze %dma_wait3A_115 : memref<1x1x1x1x128xi32, #tpu.memory_space<hbm>> -> memref<128xi32, #tpu.memory_space<hbm>>
    tpu.wait_dma2 semaphore(%arg22 : memref<!tpu.dma_semaphore, #tpu.memory_space<semaphore_mem>>) src(%dma_wait3A_116 : memref<128xi32, #tpu.memory_space<hbm>>) dst(%arg8 : memref<128xi32, #tpu.memory_space<vmem>>)
    %barrier3A_117 = arith.constant 0 : index
    tpu.barrier barrier_id(%barrier3A_117)
    %mul3A_118 = arith.constant 632 : i32
    %mul3A_119 = arith.muli %arg1, %mul3A_118 : i32
    %mul3A_120 = arith.constant 632 : i32
    %mul3A_121 = arith.muli %arg1, %mul3A_120 : i32
    "tpu.region"() ({
      %run_scoped3A_122 = tpu.sem_alloc : memref<!tpu.dma_semaphore, #tpu.memory_space<semaphore_mem>>
      %dma_start3A_123 = arith.constant 0 : i32
      %dma_start3A_124 = tpu.memref_slice %arg5[%arg0, %mul3A_121, %dma_start3A_123] : memref<2x10112x128xf32, #tpu.memory_space<hbm>> -> memref<1x632x128xf32, #tpu.memory_space<hbm>>
      %dma_start3A_125 = tpu.memref_squeeze %dma_start3A_124 : memref<1x632x128xf32, #tpu.memory_space<hbm>> -> memref<632x128xf32, #tpu.memory_space<hbm>>
      %dma_start3A_126 = arith.constant 0 : i32
      %dma_start3A_127 = tpu.memref_slice %arg12[%mul3A_119, %dma_start3A_126] : memref<10112x128xf32, #tpu.memory_space<vmem_shared>> -> memref<632x128xf32, #tpu.memory_space<vmem_shared>>
      tpu.enqueue_dma source(%dma_start3A_127 : memref<632x128xf32, #tpu.memory_space<vmem_shared>>) target(%dma_start3A_125 : memref<632x128xf32, #tpu.memory_space<hbm>>) target_semaphore(%run_scoped3A_122 : memref<!tpu.dma_semaphore, #tpu.memory_space<semaphore_mem>>)
      %dma_wait3A_128 = arith.constant 0 : i32
      %dma_wait3A_129 = tpu.memref_slice %arg5[%arg0, %mul3A_121, %dma_wait3A_128] : memref<2x10112x128xf32, #tpu.memory_space<hbm>> -> memref<1x632x128xf32, #tpu.memory_space<hbm>>
      %dma_wait3A_130 = tpu.memref_squeeze %dma_wait3A_129 : memref<1x632x128xf32, #tpu.memory_space<hbm>> -> memref<632x128xf32, #tpu.memory_space<hbm>>
      %dma_wait3A_131 = arith.constant 0 : i32
      %dma_wait3A_132 = tpu.memref_slice %arg12[%mul3A_119, %dma_wait3A_131] : memref<10112x128xf32, #tpu.memory_space<vmem_shared>> -> memref<632x128xf32, #tpu.memory_space<vmem_shared>>
      tpu.wait_dma2 semaphore(%run_scoped3A_122 : memref<!tpu.dma_semaphore, #tpu.memory_space<semaphore_mem>>) src(%dma_wait3A_132 : memref<632x128xf32, #tpu.memory_space<vmem_shared>>) dst(%dma_wait3A_130 : memref<632x128xf32, #tpu.memory_space<hbm>>)
      tpu.yield
    }) : () -> ()
    return
  }
}

#map = affine_map<(d0, d1) -> (0, 0, 0, 0)>
#map1 = affine_map<(d0, d1) -> (0, 0, 0)>
module attributes {stable_mosaic.version = 14 : i64} {
  func.func @_deg_body(%arg0: i32, %arg1: i32, %arg2: memref<2x16x80x128xi32, #tpu.memory_space<hbm>>, %arg3: memref<2x10112x128xf32, #tpu.memory_space<hbm>>, %arg4: memref<80x128xi32, #tpu.memory_space<vmem>>, %arg5: memref<128xi32, #tpu.memory_space<vmem>>, %arg6: memref<128x128xf32, #tpu.memory_space<vmem>>, %arg7: memref<10112x128xf32, #tpu.memory_space<vmem_shared>>) attributes {dimension_semantics = [#tpu.dimension_semantics<core_parallel>, #tpu.dimension_semantics<subcore_parallel>], iteration_bounds = array<i64: 2, 16>, scalar_prefetch = 0 : i64, scratch_operands = 4 : i64, tpu.core_type = #tpu.core_type<sc_vector_subcore>, window_params = [{transform_indices = #map}, {transform_indices = #map1}]} {
    %scan3A = arith.constant 0 : i32
    %scan3A_0 = arith.constant 0 : i32
    %scan3A_1 = arith.constant 128 : i32
    %scan3A_2 = arith.addi %scan3A_0, %scan3A_1 : i32
    %scan3A_3 = arith.constant 1 : i32
    %scan3A_4 = scf.for %scan3A_43 = %scan3A_0 to %scan3A_2 step %scan3A_3 iter_args(%scan3A_44 = %scan3A) -> (i32)  : i32 {
      %broadcast_in_dim3A = arith.constant 0.000000e+00 : f32
      %broadcast_in_dim3A_45 = vector.broadcast %broadcast_in_dim3A : f32 to vector<16xf32>
      %swap3A = arith.index_cast %scan3A_43 : i32 to index
      %swap3A_46 = arith.constant 0 : index
      %swap3A_47 = tpu.vector_load %arg6[%swap3A, %swap3A_46] {strides = array<i32>} : memref<128x128xf32, #tpu.memory_space<vmem>>, vector<1x16xf32>,
      %swap3A_48 = vector.shape_cast %swap3A_47 : vector<1x16xf32> to vector<16xf32>
      %swap3A_49 = vector.shape_cast %broadcast_in_dim3A_45 : vector<16xf32> to vector<1x16xf32>
      tpu.vector_store %arg6[%swap3A, %swap3A_46], %swap3A_49 {strides = array<i32>} : memref<128x128xf32, #tpu.memory_space<vmem>>, vector<1x16xf32>,
      %broadcast_in_dim3A_50 = arith.constant 0.000000e+00 : f32
      %broadcast_in_dim3A_51 = vector.broadcast %broadcast_in_dim3A_50 : f32 to vector<16xf32>
      %swap3A_52 = arith.index_cast %scan3A_43 : i32 to index
      %swap3A_53 = arith.constant 16 : index
      %swap3A_54 = tpu.vector_load %arg6[%swap3A_52, %swap3A_53] {strides = array<i32>} : memref<128x128xf32, #tpu.memory_space<vmem>>, vector<1x16xf32>,
      %swap3A_55 = vector.shape_cast %swap3A_54 : vector<1x16xf32> to vector<16xf32>
      %swap3A_56 = vector.shape_cast %broadcast_in_dim3A_51 : vector<16xf32> to vector<1x16xf32>
      tpu.vector_store %arg6[%swap3A_52, %swap3A_53], %swap3A_56 {strides = array<i32>} : memref<128x128xf32, #tpu.memory_space<vmem>>, vector<1x16xf32>,
      %broadcast_in_dim3A_57 = arith.constant 0.000000e+00 : f32
      %broadcast_in_dim3A_58 = vector.broadcast %broadcast_in_dim3A_57 : f32 to vector<16xf32>
      %swap3A_59 = arith.index_cast %scan3A_43 : i32 to index
      %swap3A_60 = arith.constant 32 : index
      %swap3A_61 = tpu.vector_load %arg6[%swap3A_59, %swap3A_60] {strides = array<i32>} : memref<128x128xf32, #tpu.memory_space<vmem>>, vector<1x16xf32>,
      %swap3A_62 = vector.shape_cast %swap3A_61 : vector<1x16xf32> to vector<16xf32>
      %swap3A_63 = vector.shape_cast %broadcast_in_dim3A_58 : vector<16xf32> to vector<1x16xf32>
      tpu.vector_store %arg6[%swap3A_59, %swap3A_60], %swap3A_63 {strides = array<i32>} : memref<128x128xf32, #tpu.memory_space<vmem>>, vector<1x16xf32>,
      %broadcast_in_dim3A_64 = arith.constant 0.000000e+00 : f32
      %broadcast_in_dim3A_65 = vector.broadcast %broadcast_in_dim3A_64 : f32 to vector<16xf32>
      %swap3A_66 = arith.index_cast %scan3A_43 : i32 to index
      %swap3A_67 = arith.constant 48 : index
      %swap3A_68 = tpu.vector_load %arg6[%swap3A_66, %swap3A_67] {strides = array<i32>} : memref<128x128xf32, #tpu.memory_space<vmem>>, vector<1x16xf32>,
      %swap3A_69 = vector.shape_cast %swap3A_68 : vector<1x16xf32> to vector<16xf32>
      %swap3A_70 = vector.shape_cast %broadcast_in_dim3A_65 : vector<16xf32> to vector<1x16xf32>
      tpu.vector_store %arg6[%swap3A_66, %swap3A_67], %swap3A_70 {strides = array<i32>} : memref<128x128xf32, #tpu.memory_space<vmem>>, vector<1x16xf32>,
      %broadcast_in_dim3A_71 = arith.constant 0.000000e+00 : f32
      %broadcast_in_dim3A_72 = vector.broadcast %broadcast_in_dim3A_71 : f32 to vector<16xf32>
      %swap3A_73 = arith.index_cast %scan3A_43 : i32 to index
      %swap3A_74 = arith.constant 64 : index
      %swap3A_75 = tpu.vector_load %arg6[%swap3A_73, %swap3A_74] {strides = array<i32>} : memref<128x128xf32, #tpu.memory_space<vmem>>, vector<1x16xf32>,
      %swap3A_76 = vector.shape_cast %swap3A_75 : vector<1x16xf32> to vector<16xf32>
      %swap3A_77 = vector.shape_cast %broadcast_in_dim3A_72 : vector<16xf32> to vector<1x16xf32>
      tpu.vector_store %arg6[%swap3A_73, %swap3A_74], %swap3A_77 {strides = array<i32>} : memref<128x128xf32, #tpu.memory_space<vmem>>, vector<1x16xf32>,
      %broadcast_in_dim3A_78 = arith.constant 0.000000e+00 : f32
      %broadcast_in_dim3A_79 = vector.broadcast %broadcast_in_dim3A_78 : f32 to vector<16xf32>
      %swap3A_80 = arith.index_cast %scan3A_43 : i32 to index
      %swap3A_81 = arith.constant 80 : index
      %swap3A_82 = tpu.vector_load %arg6[%swap3A_80, %swap3A_81] {strides = array<i32>} : memref<128x128xf32, #tpu.memory_space<vmem>>, vector<1x16xf32>,
      %swap3A_83 = vector.shape_cast %swap3A_82 : vector<1x16xf32> to vector<16xf32>
      %swap3A_84 = vector.shape_cast %broadcast_in_dim3A_79 : vector<16xf32> to vector<1x16xf32>
      tpu.vector_store %arg6[%swap3A_80, %swap3A_81], %swap3A_84 {strides = array<i32>} : memref<128x128xf32, #tpu.memory_space<vmem>>, vector<1x16xf32>,
      %broadcast_in_dim3A_85 = arith.constant 0.000000e+00 : f32
      %broadcast_in_dim3A_86 = vector.broadcast %broadcast_in_dim3A_85 : f32 to vector<16xf32>
      %swap3A_87 = arith.index_cast %scan3A_43 : i32 to index
      %swap3A_88 = arith.constant 96 : index
      %swap3A_89 = tpu.vector_load %arg6[%swap3A_87, %swap3A_88] {strides = array<i32>} : memref<128x128xf32, #tpu.memory_space<vmem>>, vector<1x16xf32>,
      %swap3A_90 = vector.shape_cast %swap3A_89 : vector<1x16xf32> to vector<16xf32>
      %swap3A_91 = vector.shape_cast %broadcast_in_dim3A_86 : vector<16xf32> to vector<1x16xf32>
      tpu.vector_store %arg6[%swap3A_87, %swap3A_88], %swap3A_91 {strides = array<i32>} : memref<128x128xf32, #tpu.memory_space<vmem>>, vector<1x16xf32>,
      %broadcast_in_dim3A_92 = arith.constant 0.000000e+00 : f32
      %broadcast_in_dim3A_93 = vector.broadcast %broadcast_in_dim3A_92 : f32 to vector<16xf32>
      %swap3A_94 = arith.index_cast %scan3A_43 : i32 to index
      %swap3A_95 = arith.constant 112 : index
      %swap3A_96 = tpu.vector_load %arg6[%swap3A_94, %swap3A_95] {strides = array<i32>} : memref<128x128xf32, #tpu.memory_space<vmem>>, vector<1x16xf32>,
      %swap3A_97 = vector.shape_cast %swap3A_96 : vector<1x16xf32> to vector<16xf32>
      %swap3A_98 = vector.shape_cast %broadcast_in_dim3A_93 : vector<16xf32> to vector<1x16xf32>
      tpu.vector_store %arg6[%swap3A_94, %swap3A_95], %swap3A_98 {strides = array<i32>} : memref<128x128xf32, #tpu.memory_space<vmem>>, vector<1x16xf32>,
      %scan3A_99 = arith.constant 0 : i32
      scf.yield %scan3A_99 : i32
    }
    %scan3A_5 = arith.constant 128 : i32
    "tpu.region"() ({
      %run_scoped3A = tpu.sem_alloc : memref<!tpu.dma_semaphore, #tpu.memory_space<semaphore_mem>>
      %dma_start3A = arith.constant 0 : i32
      %dma_start3A_43 = arith.constant 0 : i32
      %dma_start3A_44 = tpu.memref_slice %arg2[%arg0, %arg1, %dma_start3A, %dma_start3A_43] : memref<2x16x80x128xi32, #tpu.memory_space<hbm>> -> memref<1x1x80x128xi32, #tpu.memory_space<hbm>>
      %dma_start3A_45 = tpu.memref_squeeze %dma_start3A_44 : memref<1x1x80x128xi32, #tpu.memory_space<hbm>> -> memref<80x128xi32, #tpu.memory_space<hbm>>
      %dma_start3A_46 = arith.constant 0 : i32
      %dma_start3A_47 = arith.constant 0 : i32
      %dma_start3A_48 = tpu.memref_slice %arg2[%arg0, %arg1, %dma_start3A_46, %dma_start3A_47] : memref<2x16x80x128xi32, #tpu.memory_space<hbm>> -> memref<1x1x80x128xi32, #tpu.memory_space<hbm>>
      %dma_start3A_49 = tpu.memref_squeeze %dma_start3A_48 : memref<1x1x80x128xi32, #tpu.memory_space<hbm>> -> memref<80x128xi32, #tpu.memory_space<hbm>>
      tpu.enqueue_dma source(%dma_start3A_49 : memref<80x128xi32, #tpu.memory_space<hbm>>) target(%arg4 : memref<80x128xi32, #tpu.memory_space<vmem>>) target_semaphore(%run_scoped3A : memref<!tpu.dma_semaphore, #tpu.memory_space<semaphore_mem>>)
      %dma_wait3A = arith.constant 0 : i32
      %dma_wait3A_50 = arith.constant 0 : i32
      %dma_wait3A_51 = tpu.memref_slice %arg2[%arg0, %arg1, %dma_wait3A, %dma_wait3A_50] : memref<2x16x80x128xi32, #tpu.memory_space<hbm>> -> memref<1x1x80x128xi32, #tpu.memory_space<hbm>>
      %dma_wait3A_52 = tpu.memref_squeeze %dma_wait3A_51 : memref<1x1x80x128xi32, #tpu.memory_space<hbm>> -> memref<80x128xi32, #tpu.memory_space<hbm>>
      %dma_wait3A_53 = arith.constant 0 : i32
      %dma_wait3A_54 = arith.constant 0 : i32
      %dma_wait3A_55 = tpu.memref_slice %arg2[%arg0, %arg1, %dma_wait3A_53, %dma_wait3A_54] : memref<2x16x80x128xi32, #tpu.memory_space<hbm>> -> memref<1x1x80x128xi32, #tpu.memory_space<hbm>>
      %dma_wait3A_56 = tpu.memref_squeeze %dma_wait3A_55 : memref<1x1x80x128xi32, #tpu.memory_space<hbm>> -> memref<80x128xi32, #tpu.memory_space<hbm>>
      tpu.wait_dma2 semaphore(%run_scoped3A : memref<!tpu.dma_semaphore, #tpu.memory_space<semaphore_mem>>) src(%dma_wait3A_56 : memref<80x128xi32, #tpu.memory_space<hbm>>) dst(%arg4 : memref<80x128xi32, #tpu.memory_space<vmem>>)
      tpu.yield
    }) : () -> ()
    %mul3A = arith.constant 632 : i32
    %mul3A_6 = arith.muli %arg1, %mul3A : i32
    %add3A = arith.constant 0 : i32
    %add3A_7 = arith.addi %mul3A_6, %add3A : i32
    "tpu.region"() ({
      %run_scoped3A = tpu.sem_alloc : memref<!tpu.dma_semaphore, #tpu.memory_space<semaphore_mem>>
      %dma_start3A = arith.constant 0 : i32
      %dma_start3A_43 = tpu.memref_slice %arg7[%add3A_7, %dma_start3A] : memref<10112x128xf32, #tpu.memory_space<vmem_shared>> -> memref<128x128xf32, #tpu.memory_space<vmem_shared>>
      %dma_start3A_44 = arith.constant 0 : i32
      %dma_start3A_45 = tpu.memref_slice %arg7[%add3A_7, %dma_start3A_44] : memref<10112x128xf32, #tpu.memory_space<vmem_shared>> -> memref<128x128xf32, #tpu.memory_space<vmem_shared>>
      tpu.enqueue_dma source(%arg6 : memref<128x128xf32, #tpu.memory_space<vmem>>) target(%dma_start3A_45 : memref<128x128xf32, #tpu.memory_space<vmem_shared>>) target_semaphore(%run_scoped3A : memref<!tpu.dma_semaphore, #tpu.memory_space<semaphore_mem>>)
      %dma_wait3A = arith.constant 0 : i32
      %dma_wait3A_46 = tpu.memref_slice %arg7[%add3A_7, %dma_wait3A] : memref<10112x128xf32, #tpu.memory_space<vmem_shared>> -> memref<128x128xf32, #tpu.memory_space<vmem_shared>>
      %dma_wait3A_47 = arith.constant 0 : i32
      %dma_wait3A_48 = tpu.memref_slice %arg7[%add3A_7, %dma_wait3A_47] : memref<10112x128xf32, #tpu.memory_space<vmem_shared>> -> memref<128x128xf32, #tpu.memory_space<vmem_shared>>
      tpu.wait_dma2 semaphore(%run_scoped3A : memref<!tpu.dma_semaphore, #tpu.memory_space<semaphore_mem>>) src(%arg6 : memref<128x128xf32, #tpu.memory_space<vmem>>) dst(%dma_wait3A_48 : memref<128x128xf32, #tpu.memory_space<vmem_shared>>)
      tpu.yield
    }) : () -> ()
    %mul3A_8 = arith.constant 632 : i32
    %mul3A_9 = arith.muli %arg1, %mul3A_8 : i32
    %add3A_10 = arith.constant 128 : i32
    %add3A_11 = arith.addi %mul3A_9, %add3A_10 : i32
    "tpu.region"() ({
      %run_scoped3A = tpu.sem_alloc : memref<!tpu.dma_semaphore, #tpu.memory_space<semaphore_mem>>
      %dma_start3A = arith.constant 0 : i32
      %dma_start3A_43 = tpu.memref_slice %arg7[%add3A_11, %dma_start3A] : memref<10112x128xf32, #tpu.memory_space<vmem_shared>> -> memref<128x128xf32, #tpu.memory_space<vmem_shared>>
      %dma_start3A_44 = arith.constant 0 : i32
      %dma_start3A_45 = tpu.memref_slice %arg7[%add3A_11, %dma_start3A_44] : memref<10112x128xf32, #tpu.memory_space<vmem_shared>> -> memref<128x128xf32, #tpu.memory_space<vmem_shared>>
      tpu.enqueue_dma source(%arg6 : memref<128x128xf32, #tpu.memory_space<vmem>>) target(%dma_start3A_45 : memref<128x128xf32, #tpu.memory_space<vmem_shared>>) target_semaphore(%run_scoped3A : memref<!tpu.dma_semaphore, #tpu.memory_space<semaphore_mem>>)
      %dma_wait3A = arith.constant 0 : i32
      %dma_wait3A_46 = tpu.memref_slice %arg7[%add3A_11, %dma_wait3A] : memref<10112x128xf32, #tpu.memory_space<vmem_shared>> -> memref<128x128xf32, #tpu.memory_space<vmem_shared>>
      %dma_wait3A_47 = arith.constant 0 : i32
      %dma_wait3A_48 = tpu.memref_slice %arg7[%add3A_11, %dma_wait3A_47] : memref<10112x128xf32, #tpu.memory_space<vmem_shared>> -> memref<128x128xf32, #tpu.memory_space<vmem_shared>>
      tpu.wait_dma2 semaphore(%run_scoped3A : memref<!tpu.dma_semaphore, #tpu.memory_space<semaphore_mem>>) src(%arg6 : memref<128x128xf32, #tpu.memory_space<vmem>>) dst(%dma_wait3A_48 : memref<128x128xf32, #tpu.memory_space<vmem_shared>>)
      tpu.yield
    }) : () -> ()
    %mul3A_12 = arith.constant 632 : i32
    %mul3A_13 = arith.muli %arg1, %mul3A_12 : i32
    %add3A_14 = arith.constant 256 : i32
    %add3A_15 = arith.addi %mul3A_13, %add3A_14 : i32
    "tpu.region"() ({
      %run_scoped3A = tpu.sem_alloc : memref<!tpu.dma_semaphore, #tpu.memory_space<semaphore_mem>>
      %dma_start3A = arith.constant 0 : i32
      %dma_start3A_43 = tpu.memref_slice %arg7[%add3A_15, %dma_start3A] : memref<10112x128xf32, #tpu.memory_space<vmem_shared>> -> memref<128x128xf32, #tpu.memory_space<vmem_shared>>
      %dma_start3A_44 = arith.constant 0 : i32
      %dma_start3A_45 = tpu.memref_slice %arg7[%add3A_15, %dma_start3A_44] : memref<10112x128xf32, #tpu.memory_space<vmem_shared>> -> memref<128x128xf32, #tpu.memory_space<vmem_shared>>
      tpu.enqueue_dma source(%arg6 : memref<128x128xf32, #tpu.memory_space<vmem>>) target(%dma_start3A_45 : memref<128x128xf32, #tpu.memory_space<vmem_shared>>) target_semaphore(%run_scoped3A : memref<!tpu.dma_semaphore, #tpu.memory_space<semaphore_mem>>)
      %dma_wait3A = arith.constant 0 : i32
      %dma_wait3A_46 = tpu.memref_slice %arg7[%add3A_15, %dma_wait3A] : memref<10112x128xf32, #tpu.memory_space<vmem_shared>> -> memref<128x128xf32, #tpu.memory_space<vmem_shared>>
      %dma_wait3A_47 = arith.constant 0 : i32
      %dma_wait3A_48 = tpu.memref_slice %arg7[%add3A_15, %dma_wait3A_47] : memref<10112x128xf32, #tpu.memory_space<vmem_shared>> -> memref<128x128xf32, #tpu.memory_space<vmem_shared>>
      tpu.wait_dma2 semaphore(%run_scoped3A : memref<!tpu.dma_semaphore, #tpu.memory_space<semaphore_mem>>) src(%arg6 : memref<128x128xf32, #tpu.memory_space<vmem>>) dst(%dma_wait3A_48 : memref<128x128xf32, #tpu.memory_space<vmem_shared>>)
      tpu.yield
    }) : () -> ()
    %mul3A_16 = arith.constant 632 : i32
    %mul3A_17 = arith.muli %arg1, %mul3A_16 : i32
    %add3A_18 = arith.constant 384 : i32
    %add3A_19 = arith.addi %mul3A_17, %add3A_18 : i32
    "tpu.region"() ({
      %run_scoped3A = tpu.sem_alloc : memref<!tpu.dma_semaphore, #tpu.memory_space<semaphore_mem>>
      %dma_start3A = arith.constant 0 : i32
      %dma_start3A_43 = tpu.memref_slice %arg7[%add3A_19, %dma_start3A] : memref<10112x128xf32, #tpu.memory_space<vmem_shared>> -> memref<128x128xf32, #tpu.memory_space<vmem_shared>>
      %dma_start3A_44 = arith.constant 0 : i32
      %dma_start3A_45 = tpu.memref_slice %arg7[%add3A_19, %dma_start3A_44] : memref<10112x128xf32, #tpu.memory_space<vmem_shared>> -> memref<128x128xf32, #tpu.memory_space<vmem_shared>>
      tpu.enqueue_dma source(%arg6 : memref<128x128xf32, #tpu.memory_space<vmem>>) target(%dma_start3A_45 : memref<128x128xf32, #tpu.memory_space<vmem_shared>>) target_semaphore(%run_scoped3A : memref<!tpu.dma_semaphore, #tpu.memory_space<semaphore_mem>>)
      %dma_wait3A = arith.constant 0 : i32
      %dma_wait3A_46 = tpu.memref_slice %arg7[%add3A_19, %dma_wait3A] : memref<10112x128xf32, #tpu.memory_space<vmem_shared>> -> memref<128x128xf32, #tpu.memory_space<vmem_shared>>
      %dma_wait3A_47 = arith.constant 0 : i32
      %dma_wait3A_48 = tpu.memref_slice %arg7[%add3A_19, %dma_wait3A_47] : memref<10112x128xf32, #tpu.memory_space<vmem_shared>> -> memref<128x128xf32, #tpu.memory_space<vmem_shared>>
      tpu.wait_dma2 semaphore(%run_scoped3A : memref<!tpu.dma_semaphore, #tpu.memory_space<semaphore_mem>>) src(%arg6 : memref<128x128xf32, #tpu.memory_space<vmem>>) dst(%dma_wait3A_48 : memref<128x128xf32, #tpu.memory_space<vmem_shared>>)
      tpu.yield
    }) : () -> ()
    %mul3A_20 = arith.constant 632 : i32
    %mul3A_21 = arith.muli %arg1, %mul3A_20 : i32
    %add3A_22 = arith.constant 512 : i32
    %add3A_23 = arith.addi %mul3A_21, %add3A_22 : i32
    "tpu.region"() ({
      %run_scoped3A = tpu.sem_alloc : memref<!tpu.dma_semaphore, #tpu.memory_space<semaphore_mem>>
      %dma_start3A = arith.constant 0 : i32
      %dma_start3A_43 = arith.constant 0 : i32
      %dma_start3A_44 = tpu.memref_slice %arg6[%dma_start3A, %dma_start3A_43] : memref<128x128xf32, #tpu.memory_space<vmem>> -> memref<120x128xf32, #tpu.memory_space<vmem>>
      %dma_start3A_45 = arith.constant 0 : i32
      %dma_start3A_46 = tpu.memref_slice %arg7[%add3A_23, %dma_start3A_45] : memref<10112x128xf32, #tpu.memory_space<vmem_shared>> -> memref<120x128xf32, #tpu.memory_space<vmem_shared>>
      %dma_start3A_47 = arith.constant 0 : i32
      %dma_start3A_48 = tpu.memref_slice %arg7[%add3A_23, %dma_start3A_47] : memref<10112x128xf32, #tpu.memory_space<vmem_shared>> -> memref<120x128xf32, #tpu.memory_space<vmem_shared>>
      %dma_start3A_49 = arith.constant 0 : i32
      %dma_start3A_50 = arith.constant 0 : i32
      %dma_start3A_51 = tpu.memref_slice %arg6[%dma_start3A_49, %dma_start3A_50] : memref<128x128xf32, #tpu.memory_space<vmem>> -> memref<120x128xf32, #tpu.memory_space<vmem>>
      tpu.enqueue_dma source(%dma_start3A_51 : memref<120x128xf32, #tpu.memory_space<vmem>>) target(%dma_start3A_48 : memref<120x128xf32, #tpu.memory_space<vmem_shared>>) target_semaphore(%run_scoped3A : memref<!tpu.dma_semaphore, #tpu.memory_space<semaphore_mem>>)
      %dma_wait3A = arith.constant 0 : i32
      %dma_wait3A_52 = arith.constant 0 : i32
      %dma_wait3A_53 = tpu.memref_slice %arg6[%dma_wait3A, %dma_wait3A_52] : memref<128x128xf32, #tpu.memory_space<vmem>> -> memref<120x128xf32, #tpu.memory_space<vmem>>
      %dma_wait3A_54 = arith.constant 0 : i32
      %dma_wait3A_55 = tpu.memref_slice %arg7[%add3A_23, %dma_wait3A_54] : memref<10112x128xf32, #tpu.memory_space<vmem_shared>> -> memref<120x128xf32, #tpu.memory_space<vmem_shared>>
      %dma_wait3A_56 = arith.constant 0 : i32
      %dma_wait3A_57 = tpu.memref_slice %arg7[%add3A_23, %dma_wait3A_56] : memref<10112x128xf32, #tpu.memory_space<vmem_shared>> -> memref<120x128xf32, #tpu.memory_space<vmem_shared>>
      %dma_wait3A_58 = arith.constant 0 : i32
      %dma_wait3A_59 = arith.constant 0 : i32
      %dma_wait3A_60 = tpu.memref_slice %arg6[%dma_wait3A_58, %dma_wait3A_59] : memref<128x128xf32, #tpu.memory_space<vmem>> -> memref<120x128xf32, #tpu.memory_space<vmem>>
      tpu.wait_dma2 semaphore(%run_scoped3A : memref<!tpu.dma_semaphore, #tpu.memory_space<semaphore_mem>>) src(%dma_wait3A_60 : memref<120x128xf32, #tpu.memory_space<vmem>>) dst(%dma_wait3A_57 : memref<120x128xf32, #tpu.memory_space<vmem_shared>>)
      tpu.yield
    }) : () -> ()
    %barrier3A = arith.constant 0 : index
    tpu.barrier barrier_id(%barrier3A)
    %scan3A_24 = arith.constant 0 : i32
    %scan3A_25 = arith.constant 0 : i32
    %scan3A_26 = arith.constant 128 : i32
    %scan3A_27 = arith.addi %scan3A_25, %scan3A_26 : i32
    %scan3A_28 = arith.constant 1 : i32
    %scan3A_29 = scf.for %scan3A_43 = %scan3A_25 to %scan3A_27 step %scan3A_28 iter_args(%scan3A_44 = %scan3A_24) -> (i32)  : i32 {
      %broadcast_in_dim3A = arith.constant 1.000000e+00 : f32
      %broadcast_in_dim3A_45 = vector.broadcast %broadcast_in_dim3A : f32 to vector<16xf32>
      %swap3A = arith.index_cast %scan3A_43 : i32 to index
      %swap3A_46 = arith.constant 0 : index
      %swap3A_47 = tpu.vector_load %arg6[%swap3A, %swap3A_46] {strides = array<i32>} : memref<128x128xf32, #tpu.memory_space<vmem>>, vector<1x16xf32>,
      %swap3A_48 = vector.shape_cast %swap3A_47 : vector<1x16xf32> to vector<16xf32>
      %swap3A_49 = vector.shape_cast %broadcast_in_dim3A_45 : vector<16xf32> to vector<1x16xf32>
      tpu.vector_store %arg6[%swap3A, %swap3A_46], %swap3A_49 {strides = array<i32>} : memref<128x128xf32, #tpu.memory_space<vmem>>, vector<1x16xf32>,
      %broadcast_in_dim3A_50 = arith.constant 1.000000e+00 : f32
      %broadcast_in_dim3A_51 = vector.broadcast %broadcast_in_dim3A_50 : f32 to vector<16xf32>
      %swap3A_52 = arith.index_cast %scan3A_43 : i32 to index
      %swap3A_53 = arith.constant 16 : index
      %swap3A_54 = tpu.vector_load %arg6[%swap3A_52, %swap3A_53] {strides = array<i32>} : memref<128x128xf32, #tpu.memory_space<vmem>>, vector<1x16xf32>,
      %swap3A_55 = vector.shape_cast %swap3A_54 : vector<1x16xf32> to vector<16xf32>
      %swap3A_56 = vector.shape_cast %broadcast_in_dim3A_51 : vector<16xf32> to vector<1x16xf32>
      tpu.vector_store %arg6[%swap3A_52, %swap3A_53], %swap3A_56 {strides = array<i32>} : memref<128x128xf32, #tpu.memory_space<vmem>>, vector<1x16xf32>,
      %broadcast_in_dim3A_57 = arith.constant 1.000000e+00 : f32
      %broadcast_in_dim3A_58 = vector.broadcast %broadcast_in_dim3A_57 : f32 to vector<16xf32>
      %swap3A_59 = arith.index_cast %scan3A_43 : i32 to index
      %swap3A_60 = arith.constant 32 : index
      %swap3A_61 = tpu.vector_load %arg6[%swap3A_59, %swap3A_60] {strides = array<i32>} : memref<128x128xf32, #tpu.memory_space<vmem>>, vector<1x16xf32>,
      %swap3A_62 = vector.shape_cast %swap3A_61 : vector<1x16xf32> to vector<16xf32>
      %swap3A_63 = vector.shape_cast %broadcast_in_dim3A_58 : vector<16xf32> to vector<1x16xf32>
      tpu.vector_store %arg6[%swap3A_59, %swap3A_60], %swap3A_63 {strides = array<i32>} : memref<128x128xf32, #tpu.memory_space<vmem>>, vector<1x16xf32>,
      %broadcast_in_dim3A_64 = arith.constant 1.000000e+00 : f32
      %broadcast_in_dim3A_65 = vector.broadcast %broadcast_in_dim3A_64 : f32 to vector<16xf32>
      %swap3A_66 = arith.index_cast %scan3A_43 : i32 to index
      %swap3A_67 = arith.constant 48 : index
      %swap3A_68 = tpu.vector_load %arg6[%swap3A_66, %swap3A_67] {strides = array<i32>} : memref<128x128xf32, #tpu.memory_space<vmem>>, vector<1x16xf32>,
      %swap3A_69 = vector.shape_cast %swap3A_68 : vector<1x16xf32> to vector<16xf32>
      %swap3A_70 = vector.shape_cast %broadcast_in_dim3A_65 : vector<16xf32> to vector<1x16xf32>
      tpu.vector_store %arg6[%swap3A_66, %swap3A_67], %swap3A_70 {strides = array<i32>} : memref<128x128xf32, #tpu.memory_space<vmem>>, vector<1x16xf32>,
      %broadcast_in_dim3A_71 = arith.constant 1.000000e+00 : f32
      %broadcast_in_dim3A_72 = vector.broadcast %broadcast_in_dim3A_71 : f32 to vector<16xf32>
      %swap3A_73 = arith.index_cast %scan3A_43 : i32 to index
      %swap3A_74 = arith.constant 64 : index
      %swap3A_75 = tpu.vector_load %arg6[%swap3A_73, %swap3A_74] {strides = array<i32>} : memref<128x128xf32, #tpu.memory_space<vmem>>, vector<1x16xf32>,
      %swap3A_76 = vector.shape_cast %swap3A_75 : vector<1x16xf32> to vector<16xf32>
      %swap3A_77 = vector.shape_cast %broadcast_in_dim3A_72 : vector<16xf32> to vector<1x16xf32>
      tpu.vector_store %arg6[%swap3A_73, %swap3A_74], %swap3A_77 {strides = array<i32>} : memref<128x128xf32, #tpu.memory_space<vmem>>, vector<1x16xf32>,
      %broadcast_in_dim3A_78 = arith.constant 1.000000e+00 : f32
      %broadcast_in_dim3A_79 = vector.broadcast %broadcast_in_dim3A_78 : f32 to vector<16xf32>
      %swap3A_80 = arith.index_cast %scan3A_43 : i32 to index
      %swap3A_81 = arith.constant 80 : index
      %swap3A_82 = tpu.vector_load %arg6[%swap3A_80, %swap3A_81] {strides = array<i32>} : memref<128x128xf32, #tpu.memory_space<vmem>>, vector<1x16xf32>,
      %swap3A_83 = vector.shape_cast %swap3A_82 : vector<1x16xf32> to vector<16xf32>
      %swap3A_84 = vector.shape_cast %broadcast_in_dim3A_79 : vector<16xf32> to vector<1x16xf32>
      tpu.vector_store %arg6[%swap3A_80, %swap3A_81], %swap3A_84 {strides = array<i32>} : memref<128x128xf32, #tpu.memory_space<vmem>>, vector<1x16xf32>,
      %broadcast_in_dim3A_85 = arith.constant 1.000000e+00 : f32
      %broadcast_in_dim3A_86 = vector.broadcast %broadcast_in_dim3A_85 : f32 to vector<16xf32>
      %swap3A_87 = arith.index_cast %scan3A_43 : i32 to index
      %swap3A_88 = arith.constant 96 : index
      %swap3A_89 = tpu.vector_load %arg6[%swap3A_87, %swap3A_88] {strides = array<i32>} : memref<128x128xf32, #tpu.memory_space<vmem>>, vector<1x16xf32>,
      %swap3A_90 = vector.shape_cast %swap3A_89 : vector<1x16xf32> to vector<16xf32>
      %swap3A_91 = vector.shape_cast %broadcast_in_dim3A_86 : vector<16xf32> to vector<1x16xf32>
      tpu.vector_store %arg6[%swap3A_87, %swap3A_88], %swap3A_91 {strides = array<i32>} : memref<128x128xf32, #tpu.memory_space<vmem>>, vector<1x16xf32>,
      %broadcast_in_dim3A_92 = arith.constant 1.000000e+00 : f32
      %broadcast_in_dim3A_93 = vector.broadcast %broadcast_in_dim3A_92 : f32 to vector<16xf32>
      %swap3A_94 = arith.index_cast %scan3A_43 : i32 to index
      %swap3A_95 = arith.constant 112 : index
      %swap3A_96 = tpu.vector_load %arg6[%swap3A_94, %swap3A_95] {strides = array<i32>} : memref<128x128xf32, #tpu.memory_space<vmem>>, vector<1x16xf32>,
      %swap3A_97 = vector.shape_cast %swap3A_96 : vector<1x16xf32> to vector<16xf32>
      %swap3A_98 = vector.shape_cast %broadcast_in_dim3A_93 : vector<16xf32> to vector<1x16xf32>
      tpu.vector_store %arg6[%swap3A_94, %swap3A_95], %swap3A_98 {strides = array<i32>} : memref<128x128xf32, #tpu.memory_space<vmem>>, vector<1x16xf32>,
      %scan3A_99 = arith.constant 0 : i32
      scf.yield %scan3A_99 : i32
    }
    %scan3A_30 = arith.constant 128 : i32
    %scan3A_31 = arith.constant 0 : i32
    %scan3A_32 = arith.constant 0 : i32
    %scan3A_33 = arith.constant 80 : i32
    %scan3A_34 = arith.addi %scan3A_32, %scan3A_33 : i32
    %scan3A_35 = arith.constant 1 : i32
    %scan3A_36 = scf.for %scan3A_43 = %scan3A_32 to %scan3A_34 step %scan3A_35 iter_args(%scan3A_44 = %scan3A_31) -> (i32)  : i32 {
      %get3A = arith.index_cast %scan3A_43 : i32 to index
      %get3A_45 = arith.constant 0 : index
      %get3A_46 = tpu.vector_load %arg4[%get3A, %get3A_45] {strides = array<i32>} : memref<80x128xi32, #tpu.memory_space<vmem>>, vector<1x16xi32>,
      %get3A_47 = vector.shape_cast %get3A_46 : vector<1x16xi32> to vector<16xi32>
      %swap3A = arith.constant 0 : index
      %swap3A_48 = tpu.vector_load %arg5[%swap3A] {strides = array<i32>} : memref<128xi32, #tpu.memory_space<vmem>>, vector<16xi32>,
      %swap3A_49 = vector.shape_cast %swap3A_48 : vector<16xi32> to vector<16xi32>
      %swap3A_50 = vector.shape_cast %get3A_47 : vector<16xi32> to vector<16xi32>
      tpu.vector_store %arg5[%swap3A], %swap3A_50 {strides = array<i32>} : memref<128xi32, #tpu.memory_space<vmem>>, vector<16xi32>,
      %get3A_51 = arith.index_cast %scan3A_43 : i32 to index
      %get3A_52 = arith.constant 16 : index
      %get3A_53 = tpu.vector_load %arg4[%get3A_51, %get3A_52] {strides = array<i32>} : memref<80x128xi32, #tpu.memory_space<vmem>>, vector<1x16xi32>,
      %get3A_54 = vector.shape_cast %get3A_53 : vector<1x16xi32> to vector<16xi32>
      %swap3A_55 = arith.constant 16 : index
      %swap3A_56 = tpu.vector_load %arg5[%swap3A_55] {strides = array<i32>} : memref<128xi32, #tpu.memory_space<vmem>>, vector<16xi32>,
      %swap3A_57 = vector.shape_cast %swap3A_56 : vector<16xi32> to vector<16xi32>
      %swap3A_58 = vector.shape_cast %get3A_54 : vector<16xi32> to vector<16xi32>
      tpu.vector_store %arg5[%swap3A_55], %swap3A_58 {strides = array<i32>} : memref<128xi32, #tpu.memory_space<vmem>>, vector<16xi32>,
      %get3A_59 = arith.index_cast %scan3A_43 : i32 to index
      %get3A_60 = arith.constant 32 : index
      %get3A_61 = tpu.vector_load %arg4[%get3A_59, %get3A_60] {strides = array<i32>} : memref<80x128xi32, #tpu.memory_space<vmem>>, vector<1x16xi32>,
      %get3A_62 = vector.shape_cast %get3A_61 : vector<1x16xi32> to vector<16xi32>
      %swap3A_63 = arith.constant 32 : index
      %swap3A_64 = tpu.vector_load %arg5[%swap3A_63] {strides = array<i32>} : memref<128xi32, #tpu.memory_space<vmem>>, vector<16xi32>,
      %swap3A_65 = vector.shape_cast %swap3A_64 : vector<16xi32> to vector<16xi32>
      %swap3A_66 = vector.shape_cast %get3A_62 : vector<16xi32> to vector<16xi32>
      tpu.vector_store %arg5[%swap3A_63], %swap3A_66 {strides = array<i32>} : memref<128xi32, #tpu.memory_space<vmem>>, vector<16xi32>,
      %get3A_67 = arith.index_cast %scan3A_43 : i32 to index
      %get3A_68 = arith.constant 48 : index
      %get3A_69 = tpu.vector_load %arg4[%get3A_67, %get3A_68] {strides = array<i32>} : memref<80x128xi32, #tpu.memory_space<vmem>>, vector<1x16xi32>,
      %get3A_70 = vector.shape_cast %get3A_69 : vector<1x16xi32> to vector<16xi32>
      %swap3A_71 = arith.constant 48 : index
      %swap3A_72 = tpu.vector_load %arg5[%swap3A_71] {strides = array<i32>} : memref<128xi32, #tpu.memory_space<vmem>>, vector<16xi32>,
      %swap3A_73 = vector.shape_cast %swap3A_72 : vector<16xi32> to vector<16xi32>
      %swap3A_74 = vector.shape_cast %get3A_70 : vector<16xi32> to vector<16xi32>
      tpu.vector_store %arg5[%swap3A_71], %swap3A_74 {strides = array<i32>} : memref<128xi32, #tpu.memory_space<vmem>>, vector<16xi32>,
      %get3A_75 = arith.index_cast %scan3A_43 : i32 to index
      %get3A_76 = arith.constant 64 : index
      %get3A_77 = tpu.vector_load %arg4[%get3A_75, %get3A_76] {strides = array<i32>} : memref<80x128xi32, #tpu.memory_space<vmem>>, vector<1x16xi32>,
      %get3A_78 = vector.shape_cast %get3A_77 : vector<1x16xi32> to vector<16xi32>
      %swap3A_79 = arith.constant 64 : index
      %swap3A_80 = tpu.vector_load %arg5[%swap3A_79] {strides = array<i32>} : memref<128xi32, #tpu.memory_space<vmem>>, vector<16xi32>,
      %swap3A_81 = vector.shape_cast %swap3A_80 : vector<16xi32> to vector<16xi32>
      %swap3A_82 = vector.shape_cast %get3A_78 : vector<16xi32> to vector<16xi32>
      tpu.vector_store %arg5[%swap3A_79], %swap3A_82 {strides = array<i32>} : memref<128xi32, #tpu.memory_space<vmem>>, vector<16xi32>,
      %get3A_83 = arith.index_cast %scan3A_43 : i32 to index
      %get3A_84 = arith.constant 80 : index
      %get3A_85 = tpu.vector_load %arg4[%get3A_83, %get3A_84] {strides = array<i32>} : memref<80x128xi32, #tpu.memory_space<vmem>>, vector<1x16xi32>,
      %get3A_86 = vector.shape_cast %get3A_85 : vector<1x16xi32> to vector<16xi32>
      %swap3A_87 = arith.constant 80 : index
      %swap3A_88 = tpu.vector_load %arg5[%swap3A_87] {strides = array<i32>} : memref<128xi32, #tpu.memory_space<vmem>>, vector<16xi32>,
      %swap3A_89 = vector.shape_cast %swap3A_88 : vector<16xi32> to vector<16xi32>
      %swap3A_90 = vector.shape_cast %get3A_86 : vector<16xi32> to vector<16xi32>
      tpu.vector_store %arg5[%swap3A_87], %swap3A_90 {strides = array<i32>} : memref<128xi32, #tpu.memory_space<vmem>>, vector<16xi32>,
      %get3A_91 = arith.index_cast %scan3A_43 : i32 to index
      %get3A_92 = arith.constant 96 : index
      %get3A_93 = tpu.vector_load %arg4[%get3A_91, %get3A_92] {strides = array<i32>} : memref<80x128xi32, #tpu.memory_space<vmem>>, vector<1x16xi32>,
      %get3A_94 = vector.shape_cast %get3A_93 : vector<1x16xi32> to vector<16xi32>
      %swap3A_95 = arith.constant 96 : index
      %swap3A_96 = tpu.vector_load %arg5[%swap3A_95] {strides = array<i32>} : memref<128xi32, #tpu.memory_space<vmem>>, vector<16xi32>,
      %swap3A_97 = vector.shape_cast %swap3A_96 : vector<16xi32> to vector<16xi32>
      %swap3A_98 = vector.shape_cast %get3A_94 : vector<16xi32> to vector<16xi32>
      tpu.vector_store %arg5[%swap3A_95], %swap3A_98 {strides = array<i32>} : memref<128xi32, #tpu.memory_space<vmem>>, vector<16xi32>,
      %get3A_99 = arith.index_cast %scan3A_43 : i32 to index
      %get3A_100 = arith.constant 112 : index
      %get3A_101 = tpu.vector_load %arg4[%get3A_99, %get3A_100] {strides = array<i32>} : memref<80x128xi32, #tpu.memory_space<vmem>>, vector<1x16xi32>,
      %get3A_102 = vector.shape_cast %get3A_101 : vector<1x16xi32> to vector<16xi32>
      %swap3A_103 = arith.constant 112 : index
      %swap3A_104 = tpu.vector_load %arg5[%swap3A_103] {strides = array<i32>} : memref<128xi32, #tpu.memory_space<vmem>>, vector<16xi32>,
      %swap3A_105 = vector.shape_cast %swap3A_104 : vector<16xi32> to vector<16xi32>
      %swap3A_106 = vector.shape_cast %get3A_102 : vector<16xi32> to vector<16xi32>
      tpu.vector_store %arg5[%swap3A_103], %swap3A_106 {strides = array<i32>} : memref<128xi32, #tpu.memory_space<vmem>>, vector<16xi32>,
      "tpu.region"() ({
        %run_scoped3A = tpu.sem_alloc : memref<!tpu.dma_semaphore, #tpu.memory_space<semaphore_mem>>
        %dma_start3A = arith.constant 0 : i32
        %dma_start3A_108 = arith.constant 0 : i32
        %dma_start3A_109 = tpu.memref_slice %arg7[%dma_start3A, %dma_start3A_108] : memref<10112x128xf32, #tpu.memory_space<vmem_shared>> -> memref<10112x128xf32, #tpu.memory_space<vmem_shared>>
        tpu.enqueue_indirect_dma source(%arg6 : memref<128x128xf32, #tpu.memory_space<vmem>>) target(%dma_start3A_109 : memref<10112x128xf32, #tpu.memory_space<vmem_shared>>) offsets(%arg5 : memref<128xi32, #tpu.memory_space<vmem>>) semaphore(%run_scoped3A : memref<!tpu.dma_semaphore, #tpu.memory_space<semaphore_mem>>) {add = true}
        %dma_wait3A = arith.constant 0 : i32
        %dma_wait3A_110 = arith.constant 0 : i32
        %dma_wait3A_111 = tpu.memref_slice %arg7[%dma_wait3A, %dma_wait3A_110] : memref<10112x128xf32, #tpu.memory_space<vmem_shared>> -> memref<10112x128xf32, #tpu.memory_space<vmem_shared>>
        tpu.wait_indirect_dma semaphore(%run_scoped3A : memref<!tpu.dma_semaphore, #tpu.memory_space<semaphore_mem>>) src(%arg6 : memref<128x128xf32, #tpu.memory_space<vmem>>) dst(%dma_wait3A_111 : memref<10112x128xf32, #tpu.memory_space<vmem_shared>>)
        tpu.yield
      }) : () -> ()
      %scan3A_107 = arith.constant 0 : i32
      scf.yield %scan3A_107 : i32
    }
    %scan3A_37 = arith.constant 80 : i32
    %barrier3A_38 = arith.constant 0 : index
    tpu.barrier barrier_id(%barrier3A_38)
    %mul3A_39 = arith.constant 632 : i32
    %mul3A_40 = arith.muli %arg1, %mul3A_39 : i32
    %mul3A_41 = arith.constant 632 : i32
    %mul3A_42 = arith.muli %arg1, %mul3A_41 : i32
    "tpu.region"() ({
      %run_scoped3A = tpu.sem_alloc : memref<!tpu.dma_semaphore, #tpu.memory_space<semaphore_mem>>
      %dma_start3A = arith.constant 0 : i32
      %dma_start3A_43 = tpu.memref_slice %arg3[%arg0, %mul3A_42, %dma_start3A] : memref<2x10112x128xf32, #tpu.memory_space<hbm>> -> memref<1x632x128xf32, #tpu.memory_space<hbm>>
      %dma_start3A_44 = tpu.memref_squeeze %dma_start3A_43 : memref<1x632x128xf32, #tpu.memory_space<hbm>> -> memref<632x128xf32, #tpu.memory_space<hbm>>
      %dma_start3A_45 = arith.constant 0 : i32
      %dma_start3A_46 = tpu.memref_slice %arg7[%mul3A_40, %dma_start3A_45] : memref<10112x128xf32, #tpu.memory_space<vmem_shared>> -> memref<632x128xf32, #tpu.memory_space<vmem_shared>>
      tpu.enqueue_dma source(%dma_start3A_46 : memref<632x128xf32, #tpu.memory_space<vmem_shared>>) target(%dma_start3A_44 : memref<632x128xf32, #tpu.memory_space<hbm>>) target_semaphore(%run_scoped3A : memref<!tpu.dma_semaphore, #tpu.memory_space<semaphore_mem>>)
      %dma_wait3A = arith.constant 0 : i32
      %dma_wait3A_47 = tpu.memref_slice %arg3[%arg0, %mul3A_42, %dma_wait3A] : memref<2x10112x128xf32, #tpu.memory_space<hbm>> -> memref<1x632x128xf32, #tpu.memory_space<hbm>>
      %dma_wait3A_48 = tpu.memref_squeeze %dma_wait3A_47 : memref<1x632x128xf32, #tpu.memory_space<hbm>> -> memref<632x128xf32, #tpu.memory_space<hbm>>
      %dma_wait3A_49 = arith.constant 0 : i32
      %dma_wait3A_50 = tpu.memref_slice %arg7[%mul3A_40, %dma_wait3A_49] : memref<10112x128xf32, #tpu.memory_space<vmem_shared>> -> memref<632x128xf32, #tpu.memory_space<vmem_shared>>
      tpu.wait_dma2 semaphore(%run_scoped3A : memref<!tpu.dma_semaphore, #tpu.memory_space<semaphore_mem>>) src(%dma_wait3A_50 : memref<632x128xf32, #tpu.memory_space<vmem_shared>>) dst(%dma_wait3A_48 : memref<632x128xf32, #tpu.memory_space<hbm>>)
      tpu.yield
    }) : () -> ()
    return
  }
}

#map = affine_map<(d0, d1) -> (0, 0)>
#map1 = affine_map<(d0, d1) -> (0, 0, 0, 0, 0)>
#map2 = affine_map<(d0, d1) -> (0, 0, 0, 0)>
#map3 = affine_map<(d0, d1) -> (0, 0, 0)>
module attributes {stable_mosaic.version = 14 : i64} {
  func.func @_spmm_body(%arg0: i32, %arg1: i32, %arg2: memref<10000x128xf32, #tpu.memory_space<hbm>>, %arg3: memref<2x16x80x1x128xi32, #tpu.memory_space<hbm>>, %arg4: memref<2x16x80x128xi32, #tpu.memory_space<hbm>>, %arg5: memref<2x10112x128xf32, #tpu.memory_space<hbm>>, %arg6: memref<80x128xi32, #tpu.memory_space<vmem>>, %arg7: memref<128xi32, #tpu.memory_space<vmem>>, %arg8: memref<128xi32, #tpu.memory_space<vmem>>, %arg9: memref<128xi32, #tpu.memory_space<vmem>>, %arg10: memref<128x128xf32, #tpu.memory_space<vmem>>, %arg11: memref<128x128xf32, #tpu.memory_space<vmem>>, %arg12: memref<10112x128xf32, #tpu.memory_space<vmem_shared>>, %arg13: memref<!tpu.dma_semaphore, #tpu.memory_space<semaphore_mem>>, %arg14: memref<!tpu.dma_semaphore, #tpu.memory_space<semaphore_mem>>, %arg15: memref<!tpu.dma_semaphore, #tpu.memory_space<semaphore_mem>>, %arg16: memref<!tpu.dma_semaphore, #tpu.memory_space<semaphore_mem>>, %arg17: memref<!tpu.dma_semaphore, #tpu.memory_space<semaphore_mem>>, %arg18: memref<!tpu.dma_semaphore, #tpu.memory_space<semaphore_mem>>, %arg19: memref<!tpu.dma_semaphore, #tpu.memory_space<semaphore_mem>>, %arg20: memref<!tpu.dma_semaphore, #tpu.memory_space<semaphore_mem>>, %arg21: memref<!tpu.dma_semaphore, #tpu.memory_space<semaphore_mem>>, %arg22: memref<!tpu.dma_semaphore, #tpu.memory_space<semaphore_mem>>) attributes {dimension_semantics = [#tpu.dimension_semantics<core_parallel>, #tpu.dimension_semantics<subcore_parallel>], iteration_bounds = array<i64: 2, 16>, scalar_prefetch = 0 : i64, scratch_operands = 17 : i64, tpu.core_type = #tpu.core_type<sc_vector_subcore>, window_params = [{transform_indices = #map}, {transform_indices = #map1}, {transform_indices = #map2}, {transform_indices = #map3}]} {
    %scan3A = arith.constant 0 : i32
    %scan3A_0 = arith.constant 0 : i32
    %scan3A_1 = arith.constant 128 : i32
    %scan3A_2 = arith.addi %scan3A_0, %scan3A_1 : i32
    %scan3A_3 = arith.constant 1 : i32
    %scan3A_4 = scf.for %scan3A_122 = %scan3A_0 to %scan3A_2 step %scan3A_3 iter_args(%scan3A_123 = %scan3A) -> (i32)  : i32 {
      %broadcast_in_dim3A = arith.constant 0.000000e+00 : f32
      %broadcast_in_dim3A_124 = vector.broadcast %broadcast_in_dim3A : f32 to vector<16xf32>
      %swap3A = arith.index_cast %scan3A_122 : i32 to index
      %swap3A_125 = arith.constant 0 : index
      %swap3A_126 = tpu.vector_load %arg10[%swap3A, %swap3A_125] {strides = array<i32>} : memref<128x128xf32, #tpu.memory_space<vmem>>, vector<1x16xf32>,
      %swap3A_127 = vector.shape_cast %swap3A_126 : vector<1x16xf32> to vector<16xf32>
      %swap3A_128 = vector.shape_cast %broadcast_in_dim3A_124 : vector<16xf32> to vector<1x16xf32>
      tpu.vector_store %arg10[%swap3A, %swap3A_125], %swap3A_128 {strides = array<i32>} : memref<128x128xf32, #tpu.memory_space<vmem>>, vector<1x16xf32>,
      %broadcast_in_dim3A_129 = arith.constant 0.000000e+00 : f32
      %broadcast_in_dim3A_130 = vector.broadcast %broadcast_in_dim3A_129 : f32 to vector<16xf32>
      %swap3A_131 = arith.index_cast %scan3A_122 : i32 to index
      %swap3A_132 = arith.constant 16 : index
      %swap3A_133 = tpu.vector_load %arg10[%swap3A_131, %swap3A_132] {strides = array<i32>} : memref<128x128xf32, #tpu.memory_space<vmem>>, vector<1x16xf32>,
      %swap3A_134 = vector.shape_cast %swap3A_133 : vector<1x16xf32> to vector<16xf32>
      %swap3A_135 = vector.shape_cast %broadcast_in_dim3A_130 : vector<16xf32> to vector<1x16xf32>
      tpu.vector_store %arg10[%swap3A_131, %swap3A_132], %swap3A_135 {strides = array<i32>} : memref<128x128xf32, #tpu.memory_space<vmem>>, vector<1x16xf32>,
      %broadcast_in_dim3A_136 = arith.constant 0.000000e+00 : f32
      %broadcast_in_dim3A_137 = vector.broadcast %broadcast_in_dim3A_136 : f32 to vector<16xf32>
      %swap3A_138 = arith.index_cast %scan3A_122 : i32 to index
      %swap3A_139 = arith.constant 32 : index
      %swap3A_140 = tpu.vector_load %arg10[%swap3A_138, %swap3A_139] {strides = array<i32>} : memref<128x128xf32, #tpu.memory_space<vmem>>, vector<1x16xf32>,
      %swap3A_141 = vector.shape_cast %swap3A_140 : vector<1x16xf32> to vector<16xf32>
      %swap3A_142 = vector.shape_cast %broadcast_in_dim3A_137 : vector<16xf32> to vector<1x16xf32>
      tpu.vector_store %arg10[%swap3A_138, %swap3A_139], %swap3A_142 {strides = array<i32>} : memref<128x128xf32, #tpu.memory_space<vmem>>, vector<1x16xf32>,
      %broadcast_in_dim3A_143 = arith.constant 0.000000e+00 : f32
      %broadcast_in_dim3A_144 = vector.broadcast %broadcast_in_dim3A_143 : f32 to vector<16xf32>
      %swap3A_145 = arith.index_cast %scan3A_122 : i32 to index
      %swap3A_146 = arith.constant 48 : index
      %swap3A_147 = tpu.vector_load %arg10[%swap3A_145, %swap3A_146] {strides = array<i32>} : memref<128x128xf32, #tpu.memory_space<vmem>>, vector<1x16xf32>,
      %swap3A_148 = vector.shape_cast %swap3A_147 : vector<1x16xf32> to vector<16xf32>
      %swap3A_149 = vector.shape_cast %broadcast_in_dim3A_144 : vector<16xf32> to vector<1x16xf32>
      tpu.vector_store %arg10[%swap3A_145, %swap3A_146], %swap3A_149 {strides = array<i32>} : memref<128x128xf32, #tpu.memory_space<vmem>>, vector<1x16xf32>,
      %broadcast_in_dim3A_150 = arith.constant 0.000000e+00 : f32
      %broadcast_in_dim3A_151 = vector.broadcast %broadcast_in_dim3A_150 : f32 to vector<16xf32>
      %swap3A_152 = arith.index_cast %scan3A_122 : i32 to index
      %swap3A_153 = arith.constant 64 : index
      %swap3A_154 = tpu.vector_load %arg10[%swap3A_152, %swap3A_153] {strides = array<i32>} : memref<128x128xf32, #tpu.memory_space<vmem>>, vector<1x16xf32>,
      %swap3A_155 = vector.shape_cast %swap3A_154 : vector<1x16xf32> to vector<16xf32>
      %swap3A_156 = vector.shape_cast %broadcast_in_dim3A_151 : vector<16xf32> to vector<1x16xf32>
      tpu.vector_store %arg10[%swap3A_152, %swap3A_153], %swap3A_156 {strides = array<i32>} : memref<128x128xf32, #tpu.memory_space<vmem>>, vector<1x16xf32>,
      %broadcast_in_dim3A_157 = arith.constant 0.000000e+00 : f32
      %broadcast_in_dim3A_158 = vector.broadcast %broadcast_in_dim3A_157 : f32 to vector<16xf32>
      %swap3A_159 = arith.index_cast %scan3A_122 : i32 to index
      %swap3A_160 = arith.constant 80 : index
      %swap3A_161 = tpu.vector_load %arg10[%swap3A_159, %swap3A_160] {strides = array<i32>} : memref<128x128xf32, #tpu.memory_space<vmem>>, vector<1x16xf32>,
      %swap3A_162 = vector.shape_cast %swap3A_161 : vector<1x16xf32> to vector<16xf32>
      %swap3A_163 = vector.shape_cast %broadcast_in_dim3A_158 : vector<16xf32> to vector<1x16xf32>
      tpu.vector_store %arg10[%swap3A_159, %swap3A_160], %swap3A_163 {strides = array<i32>} : memref<128x128xf32, #tpu.memory_space<vmem>>, vector<1x16xf32>,
      %broadcast_in_dim3A_164 = arith.constant 0.000000e+00 : f32
      %broadcast_in_dim3A_165 = vector.broadcast %broadcast_in_dim3A_164 : f32 to vector<16xf32>
      %swap3A_166 = arith.index_cast %scan3A_122 : i32 to index
      %swap3A_167 = arith.constant 96 : index
      %swap3A_168 = tpu.vector_load %arg10[%swap3A_166, %swap3A_167] {strides = array<i32>} : memref<128x128xf32, #tpu.memory_space<vmem>>, vector<1x16xf32>,
      %swap3A_169 = vector.shape_cast %swap3A_168 : vector<1x16xf32> to vector<16xf32>
      %swap3A_170 = vector.shape_cast %broadcast_in_dim3A_165 : vector<16xf32> to vector<1x16xf32>
      tpu.vector_store %arg10[%swap3A_166, %swap3A_167], %swap3A_170 {strides = array<i32>} : memref<128x128xf32, #tpu.memory_space<vmem>>, vector<1x16xf32>,
      %broadcast_in_dim3A_171 = arith.constant 0.000000e+00 : f32
      %broadcast_in_dim3A_172 = vector.broadcast %broadcast_in_dim3A_171 : f32 to vector<16xf32>
      %swap3A_173 = arith.index_cast %scan3A_122 : i32 to index
      %swap3A_174 = arith.constant 112 : index
      %swap3A_175 = tpu.vector_load %arg10[%swap3A_173, %swap3A_174] {strides = array<i32>} : memref<128x128xf32, #tpu.memory_space<vmem>>, vector<1x16xf32>,
      %swap3A_176 = vector.shape_cast %swap3A_175 : vector<1x16xf32> to vector<16xf32>
      %swap3A_177 = vector.shape_cast %broadcast_in_dim3A_172 : vector<16xf32> to vector<1x16xf32>
      tpu.vector_store %arg10[%swap3A_173, %swap3A_174], %swap3A_177 {strides = array<i32>} : memref<128x128xf32, #tpu.memory_space<vmem>>, vector<1x16xf32>,
      %scan3A_178 = arith.constant 0 : i32
      scf.yield %scan3A_178 : i32
    }
    %scan3A_5 = arith.constant 128 : i32
    %scan3A_6 = arith.constant 0 : i32
    %scan3A_7 = arith.constant 0 : i32
    %scan3A_8 = arith.constant 128 : i32
    %scan3A_9 = arith.addi %scan3A_7, %scan3A_8 : i32
    %scan3A_10 = arith.constant 1 : i32
    %scan3A_11 = scf.for %scan3A_122 = %scan3A_7 to %scan3A_9 step %scan3A_10 iter_args(%scan3A_123 = %scan3A_6) -> (i32)  : i32 {
      %broadcast_in_dim3A = arith.constant 0.000000e+00 : f32
      %broadcast_in_dim3A_124 = vector.broadcast %broadcast_in_dim3A : f32 to vector<16xf32>
      %swap3A = arith.index_cast %scan3A_122 : i32 to index
      %swap3A_125 = arith.constant 0 : index
      %swap3A_126 = tpu.vector_load %arg11[%swap3A, %swap3A_125] {strides = array<i32>} : memref<128x128xf32, #tpu.memory_space<vmem>>, vector<1x16xf32>,
      %swap3A_127 = vector.shape_cast %swap3A_126 : vector<1x16xf32> to vector<16xf32>
      %swap3A_128 = vector.shape_cast %broadcast_in_dim3A_124 : vector<16xf32> to vector<1x16xf32>
      tpu.vector_store %arg11[%swap3A, %swap3A_125], %swap3A_128 {strides = array<i32>} : memref<128x128xf32, #tpu.memory_space<vmem>>, vector<1x16xf32>,
      %broadcast_in_dim3A_129 = arith.constant 0.000000e+00 : f32
      %broadcast_in_dim3A_130 = vector.broadcast %broadcast_in_dim3A_129 : f32 to vector<16xf32>
      %swap3A_131 = arith.index_cast %scan3A_122 : i32 to index
      %swap3A_132 = arith.constant 16 : index
      %swap3A_133 = tpu.vector_load %arg11[%swap3A_131, %swap3A_132] {strides = array<i32>} : memref<128x128xf32, #tpu.memory_space<vmem>>, vector<1x16xf32>,
      %swap3A_134 = vector.shape_cast %swap3A_133 : vector<1x16xf32> to vector<16xf32>
      %swap3A_135 = vector.shape_cast %broadcast_in_dim3A_130 : vector<16xf32> to vector<1x16xf32>
      tpu.vector_store %arg11[%swap3A_131, %swap3A_132], %swap3A_135 {strides = array<i32>} : memref<128x128xf32, #tpu.memory_space<vmem>>, vector<1x16xf32>,
      %broadcast_in_dim3A_136 = arith.constant 0.000000e+00 : f32
      %broadcast_in_dim3A_137 = vector.broadcast %broadcast_in_dim3A_136 : f32 to vector<16xf32>
      %swap3A_138 = arith.index_cast %scan3A_122 : i32 to index
      %swap3A_139 = arith.constant 32 : index
      %swap3A_140 = tpu.vector_load %arg11[%swap3A_138, %swap3A_139] {strides = array<i32>} : memref<128x128xf32, #tpu.memory_space<vmem>>, vector<1x16xf32>,
      %swap3A_141 = vector.shape_cast %swap3A_140 : vector<1x16xf32> to vector<16xf32>
      %swap3A_142 = vector.shape_cast %broadcast_in_dim3A_137 : vector<16xf32> to vector<1x16xf32>
      tpu.vector_store %arg11[%swap3A_138, %swap3A_139], %swap3A_142 {strides = array<i32>} : memref<128x128xf32, #tpu.memory_space<vmem>>, vector<1x16xf32>,
      %broadcast_in_dim3A_143 = arith.constant 0.000000e+00 : f32
      %broadcast_in_dim3A_144 = vector.broadcast %broadcast_in_dim3A_143 : f32 to vector<16xf32>
      %swap3A_145 = arith.index_cast %scan3A_122 : i32 to index
      %swap3A_146 = arith.constant 48 : index
      %swap3A_147 = tpu.vector_load %arg11[%swap3A_145, %swap3A_146] {strides = array<i32>} : memref<128x128xf32, #tpu.memory_space<vmem>>, vector<1x16xf32>,
      %swap3A_148 = vector.shape_cast %swap3A_147 : vector<1x16xf32> to vector<16xf32>
      %swap3A_149 = vector.shape_cast %broadcast_in_dim3A_144 : vector<16xf32> to vector<1x16xf32>
      tpu.vector_store %arg11[%swap3A_145, %swap3A_146], %swap3A_149 {strides = array<i32>} : memref<128x128xf32, #tpu.memory_space<vmem>>, vector<1x16xf32>,
      %broadcast_in_dim3A_150 = arith.constant 0.000000e+00 : f32
      %broadcast_in_dim3A_151 = vector.broadcast %broadcast_in_dim3A_150 : f32 to vector<16xf32>
      %swap3A_152 = arith.index_cast %scan3A_122 : i32 to index
      %swap3A_153 = arith.constant 64 : index
      %swap3A_154 = tpu.vector_load %arg11[%swap3A_152, %swap3A_153] {strides = array<i32>} : memref<128x128xf32, #tpu.memory_space<vmem>>, vector<1x16xf32>,
      %swap3A_155 = vector.shape_cast %swap3A_154 : vector<1x16xf32> to vector<16xf32>
      %swap3A_156 = vector.shape_cast %broadcast_in_dim3A_151 : vector<16xf32> to vector<1x16xf32>
      tpu.vector_store %arg11[%swap3A_152, %swap3A_153], %swap3A_156 {strides = array<i32>} : memref<128x128xf32, #tpu.memory_space<vmem>>, vector<1x16xf32>,
      %broadcast_in_dim3A_157 = arith.constant 0.000000e+00 : f32
      %broadcast_in_dim3A_158 = vector.broadcast %broadcast_in_dim3A_157 : f32 to vector<16xf32>
      %swap3A_159 = arith.index_cast %scan3A_122 : i32 to index
      %swap3A_160 = arith.constant 80 : index
      %swap3A_161 = tpu.vector_load %arg11[%swap3A_159, %swap3A_160] {strides = array<i32>} : memref<128x128xf32, #tpu.memory_space<vmem>>, vector<1x16xf32>,
      %swap3A_162 = vector.shape_cast %swap3A_161 : vector<1x16xf32> to vector<16xf32>
      %swap3A_163 = vector.shape_cast %broadcast_in_dim3A_158 : vector<16xf32> to vector<1x16xf32>
      tpu.vector_store %arg11[%swap3A_159, %swap3A_160], %swap3A_163 {strides = array<i32>} : memref<128x128xf32, #tpu.memory_space<vmem>>, vector<1x16xf32>,
      %broadcast_in_dim3A_164 = arith.constant 0.000000e+00 : f32
      %broadcast_in_dim3A_165 = vector.broadcast %broadcast_in_dim3A_164 : f32 to vector<16xf32>
      %swap3A_166 = arith.index_cast %scan3A_122 : i32 to index
      %swap3A_167 = arith.constant 96 : index
      %swap3A_168 = tpu.vector_load %arg11[%swap3A_166, %swap3A_167] {strides = array<i32>} : memref<128x128xf32, #tpu.memory_space<vmem>>, vector<1x16xf32>,
      %swap3A_169 = vector.shape_cast %swap3A_168 : vector<1x16xf32> to vector<16xf32>
      %swap3A_170 = vector.shape_cast %broadcast_in_dim3A_165 : vector<16xf32> to vector<1x16xf32>
      tpu.vector_store %arg11[%swap3A_166, %swap3A_167], %swap3A_170 {strides = array<i32>} : memref<128x128xf32, #tpu.memory_space<vmem>>, vector<1x16xf32>,
      %broadcast_in_dim3A_171 = arith.constant 0.000000e+00 : f32
      %broadcast_in_dim3A_172 = vector.broadcast %broadcast_in_dim3A_171 : f32 to vector<16xf32>
      %swap3A_173 = arith.index_cast %scan3A_122 : i32 to index
      %swap3A_174 = arith.constant 112 : index
      %swap3A_175 = tpu.vector_load %arg11[%swap3A_173, %swap3A_174] {strides = array<i32>} : memref<128x128xf32, #tpu.memory_space<vmem>>, vector<1x16xf32>,
      %swap3A_176 = vector.shape_cast %swap3A_175 : vector<1x16xf32> to vector<16xf32>
      %swap3A_177 = vector.shape_cast %broadcast_in_dim3A_172 : vector<16xf32> to vector<1x16xf32>
      tpu.vector_store %arg11[%swap3A_173, %swap3A_174], %swap3A_177 {strides = array<i32>} : memref<128x128xf32, #tpu.memory_space<vmem>>, vector<1x16xf32>,
      %scan3A_178 = arith.constant 0 : i32
      scf.yield %scan3A_178 : i32
    }
    %scan3A_12 = arith.constant 128 : i32
    "tpu.region"() ({
      %run_scoped3A_122 = tpu.sem_alloc : memref<!tpu.dma_semaphore, #tpu.memory_space<semaphore_mem>>
      %dma_start3A_123 = arith.constant 0 : i32
      %dma_start3A_124 = arith.constant 0 : i32
      %dma_start3A_125 = tpu.memref_slice %arg4[%arg0, %arg1, %dma_start3A_123, %dma_start3A_124] : memref<2x16x80x128xi32, #tpu.memory_space<hbm>> -> memref<1x1x80x128xi32, #tpu.memory_space<hbm>>
      %dma_start3A_126 = tpu.memref_squeeze %dma_start3A_125 : memref<1x1x80x128xi32, #tpu.memory_space<hbm>> -> memref<80x128xi32, #tpu.memory_space<hbm>>
      %dma_start3A_127 = arith.constant 0 : i32
      %dma_start3A_128 = arith.constant 0 : i32
      %dma_start3A_129 = tpu.memref_slice %arg4[%arg0, %arg1, %dma_start3A_127, %dma_start3A_128] : memref<2x16x80x128xi32, #tpu.memory_space<hbm>> -> memref<1x1x80x128xi32, #tpu.memory_space<hbm>>
      %dma_start3A_130 = tpu.memref_squeeze %dma_start3A_129 : memref<1x1x80x128xi32, #tpu.memory_space<hbm>> -> memref<80x128xi32, #tpu.memory_space<hbm>>
      tpu.enqueue_dma source(%dma_start3A_130 : memref<80x128xi32, #tpu.memory_space<hbm>>) target(%arg6 : memref<80x128xi32, #tpu.memory_space<vmem>>) target_semaphore(%run_scoped3A_122 : memref<!tpu.dma_semaphore, #tpu.memory_space<semaphore_mem>>)
      %dma_wait3A_131 = arith.constant 0 : i32
      %dma_wait3A_132 = arith.constant 0 : i32
      %dma_wait3A_133 = tpu.memref_slice %arg4[%arg0, %arg1, %dma_wait3A_131, %dma_wait3A_132] : memref<2x16x80x128xi32, #tpu.memory_space<hbm>> -> memref<1x1x80x128xi32, #tpu.memory_space<hbm>>
      %dma_wait3A_134 = tpu.memref_squeeze %dma_wait3A_133 : memref<1x1x80x128xi32, #tpu.memory_space<hbm>> -> memref<80x128xi32, #tpu.memory_space<hbm>>
      %dma_wait3A_135 = arith.constant 0 : i32
      %dma_wait3A_136 = arith.constant 0 : i32
      %dma_wait3A_137 = tpu.memref_slice %arg4[%arg0, %arg1, %dma_wait3A_135, %dma_wait3A_136] : memref<2x16x80x128xi32, #tpu.memory_space<hbm>> -> memref<1x1x80x128xi32, #tpu.memory_space<hbm>>
      %dma_wait3A_138 = tpu.memref_squeeze %dma_wait3A_137 : memref<1x1x80x128xi32, #tpu.memory_space<hbm>> -> memref<80x128xi32, #tpu.memory_space<hbm>>
      tpu.wait_dma2 semaphore(%run_scoped3A_122 : memref<!tpu.dma_semaphore, #tpu.memory_space<semaphore_mem>>) src(%dma_wait3A_138 : memref<80x128xi32, #tpu.memory_space<hbm>>) dst(%arg6 : memref<80x128xi32, #tpu.memory_space<vmem>>)
      tpu.yield
    }) : () -> ()
    %mul3A = arith.constant 632 : i32
    %mul3A_13 = arith.muli %arg1, %mul3A : i32
    %add3A = arith.constant 0 : i32
    %add3A_14 = arith.addi %mul3A_13, %add3A : i32
    "tpu.region"() ({
      %run_scoped3A_122 = tpu.sem_alloc : memref<!tpu.dma_semaphore, #tpu.memory_space<semaphore_mem>>
      %dma_start3A_123 = arith.constant 0 : i32
      %dma_start3A_124 = tpu.memref_slice %arg12[%add3A_14, %dma_start3A_123] : memref<10112x128xf32, #tpu.memory_space<vmem_shared>> -> memref<128x128xf32, #tpu.memory_space<vmem_shared>>
      %dma_start3A_125 = arith.constant 0 : i32
      %dma_start3A_126 = tpu.memref_slice %arg12[%add3A_14, %dma_start3A_125] : memref<10112x128xf32, #tpu.memory_space<vmem_shared>> -> memref<128x128xf32, #tpu.memory_space<vmem_shared>>
      tpu.enqueue_dma source(%arg10 : memref<128x128xf32, #tpu.memory_space<vmem>>) target(%dma_start3A_126 : memref<128x128xf32, #tpu.memory_space<vmem_shared>>) target_semaphore(%run_scoped3A_122 : memref<!tpu.dma_semaphore, #tpu.memory_space<semaphore_mem>>)
      %dma_wait3A_127 = arith.constant 0 : i32
      %dma_wait3A_128 = tpu.memref_slice %arg12[%add3A_14, %dma_wait3A_127] : memref<10112x128xf32, #tpu.memory_space<vmem_shared>> -> memref<128x128xf32, #tpu.memory_space<vmem_shared>>
      %dma_wait3A_129 = arith.constant 0 : i32
      %dma_wait3A_130 = tpu.memref_slice %arg12[%add3A_14, %dma_wait3A_129] : memref<10112x128xf32, #tpu.memory_space<vmem_shared>> -> memref<128x128xf32, #tpu.memory_space<vmem_shared>>
      tpu.wait_dma2 semaphore(%run_scoped3A_122 : memref<!tpu.dma_semaphore, #tpu.memory_space<semaphore_mem>>) src(%arg10 : memref<128x128xf32, #tpu.memory_space<vmem>>) dst(%dma_wait3A_130 : memref<128x128xf32, #tpu.memory_space<vmem_shared>>)
      tpu.yield
    }) : () -> ()
    %mul3A_15 = arith.constant 632 : i32
    %mul3A_16 = arith.muli %arg1, %mul3A_15 : i32
    %add3A_17 = arith.constant 128 : i32
    %add3A_18 = arith.addi %mul3A_16, %add3A_17 : i32
    "tpu.region"() ({
      %run_scoped3A_122 = tpu.sem_alloc : memref<!tpu.dma_semaphore, #tpu.memory_space<semaphore_mem>>
      %dma_start3A_123 = arith.constant 0 : i32
      %dma_start3A_124 = tpu.memref_slice %arg12[%add3A_18, %dma_start3A_123] : memref<10112x128xf32, #tpu.memory_space<vmem_shared>> -> memref<128x128xf32, #tpu.memory_space<vmem_shared>>
      %dma_start3A_125 = arith.constant 0 : i32
      %dma_start3A_126 = tpu.memref_slice %arg12[%add3A_18, %dma_start3A_125] : memref<10112x128xf32, #tpu.memory_space<vmem_shared>> -> memref<128x128xf32, #tpu.memory_space<vmem_shared>>
      tpu.enqueue_dma source(%arg10 : memref<128x128xf32, #tpu.memory_space<vmem>>) target(%dma_start3A_126 : memref<128x128xf32, #tpu.memory_space<vmem_shared>>) target_semaphore(%run_scoped3A_122 : memref<!tpu.dma_semaphore, #tpu.memory_space<semaphore_mem>>)
      %dma_wait3A_127 = arith.constant 0 : i32
      %dma_wait3A_128 = tpu.memref_slice %arg12[%add3A_18, %dma_wait3A_127] : memref<10112x128xf32, #tpu.memory_space<vmem_shared>> -> memref<128x128xf32, #tpu.memory_space<vmem_shared>>
      %dma_wait3A_129 = arith.constant 0 : i32
      %dma_wait3A_130 = tpu.memref_slice %arg12[%add3A_18, %dma_wait3A_129] : memref<10112x128xf32, #tpu.memory_space<vmem_shared>> -> memref<128x128xf32, #tpu.memory_space<vmem_shared>>
      tpu.wait_dma2 semaphore(%run_scoped3A_122 : memref<!tpu.dma_semaphore, #tpu.memory_space<semaphore_mem>>) src(%arg10 : memref<128x128xf32, #tpu.memory_space<vmem>>) dst(%dma_wait3A_130 : memref<128x128xf32, #tpu.memory_space<vmem_shared>>)
      tpu.yield
    }) : () -> ()
    %mul3A_19 = arith.constant 632 : i32
    %mul3A_20 = arith.muli %arg1, %mul3A_19 : i32
    %add3A_21 = arith.constant 256 : i32
    %add3A_22 = arith.addi %mul3A_20, %add3A_21 : i32
    "tpu.region"() ({
      %run_scoped3A_122 = tpu.sem_alloc : memref<!tpu.dma_semaphore, #tpu.memory_space<semaphore_mem>>
      %dma_start3A_123 = arith.constant 0 : i32
      %dma_start3A_124 = tpu.memref_slice %arg12[%add3A_22, %dma_start3A_123] : memref<10112x128xf32, #tpu.memory_space<vmem_shared>> -> memref<128x128xf32, #tpu.memory_space<vmem_shared>>
      %dma_start3A_125 = arith.constant 0 : i32
      %dma_start3A_126 = tpu.memref_slice %arg12[%add3A_22, %dma_start3A_125] : memref<10112x128xf32, #tpu.memory_space<vmem_shared>> -> memref<128x128xf32, #tpu.memory_space<vmem_shared>>
      tpu.enqueue_dma source(%arg10 : memref<128x128xf32, #tpu.memory_space<vmem>>) target(%dma_start3A_126 : memref<128x128xf32, #tpu.memory_space<vmem_shared>>) target_semaphore(%run_scoped3A_122 : memref<!tpu.dma_semaphore, #tpu.memory_space<semaphore_mem>>)
      %dma_wait3A_127 = arith.constant 0 : i32
      %dma_wait3A_128 = tpu.memref_slice %arg12[%add3A_22, %dma_wait3A_127] : memref<10112x128xf32, #tpu.memory_space<vmem_shared>> -> memref<128x128xf32, #tpu.memory_space<vmem_shared>>
      %dma_wait3A_129 = arith.constant 0 : i32
      %dma_wait3A_130 = tpu.memref_slice %arg12[%add3A_22, %dma_wait3A_129] : memref<10112x128xf32, #tpu.memory_space<vmem_shared>> -> memref<128x128xf32, #tpu.memory_space<vmem_shared>>
      tpu.wait_dma2 semaphore(%run_scoped3A_122 : memref<!tpu.dma_semaphore, #tpu.memory_space<semaphore_mem>>) src(%arg10 : memref<128x128xf32, #tpu.memory_space<vmem>>) dst(%dma_wait3A_130 : memref<128x128xf32, #tpu.memory_space<vmem_shared>>)
      tpu.yield
    }) : () -> ()
    %mul3A_23 = arith.constant 632 : i32
    %mul3A_24 = arith.muli %arg1, %mul3A_23 : i32
    %add3A_25 = arith.constant 384 : i32
    %add3A_26 = arith.addi %mul3A_24, %add3A_25 : i32
    "tpu.region"() ({
      %run_scoped3A_122 = tpu.sem_alloc : memref<!tpu.dma_semaphore, #tpu.memory_space<semaphore_mem>>
      %dma_start3A_123 = arith.constant 0 : i32
      %dma_start3A_124 = tpu.memref_slice %arg12[%add3A_26, %dma_start3A_123] : memref<10112x128xf32, #tpu.memory_space<vmem_shared>> -> memref<128x128xf32, #tpu.memory_space<vmem_shared>>
      %dma_start3A_125 = arith.constant 0 : i32
      %dma_start3A_126 = tpu.memref_slice %arg12[%add3A_26, %dma_start3A_125] : memref<10112x128xf32, #tpu.memory_space<vmem_shared>> -> memref<128x128xf32, #tpu.memory_space<vmem_shared>>
      tpu.enqueue_dma source(%arg10 : memref<128x128xf32, #tpu.memory_space<vmem>>) target(%dma_start3A_126 : memref<128x128xf32, #tpu.memory_space<vmem_shared>>) target_semaphore(%run_scoped3A_122 : memref<!tpu.dma_semaphore, #tpu.memory_space<semaphore_mem>>)
      %dma_wait3A_127 = arith.constant 0 : i32
      %dma_wait3A_128 = tpu.memref_slice %arg12[%add3A_26, %dma_wait3A_127] : memref<10112x128xf32, #tpu.memory_space<vmem_shared>> -> memref<128x128xf32, #tpu.memory_space<vmem_shared>>
      %dma_wait3A_129 = arith.constant 0 : i32
      %dma_wait3A_130 = tpu.memref_slice %arg12[%add3A_26, %dma_wait3A_129] : memref<10112x128xf32, #tpu.memory_space<vmem_shared>> -> memref<128x128xf32, #tpu.memory_space<vmem_shared>>
      tpu.wait_dma2 semaphore(%run_scoped3A_122 : memref<!tpu.dma_semaphore, #tpu.memory_space<semaphore_mem>>) src(%arg10 : memref<128x128xf32, #tpu.memory_space<vmem>>) dst(%dma_wait3A_130 : memref<128x128xf32, #tpu.memory_space<vmem_shared>>)
      tpu.yield
    }) : () -> ()
    %mul3A_27 = arith.constant 632 : i32
    %mul3A_28 = arith.muli %arg1, %mul3A_27 : i32
    %add3A_29 = arith.constant 512 : i32
    %add3A_30 = arith.addi %mul3A_28, %add3A_29 : i32
    "tpu.region"() ({
      %run_scoped3A_122 = tpu.sem_alloc : memref<!tpu.dma_semaphore, #tpu.memory_space<semaphore_mem>>
      %dma_start3A_123 = arith.constant 0 : i32
      %dma_start3A_124 = arith.constant 0 : i32
      %dma_start3A_125 = tpu.memref_slice %arg10[%dma_start3A_123, %dma_start3A_124] : memref<128x128xf32, #tpu.memory_space<vmem>> -> memref<120x128xf32, #tpu.memory_space<vmem>>
      %dma_start3A_126 = arith.constant 0 : i32
      %dma_start3A_127 = tpu.memref_slice %arg12[%add3A_30, %dma_start3A_126] : memref<10112x128xf32, #tpu.memory_space<vmem_shared>> -> memref<120x128xf32, #tpu.memory_space<vmem_shared>>
      %dma_start3A_128 = arith.constant 0 : i32
      %dma_start3A_129 = tpu.memref_slice %arg12[%add3A_30, %dma_start3A_128] : memref<10112x128xf32, #tpu.memory_space<vmem_shared>> -> memref<120x128xf32, #tpu.memory_space<vmem_shared>>
      %dma_start3A_130 = arith.constant 0 : i32
      %dma_start3A_131 = arith.constant 0 : i32
      %dma_start3A_132 = tpu.memref_slice %arg10[%dma_start3A_130, %dma_start3A_131] : memref<128x128xf32, #tpu.memory_space<vmem>> -> memref<120x128xf32, #tpu.memory_space<vmem>>
      tpu.enqueue_dma source(%dma_start3A_132 : memref<120x128xf32, #tpu.memory_space<vmem>>) target(%dma_start3A_129 : memref<120x128xf32, #tpu.memory_space<vmem_shared>>) target_semaphore(%run_scoped3A_122 : memref<!tpu.dma_semaphore, #tpu.memory_space<semaphore_mem>>)
      %dma_wait3A_133 = arith.constant 0 : i32
      %dma_wait3A_134 = arith.constant 0 : i32
      %dma_wait3A_135 = tpu.memref_slice %arg10[%dma_wait3A_133, %dma_wait3A_134] : memref<128x128xf32, #tpu.memory_space<vmem>> -> memref<120x128xf32, #tpu.memory_space<vmem>>
      %dma_wait3A_136 = arith.constant 0 : i32
      %dma_wait3A_137 = tpu.memref_slice %arg12[%add3A_30, %dma_wait3A_136] : memref<10112x128xf32, #tpu.memory_space<vmem_shared>> -> memref<120x128xf32, #tpu.memory_space<vmem_shared>>
      %dma_wait3A_138 = arith.constant 0 : i32
      %dma_wait3A_139 = tpu.memref_slice %arg12[%add3A_30, %dma_wait3A_138] : memref<10112x128xf32, #tpu.memory_space<vmem_shared>> -> memref<120x128xf32, #tpu.memory_space<vmem_shared>>
      %dma_wait3A_140 = arith.constant 0 : i32
      %dma_wait3A_141 = arith.constant 0 : i32
      %dma_wait3A_142 = tpu.memref_slice %arg10[%dma_wait3A_140, %dma_wait3A_141] : memref<128x128xf32, #tpu.memory_space<vmem>> -> memref<120x128xf32, #tpu.memory_space<vmem>>
      tpu.wait_dma2 semaphore(%run_scoped3A_122 : memref<!tpu.dma_semaphore, #tpu.memory_space<semaphore_mem>>) src(%dma_wait3A_142 : memref<120x128xf32, #tpu.memory_space<vmem>>) dst(%dma_wait3A_139 : memref<120x128xf32, #tpu.memory_space<vmem_shared>>)
      tpu.yield
    }) : () -> ()
    %barrier3A = arith.constant 0 : index
    tpu.barrier barrier_id(%barrier3A)
    %run_scoped3A = arith.constant 0 : i32
    %run_scoped3A_31 = arith.constant 0 : i32
    "tpu.region"() ({
      %run_scoped3A_122 = tpu.sem_alloc : memref<!tpu.dma_semaphore, #tpu.memory_space<semaphore_mem>>
      %dma_start3A_123 = arith.constant 0 : i32
      %dma_start3A_124 = tpu.memref_slice %arg3[%arg0, %arg1, %run_scoped3A, %run_scoped3A_31, %dma_start3A_123] : memref<2x16x80x1x128xi32, #tpu.memory_space<hbm>> -> memref<1x1x1x1x128xi32, #tpu.memory_space<hbm>>
      %dma_start3A_125 = tpu.memref_squeeze %dma_start3A_124 : memref<1x1x1x1x128xi32, #tpu.memory_space<hbm>> -> memref<128xi32, #tpu.memory_space<hbm>>
      %dma_start3A_126 = arith.constant 0 : i32
      %dma_start3A_127 = tpu.memref_slice %arg3[%arg0, %arg1, %run_scoped3A, %run_scoped3A_31, %dma_start3A_126] : memref<2x16x80x1x128xi32, #tpu.memory_space<hbm>> -> memref<1x1x1x1x128xi32, #tpu.memory_space<hbm>>
      %dma_start3A_128 = tpu.memref_squeeze %dma_start3A_127 : memref<1x1x1x1x128xi32, #tpu.memory_space<hbm>> -> memref<128xi32, #tpu.memory_space<hbm>>
      tpu.enqueue_dma source(%dma_start3A_128 : memref<128xi32, #tpu.memory_space<hbm>>) target(%arg7 : memref<128xi32, #tpu.memory_space<vmem>>) target_semaphore(%run_scoped3A_122 : memref<!tpu.dma_semaphore, #tpu.memory_space<semaphore_mem>>)
      %dma_wait3A_129 = arith.constant 0 : i32
      %dma_wait3A_130 = tpu.memref_slice %arg3[%arg0, %arg1, %run_scoped3A, %run_scoped3A_31, %dma_wait3A_129] : memref<2x16x80x1x128xi32, #tpu.memory_space<hbm>> -> memref<1x1x1x1x128xi32, #tpu.memory_space<hbm>>
      %dma_wait3A_131 = tpu.memref_squeeze %dma_wait3A_130 : memref<1x1x1x1x128xi32, #tpu.memory_space<hbm>> -> memref<128xi32, #tpu.memory_space<hbm>>
      %dma_wait3A_132 = arith.constant 0 : i32
      %dma_wait3A_133 = tpu.memref_slice %arg3[%arg0, %arg1, %run_scoped3A, %run_scoped3A_31, %dma_wait3A_132] : memref<2x16x80x1x128xi32, #tpu.memory_space<hbm>> -> memref<1x1x1x1x128xi32, #tpu.memory_space<hbm>>
      %dma_wait3A_134 = tpu.memref_squeeze %dma_wait3A_133 : memref<1x1x1x1x128xi32, #tpu.memory_space<hbm>> -> memref<128xi32, #tpu.memory_space<hbm>>
      tpu.wait_dma2 semaphore(%run_scoped3A_122 : memref<!tpu.dma_semaphore, #tpu.memory_space<semaphore_mem>>) src(%dma_wait3A_134 : memref<128xi32, #tpu.memory_space<hbm>>) dst(%arg7 : memref<128xi32, #tpu.memory_space<vmem>>)
      tpu.yield
    }) : () -> ()
    %dma_start3A = arith.constant 0 : i32
    %dma_start3A_32 = arith.constant 0 : i32
    %dma_start3A_33 = tpu.memref_slice %arg10[%dma_start3A, %dma_start3A_32] : memref<128x128xf32, #tpu.memory_space<vmem>> -> memref<32x128xf32, #tpu.memory_space<vmem>>
    %dma_start3A_34 = arith.constant 0 : i32
    %dma_start3A_35 = tpu.memref_slice %arg7[%dma_start3A_34] : memref<128xi32, #tpu.memory_space<vmem>> -> memref<32xi32, #tpu.memory_space<vmem>>
    %dma_start3A_36 = arith.constant 0 : i32
    %dma_start3A_37 = arith.constant 0 : i32
    %dma_start3A_38 = tpu.memref_slice %arg2[%dma_start3A_36, %dma_start3A_37] : memref<10000x128xf32, #tpu.memory_space<hbm>> -> memref<10000x128xf32, #tpu.memory_space<hbm>>
    tpu.enqueue_indirect_dma source(%dma_start3A_38 : memref<10000x128xf32, #tpu.memory_space<hbm>>) target(%dma_start3A_33 : memref<32x128xf32, #tpu.memory_space<vmem>>) offsets(%dma_start3A_35 : memref<32xi32, #tpu.memory_space<vmem>>) semaphore(%arg13 : memref<!tpu.dma_semaphore, #tpu.memory_space<semaphore_mem>>)
    %dma_start3A_39 = arith.constant 32 : i32
    %dma_start3A_40 = arith.constant 0 : i32
    %dma_start3A_41 = tpu.memref_slice %arg10[%dma_start3A_39, %dma_start3A_40] : memref<128x128xf32, #tpu.memory_space<vmem>> -> memref<32x128xf32, #tpu.memory_space<vmem>>
    %dma_start3A_42 = arith.constant 32 : i32
    %dma_start3A_43 = tpu.memref_slice %arg7[%dma_start3A_42] : memref<128xi32, #tpu.memory_space<vmem>> -> memref<32xi32, #tpu.memory_space<vmem>>
    %dma_start3A_44 = arith.constant 0 : i32
    %dma_start3A_45 = arith.constant 0 : i32
    %dma_start3A_46 = tpu.memref_slice %arg2[%dma_start3A_44, %dma_start3A_45] : memref<10000x128xf32, #tpu.memory_space<hbm>> -> memref<10000x128xf32, #tpu.memory_space<hbm>>
    tpu.enqueue_indirect_dma source(%dma_start3A_46 : memref<10000x128xf32, #tpu.memory_space<hbm>>) target(%dma_start3A_41 : memref<32x128xf32, #tpu.memory_space<vmem>>) offsets(%dma_start3A_43 : memref<32xi32, #tpu.memory_space<vmem>>) semaphore(%arg14 : memref<!tpu.dma_semaphore, #tpu.memory_space<semaphore_mem>>)
    %dma_start3A_47 = arith.constant 64 : i32
    %dma_start3A_48 = arith.constant 0 : i32
    %dma_start3A_49 = tpu.memref_slice %arg10[%dma_start3A_47, %dma_start3A_48] : memref<128x128xf32, #tpu.memory_space<vmem>> -> memref<32x128xf32, #tpu.memory_space<vmem>>
    %dma_start3A_50 = arith.constant 64 : i32
    %dma_start3A_51 = tpu.memref_slice %arg7[%dma_start3A_50] : memref<128xi32, #tpu.memory_space<vmem>> -> memref<32xi32, #tpu.memory_space<vmem>>
    %dma_start3A_52 = arith.constant 0 : i32
    %dma_start3A_53 = arith.constant 0 : i32
    %dma_start3A_54 = tpu.memref_slice %arg2[%dma_start3A_52, %dma_start3A_53] : memref<10000x128xf32, #tpu.memory_space<hbm>> -> memref<10000x128xf32, #tpu.memory_space<hbm>>
    tpu.enqueue_indirect_dma source(%dma_start3A_54 : memref<10000x128xf32, #tpu.memory_space<hbm>>) target(%dma_start3A_49 : memref<32x128xf32, #tpu.memory_space<vmem>>) offsets(%dma_start3A_51 : memref<32xi32, #tpu.memory_space<vmem>>) semaphore(%arg15 : memref<!tpu.dma_semaphore, #tpu.memory_space<semaphore_mem>>)
    %dma_start3A_55 = arith.constant 96 : i32
    %dma_start3A_56 = arith.constant 0 : i32
    %dma_start3A_57 = tpu.memref_slice %arg10[%dma_start3A_55, %dma_start3A_56] : memref<128x128xf32, #tpu.memory_space<vmem>> -> memref<32x128xf32, #tpu.memory_space<vmem>>
    %dma_start3A_58 = arith.constant 96 : i32
    %dma_start3A_59 = tpu.memref_slice %arg7[%dma_start3A_58] : memref<128xi32, #tpu.memory_space<vmem>> -> memref<32xi32, #tpu.memory_space<vmem>>
    %dma_start3A_60 = arith.constant 0 : i32
    %dma_start3A_61 = arith.constant 0 : i32
    %dma_start3A_62 = tpu.memref_slice %arg2[%dma_start3A_60, %dma_start3A_61] : memref<10000x128xf32, #tpu.memory_space<hbm>> -> memref<10000x128xf32, #tpu.memory_space<hbm>>
    tpu.enqueue_indirect_dma source(%dma_start3A_62 : memref<10000x128xf32, #tpu.memory_space<hbm>>) target(%dma_start3A_57 : memref<32x128xf32, #tpu.memory_space<vmem>>) offsets(%dma_start3A_59 : memref<32xi32, #tpu.memory_space<vmem>>) semaphore(%arg16 : memref<!tpu.dma_semaphore, #tpu.memory_space<semaphore_mem>>)
    %dma_start3A_63 = arith.constant 1 : i32
    %dma_start3A_64 = arith.constant 0 : i32
    %dma_start3A_65 = arith.constant 0 : i32
    %dma_start3A_66 = tpu.memref_slice %arg3[%arg0, %arg1, %dma_start3A_63, %dma_start3A_64, %dma_start3A_65] : memref<2x16x80x1x128xi32, #tpu.memory_space<hbm>> -> memref<1x1x1x1x128xi32, #tpu.memory_space<hbm>>
    %dma_start3A_67 = tpu.memref_squeeze %dma_start3A_66 : memref<1x1x1x1x128xi32, #tpu.memory_space<hbm>> -> memref<128xi32, #tpu.memory_space<hbm>>
    %dma_start3A_68 = arith.constant 0 : i32
    %dma_start3A_69 = tpu.memref_slice %arg3[%arg0, %arg1, %dma_start3A_63, %dma_start3A_64, %dma_start3A_68] : memref<2x16x80x1x128xi32, #tpu.memory_space<hbm>> -> memref<1x1x1x1x128xi32, #tpu.memory_space<hbm>>
    %dma_start3A_70 = tpu.memref_squeeze %dma_start3A_69 : memref<1x1x1x1x128xi32, #tpu.memory_space<hbm>> -> memref<128xi32, #tpu.memory_space<hbm>>
    tpu.enqueue_dma source(%dma_start3A_70 : memref<128xi32, #tpu.memory_space<hbm>>) target(%arg8 : memref<128xi32, #tpu.memory_space<vmem>>) target_semaphore(%arg22 : memref<!tpu.dma_semaphore, #tpu.memory_space<semaphore_mem>>)
    %scan3A_71 = arith.constant 0 : i32
    %scan3A_72 = arith.constant 0 : i32
    %scan3A_73 = arith.constant 40 : i32
    %scan3A_74 = arith.addi %scan3A_72, %scan3A_73 : i32
    %scan3A_75 = arith.constant 1 : i32
    %scan3A_76 = scf.for %scan3A_122 = %scan3A_72 to %scan3A_74 step %scan3A_75 iter_args(%scan3A_123 = %scan3A_71) -> (i32)  : i32 {
      %mul3A_124 = arith.constant 2 : i32
      %mul3A_125 = arith.muli %mul3A_124, %scan3A_122 : i32
      %add3A_126 = arith.constant 0 : i32
      %add3A_127 = arith.addi %mul3A_125, %add3A_126 : i32
      %dma_wait3A_128 = arith.constant 0 : i32
      %dma_wait3A_129 = arith.constant 0 : i32
      %dma_wait3A_130 = arith.constant 0 : i32
      %dma_wait3A_131 = tpu.memref_slice %arg3[%arg0, %arg1, %dma_wait3A_128, %dma_wait3A_129, %dma_wait3A_130] : memref<2x16x80x1x128xi32, #tpu.memory_space<hbm>> -> memref<1x1x1x1x128xi32, #tpu.memory_space<hbm>>
      %dma_wait3A_132 = tpu.memref_squeeze %dma_wait3A_131 : memref<1x1x1x1x128xi32, #tpu.memory_space<hbm>> -> memref<128xi32, #tpu.memory_space<hbm>>
      %dma_wait3A_133 = arith.constant 0 : i32
      %dma_wait3A_134 = tpu.memref_slice %arg3[%arg0, %arg1, %dma_wait3A_128, %dma_wait3A_129, %dma_wait3A_133] : memref<2x16x80x1x128xi32, #tpu.memory_space<hbm>> -> memref<1x1x1x1x128xi32, #tpu.memory_space<hbm>>
      %dma_wait3A_135 = tpu.memref_squeeze %dma_wait3A_134 : memref<1x1x1x1x128xi32, #tpu.memory_space<hbm>> -> memref<128xi32, #tpu.memory_space<hbm>>
      tpu.wait_dma2 semaphore(%arg22 : memref<!tpu.dma_semaphore, #tpu.memory_space<semaphore_mem>>) src(%dma_wait3A_135 : memref<128xi32, #tpu.memory_space<hbm>>) dst(%arg8 : memref<128xi32, #tpu.memory_space<vmem>>)
      %dma_start3A_136 = arith.constant 0 : i32
      %dma_start3A_137 = arith.constant 0 : i32
      %dma_start3A_138 = tpu.memref_slice %arg11[%dma_start3A_136, %dma_start3A_137] : memref<128x128xf32, #tpu.memory_space<vmem>> -> memref<32x128xf32, #tpu.memory_space<vmem>>
      %dma_start3A_139 = arith.constant 0 : i32
      %dma_start3A_140 = tpu.memref_slice %arg8[%dma_start3A_139] : memref<128xi32, #tpu.memory_space<vmem>> -> memref<32xi32, #tpu.memory_space<vmem>>
      %dma_start3A_141 = arith.constant 0 : i32
      %dma_start3A_142 = arith.constant 0 : i32
      %dma_start3A_143 = tpu.memref_slice %arg2[%dma_start3A_141, %dma_start3A_142] : memref<10000x128xf32, #tpu.memory_space<hbm>> -> memref<10000x128xf32, #tpu.memory_space<hbm>>
      tpu.enqueue_indirect_dma source(%dma_start3A_143 : memref<10000x128xf32, #tpu.memory_space<hbm>>) target(%dma_start3A_138 : memref<32x128xf32, #tpu.memory_space<vmem>>) offsets(%dma_start3A_140 : memref<32xi32, #tpu.memory_space<vmem>>) semaphore(%arg17 : memref<!tpu.dma_semaphore, #tpu.memory_space<semaphore_mem>>)
      %dma_start3A_144 = arith.constant 32 : i32
      %dma_start3A_145 = arith.constant 0 : i32
      %dma_start3A_146 = tpu.memref_slice %arg11[%dma_start3A_144, %dma_start3A_145] : memref<128x128xf32, #tpu.memory_space<vmem>> -> memref<32x128xf32, #tpu.memory_space<vmem>>
      %dma_start3A_147 = arith.constant 32 : i32
      %dma_start3A_148 = tpu.memref_slice %arg8[%dma_start3A_147] : memref<128xi32, #tpu.memory_space<vmem>> -> memref<32xi32, #tpu.memory_space<vmem>>
      %dma_start3A_149 = arith.constant 0 : i32
      %dma_start3A_150 = arith.constant 0 : i32
      %dma_start3A_151 = tpu.memref_slice %arg2[%dma_start3A_149, %dma_start3A_150] : memref<10000x128xf32, #tpu.memory_space<hbm>> -> memref<10000x128xf32, #tpu.memory_space<hbm>>
      tpu.enqueue_indirect_dma source(%dma_start3A_151 : memref<10000x128xf32, #tpu.memory_space<hbm>>) target(%dma_start3A_146 : memref<32x128xf32, #tpu.memory_space<vmem>>) offsets(%dma_start3A_148 : memref<32xi32, #tpu.memory_space<vmem>>) semaphore(%arg18 : memref<!tpu.dma_semaphore, #tpu.memory_space<semaphore_mem>>)
      %dma_start3A_152 = arith.constant 64 : i32
      %dma_start3A_153 = arith.constant 0 : i32
      %dma_start3A_154 = tpu.memref_slice %arg11[%dma_start3A_152, %dma_start3A_153] : memref<128x128xf32, #tpu.memory_space<vmem>> -> memref<32x128xf32, #tpu.memory_space<vmem>>
      %dma_start3A_155 = arith.constant 64 : i32
      %dma_start3A_156 = tpu.memref_slice %arg8[%dma_start3A_155] : memref<128xi32, #tpu.memory_space<vmem>> -> memref<32xi32, #tpu.memory_space<vmem>>
      %dma_start3A_157 = arith.constant 0 : i32
      %dma_start3A_158 = arith.constant 0 : i32
      %dma_start3A_159 = tpu.memref_slice %arg2[%dma_start3A_157, %dma_start3A_158] : memref<10000x128xf32, #tpu.memory_space<hbm>> -> memref<10000x128xf32, #tpu.memory_space<hbm>>
      tpu.enqueue_indirect_dma source(%dma_start3A_159 : memref<10000x128xf32, #tpu.memory_space<hbm>>) target(%dma_start3A_154 : memref<32x128xf32, #tpu.memory_space<vmem>>) offsets(%dma_start3A_156 : memref<32xi32, #tpu.memory_space<vmem>>) semaphore(%arg19 : memref<!tpu.dma_semaphore, #tpu.memory_space<semaphore_mem>>)
      %dma_start3A_160 = arith.constant 96 : i32
      %dma_start3A_161 = arith.constant 0 : i32
      %dma_start3A_162 = tpu.memref_slice %arg11[%dma_start3A_160, %dma_start3A_161] : memref<128x128xf32, #tpu.memory_space<vmem>> -> memref<32x128xf32, #tpu.memory_space<vmem>>
      %dma_start3A_163 = arith.constant 96 : i32
      %dma_start3A_164 = tpu.memref_slice %arg8[%dma_start3A_163] : memref<128xi32, #tpu.memory_space<vmem>> -> memref<32xi32, #tpu.memory_space<vmem>>
      %dma_start3A_165 = arith.constant 0 : i32
      %dma_start3A_166 = arith.constant 0 : i32
      %dma_start3A_167 = tpu.memref_slice %arg2[%dma_start3A_165, %dma_start3A_166] : memref<10000x128xf32, #tpu.memory_space<hbm>> -> memref<10000x128xf32, #tpu.memory_space<hbm>>
      tpu.enqueue_indirect_dma source(%dma_start3A_167 : memref<10000x128xf32, #tpu.memory_space<hbm>>) target(%dma_start3A_162 : memref<32x128xf32, #tpu.memory_space<vmem>>) offsets(%dma_start3A_164 : memref<32xi32, #tpu.memory_space<vmem>>) semaphore(%arg20 : memref<!tpu.dma_semaphore, #tpu.memory_space<semaphore_mem>>)
      %dma_wait3A_168 = arith.constant 0 : i32
      %dma_wait3A_169 = arith.constant 0 : i32
      %dma_wait3A_170 = tpu.memref_slice %arg10[%dma_wait3A_168, %dma_wait3A_169] : memref<128x128xf32, #tpu.memory_space<vmem>> -> memref<32x128xf32, #tpu.memory_space<vmem>>
      %dma_wait3A_171 = arith.constant 0 : i32
      %dma_wait3A_172 = tpu.memref_slice %arg7[%dma_wait3A_171] : memref<128xi32, #tpu.memory_space<vmem>> -> memref<32xi32, #tpu.memory_space<vmem>>
      %dma_wait3A_173 = arith.constant 0 : i32
      %dma_wait3A_174 = arith.constant 0 : i32
      %dma_wait3A_175 = tpu.memref_slice %arg2[%dma_wait3A_173, %dma_wait3A_174] : memref<10000x128xf32, #tpu.memory_space<hbm>> -> memref<10000x128xf32, #tpu.memory_space<hbm>>
      tpu.wait_indirect_dma semaphore(%arg13 : memref<!tpu.dma_semaphore, #tpu.memory_space<semaphore_mem>>) src(%dma_wait3A_175 : memref<10000x128xf32, #tpu.memory_space<hbm>>) dst(%dma_wait3A_170 : memref<32x128xf32, #tpu.memory_space<vmem>>)
      %dma_wait3A_176 = arith.constant 32 : i32
      %dma_wait3A_177 = arith.constant 0 : i32
      %dma_wait3A_178 = tpu.memref_slice %arg10[%dma_wait3A_176, %dma_wait3A_177] : memref<128x128xf32, #tpu.memory_space<vmem>> -> memref<32x128xf32, #tpu.memory_space<vmem>>
      %dma_wait3A_179 = arith.constant 32 : i32
      %dma_wait3A_180 = tpu.memref_slice %arg7[%dma_wait3A_179] : memref<128xi32, #tpu.memory_space<vmem>> -> memref<32xi32, #tpu.memory_space<vmem>>
      %dma_wait3A_181 = arith.constant 0 : i32
      %dma_wait3A_182 = arith.constant 0 : i32
      %dma_wait3A_183 = tpu.memref_slice %arg2[%dma_wait3A_181, %dma_wait3A_182] : memref<10000x128xf32, #tpu.memory_space<hbm>> -> memref<10000x128xf32, #tpu.memory_space<hbm>>
      tpu.wait_indirect_dma semaphore(%arg14 : memref<!tpu.dma_semaphore, #tpu.memory_space<semaphore_mem>>) src(%dma_wait3A_183 : memref<10000x128xf32, #tpu.memory_space<hbm>>) dst(%dma_wait3A_178 : memref<32x128xf32, #tpu.memory_space<vmem>>)
      %dma_wait3A_184 = arith.constant 64 : i32
      %dma_wait3A_185 = arith.constant 0 : i32
      %dma_wait3A_186 = tpu.memref_slice %arg10[%dma_wait3A_184, %dma_wait3A_185] : memref<128x128xf32, #tpu.memory_space<vmem>> -> memref<32x128xf32, #tpu.memory_space<vmem>>
      %dma_wait3A_187 = arith.constant 64 : i32
      %dma_wait3A_188 = tpu.memref_slice %arg7[%dma_wait3A_187] : memref<128xi32, #tpu.memory_space<vmem>> -> memref<32xi32, #tpu.memory_space<vmem>>
      %dma_wait3A_189 = arith.constant 0 : i32
      %dma_wait3A_190 = arith.constant 0 : i32
      %dma_wait3A_191 = tpu.memref_slice %arg2[%dma_wait3A_189, %dma_wait3A_190] : memref<10000x128xf32, #tpu.memory_space<hbm>> -> memref<10000x128xf32, #tpu.memory_space<hbm>>
      tpu.wait_indirect_dma semaphore(%arg15 : memref<!tpu.dma_semaphore, #tpu.memory_space<semaphore_mem>>) src(%dma_wait3A_191 : memref<10000x128xf32, #tpu.memory_space<hbm>>) dst(%dma_wait3A_186 : memref<32x128xf32, #tpu.memory_space<vmem>>)
      %dma_wait3A_192 = arith.constant 96 : i32
      %dma_wait3A_193 = arith.constant 0 : i32
      %dma_wait3A_194 = tpu.memref_slice %arg10[%dma_wait3A_192, %dma_wait3A_193] : memref<128x128xf32, #tpu.memory_space<vmem>> -> memref<32x128xf32, #tpu.memory_space<vmem>>
      %dma_wait3A_195 = arith.constant 96 : i32
      %dma_wait3A_196 = tpu.memref_slice %arg7[%dma_wait3A_195] : memref<128xi32, #tpu.memory_space<vmem>> -> memref<32xi32, #tpu.memory_space<vmem>>
      %dma_wait3A_197 = arith.constant 0 : i32
      %dma_wait3A_198 = arith.constant 0 : i32
      %dma_wait3A_199 = tpu.memref_slice %arg2[%dma_wait3A_197, %dma_wait3A_198] : memref<10000x128xf32, #tpu.memory_space<hbm>> -> memref<10000x128xf32, #tpu.memory_space<hbm>>
      tpu.wait_indirect_dma semaphore(%arg16 : memref<!tpu.dma_semaphore, #tpu.memory_space<semaphore_mem>>) src(%dma_wait3A_199 : memref<10000x128xf32, #tpu.memory_space<hbm>>) dst(%dma_wait3A_194 : memref<32x128xf32, #tpu.memory_space<vmem>>)
      %add3A_200 = arith.constant 2 : i32
      %add3A_201 = arith.addi %add3A_127, %add3A_200 : i32
      %rem3A = arith.constant 80 : i32
      %rem3A_202 = arith.remsi %add3A_201, %rem3A : i32
      %dma_start3A_203 = arith.constant 0 : i32
      %dma_start3A_204 = arith.constant 0 : i32
      %dma_start3A_205 = tpu.memref_slice %arg3[%arg0, %arg1, %rem3A_202, %dma_start3A_203, %dma_start3A_204] : memref<2x16x80x1x128xi32, #tpu.memory_space<hbm>> -> memref<1x1x1x1x128xi32, #tpu.memory_space<hbm>>
      %dma_start3A_206 = tpu.memref_squeeze %dma_start3A_205 : memref<1x1x1x1x128xi32, #tpu.memory_space<hbm>> -> memref<128xi32, #tpu.memory_space<hbm>>
      %dma_start3A_207 = arith.constant 0 : i32
      %dma_start3A_208 = tpu.memref_slice %arg3[%arg0, %arg1, %rem3A_202, %dma_start3A_203, %dma_start3A_207] : memref<2x16x80x1x128xi32, #tpu.memory_space<hbm>> -> memref<1x1x1x1x128xi32, #tpu.memory_space<hbm>>
      %dma_start3A_209 = tpu.memref_squeeze %dma_start3A_208 : memref<1x1x1x1x128xi32, #tpu.memory_space<hbm>> -> memref<128xi32, #tpu.memory_space<hbm>>
      tpu.enqueue_dma source(%dma_start3A_209 : memref<128xi32, #tpu.memory_space<hbm>>) target(%arg7 : memref<128xi32, #tpu.memory_space<vmem>>) target_semaphore(%arg21 : memref<!tpu.dma_semaphore, #tpu.memory_space<semaphore_mem>>)
      %get3A = arith.index_cast %add3A_127 : i32 to index
      %get3A_210 = arith.constant 0 : index
      %get3A_211 = tpu.vector_load %arg6[%get3A, %get3A_210] {strides = array<i32>} : memref<80x128xi32, #tpu.memory_space<vmem>>, vector<1x16xi32>,
      %get3A_212 = vector.shape_cast %get3A_211 : vector<1x16xi32> to vector<16xi32>
      %swap3A = arith.constant 0 : index
      %swap3A_213 = tpu.vector_load %arg9[%swap3A] {strides = array<i32>} : memref<128xi32, #tpu.memory_space<vmem>>, vector<16xi32>,
      %swap3A_214 = vector.shape_cast %swap3A_213 : vector<16xi32> to vector<16xi32>
      %swap3A_215 = vector.shape_cast %get3A_212 : vector<16xi32> to vector<16xi32>
      tpu.vector_store %arg9[%swap3A], %swap3A_215 {strides = array<i32>} : memref<128xi32, #tpu.memory_space<vmem>>, vector<16xi32>,
      %get3A_216 = arith.index_cast %add3A_127 : i32 to index
      %get3A_217 = arith.constant 16 : index
      %get3A_218 = tpu.vector_load %arg6[%get3A_216, %get3A_217] {strides = array<i32>} : memref<80x128xi32, #tpu.memory_space<vmem>>, vector<1x16xi32>,
      %get3A_219 = vector.shape_cast %get3A_218 : vector<1x16xi32> to vector<16xi32>
      %swap3A_220 = arith.constant 16 : index
      %swap3A_221 = tpu.vector_load %arg9[%swap3A_220] {strides = array<i32>} : memref<128xi32, #tpu.memory_space<vmem>>, vector<16xi32>,
      %swap3A_222 = vector.shape_cast %swap3A_221 : vector<16xi32> to vector<16xi32>
      %swap3A_223 = vector.shape_cast %get3A_219 : vector<16xi32> to vector<16xi32>
      tpu.vector_store %arg9[%swap3A_220], %swap3A_223 {strides = array<i32>} : memref<128xi32, #tpu.memory_space<vmem>>, vector<16xi32>,
      %get3A_224 = arith.index_cast %add3A_127 : i32 to index
      %get3A_225 = arith.constant 32 : index
      %get3A_226 = tpu.vector_load %arg6[%get3A_224, %get3A_225] {strides = array<i32>} : memref<80x128xi32, #tpu.memory_space<vmem>>, vector<1x16xi32>,
      %get3A_227 = vector.shape_cast %get3A_226 : vector<1x16xi32> to vector<16xi32>
      %swap3A_228 = arith.constant 32 : index
      %swap3A_229 = tpu.vector_load %arg9[%swap3A_228] {strides = array<i32>} : memref<128xi32, #tpu.memory_space<vmem>>, vector<16xi32>,
      %swap3A_230 = vector.shape_cast %swap3A_229 : vector<16xi32> to vector<16xi32>
      %swap3A_231 = vector.shape_cast %get3A_227 : vector<16xi32> to vector<16xi32>
      tpu.vector_store %arg9[%swap3A_228], %swap3A_231 {strides = array<i32>} : memref<128xi32, #tpu.memory_space<vmem>>, vector<16xi32>,
      %get3A_232 = arith.index_cast %add3A_127 : i32 to index
      %get3A_233 = arith.constant 48 : index
      %get3A_234 = tpu.vector_load %arg6[%get3A_232, %get3A_233] {strides = array<i32>} : memref<80x128xi32, #tpu.memory_space<vmem>>, vector<1x16xi32>,
      %get3A_235 = vector.shape_cast %get3A_234 : vector<1x16xi32> to vector<16xi32>
      %swap3A_236 = arith.constant 48 : index
      %swap3A_237 = tpu.vector_load %arg9[%swap3A_236] {strides = array<i32>} : memref<128xi32, #tpu.memory_space<vmem>>, vector<16xi32>,
      %swap3A_238 = vector.shape_cast %swap3A_237 : vector<16xi32> to vector<16xi32>
      %swap3A_239 = vector.shape_cast %get3A_235 : vector<16xi32> to vector<16xi32>
      tpu.vector_store %arg9[%swap3A_236], %swap3A_239 {strides = array<i32>} : memref<128xi32, #tpu.memory_space<vmem>>, vector<16xi32>,
      %get3A_240 = arith.index_cast %add3A_127 : i32 to index
      %get3A_241 = arith.constant 64 : index
      %get3A_242 = tpu.vector_load %arg6[%get3A_240, %get3A_241] {strides = array<i32>} : memref<80x128xi32, #tpu.memory_space<vmem>>, vector<1x16xi32>,
      %get3A_243 = vector.shape_cast %get3A_242 : vector<1x16xi32> to vector<16xi32>
      %swap3A_244 = arith.constant 64 : index
      %swap3A_245 = tpu.vector_load %arg9[%swap3A_244] {strides = array<i32>} : memref<128xi32, #tpu.memory_space<vmem>>, vector<16xi32>,
      %swap3A_246 = vector.shape_cast %swap3A_245 : vector<16xi32> to vector<16xi32>
      %swap3A_247 = vector.shape_cast %get3A_243 : vector<16xi32> to vector<16xi32>
      tpu.vector_store %arg9[%swap3A_244], %swap3A_247 {strides = array<i32>} : memref<128xi32, #tpu.memory_space<vmem>>, vector<16xi32>,
      %get3A_248 = arith.index_cast %add3A_127 : i32 to index
      %get3A_249 = arith.constant 80 : index
      %get3A_250 = tpu.vector_load %arg6[%get3A_248, %get3A_249] {strides = array<i32>} : memref<80x128xi32, #tpu.memory_space<vmem>>, vector<1x16xi32>,
      %get3A_251 = vector.shape_cast %get3A_250 : vector<1x16xi32> to vector<16xi32>
      %swap3A_252 = arith.constant 80 : index
      %swap3A_253 = tpu.vector_load %arg9[%swap3A_252] {strides = array<i32>} : memref<128xi32, #tpu.memory_space<vmem>>, vector<16xi32>,
      %swap3A_254 = vector.shape_cast %swap3A_253 : vector<16xi32> to vector<16xi32>
      %swap3A_255 = vector.shape_cast %get3A_251 : vector<16xi32> to vector<16xi32>
      tpu.vector_store %arg9[%swap3A_252], %swap3A_255 {strides = array<i32>} : memref<128xi32, #tpu.memory_space<vmem>>, vector<16xi32>,
      %get3A_256 = arith.index_cast %add3A_127 : i32 to index
      %get3A_257 = arith.constant 96 : index
      %get3A_258 = tpu.vector_load %arg6[%get3A_256, %get3A_257] {strides = array<i32>} : memref<80x128xi32, #tpu.memory_space<vmem>>, vector<1x16xi32>,
      %get3A_259 = vector.shape_cast %get3A_258 : vector<1x16xi32> to vector<16xi32>
      %swap3A_260 = arith.constant 96 : index
      %swap3A_261 = tpu.vector_load %arg9[%swap3A_260] {strides = array<i32>} : memref<128xi32, #tpu.memory_space<vmem>>, vector<16xi32>,
      %swap3A_262 = vector.shape_cast %swap3A_261 : vector<16xi32> to vector<16xi32>
      %swap3A_263 = vector.shape_cast %get3A_259 : vector<16xi32> to vector<16xi32>
      tpu.vector_store %arg9[%swap3A_260], %swap3A_263 {strides = array<i32>} : memref<128xi32, #tpu.memory_space<vmem>>, vector<16xi32>,
      %get3A_264 = arith.index_cast %add3A_127 : i32 to index
      %get3A_265 = arith.constant 112 : index
      %get3A_266 = tpu.vector_load %arg6[%get3A_264, %get3A_265] {strides = array<i32>} : memref<80x128xi32, #tpu.memory_space<vmem>>, vector<1x16xi32>,
      %get3A_267 = vector.shape_cast %get3A_266 : vector<1x16xi32> to vector<16xi32>
      %swap3A_268 = arith.constant 112 : index
      %swap3A_269 = tpu.vector_load %arg9[%swap3A_268] {strides = array<i32>} : memref<128xi32, #tpu.memory_space<vmem>>, vector<16xi32>,
      %swap3A_270 = vector.shape_cast %swap3A_269 : vector<16xi32> to vector<16xi32>
      %swap3A_271 = vector.shape_cast %get3A_267 : vector<16xi32> to vector<16xi32>
      tpu.vector_store %arg9[%swap3A_268], %swap3A_271 {strides = array<i32>} : memref<128xi32, #tpu.memory_space<vmem>>, vector<16xi32>,
      "tpu.region"() ({
        %run_scoped3A_424 = tpu.sem_alloc : memref<!tpu.dma_semaphore, #tpu.memory_space<semaphore_mem>>
        %dma_start3A_425 = arith.constant 0 : i32
        %dma_start3A_426 = arith.constant 0 : i32
        %dma_start3A_427 = tpu.memref_slice %arg12[%dma_start3A_425, %dma_start3A_426] : memref<10112x128xf32, #tpu.memory_space<vmem_shared>> -> memref<10112x128xf32, #tpu.memory_space<vmem_shared>>
        tpu.enqueue_indirect_dma source(%arg10 : memref<128x128xf32, #tpu.memory_space<vmem>>) target(%dma_start3A_427 : memref<10112x128xf32, #tpu.memory_space<vmem_shared>>) offsets(%arg9 : memref<128xi32, #tpu.memory_space<vmem>>) semaphore(%run_scoped3A_424 : memref<!tpu.dma_semaphore, #tpu.memory_space<semaphore_mem>>) {add = true}
        %dma_wait3A_428 = arith.constant 0 : i32
        %dma_wait3A_429 = arith.constant 0 : i32
        %dma_wait3A_430 = tpu.memref_slice %arg12[%dma_wait3A_428, %dma_wait3A_429] : memref<10112x128xf32, #tpu.memory_space<vmem_shared>> -> memref<10112x128xf32, #tpu.memory_space<vmem_shared>>
        tpu.wait_indirect_dma semaphore(%run_scoped3A_424 : memref<!tpu.dma_semaphore, #tpu.memory_space<semaphore_mem>>) src(%arg10 : memref<128x128xf32, #tpu.memory_space<vmem>>) dst(%dma_wait3A_430 : memref<10112x128xf32, #tpu.memory_space<vmem_shared>>)
        tpu.yield
      }) : () -> ()
      %mul3A_272 = arith.constant 2 : i32
      %mul3A_273 = arith.muli %mul3A_272, %scan3A_122 : i32
      %add3A_274 = arith.constant 1 : i32
      %add3A_275 = arith.addi %mul3A_273, %add3A_274 : i32
      %dma_wait3A_276 = arith.constant 0 : i32
      %dma_wait3A_277 = arith.constant 0 : i32
      %dma_wait3A_278 = arith.constant 0 : i32
      %dma_wait3A_279 = tpu.memref_slice %arg3[%arg0, %arg1, %dma_wait3A_276, %dma_wait3A_277, %dma_wait3A_278] : memref<2x16x80x1x128xi32, #tpu.memory_space<hbm>> -> memref<1x1x1x1x128xi32, #tpu.memory_space<hbm>>
      %dma_wait3A_280 = tpu.memref_squeeze %dma_wait3A_279 : memref<1x1x1x1x128xi32, #tpu.memory_space<hbm>> -> memref<128xi32, #tpu.memory_space<hbm>>
      %dma_wait3A_281 = arith.constant 0 : i32
      %dma_wait3A_282 = tpu.memref_slice %arg3[%arg0, %arg1, %dma_wait3A_276, %dma_wait3A_277, %dma_wait3A_281] : memref<2x16x80x1x128xi32, #tpu.memory_space<hbm>> -> memref<1x1x1x1x128xi32, #tpu.memory_space<hbm>>
      %dma_wait3A_283 = tpu.memref_squeeze %dma_wait3A_282 : memref<1x1x1x1x128xi32, #tpu.memory_space<hbm>> -> memref<128xi32, #tpu.memory_space<hbm>>
      tpu.wait_dma2 semaphore(%arg21 : memref<!tpu.dma_semaphore, #tpu.memory_space<semaphore_mem>>) src(%dma_wait3A_283 : memref<128xi32, #tpu.memory_space<hbm>>) dst(%arg7 : memref<128xi32, #tpu.memory_space<vmem>>)
      %dma_start3A_284 = arith.constant 0 : i32
      %dma_start3A_285 = arith.constant 0 : i32
      %dma_start3A_286 = tpu.memref_slice %arg10[%dma_start3A_284, %dma_start3A_285] : memref<128x128xf32, #tpu.memory_space<vmem>> -> memref<32x128xf32, #tpu.memory_space<vmem>>
      %dma_start3A_287 = arith.constant 0 : i32
      %dma_start3A_288 = tpu.memref_slice %arg7[%dma_start3A_287] : memref<128xi32, #tpu.memory_space<vmem>> -> memref<32xi32, #tpu.memory_space<vmem>>
      %dma_start3A_289 = arith.constant 0 : i32
      %dma_start3A_290 = arith.constant 0 : i32
      %dma_start3A_291 = tpu.memref_slice %arg2[%dma_start3A_289, %dma_start3A_290] : memref<10000x128xf32, #tpu.memory_space<hbm>> -> memref<10000x128xf32, #tpu.memory_space<hbm>>
      tpu.enqueue_indirect_dma source(%dma_start3A_291 : memref<10000x128xf32, #tpu.memory_space<hbm>>) target(%dma_start3A_286 : memref<32x128xf32, #tpu.memory_space<vmem>>) offsets(%dma_start3A_288 : memref<32xi32, #tpu.memory_space<vmem>>) semaphore(%arg13 : memref<!tpu.dma_semaphore, #tpu.memory_space<semaphore_mem>>)
      %dma_start3A_292 = arith.constant 32 : i32
      %dma_start3A_293 = arith.constant 0 : i32
      %dma_start3A_294 = tpu.memref_slice %arg10[%dma_start3A_292, %dma_start3A_293] : memref<128x128xf32, #tpu.memory_space<vmem>> -> memref<32x128xf32, #tpu.memory_space<vmem>>
      %dma_start3A_295 = arith.constant 32 : i32
      %dma_start3A_296 = tpu.memref_slice %arg7[%dma_start3A_295] : memref<128xi32, #tpu.memory_space<vmem>> -> memref<32xi32, #tpu.memory_space<vmem>>
      %dma_start3A_297 = arith.constant 0 : i32
      %dma_start3A_298 = arith.constant 0 : i32
      %dma_start3A_299 = tpu.memref_slice %arg2[%dma_start3A_297, %dma_start3A_298] : memref<10000x128xf32, #tpu.memory_space<hbm>> -> memref<10000x128xf32, #tpu.memory_space<hbm>>
      tpu.enqueue_indirect_dma source(%dma_start3A_299 : memref<10000x128xf32, #tpu.memory_space<hbm>>) target(%dma_start3A_294 : memref<32x128xf32, #tpu.memory_space<vmem>>) offsets(%dma_start3A_296 : memref<32xi32, #tpu.memory_space<vmem>>) semaphore(%arg14 : memref<!tpu.dma_semaphore, #tpu.memory_space<semaphore_mem>>)
      %dma_start3A_300 = arith.constant 64 : i32
      %dma_start3A_301 = arith.constant 0 : i32
      %dma_start3A_302 = tpu.memref_slice %arg10[%dma_start3A_300, %dma_start3A_301] : memref<128x128xf32, #tpu.memory_space<vmem>> -> memref<32x128xf32, #tpu.memory_space<vmem>>
      %dma_start3A_303 = arith.constant 64 : i32
      %dma_start3A_304 = tpu.memref_slice %arg7[%dma_start3A_303] : memref<128xi32, #tpu.memory_space<vmem>> -> memref<32xi32, #tpu.memory_space<vmem>>
      %dma_start3A_305 = arith.constant 0 : i32
      %dma_start3A_306 = arith.constant 0 : i32
      %dma_start3A_307 = tpu.memref_slice %arg2[%dma_start3A_305, %dma_start3A_306] : memref<10000x128xf32, #tpu.memory_space<hbm>> -> memref<10000x128xf32, #tpu.memory_space<hbm>>
      tpu.enqueue_indirect_dma source(%dma_start3A_307 : memref<10000x128xf32, #tpu.memory_space<hbm>>) target(%dma_start3A_302 : memref<32x128xf32, #tpu.memory_space<vmem>>) offsets(%dma_start3A_304 : memref<32xi32, #tpu.memory_space<vmem>>) semaphore(%arg15 : memref<!tpu.dma_semaphore, #tpu.memory_space<semaphore_mem>>)
      %dma_start3A_308 = arith.constant 96 : i32
      %dma_start3A_309 = arith.constant 0 : i32
      %dma_start3A_310 = tpu.memref_slice %arg10[%dma_start3A_308, %dma_start3A_309] : memref<128x128xf32, #tpu.memory_space<vmem>> -> memref<32x128xf32, #tpu.memory_space<vmem>>
      %dma_start3A_311 = arith.constant 96 : i32
      %dma_start3A_312 = tpu.memref_slice %arg7[%dma_start3A_311] : memref<128xi32, #tpu.memory_space<vmem>> -> memref<32xi32, #tpu.memory_space<vmem>>
      %dma_start3A_313 = arith.constant 0 : i32
      %dma_start3A_314 = arith.constant 0 : i32
      %dma_start3A_315 = tpu.memref_slice %arg2[%dma_start3A_313, %dma_start3A_314] : memref<10000x128xf32, #tpu.memory_space<hbm>> -> memref<10000x128xf32, #tpu.memory_space<hbm>>
      tpu.enqueue_indirect_dma source(%dma_start3A_315 : memref<10000x128xf32, #tpu.memory_space<hbm>>) target(%dma_start3A_310 : memref<32x128xf32, #tpu.memory_space<vmem>>) offsets(%dma_start3A_312 : memref<32xi32, #tpu.memory_space<vmem>>) semaphore(%arg16 : memref<!tpu.dma_semaphore, #tpu.memory_space<semaphore_mem>>)
      %dma_wait3A_316 = arith.constant 0 : i32
      %dma_wait3A_317 = arith.constant 0 : i32
      %dma_wait3A_318 = tpu.memref_slice %arg11[%dma_wait3A_316, %dma_wait3A_317] : memref<128x128xf32, #tpu.memory_space<vmem>> -> memref<32x128xf32, #tpu.memory_space<vmem>>
      %dma_wait3A_319 = arith.constant 0 : i32
      %dma_wait3A_320 = tpu.memref_slice %arg8[%dma_wait3A_319] : memref<128xi32, #tpu.memory_space<vmem>> -> memref<32xi32, #tpu.memory_space<vmem>>
      %dma_wait3A_321 = arith.constant 0 : i32
      %dma_wait3A_322 = arith.constant 0 : i32
      %dma_wait3A_323 = tpu.memref_slice %arg2[%dma_wait3A_321, %dma_wait3A_322] : memref<10000x128xf32, #tpu.memory_space<hbm>> -> memref<10000x128xf32, #tpu.memory_space<hbm>>
      tpu.wait_indirect_dma semaphore(%arg17 : memref<!tpu.dma_semaphore, #tpu.memory_space<semaphore_mem>>) src(%dma_wait3A_323 : memref<10000x128xf32, #tpu.memory_space<hbm>>) dst(%dma_wait3A_318 : memref<32x128xf32, #tpu.memory_space<vmem>>)
      %dma_wait3A_324 = arith.constant 32 : i32
      %dma_wait3A_325 = arith.constant 0 : i32
      %dma_wait3A_326 = tpu.memref_slice %arg11[%dma_wait3A_324, %dma_wait3A_325] : memref<128x128xf32, #tpu.memory_space<vmem>> -> memref<32x128xf32, #tpu.memory_space<vmem>>
      %dma_wait3A_327 = arith.constant 32 : i32
      %dma_wait3A_328 = tpu.memref_slice %arg8[%dma_wait3A_327] : memref<128xi32, #tpu.memory_space<vmem>> -> memref<32xi32, #tpu.memory_space<vmem>>
      %dma_wait3A_329 = arith.constant 0 : i32
      %dma_wait3A_330 = arith.constant 0 : i32
      %dma_wait3A_331 = tpu.memref_slice %arg2[%dma_wait3A_329, %dma_wait3A_330] : memref<10000x128xf32, #tpu.memory_space<hbm>> -> memref<10000x128xf32, #tpu.memory_space<hbm>>
      tpu.wait_indirect_dma semaphore(%arg18 : memref<!tpu.dma_semaphore, #tpu.memory_space<semaphore_mem>>) src(%dma_wait3A_331 : memref<10000x128xf32, #tpu.memory_space<hbm>>) dst(%dma_wait3A_326 : memref<32x128xf32, #tpu.memory_space<vmem>>)
      %dma_wait3A_332 = arith.constant 64 : i32
      %dma_wait3A_333 = arith.constant 0 : i32
      %dma_wait3A_334 = tpu.memref_slice %arg11[%dma_wait3A_332, %dma_wait3A_333] : memref<128x128xf32, #tpu.memory_space<vmem>> -> memref<32x128xf32, #tpu.memory_space<vmem>>
      %dma_wait3A_335 = arith.constant 64 : i32
      %dma_wait3A_336 = tpu.memref_slice %arg8[%dma_wait3A_335] : memref<128xi32, #tpu.memory_space<vmem>> -> memref<32xi32, #tpu.memory_space<vmem>>
      %dma_wait3A_337 = arith.constant 0 : i32
      %dma_wait3A_338 = arith.constant 0 : i32
      %dma_wait3A_339 = tpu.memref_slice %arg2[%dma_wait3A_337, %dma_wait3A_338] : memref<10000x128xf32, #tpu.memory_space<hbm>> -> memref<10000x128xf32, #tpu.memory_space<hbm>>
      tpu.wait_indirect_dma semaphore(%arg19 : memref<!tpu.dma_semaphore, #tpu.memory_space<semaphore_mem>>) src(%dma_wait3A_339 : memref<10000x128xf32, #tpu.memory_space<hbm>>) dst(%dma_wait3A_334 : memref<32x128xf32, #tpu.memory_space<vmem>>)
      %dma_wait3A_340 = arith.constant 96 : i32
      %dma_wait3A_341 = arith.constant 0 : i32
      %dma_wait3A_342 = tpu.memref_slice %arg11[%dma_wait3A_340, %dma_wait3A_341] : memref<128x128xf32, #tpu.memory_space<vmem>> -> memref<32x128xf32, #tpu.memory_space<vmem>>
      %dma_wait3A_343 = arith.constant 96 : i32
      %dma_wait3A_344 = tpu.memref_slice %arg8[%dma_wait3A_343] : memref<128xi32, #tpu.memory_space<vmem>> -> memref<32xi32, #tpu.memory_space<vmem>>
      %dma_wait3A_345 = arith.constant 0 : i32
      %dma_wait3A_346 = arith.constant 0 : i32
      %dma_wait3A_347 = tpu.memref_slice %arg2[%dma_wait3A_345, %dma_wait3A_346] : memref<10000x128xf32, #tpu.memory_space<hbm>> -> memref<10000x128xf32, #tpu.memory_space<hbm>>
      tpu.wait_indirect_dma semaphore(%arg20 : memref<!tpu.dma_semaphore, #tpu.memory_space<semaphore_mem>>) src(%dma_wait3A_347 : memref<10000x128xf32, #tpu.memory_space<hbm>>) dst(%dma_wait3A_342 : memref<32x128xf32, #tpu.memory_space<vmem>>)
      %add3A_348 = arith.constant 2 : i32
      %add3A_349 = arith.addi %add3A_275, %add3A_348 : i32
      %rem3A_350 = arith.constant 80 : i32
      %rem3A_351 = arith.remsi %add3A_349, %rem3A_350 : i32
      %dma_start3A_352 = arith.constant 0 : i32
      %dma_start3A_353 = arith.constant 0 : i32
      %dma_start3A_354 = tpu.memref_slice %arg3[%arg0, %arg1, %rem3A_351, %dma_start3A_352, %dma_start3A_353] : memref<2x16x80x1x128xi32, #tpu.memory_space<hbm>> -> memref<1x1x1x1x128xi32, #tpu.memory_space<hbm>>
      %dma_start3A_355 = tpu.memref_squeeze %dma_start3A_354 : memref<1x1x1x1x128xi32, #tpu.memory_space<hbm>> -> memref<128xi32, #tpu.memory_space<hbm>>
      %dma_start3A_356 = arith.constant 0 : i32
      %dma_start3A_357 = tpu.memref_slice %arg3[%arg0, %arg1, %rem3A_351, %dma_start3A_352, %dma_start3A_356] : memref<2x16x80x1x128xi32, #tpu.memory_space<hbm>> -> memref<1x1x1x1x128xi32, #tpu.memory_space<hbm>>
      %dma_start3A_358 = tpu.memref_squeeze %dma_start3A_357 : memref<1x1x1x1x128xi32, #tpu.memory_space<hbm>> -> memref<128xi32, #tpu.memory_space<hbm>>
      tpu.enqueue_dma source(%dma_start3A_358 : memref<128xi32, #tpu.memory_space<hbm>>) target(%arg8 : memref<128xi32, #tpu.memory_space<vmem>>) target_semaphore(%arg22 : memref<!tpu.dma_semaphore, #tpu.memory_space<semaphore_mem>>)
      %get3A_359 = arith.index_cast %add3A_275 : i32 to index
      %get3A_360 = arith.constant 0 : index
      %get3A_361 = tpu.vector_load %arg6[%get3A_359, %get3A_360] {strides = array<i32>} : memref<80x128xi32, #tpu.memory_space<vmem>>, vector<1x16xi32>,
      %get3A_362 = vector.shape_cast %get3A_361 : vector<1x16xi32> to vector<16xi32>
      %swap3A_363 = arith.constant 0 : index
      %swap3A_364 = tpu.vector_load %arg9[%swap3A_363] {strides = array<i32>} : memref<128xi32, #tpu.memory_space<vmem>>, vector<16xi32>,
      %swap3A_365 = vector.shape_cast %swap3A_364 : vector<16xi32> to vector<16xi32>
      %swap3A_366 = vector.shape_cast %get3A_362 : vector<16xi32> to vector<16xi32>
      tpu.vector_store %arg9[%swap3A_363], %swap3A_366 {strides = array<i32>} : memref<128xi32, #tpu.memory_space<vmem>>, vector<16xi32>,
      %get3A_367 = arith.index_cast %add3A_275 : i32 to index
      %get3A_368 = arith.constant 16 : index
      %get3A_369 = tpu.vector_load %arg6[%get3A_367, %get3A_368] {strides = array<i32>} : memref<80x128xi32, #tpu.memory_space<vmem>>, vector<1x16xi32>,
      %get3A_370 = vector.shape_cast %get3A_369 : vector<1x16xi32> to vector<16xi32>
      %swap3A_371 = arith.constant 16 : index
      %swap3A_372 = tpu.vector_load %arg9[%swap3A_371] {strides = array<i32>} : memref<128xi32, #tpu.memory_space<vmem>>, vector<16xi32>,
      %swap3A_373 = vector.shape_cast %swap3A_372 : vector<16xi32> to vector<16xi32>
      %swap3A_374 = vector.shape_cast %get3A_370 : vector<16xi32> to vector<16xi32>
      tpu.vector_store %arg9[%swap3A_371], %swap3A_374 {strides = array<i32>} : memref<128xi32, #tpu.memory_space<vmem>>, vector<16xi32>,
      %get3A_375 = arith.index_cast %add3A_275 : i32 to index
      %get3A_376 = arith.constant 32 : index
      %get3A_377 = tpu.vector_load %arg6[%get3A_375, %get3A_376] {strides = array<i32>} : memref<80x128xi32, #tpu.memory_space<vmem>>, vector<1x16xi32>,
      %get3A_378 = vector.shape_cast %get3A_377 : vector<1x16xi32> to vector<16xi32>
      %swap3A_379 = arith.constant 32 : index
      %swap3A_380 = tpu.vector_load %arg9[%swap3A_379] {strides = array<i32>} : memref<128xi32, #tpu.memory_space<vmem>>, vector<16xi32>,
      %swap3A_381 = vector.shape_cast %swap3A_380 : vector<16xi32> to vector<16xi32>
      %swap3A_382 = vector.shape_cast %get3A_378 : vector<16xi32> to vector<16xi32>
      tpu.vector_store %arg9[%swap3A_379], %swap3A_382 {strides = array<i32>} : memref<128xi32, #tpu.memory_space<vmem>>, vector<16xi32>,
      %get3A_383 = arith.index_cast %add3A_275 : i32 to index
      %get3A_384 = arith.constant 48 : index
      %get3A_385 = tpu.vector_load %arg6[%get3A_383, %get3A_384] {strides = array<i32>} : memref<80x128xi32, #tpu.memory_space<vmem>>, vector<1x16xi32>,
      %get3A_386 = vector.shape_cast %get3A_385 : vector<1x16xi32> to vector<16xi32>
      %swap3A_387 = arith.constant 48 : index
      %swap3A_388 = tpu.vector_load %arg9[%swap3A_387] {strides = array<i32>} : memref<128xi32, #tpu.memory_space<vmem>>, vector<16xi32>,
      %swap3A_389 = vector.shape_cast %swap3A_388 : vector<16xi32> to vector<16xi32>
      %swap3A_390 = vector.shape_cast %get3A_386 : vector<16xi32> to vector<16xi32>
      tpu.vector_store %arg9[%swap3A_387], %swap3A_390 {strides = array<i32>} : memref<128xi32, #tpu.memory_space<vmem>>, vector<16xi32>,
      %get3A_391 = arith.index_cast %add3A_275 : i32 to index
      %get3A_392 = arith.constant 64 : index
      %get3A_393 = tpu.vector_load %arg6[%get3A_391, %get3A_392] {strides = array<i32>} : memref<80x128xi32, #tpu.memory_space<vmem>>, vector<1x16xi32>,
      %get3A_394 = vector.shape_cast %get3A_393 : vector<1x16xi32> to vector<16xi32>
      %swap3A_395 = arith.constant 64 : index
      %swap3A_396 = tpu.vector_load %arg9[%swap3A_395] {strides = array<i32>} : memref<128xi32, #tpu.memory_space<vmem>>, vector<16xi32>,
      %swap3A_397 = vector.shape_cast %swap3A_396 : vector<16xi32> to vector<16xi32>
      %swap3A_398 = vector.shape_cast %get3A_394 : vector<16xi32> to vector<16xi32>
      tpu.vector_store %arg9[%swap3A_395], %swap3A_398 {strides = array<i32>} : memref<128xi32, #tpu.memory_space<vmem>>, vector<16xi32>,
      %get3A_399 = arith.index_cast %add3A_275 : i32 to index
      %get3A_400 = arith.constant 80 : index
      %get3A_401 = tpu.vector_load %arg6[%get3A_399, %get3A_400] {strides = array<i32>} : memref<80x128xi32, #tpu.memory_space<vmem>>, vector<1x16xi32>,
      %get3A_402 = vector.shape_cast %get3A_401 : vector<1x16xi32> to vector<16xi32>
      %swap3A_403 = arith.constant 80 : index
      %swap3A_404 = tpu.vector_load %arg9[%swap3A_403] {strides = array<i32>} : memref<128xi32, #tpu.memory_space<vmem>>, vector<16xi32>,
      %swap3A_405 = vector.shape_cast %swap3A_404 : vector<16xi32> to vector<16xi32>
      %swap3A_406 = vector.shape_cast %get3A_402 : vector<16xi32> to vector<16xi32>
      tpu.vector_store %arg9[%swap3A_403], %swap3A_406 {strides = array<i32>} : memref<128xi32, #tpu.memory_space<vmem>>, vector<16xi32>,
      %get3A_407 = arith.index_cast %add3A_275 : i32 to index
      %get3A_408 = arith.constant 96 : index
      %get3A_409 = tpu.vector_load %arg6[%get3A_407, %get3A_408] {strides = array<i32>} : memref<80x128xi32, #tpu.memory_space<vmem>>, vector<1x16xi32>,
      %get3A_410 = vector.shape_cast %get3A_409 : vector<1x16xi32> to vector<16xi32>
      %swap3A_411 = arith.constant 96 : index
      %swap3A_412 = tpu.vector_load %arg9[%swap3A_411] {strides = array<i32>} : memref<128xi32, #tpu.memory_space<vmem>>, vector<16xi32>,
      %swap3A_413 = vector.shape_cast %swap3A_412 : vector<16xi32> to vector<16xi32>
      %swap3A_414 = vector.shape_cast %get3A_410 : vector<16xi32> to vector<16xi32>
      tpu.vector_store %arg9[%swap3A_411], %swap3A_414 {strides = array<i32>} : memref<128xi32, #tpu.memory_space<vmem>>, vector<16xi32>,
      %get3A_415 = arith.index_cast %add3A_275 : i32 to index
      %get3A_416 = arith.constant 112 : index
      %get3A_417 = tpu.vector_load %arg6[%get3A_415, %get3A_416] {strides = array<i32>} : memref<80x128xi32, #tpu.memory_space<vmem>>, vector<1x16xi32>,
      %get3A_418 = vector.shape_cast %get3A_417 : vector<1x16xi32> to vector<16xi32>
      %swap3A_419 = arith.constant 112 : index
      %swap3A_420 = tpu.vector_load %arg9[%swap3A_419] {strides = array<i32>} : memref<128xi32, #tpu.memory_space<vmem>>, vector<16xi32>,
      %swap3A_421 = vector.shape_cast %swap3A_420 : vector<16xi32> to vector<16xi32>
      %swap3A_422 = vector.shape_cast %get3A_418 : vector<16xi32> to vector<16xi32>
      tpu.vector_store %arg9[%swap3A_419], %swap3A_422 {strides = array<i32>} : memref<128xi32, #tpu.memory_space<vmem>>, vector<16xi32>,
      "tpu.region"() ({
        %run_scoped3A_424 = tpu.sem_alloc : memref<!tpu.dma_semaphore, #tpu.memory_space<semaphore_mem>>
        %dma_start3A_425 = arith.constant 0 : i32
        %dma_start3A_426 = arith.constant 0 : i32
        %dma_start3A_427 = tpu.memref_slice %arg12[%dma_start3A_425, %dma_start3A_426] : memref<10112x128xf32, #tpu.memory_space<vmem_shared>> -> memref<10112x128xf32, #tpu.memory_space<vmem_shared>>
        tpu.enqueue_indirect_dma source(%arg11 : memref<128x128xf32, #tpu.memory_space<vmem>>) target(%dma_start3A_427 : memref<10112x128xf32, #tpu.memory_space<vmem_shared>>) offsets(%arg9 : memref<128xi32, #tpu.memory_space<vmem>>) semaphore(%run_scoped3A_424 : memref<!tpu.dma_semaphore, #tpu.memory_space<semaphore_mem>>) {add = true}
        %dma_wait3A_428 = arith.constant 0 : i32
        %dma_wait3A_429 = arith.constant 0 : i32
        %dma_wait3A_430 = tpu.memref_slice %arg12[%dma_wait3A_428, %dma_wait3A_429] : memref<10112x128xf32, #tpu.memory_space<vmem_shared>> -> memref<10112x128xf32, #tpu.memory_space<vmem_shared>>
        tpu.wait_indirect_dma semaphore(%run_scoped3A_424 : memref<!tpu.dma_semaphore, #tpu.memory_space<semaphore_mem>>) src(%arg11 : memref<128x128xf32, #tpu.memory_space<vmem>>) dst(%dma_wait3A_430 : memref<10112x128xf32, #tpu.memory_space<vmem_shared>>)
        tpu.yield
      }) : () -> ()
      %scan3A_423 = arith.constant 0 : i32
      scf.yield %scan3A_423 : i32
    }
    %scan3A_77 = arith.constant 40 : i32
    %dma_wait3A = arith.constant 0 : i32
    %dma_wait3A_78 = arith.constant 0 : i32
    %dma_wait3A_79 = tpu.memref_slice %arg10[%dma_wait3A, %dma_wait3A_78] : memref<128x128xf32, #tpu.memory_space<vmem>> -> memref<32x128xf32, #tpu.memory_space<vmem>>
    %dma_wait3A_80 = arith.constant 0 : i32
    %dma_wait3A_81 = tpu.memref_slice %arg7[%dma_wait3A_80] : memref<128xi32, #tpu.memory_space<vmem>> -> memref<32xi32, #tpu.memory_space<vmem>>
    %dma_wait3A_82 = arith.constant 0 : i32
    %dma_wait3A_83 = arith.constant 0 : i32
    %dma_wait3A_84 = tpu.memref_slice %arg2[%dma_wait3A_82, %dma_wait3A_83] : memref<10000x128xf32, #tpu.memory_space<hbm>> -> memref<10000x128xf32, #tpu.memory_space<hbm>>
    tpu.wait_indirect_dma semaphore(%arg13 : memref<!tpu.dma_semaphore, #tpu.memory_space<semaphore_mem>>) src(%dma_wait3A_84 : memref<10000x128xf32, #tpu.memory_space<hbm>>) dst(%dma_wait3A_79 : memref<32x128xf32, #tpu.memory_space<vmem>>)
    %dma_wait3A_85 = arith.constant 32 : i32
    %dma_wait3A_86 = arith.constant 0 : i32
    %dma_wait3A_87 = tpu.memref_slice %arg10[%dma_wait3A_85, %dma_wait3A_86] : memref<128x128xf32, #tpu.memory_space<vmem>> -> memref<32x128xf32, #tpu.memory_space<vmem>>
    %dma_wait3A_88 = arith.constant 32 : i32
    %dma_wait3A_89 = tpu.memref_slice %arg7[%dma_wait3A_88] : memref<128xi32, #tpu.memory_space<vmem>> -> memref<32xi32, #tpu.memory_space<vmem>>
    %dma_wait3A_90 = arith.constant 0 : i32
    %dma_wait3A_91 = arith.constant 0 : i32
    %dma_wait3A_92 = tpu.memref_slice %arg2[%dma_wait3A_90, %dma_wait3A_91] : memref<10000x128xf32, #tpu.memory_space<hbm>> -> memref<10000x128xf32, #tpu.memory_space<hbm>>
    tpu.wait_indirect_dma semaphore(%arg14 : memref<!tpu.dma_semaphore, #tpu.memory_space<semaphore_mem>>) src(%dma_wait3A_92 : memref<10000x128xf32, #tpu.memory_space<hbm>>) dst(%dma_wait3A_87 : memref<32x128xf32, #tpu.memory_space<vmem>>)
    %dma_wait3A_93 = arith.constant 64 : i32
    %dma_wait3A_94 = arith.constant 0 : i32
    %dma_wait3A_95 = tpu.memref_slice %arg10[%dma_wait3A_93, %dma_wait3A_94] : memref<128x128xf32, #tpu.memory_space<vmem>> -> memref<32x128xf32, #tpu.memory_space<vmem>>
    %dma_wait3A_96 = arith.constant 64 : i32
    %dma_wait3A_97 = tpu.memref_slice %arg7[%dma_wait3A_96] : memref<128xi32, #tpu.memory_space<vmem>> -> memref<32xi32, #tpu.memory_space<vmem>>
    %dma_wait3A_98 = arith.constant 0 : i32
    %dma_wait3A_99 = arith.constant 0 : i32
    %dma_wait3A_100 = tpu.memref_slice %arg2[%dma_wait3A_98, %dma_wait3A_99] : memref<10000x128xf32, #tpu.memory_space<hbm>> -> memref<10000x128xf32, #tpu.memory_space<hbm>>
    tpu.wait_indirect_dma semaphore(%arg15 : memref<!tpu.dma_semaphore, #tpu.memory_space<semaphore_mem>>) src(%dma_wait3A_100 : memref<10000x128xf32, #tpu.memory_space<hbm>>) dst(%dma_wait3A_95 : memref<32x128xf32, #tpu.memory_space<vmem>>)
    %dma_wait3A_101 = arith.constant 96 : i32
    %dma_wait3A_102 = arith.constant 0 : i32
    %dma_wait3A_103 = tpu.memref_slice %arg10[%dma_wait3A_101, %dma_wait3A_102] : memref<128x128xf32, #tpu.memory_space<vmem>> -> memref<32x128xf32, #tpu.memory_space<vmem>>
    %dma_wait3A_104 = arith.constant 96 : i32
    %dma_wait3A_105 = tpu.memref_slice %arg7[%dma_wait3A_104] : memref<128xi32, #tpu.memory_space<vmem>> -> memref<32xi32, #tpu.memory_space<vmem>>
    %dma_wait3A_106 = arith.constant 0 : i32
    %dma_wait3A_107 = arith.constant 0 : i32
    %dma_wait3A_108 = tpu.memref_slice %arg2[%dma_wait3A_106, %dma_wait3A_107] : memref<10000x128xf32, #tpu.memory_space<hbm>> -> memref<10000x128xf32, #tpu.memory_space<hbm>>
    tpu.wait_indirect_dma semaphore(%arg16 : memref<!tpu.dma_semaphore, #tpu.memory_space<semaphore_mem>>) src(%dma_wait3A_108 : memref<10000x128xf32, #tpu.memory_space<hbm>>) dst(%dma_wait3A_103 : memref<32x128xf32, #tpu.memory_space<vmem>>)
    %dma_wait3A_109 = arith.constant 0 : i32
    %dma_wait3A_110 = arith.constant 0 : i32
    %dma_wait3A_111 = arith.constant 0 : i32
    %dma_wait3A_112 = tpu.memref_slice %arg3[%arg0, %arg1, %dma_wait3A_109, %dma_wait3A_110, %dma_wait3A_111] : memref<2x16x80x1x128xi32, #tpu.memory_space<hbm>> -> memref<1x1x1x1x128xi32, #tpu.memory_space<hbm>>
    %dma_wait3A_113 = tpu.memref_squeeze %dma_wait3A_112 : memref<1x1x1x1x128xi32, #tpu.memory_space<hbm>> -> memref<128xi32, #tpu.memory_space<hbm>>
    %dma_wait3A_114 = arith.constant 0 : i32
    %dma_wait3A_115 = tpu.memref_slice %arg3[%arg0, %arg1, %dma_wait3A_109, %dma_wait3A_110, %dma_wait3A_114] : memref<2x16x80x1x128xi32, #tpu.memory_space<hbm>> -> memref<1x1x1x1x128xi32, #tpu.memory_space<hbm>>
    %dma_wait3A_116 = tpu.memref_squeeze %dma_wait3A_115 : memref<1x1x1x1x128xi32, #tpu.memory_space<hbm>> -> memref<128xi32, #tpu.memory_space<hbm>>
    tpu.wait_dma2 semaphore(%arg22 : memref<!tpu.dma_semaphore, #tpu.memory_space<semaphore_mem>>) src(%dma_wait3A_116 : memref<128xi32, #tpu.memory_space<hbm>>) dst(%arg8 : memref<128xi32, #tpu.memory_space<vmem>>)
    %barrier3A_117 = arith.constant 0 : index
    tpu.barrier barrier_id(%barrier3A_117)
    %mul3A_118 = arith.constant 632 : i32
    %mul3A_119 = arith.muli %arg1, %mul3A_118 : i32
    %mul3A_120 = arith.constant 632 : i32
    %mul3A_121 = arith.muli %arg1, %mul3A_120 : i32
    "tpu.region"() ({
      %run_scoped3A_122 = tpu.sem_alloc : memref<!tpu.dma_semaphore, #tpu.memory_space<semaphore_mem>>
      %dma_start3A_123 = arith.constant 0 : i32
      %dma_start3A_124 = tpu.memref_slice %arg5[%arg0, %mul3A_121, %dma_start3A_123] : memref<2x10112x128xf32, #tpu.memory_space<hbm>> -> memref<1x632x128xf32, #tpu.memory_space<hbm>>
      %dma_start3A_125 = tpu.memref_squeeze %dma_start3A_124 : memref<1x632x128xf32, #tpu.memory_space<hbm>> -> memref<632x128xf32, #tpu.memory_space<hbm>>
      %dma_start3A_126 = arith.constant 0 : i32
      %dma_start3A_127 = tpu.memref_slice %arg12[%mul3A_119, %dma_start3A_126] : memref<10112x128xf32, #tpu.memory_space<vmem_shared>> -> memref<632x128xf32, #tpu.memory_space<vmem_shared>>
      tpu.enqueue_dma source(%dma_start3A_127 : memref<632x128xf32, #tpu.memory_space<vmem_shared>>) target(%dma_start3A_125 : memref<632x128xf32, #tpu.memory_space<hbm>>) target_semaphore(%run_scoped3A_122 : memref<!tpu.dma_semaphore, #tpu.memory_space<semaphore_mem>>)
      %dma_wait3A_128 = arith.constant 0 : i32
      %dma_wait3A_129 = tpu.memref_slice %arg5[%arg0, %mul3A_121, %dma_wait3A_128] : memref<2x10112x128xf32, #tpu.memory_space<hbm>> -> memref<1x632x128xf32, #tpu.memory_space<hbm>>
      %dma_wait3A_130 = tpu.memref_squeeze %dma_wait3A_129 : memref<1x632x128xf32, #tpu.memory_space<hbm>> -> memref<632x128xf32, #tpu.memory_space<hbm>>
      %dma_wait3A_131 = arith.constant 0 : i32
      %dma_wait3A_132 = tpu.memref_slice %arg12[%mul3A_119, %dma_wait3A_131] : memref<10112x128xf32, #tpu.memory_space<vmem_shared>> -> memref<632x128xf32, #tpu.memory_space<vmem_shared>>
      tpu.wait_dma2 semaphore(%run_scoped3A_122 : memref<!tpu.dma_semaphore, #tpu.memory_space<semaphore_mem>>) src(%dma_wait3A_132 : memref<632x128xf32, #tpu.memory_space<vmem_shared>>) dst(%dma_wait3A_130 : memref<632x128xf32, #tpu.memory_space<hbm>>)
      tpu.yield
    }) : () -> ()
    return
  }
}

#map = affine_map<(d0, d1) -> (0, 0)>
#map1 = affine_map<(d0, d1) -> (0, 0, 0, 0, 0)>
#map2 = affine_map<(d0, d1) -> (0, 0, 0, 0)>
#map3 = affine_map<(d0, d1) -> (0, 0, 0)>
module attributes {stable_mosaic.version = 14 : i64} {
  func.func @_spmm_body(%arg0: i32, %arg1: i32, %arg2: memref<10000x128xf32, #tpu.memory_space<hbm>>, %arg3: memref<2x16x80x1x128xi32, #tpu.memory_space<hbm>>, %arg4: memref<2x16x80x128xi32, #tpu.memory_space<hbm>>, %arg5: memref<2x10112x128xf32, #tpu.memory_space<hbm>>, %arg6: memref<80x128xi32, #tpu.memory_space<vmem>>, %arg7: memref<128xi32, #tpu.memory_space<vmem>>, %arg8: memref<128xi32, #tpu.memory_space<vmem>>, %arg9: memref<128xi32, #tpu.memory_space<vmem>>, %arg10: memref<128x128xf32, #tpu.memory_space<vmem>>, %arg11: memref<128x128xf32, #tpu.memory_space<vmem>>, %arg12: memref<10112x128xf32, #tpu.memory_space<vmem_shared>>, %arg13: memref<!tpu.dma_semaphore, #tpu.memory_space<semaphore_mem>>, %arg14: memref<!tpu.dma_semaphore, #tpu.memory_space<semaphore_mem>>, %arg15: memref<!tpu.dma_semaphore, #tpu.memory_space<semaphore_mem>>, %arg16: memref<!tpu.dma_semaphore, #tpu.memory_space<semaphore_mem>>, %arg17: memref<!tpu.dma_semaphore, #tpu.memory_space<semaphore_mem>>, %arg18: memref<!tpu.dma_semaphore, #tpu.memory_space<semaphore_mem>>, %arg19: memref<!tpu.dma_semaphore, #tpu.memory_space<semaphore_mem>>, %arg20: memref<!tpu.dma_semaphore, #tpu.memory_space<semaphore_mem>>, %arg21: memref<!tpu.dma_semaphore, #tpu.memory_space<semaphore_mem>>, %arg22: memref<!tpu.dma_semaphore, #tpu.memory_space<semaphore_mem>>) attributes {dimension_semantics = [#tpu.dimension_semantics<core_parallel>, #tpu.dimension_semantics<subcore_parallel>], iteration_bounds = array<i64: 2, 16>, scalar_prefetch = 0 : i64, scratch_operands = 17 : i64, tpu.core_type = #tpu.core_type<sc_vector_subcore>, window_params = [{transform_indices = #map}, {transform_indices = #map1}, {transform_indices = #map2}, {transform_indices = #map3}]} {
    %scan3A = arith.constant 0 : i32
    %scan3A_0 = arith.constant 0 : i32
    %scan3A_1 = arith.constant 128 : i32
    %scan3A_2 = arith.addi %scan3A_0, %scan3A_1 : i32
    %scan3A_3 = arith.constant 1 : i32
    %scan3A_4 = scf.for %scan3A_122 = %scan3A_0 to %scan3A_2 step %scan3A_3 iter_args(%scan3A_123 = %scan3A) -> (i32)  : i32 {
      %broadcast_in_dim3A = arith.constant 0.000000e+00 : f32
      %broadcast_in_dim3A_124 = vector.broadcast %broadcast_in_dim3A : f32 to vector<16xf32>
      %swap3A = arith.index_cast %scan3A_122 : i32 to index
      %swap3A_125 = arith.constant 0 : index
      %swap3A_126 = tpu.vector_load %arg10[%swap3A, %swap3A_125] {strides = array<i32>} : memref<128x128xf32, #tpu.memory_space<vmem>>, vector<1x16xf32>,
      %swap3A_127 = vector.shape_cast %swap3A_126 : vector<1x16xf32> to vector<16xf32>
      %swap3A_128 = vector.shape_cast %broadcast_in_dim3A_124 : vector<16xf32> to vector<1x16xf32>
      tpu.vector_store %arg10[%swap3A, %swap3A_125], %swap3A_128 {strides = array<i32>} : memref<128x128xf32, #tpu.memory_space<vmem>>, vector<1x16xf32>,
      %broadcast_in_dim3A_129 = arith.constant 0.000000e+00 : f32
      %broadcast_in_dim3A_130 = vector.broadcast %broadcast_in_dim3A_129 : f32 to vector<16xf32>
      %swap3A_131 = arith.index_cast %scan3A_122 : i32 to index
      %swap3A_132 = arith.constant 16 : index
      %swap3A_133 = tpu.vector_load %arg10[%swap3A_131, %swap3A_132] {strides = array<i32>} : memref<128x128xf32, #tpu.memory_space<vmem>>, vector<1x16xf32>,
      %swap3A_134 = vector.shape_cast %swap3A_133 : vector<1x16xf32> to vector<16xf32>
      %swap3A_135 = vector.shape_cast %broadcast_in_dim3A_130 : vector<16xf32> to vector<1x16xf32>
      tpu.vector_store %arg10[%swap3A_131, %swap3A_132], %swap3A_135 {strides = array<i32>} : memref<128x128xf32, #tpu.memory_space<vmem>>, vector<1x16xf32>,
      %broadcast_in_dim3A_136 = arith.constant 0.000000e+00 : f32
      %broadcast_in_dim3A_137 = vector.broadcast %broadcast_in_dim3A_136 : f32 to vector<16xf32>
      %swap3A_138 = arith.index_cast %scan3A_122 : i32 to index
      %swap3A_139 = arith.constant 32 : index
      %swap3A_140 = tpu.vector_load %arg10[%swap3A_138, %swap3A_139] {strides = array<i32>} : memref<128x128xf32, #tpu.memory_space<vmem>>, vector<1x16xf32>,
      %swap3A_141 = vector.shape_cast %swap3A_140 : vector<1x16xf32> to vector<16xf32>
      %swap3A_142 = vector.shape_cast %broadcast_in_dim3A_137 : vector<16xf32> to vector<1x16xf32>
      tpu.vector_store %arg10[%swap3A_138, %swap3A_139], %swap3A_142 {strides = array<i32>} : memref<128x128xf32, #tpu.memory_space<vmem>>, vector<1x16xf32>,
      %broadcast_in_dim3A_143 = arith.constant 0.000000e+00 : f32
      %broadcast_in_dim3A_144 = vector.broadcast %broadcast_in_dim3A_143 : f32 to vector<16xf32>
      %swap3A_145 = arith.index_cast %scan3A_122 : i32 to index
      %swap3A_146 = arith.constant 48 : index
      %swap3A_147 = tpu.vector_load %arg10[%swap3A_145, %swap3A_146] {strides = array<i32>} : memref<128x128xf32, #tpu.memory_space<vmem>>, vector<1x16xf32>,
      %swap3A_148 = vector.shape_cast %swap3A_147 : vector<1x16xf32> to vector<16xf32>
      %swap3A_149 = vector.shape_cast %broadcast_in_dim3A_144 : vector<16xf32> to vector<1x16xf32>
      tpu.vector_store %arg10[%swap3A_145, %swap3A_146], %swap3A_149 {strides = array<i32>} : memref<128x128xf32, #tpu.memory_space<vmem>>, vector<1x16xf32>,
      %broadcast_in_dim3A_150 = arith.constant 0.000000e+00 : f32
      %broadcast_in_dim3A_151 = vector.broadcast %broadcast_in_dim3A_150 : f32 to vector<16xf32>
      %swap3A_152 = arith.index_cast %scan3A_122 : i32 to index
      %swap3A_153 = arith.constant 64 : index
      %swap3A_154 = tpu.vector_load %arg10[%swap3A_152, %swap3A_153] {strides = array<i32>} : memref<128x128xf32, #tpu.memory_space<vmem>>, vector<1x16xf32>,
      %swap3A_155 = vector.shape_cast %swap3A_154 : vector<1x16xf32> to vector<16xf32>
      %swap3A_156 = vector.shape_cast %broadcast_in_dim3A_151 : vector<16xf32> to vector<1x16xf32>
      tpu.vector_store %arg10[%swap3A_152, %swap3A_153], %swap3A_156 {strides = array<i32>} : memref<128x128xf32, #tpu.memory_space<vmem>>, vector<1x16xf32>,
      %broadcast_in_dim3A_157 = arith.constant 0.000000e+00 : f32
      %broadcast_in_dim3A_158 = vector.broadcast %broadcast_in_dim3A_157 : f32 to vector<16xf32>
      %swap3A_159 = arith.index_cast %scan3A_122 : i32 to index
      %swap3A_160 = arith.constant 80 : index
      %swap3A_161 = tpu.vector_load %arg10[%swap3A_159, %swap3A_160] {strides = array<i32>} : memref<128x128xf32, #tpu.memory_space<vmem>>, vector<1x16xf32>,
      %swap3A_162 = vector.shape_cast %swap3A_161 : vector<1x16xf32> to vector<16xf32>
      %swap3A_163 = vector.shape_cast %broadcast_in_dim3A_158 : vector<16xf32> to vector<1x16xf32>
      tpu.vector_store %arg10[%swap3A_159, %swap3A_160], %swap3A_163 {strides = array<i32>} : memref<128x128xf32, #tpu.memory_space<vmem>>, vector<1x16xf32>,
      %broadcast_in_dim3A_164 = arith.constant 0.000000e+00 : f32
      %broadcast_in_dim3A_165 = vector.broadcast %broadcast_in_dim3A_164 : f32 to vector<16xf32>
      %swap3A_166 = arith.index_cast %scan3A_122 : i32 to index
      %swap3A_167 = arith.constant 96 : index
      %swap3A_168 = tpu.vector_load %arg10[%swap3A_166, %swap3A_167] {strides = array<i32>} : memref<128x128xf32, #tpu.memory_space<vmem>>, vector<1x16xf32>,
      %swap3A_169 = vector.shape_cast %swap3A_168 : vector<1x16xf32> to vector<16xf32>
      %swap3A_170 = vector.shape_cast %broadcast_in_dim3A_165 : vector<16xf32> to vector<1x16xf32>
      tpu.vector_store %arg10[%swap3A_166, %swap3A_167], %swap3A_170 {strides = array<i32>} : memref<128x128xf32, #tpu.memory_space<vmem>>, vector<1x16xf32>,
      %broadcast_in_dim3A_171 = arith.constant 0.000000e+00 : f32
      %broadcast_in_dim3A_172 = vector.broadcast %broadcast_in_dim3A_171 : f32 to vector<16xf32>
      %swap3A_173 = arith.index_cast %scan3A_122 : i32 to index
      %swap3A_174 = arith.constant 112 : index
      %swap3A_175 = tpu.vector_load %arg10[%swap3A_173, %swap3A_174] {strides = array<i32>} : memref<128x128xf32, #tpu.memory_space<vmem>>, vector<1x16xf32>,
      %swap3A_176 = vector.shape_cast %swap3A_175 : vector<1x16xf32> to vector<16xf32>
      %swap3A_177 = vector.shape_cast %broadcast_in_dim3A_172 : vector<16xf32> to vector<1x16xf32>
      tpu.vector_store %arg10[%swap3A_173, %swap3A_174], %swap3A_177 {strides = array<i32>} : memref<128x128xf32, #tpu.memory_space<vmem>>, vector<1x16xf32>,
      %scan3A_178 = arith.constant 0 : i32
      scf.yield %scan3A_178 : i32
    }
    %scan3A_5 = arith.constant 128 : i32
    %scan3A_6 = arith.constant 0 : i32
    %scan3A_7 = arith.constant 0 : i32
    %scan3A_8 = arith.constant 128 : i32
    %scan3A_9 = arith.addi %scan3A_7, %scan3A_8 : i32
    %scan3A_10 = arith.constant 1 : i32
    %scan3A_11 = scf.for %scan3A_122 = %scan3A_7 to %scan3A_9 step %scan3A_10 iter_args(%scan3A_123 = %scan3A_6) -> (i32)  : i32 {
      %broadcast_in_dim3A = arith.constant 0.000000e+00 : f32
      %broadcast_in_dim3A_124 = vector.broadcast %broadcast_in_dim3A : f32 to vector<16xf32>
      %swap3A = arith.index_cast %scan3A_122 : i32 to index
      %swap3A_125 = arith.constant 0 : index
      %swap3A_126 = tpu.vector_load %arg11[%swap3A, %swap3A_125] {strides = array<i32>} : memref<128x128xf32, #tpu.memory_space<vmem>>, vector<1x16xf32>,
      %swap3A_127 = vector.shape_cast %swap3A_126 : vector<1x16xf32> to vector<16xf32>
      %swap3A_128 = vector.shape_cast %broadcast_in_dim3A_124 : vector<16xf32> to vector<1x16xf32>
      tpu.vector_store %arg11[%swap3A, %swap3A_125], %swap3A_128 {strides = array<i32>} : memref<128x128xf32, #tpu.memory_space<vmem>>, vector<1x16xf32>,
      %broadcast_in_dim3A_129 = arith.constant 0.000000e+00 : f32
      %broadcast_in_dim3A_130 = vector.broadcast %broadcast_in_dim3A_129 : f32 to vector<16xf32>
      %swap3A_131 = arith.index_cast %scan3A_122 : i32 to index
      %swap3A_132 = arith.constant 16 : index
      %swap3A_133 = tpu.vector_load %arg11[%swap3A_131, %swap3A_132] {strides = array<i32>} : memref<128x128xf32, #tpu.memory_space<vmem>>, vector<1x16xf32>,
      %swap3A_134 = vector.shape_cast %swap3A_133 : vector<1x16xf32> to vector<16xf32>
      %swap3A_135 = vector.shape_cast %broadcast_in_dim3A_130 : vector<16xf32> to vector<1x16xf32>
      tpu.vector_store %arg11[%swap3A_131, %swap3A_132], %swap3A_135 {strides = array<i32>} : memref<128x128xf32, #tpu.memory_space<vmem>>, vector<1x16xf32>,
      %broadcast_in_dim3A_136 = arith.constant 0.000000e+00 : f32
      %broadcast_in_dim3A_137 = vector.broadcast %broadcast_in_dim3A_136 : f32 to vector<16xf32>
      %swap3A_138 = arith.index_cast %scan3A_122 : i32 to index
      %swap3A_139 = arith.constant 32 : index
      %swap3A_140 = tpu.vector_load %arg11[%swap3A_138, %swap3A_139] {strides = array<i32>} : memref<128x128xf32, #tpu.memory_space<vmem>>, vector<1x16xf32>,
      %swap3A_141 = vector.shape_cast %swap3A_140 : vector<1x16xf32> to vector<16xf32>
      %swap3A_142 = vector.shape_cast %broadcast_in_dim3A_137 : vector<16xf32> to vector<1x16xf32>
      tpu.vector_store %arg11[%swap3A_138, %swap3A_139], %swap3A_142 {strides = array<i32>} : memref<128x128xf32, #tpu.memory_space<vmem>>, vector<1x16xf32>,
      %broadcast_in_dim3A_143 = arith.constant 0.000000e+00 : f32
      %broadcast_in_dim3A_144 = vector.broadcast %broadcast_in_dim3A_143 : f32 to vector<16xf32>
      %swap3A_145 = arith.index_cast %scan3A_122 : i32 to index
      %swap3A_146 = arith.constant 48 : index
      %swap3A_147 = tpu.vector_load %arg11[%swap3A_145, %swap3A_146] {strides = array<i32>} : memref<128x128xf32, #tpu.memory_space<vmem>>, vector<1x16xf32>,
      %swap3A_148 = vector.shape_cast %swap3A_147 : vector<1x16xf32> to vector<16xf32>
      %swap3A_149 = vector.shape_cast %broadcast_in_dim3A_144 : vector<16xf32> to vector<1x16xf32>
      tpu.vector_store %arg11[%swap3A_145, %swap3A_146], %swap3A_149 {strides = array<i32>} : memref<128x128xf32, #tpu.memory_space<vmem>>, vector<1x16xf32>,
      %broadcast_in_dim3A_150 = arith.constant 0.000000e+00 : f32
      %broadcast_in_dim3A_151 = vector.broadcast %broadcast_in_dim3A_150 : f32 to vector<16xf32>
      %swap3A_152 = arith.index_cast %scan3A_122 : i32 to index
      %swap3A_153 = arith.constant 64 : index
      %swap3A_154 = tpu.vector_load %arg11[%swap3A_152, %swap3A_153] {strides = array<i32>} : memref<128x128xf32, #tpu.memory_space<vmem>>, vector<1x16xf32>,
      %swap3A_155 = vector.shape_cast %swap3A_154 : vector<1x16xf32> to vector<16xf32>
      %swap3A_156 = vector.shape_cast %broadcast_in_dim3A_151 : vector<16xf32> to vector<1x16xf32>
      tpu.vector_store %arg11[%swap3A_152, %swap3A_153], %swap3A_156 {strides = array<i32>} : memref<128x128xf32, #tpu.memory_space<vmem>>, vector<1x16xf32>,
      %broadcast_in_dim3A_157 = arith.constant 0.000000e+00 : f32
      %broadcast_in_dim3A_158 = vector.broadcast %broadcast_in_dim3A_157 : f32 to vector<16xf32>
      %swap3A_159 = arith.index_cast %scan3A_122 : i32 to index
      %swap3A_160 = arith.constant 80 : index
      %swap3A_161 = tpu.vector_load %arg11[%swap3A_159, %swap3A_160] {strides = array<i32>} : memref<128x128xf32, #tpu.memory_space<vmem>>, vector<1x16xf32>,
      %swap3A_162 = vector.shape_cast %swap3A_161 : vector<1x16xf32> to vector<16xf32>
      %swap3A_163 = vector.shape_cast %broadcast_in_dim3A_158 : vector<16xf32> to vector<1x16xf32>
      tpu.vector_store %arg11[%swap3A_159, %swap3A_160], %swap3A_163 {strides = array<i32>} : memref<128x128xf32, #tpu.memory_space<vmem>>, vector<1x16xf32>,
      %broadcast_in_dim3A_164 = arith.constant 0.000000e+00 : f32
      %broadcast_in_dim3A_165 = vector.broadcast %broadcast_in_dim3A_164 : f32 to vector<16xf32>
      %swap3A_166 = arith.index_cast %scan3A_122 : i32 to index
      %swap3A_167 = arith.constant 96 : index
      %swap3A_168 = tpu.vector_load %arg11[%swap3A_166, %swap3A_167] {strides = array<i32>} : memref<128x128xf32, #tpu.memory_space<vmem>>, vector<1x16xf32>,
      %swap3A_169 = vector.shape_cast %swap3A_168 : vector<1x16xf32> to vector<16xf32>
      %swap3A_170 = vector.shape_cast %broadcast_in_dim3A_165 : vector<16xf32> to vector<1x16xf32>
      tpu.vector_store %arg11[%swap3A_166, %swap3A_167], %swap3A_170 {strides = array<i32>} : memref<128x128xf32, #tpu.memory_space<vmem>>, vector<1x16xf32>,
      %broadcast_in_dim3A_171 = arith.constant 0.000000e+00 : f32
      %broadcast_in_dim3A_172 = vector.broadcast %broadcast_in_dim3A_171 : f32 to vector<16xf32>
      %swap3A_173 = arith.index_cast %scan3A_122 : i32 to index
      %swap3A_174 = arith.constant 112 : index
      %swap3A_175 = tpu.vector_load %arg11[%swap3A_173, %swap3A_174] {strides = array<i32>} : memref<128x128xf32, #tpu.memory_space<vmem>>, vector<1x16xf32>,
      %swap3A_176 = vector.shape_cast %swap3A_175 : vector<1x16xf32> to vector<16xf32>
      %swap3A_177 = vector.shape_cast %broadcast_in_dim3A_172 : vector<16xf32> to vector<1x16xf32>
      tpu.vector_store %arg11[%swap3A_173, %swap3A_174], %swap3A_177 {strides = array<i32>} : memref<128x128xf32, #tpu.memory_space<vmem>>, vector<1x16xf32>,
      %scan3A_178 = arith.constant 0 : i32
      scf.yield %scan3A_178 : i32
    }
    %scan3A_12 = arith.constant 128 : i32
    "tpu.region"() ({
      %run_scoped3A_122 = tpu.sem_alloc : memref<!tpu.dma_semaphore, #tpu.memory_space<semaphore_mem>>
      %dma_start3A_123 = arith.constant 0 : i32
      %dma_start3A_124 = arith.constant 0 : i32
      %dma_start3A_125 = tpu.memref_slice %arg4[%arg0, %arg1, %dma_start3A_123, %dma_start3A_124] : memref<2x16x80x128xi32, #tpu.memory_space<hbm>> -> memref<1x1x80x128xi32, #tpu.memory_space<hbm>>
      %dma_start3A_126 = tpu.memref_squeeze %dma_start3A_125 : memref<1x1x80x128xi32, #tpu.memory_space<hbm>> -> memref<80x128xi32, #tpu.memory_space<hbm>>
      %dma_start3A_127 = arith.constant 0 : i32
      %dma_start3A_128 = arith.constant 0 : i32
      %dma_start3A_129 = tpu.memref_slice %arg4[%arg0, %arg1, %dma_start3A_127, %dma_start3A_128] : memref<2x16x80x128xi32, #tpu.memory_space<hbm>> -> memref<1x1x80x128xi32, #tpu.memory_space<hbm>>
      %dma_start3A_130 = tpu.memref_squeeze %dma_start3A_129 : memref<1x1x80x128xi32, #tpu.memory_space<hbm>> -> memref<80x128xi32, #tpu.memory_space<hbm>>
      tpu.enqueue_dma source(%dma_start3A_130 : memref<80x128xi32, #tpu.memory_space<hbm>>) target(%arg6 : memref<80x128xi32, #tpu.memory_space<vmem>>) target_semaphore(%run_scoped3A_122 : memref<!tpu.dma_semaphore, #tpu.memory_space<semaphore_mem>>)
      %dma_wait3A_131 = arith.constant 0 : i32
      %dma_wait3A_132 = arith.constant 0 : i32
      %dma_wait3A_133 = tpu.memref_slice %arg4[%arg0, %arg1, %dma_wait3A_131, %dma_wait3A_132] : memref<2x16x80x128xi32, #tpu.memory_space<hbm>> -> memref<1x1x80x128xi32, #tpu.memory_space<hbm>>
      %dma_wait3A_134 = tpu.memref_squeeze %dma_wait3A_133 : memref<1x1x80x128xi32, #tpu.memory_space<hbm>> -> memref<80x128xi32, #tpu.memory_space<hbm>>
      %dma_wait3A_135 = arith.constant 0 : i32
      %dma_wait3A_136 = arith.constant 0 : i32
      %dma_wait3A_137 = tpu.memref_slice %arg4[%arg0, %arg1, %dma_wait3A_135, %dma_wait3A_136] : memref<2x16x80x128xi32, #tpu.memory_space<hbm>> -> memref<1x1x80x128xi32, #tpu.memory_space<hbm>>
      %dma_wait3A_138 = tpu.memref_squeeze %dma_wait3A_137 : memref<1x1x80x128xi32, #tpu.memory_space<hbm>> -> memref<80x128xi32, #tpu.memory_space<hbm>>
      tpu.wait_dma2 semaphore(%run_scoped3A_122 : memref<!tpu.dma_semaphore, #tpu.memory_space<semaphore_mem>>) src(%dma_wait3A_138 : memref<80x128xi32, #tpu.memory_space<hbm>>) dst(%arg6 : memref<80x128xi32, #tpu.memory_space<vmem>>)
      tpu.yield
    }) : () -> ()
    %mul3A = arith.constant 632 : i32
    %mul3A_13 = arith.muli %arg1, %mul3A : i32
    %add3A = arith.constant 0 : i32
    %add3A_14 = arith.addi %mul3A_13, %add3A : i32
    "tpu.region"() ({
      %run_scoped3A_122 = tpu.sem_alloc : memref<!tpu.dma_semaphore, #tpu.memory_space<semaphore_mem>>
      %dma_start3A_123 = arith.constant 0 : i32
      %dma_start3A_124 = tpu.memref_slice %arg12[%add3A_14, %dma_start3A_123] : memref<10112x128xf32, #tpu.memory_space<vmem_shared>> -> memref<128x128xf32, #tpu.memory_space<vmem_shared>>
      %dma_start3A_125 = arith.constant 0 : i32
      %dma_start3A_126 = tpu.memref_slice %arg12[%add3A_14, %dma_start3A_125] : memref<10112x128xf32, #tpu.memory_space<vmem_shared>> -> memref<128x128xf32, #tpu.memory_space<vmem_shared>>
      tpu.enqueue_dma source(%arg10 : memref<128x128xf32, #tpu.memory_space<vmem>>) target(%dma_start3A_126 : memref<128x128xf32, #tpu.memory_space<vmem_shared>>) target_semaphore(%run_scoped3A_122 : memref<!tpu.dma_semaphore, #tpu.memory_space<semaphore_mem>>)
      %dma_wait3A_127 = arith.constant 0 : i32
      %dma_wait3A_128 = tpu.memref_slice %arg12[%add3A_14, %dma_wait3A_127] : memref<10112x128xf32, #tpu.memory_space<vmem_shared>> -> memref<128x128xf32, #tpu.memory_space<vmem_shared>>
      %dma_wait3A_129 = arith.constant 0 : i32
      %dma_wait3A_130 = tpu.memref_slice %arg12[%add3A_14, %dma_wait3A_129] : memref<10112x128xf32, #tpu.memory_space<vmem_shared>> -> memref<128x128xf32, #tpu.memory_space<vmem_shared>>
      tpu.wait_dma2 semaphore(%run_scoped3A_122 : memref<!tpu.dma_semaphore, #tpu.memory_space<semaphore_mem>>) src(%arg10 : memref<128x128xf32, #tpu.memory_space<vmem>>) dst(%dma_wait3A_130 : memref<128x128xf32, #tpu.memory_space<vmem_shared>>)
      tpu.yield
    }) : () -> ()
    %mul3A_15 = arith.constant 632 : i32
    %mul3A_16 = arith.muli %arg1, %mul3A_15 : i32
    %add3A_17 = arith.constant 128 : i32
    %add3A_18 = arith.addi %mul3A_16, %add3A_17 : i32
    "tpu.region"() ({
      %run_scoped3A_122 = tpu.sem_alloc : memref<!tpu.dma_semaphore, #tpu.memory_space<semaphore_mem>>
      %dma_start3A_123 = arith.constant 0 : i32
      %dma_start3A_124 = tpu.memref_slice %arg12[%add3A_18, %dma_start3A_123] : memref<10112x128xf32, #tpu.memory_space<vmem_shared>> -> memref<128x128xf32, #tpu.memory_space<vmem_shared>>
      %dma_start3A_125 = arith.constant 0 : i32
      %dma_start3A_126 = tpu.memref_slice %arg12[%add3A_18, %dma_start3A_125] : memref<10112x128xf32, #tpu.memory_space<vmem_shared>> -> memref<128x128xf32, #tpu.memory_space<vmem_shared>>
      tpu.enqueue_dma source(%arg10 : memref<128x128xf32, #tpu.memory_space<vmem>>) target(%dma_start3A_126 : memref<128x128xf32, #tpu.memory_space<vmem_shared>>) target_semaphore(%run_scoped3A_122 : memref<!tpu.dma_semaphore, #tpu.memory_space<semaphore_mem>>)
      %dma_wait3A_127 = arith.constant 0 : i32
      %dma_wait3A_128 = tpu.memref_slice %arg12[%add3A_18, %dma_wait3A_127] : memref<10112x128xf32, #tpu.memory_space<vmem_shared>> -> memref<128x128xf32, #tpu.memory_space<vmem_shared>>
      %dma_wait3A_129 = arith.constant 0 : i32
      %dma_wait3A_130 = tpu.memref_slice %arg12[%add3A_18, %dma_wait3A_129] : memref<10112x128xf32, #tpu.memory_space<vmem_shared>> -> memref<128x128xf32, #tpu.memory_space<vmem_shared>>
      tpu.wait_dma2 semaphore(%run_scoped3A_122 : memref<!tpu.dma_semaphore, #tpu.memory_space<semaphore_mem>>) src(%arg10 : memref<128x128xf32, #tpu.memory_space<vmem>>) dst(%dma_wait3A_130 : memref<128x128xf32, #tpu.memory_space<vmem_shared>>)
      tpu.yield
    }) : () -> ()
    %mul3A_19 = arith.constant 632 : i32
    %mul3A_20 = arith.muli %arg1, %mul3A_19 : i32
    %add3A_21 = arith.constant 256 : i32
    %add3A_22 = arith.addi %mul3A_20, %add3A_21 : i32
    "tpu.region"() ({
      %run_scoped3A_122 = tpu.sem_alloc : memref<!tpu.dma_semaphore, #tpu.memory_space<semaphore_mem>>
      %dma_start3A_123 = arith.constant 0 : i32
      %dma_start3A_124 = tpu.memref_slice %arg12[%add3A_22, %dma_start3A_123] : memref<10112x128xf32, #tpu.memory_space<vmem_shared>> -> memref<128x128xf32, #tpu.memory_space<vmem_shared>>
      %dma_start3A_125 = arith.constant 0 : i32
      %dma_start3A_126 = tpu.memref_slice %arg12[%add3A_22, %dma_start3A_125] : memref<10112x128xf32, #tpu.memory_space<vmem_shared>> -> memref<128x128xf32, #tpu.memory_space<vmem_shared>>
      tpu.enqueue_dma source(%arg10 : memref<128x128xf32, #tpu.memory_space<vmem>>) target(%dma_start3A_126 : memref<128x128xf32, #tpu.memory_space<vmem_shared>>) target_semaphore(%run_scoped3A_122 : memref<!tpu.dma_semaphore, #tpu.memory_space<semaphore_mem>>)
      %dma_wait3A_127 = arith.constant 0 : i32
      %dma_wait3A_128 = tpu.memref_slice %arg12[%add3A_22, %dma_wait3A_127] : memref<10112x128xf32, #tpu.memory_space<vmem_shared>> -> memref<128x128xf32, #tpu.memory_space<vmem_shared>>
      %dma_wait3A_129 = arith.constant 0 : i32
      %dma_wait3A_130 = tpu.memref_slice %arg12[%add3A_22, %dma_wait3A_129] : memref<10112x128xf32, #tpu.memory_space<vmem_shared>> -> memref<128x128xf32, #tpu.memory_space<vmem_shared>>
      tpu.wait_dma2 semaphore(%run_scoped3A_122 : memref<!tpu.dma_semaphore, #tpu.memory_space<semaphore_mem>>) src(%arg10 : memref<128x128xf32, #tpu.memory_space<vmem>>) dst(%dma_wait3A_130 : memref<128x128xf32, #tpu.memory_space<vmem_shared>>)
      tpu.yield
    }) : () -> ()
    %mul3A_23 = arith.constant 632 : i32
    %mul3A_24 = arith.muli %arg1, %mul3A_23 : i32
    %add3A_25 = arith.constant 384 : i32
    %add3A_26 = arith.addi %mul3A_24, %add3A_25 : i32
    "tpu.region"() ({
      %run_scoped3A_122 = tpu.sem_alloc : memref<!tpu.dma_semaphore, #tpu.memory_space<semaphore_mem>>
      %dma_start3A_123 = arith.constant 0 : i32
      %dma_start3A_124 = tpu.memref_slice %arg12[%add3A_26, %dma_start3A_123] : memref<10112x128xf32, #tpu.memory_space<vmem_shared>> -> memref<128x128xf32, #tpu.memory_space<vmem_shared>>
      %dma_start3A_125 = arith.constant 0 : i32
      %dma_start3A_126 = tpu.memref_slice %arg12[%add3A_26, %dma_start3A_125] : memref<10112x128xf32, #tpu.memory_space<vmem_shared>> -> memref<128x128xf32, #tpu.memory_space<vmem_shared>>
      tpu.enqueue_dma source(%arg10 : memref<128x128xf32, #tpu.memory_space<vmem>>) target(%dma_start3A_126 : memref<128x128xf32, #tpu.memory_space<vmem_shared>>) target_semaphore(%run_scoped3A_122 : memref<!tpu.dma_semaphore, #tpu.memory_space<semaphore_mem>>)
      %dma_wait3A_127 = arith.constant 0 : i32
      %dma_wait3A_128 = tpu.memref_slice %arg12[%add3A_26, %dma_wait3A_127] : memref<10112x128xf32, #tpu.memory_space<vmem_shared>> -> memref<128x128xf32, #tpu.memory_space<vmem_shared>>
      %dma_wait3A_129 = arith.constant 0 : i32
      %dma_wait3A_130 = tpu.memref_slice %arg12[%add3A_26, %dma_wait3A_129] : memref<10112x128xf32, #tpu.memory_space<vmem_shared>> -> memref<128x128xf32, #tpu.memory_space<vmem_shared>>
      tpu.wait_dma2 semaphore(%run_scoped3A_122 : memref<!tpu.dma_semaphore, #tpu.memory_space<semaphore_mem>>) src(%arg10 : memref<128x128xf32, #tpu.memory_space<vmem>>) dst(%dma_wait3A_130 : memref<128x128xf32, #tpu.memory_space<vmem_shared>>)
      tpu.yield
    }) : () -> ()
    %mul3A_27 = arith.constant 632 : i32
    %mul3A_28 = arith.muli %arg1, %mul3A_27 : i32
    %add3A_29 = arith.constant 512 : i32
    %add3A_30 = arith.addi %mul3A_28, %add3A_29 : i32
    "tpu.region"() ({
      %run_scoped3A_122 = tpu.sem_alloc : memref<!tpu.dma_semaphore, #tpu.memory_space<semaphore_mem>>
      %dma_start3A_123 = arith.constant 0 : i32
      %dma_start3A_124 = arith.constant 0 : i32
      %dma_start3A_125 = tpu.memref_slice %arg10[%dma_start3A_123, %dma_start3A_124] : memref<128x128xf32, #tpu.memory_space<vmem>> -> memref<120x128xf32, #tpu.memory_space<vmem>>
      %dma_start3A_126 = arith.constant 0 : i32
      %dma_start3A_127 = tpu.memref_slice %arg12[%add3A_30, %dma_start3A_126] : memref<10112x128xf32, #tpu.memory_space<vmem_shared>> -> memref<120x128xf32, #tpu.memory_space<vmem_shared>>
      %dma_start3A_128 = arith.constant 0 : i32
      %dma_start3A_129 = tpu.memref_slice %arg12[%add3A_30, %dma_start3A_128] : memref<10112x128xf32, #tpu.memory_space<vmem_shared>> -> memref<120x128xf32, #tpu.memory_space<vmem_shared>>
      %dma_start3A_130 = arith.constant 0 : i32
      %dma_start3A_131 = arith.constant 0 : i32
      %dma_start3A_132 = tpu.memref_slice %arg10[%dma_start3A_130, %dma_start3A_131] : memref<128x128xf32, #tpu.memory_space<vmem>> -> memref<120x128xf32, #tpu.memory_space<vmem>>
      tpu.enqueue_dma source(%dma_start3A_132 : memref<120x128xf32, #tpu.memory_space<vmem>>) target(%dma_start3A_129 : memref<120x128xf32, #tpu.memory_space<vmem_shared>>) target_semaphore(%run_scoped3A_122 : memref<!tpu.dma_semaphore, #tpu.memory_space<semaphore_mem>>)
      %dma_wait3A_133 = arith.constant 0 : i32
      %dma_wait3A_134 = arith.constant 0 : i32
      %dma_wait3A_135 = tpu.memref_slice %arg10[%dma_wait3A_133, %dma_wait3A_134] : memref<128x128xf32, #tpu.memory_space<vmem>> -> memref<120x128xf32, #tpu.memory_space<vmem>>
      %dma_wait3A_136 = arith.constant 0 : i32
      %dma_wait3A_137 = tpu.memref_slice %arg12[%add3A_30, %dma_wait3A_136] : memref<10112x128xf32, #tpu.memory_space<vmem_shared>> -> memref<120x128xf32, #tpu.memory_space<vmem_shared>>
      %dma_wait3A_138 = arith.constant 0 : i32
      %dma_wait3A_139 = tpu.memref_slice %arg12[%add3A_30, %dma_wait3A_138] : memref<10112x128xf32, #tpu.memory_space<vmem_shared>> -> memref<120x128xf32, #tpu.memory_space<vmem_shared>>
      %dma_wait3A_140 = arith.constant 0 : i32
      %dma_wait3A_141 = arith.constant 0 : i32
      %dma_wait3A_142 = tpu.memref_slice %arg10[%dma_wait3A_140, %dma_wait3A_141] : memref<128x128xf32, #tpu.memory_space<vmem>> -> memref<120x128xf32, #tpu.memory_space<vmem>>
      tpu.wait_dma2 semaphore(%run_scoped3A_122 : memref<!tpu.dma_semaphore, #tpu.memory_space<semaphore_mem>>) src(%dma_wait3A_142 : memref<120x128xf32, #tpu.memory_space<vmem>>) dst(%dma_wait3A_139 : memref<120x128xf32, #tpu.memory_space<vmem_shared>>)
      tpu.yield
    }) : () -> ()
    %barrier3A = arith.constant 0 : index
    tpu.barrier barrier_id(%barrier3A)
    %run_scoped3A = arith.constant 0 : i32
    %run_scoped3A_31 = arith.constant 0 : i32
    "tpu.region"() ({
      %run_scoped3A_122 = tpu.sem_alloc : memref<!tpu.dma_semaphore, #tpu.memory_space<semaphore_mem>>
      %dma_start3A_123 = arith.constant 0 : i32
      %dma_start3A_124 = tpu.memref_slice %arg3[%arg0, %arg1, %run_scoped3A, %run_scoped3A_31, %dma_start3A_123] : memref<2x16x80x1x128xi32, #tpu.memory_space<hbm>> -> memref<1x1x1x1x128xi32, #tpu.memory_space<hbm>>
      %dma_start3A_125 = tpu.memref_squeeze %dma_start3A_124 : memref<1x1x1x1x128xi32, #tpu.memory_space<hbm>> -> memref<128xi32, #tpu.memory_space<hbm>>
      %dma_start3A_126 = arith.constant 0 : i32
      %dma_start3A_127 = tpu.memref_slice %arg3[%arg0, %arg1, %run_scoped3A, %run_scoped3A_31, %dma_start3A_126] : memref<2x16x80x1x128xi32, #tpu.memory_space<hbm>> -> memref<1x1x1x1x128xi32, #tpu.memory_space<hbm>>
      %dma_start3A_128 = tpu.memref_squeeze %dma_start3A_127 : memref<1x1x1x1x128xi32, #tpu.memory_space<hbm>> -> memref<128xi32, #tpu.memory_space<hbm>>
      tpu.enqueue_dma source(%dma_start3A_128 : memref<128xi32, #tpu.memory_space<hbm>>) target(%arg7 : memref<128xi32, #tpu.memory_space<vmem>>) target_semaphore(%run_scoped3A_122 : memref<!tpu.dma_semaphore, #tpu.memory_space<semaphore_mem>>)
      %dma_wait3A_129 = arith.constant 0 : i32
      %dma_wait3A_130 = tpu.memref_slice %arg3[%arg0, %arg1, %run_scoped3A, %run_scoped3A_31, %dma_wait3A_129] : memref<2x16x80x1x128xi32, #tpu.memory_space<hbm>> -> memref<1x1x1x1x128xi32, #tpu.memory_space<hbm>>
      %dma_wait3A_131 = tpu.memref_squeeze %dma_wait3A_130 : memref<1x1x1x1x128xi32, #tpu.memory_space<hbm>> -> memref<128xi32, #tpu.memory_space<hbm>>
      %dma_wait3A_132 = arith.constant 0 : i32
      %dma_wait3A_133 = tpu.memref_slice %arg3[%arg0, %arg1, %run_scoped3A, %run_scoped3A_31, %dma_wait3A_132] : memref<2x16x80x1x128xi32, #tpu.memory_space<hbm>> -> memref<1x1x1x1x128xi32, #tpu.memory_space<hbm>>
      %dma_wait3A_134 = tpu.memref_squeeze %dma_wait3A_133 : memref<1x1x1x1x128xi32, #tpu.memory_space<hbm>> -> memref<128xi32, #tpu.memory_space<hbm>>
      tpu.wait_dma2 semaphore(%run_scoped3A_122 : memref<!tpu.dma_semaphore, #tpu.memory_space<semaphore_mem>>) src(%dma_wait3A_134 : memref<128xi32, #tpu.memory_space<hbm>>) dst(%arg7 : memref<128xi32, #tpu.memory_space<vmem>>)
      tpu.yield
    }) : () -> ()
    %dma_start3A = arith.constant 0 : i32
    %dma_start3A_32 = arith.constant 0 : i32
    %dma_start3A_33 = tpu.memref_slice %arg10[%dma_start3A, %dma_start3A_32] : memref<128x128xf32, #tpu.memory_space<vmem>> -> memref<32x128xf32, #tpu.memory_space<vmem>>
    %dma_start3A_34 = arith.constant 0 : i32
    %dma_start3A_35 = tpu.memref_slice %arg7[%dma_start3A_34] : memref<128xi32, #tpu.memory_space<vmem>> -> memref<32xi32, #tpu.memory_space<vmem>>
    %dma_start3A_36 = arith.constant 0 : i32
    %dma_start3A_37 = arith.constant 0 : i32
    %dma_start3A_38 = tpu.memref_slice %arg2[%dma_start3A_36, %dma_start3A_37] : memref<10000x128xf32, #tpu.memory_space<hbm>> -> memref<10000x128xf32, #tpu.memory_space<hbm>>
    tpu.enqueue_indirect_dma source(%dma_start3A_38 : memref<10000x128xf32, #tpu.memory_space<hbm>>) target(%dma_start3A_33 : memref<32x128xf32, #tpu.memory_space<vmem>>) offsets(%dma_start3A_35 : memref<32xi32, #tpu.memory_space<vmem>>) semaphore(%arg13 : memref<!tpu.dma_semaphore, #tpu.memory_space<semaphore_mem>>)
    %dma_start3A_39 = arith.constant 32 : i32
    %dma_start3A_40 = arith.constant 0 : i32
    %dma_start3A_41 = tpu.memref_slice %arg10[%dma_start3A_39, %dma_start3A_40] : memref<128x128xf32, #tpu.memory_space<vmem>> -> memref<32x128xf32, #tpu.memory_space<vmem>>
    %dma_start3A_42 = arith.constant 32 : i32
    %dma_start3A_43 = tpu.memref_slice %arg7[%dma_start3A_42] : memref<128xi32, #tpu.memory_space<vmem>> -> memref<32xi32, #tpu.memory_space<vmem>>
    %dma_start3A_44 = arith.constant 0 : i32
    %dma_start3A_45 = arith.constant 0 : i32
    %dma_start3A_46 = tpu.memref_slice %arg2[%dma_start3A_44, %dma_start3A_45] : memref<10000x128xf32, #tpu.memory_space<hbm>> -> memref<10000x128xf32, #tpu.memory_space<hbm>>
    tpu.enqueue_indirect_dma source(%dma_start3A_46 : memref<10000x128xf32, #tpu.memory_space<hbm>>) target(%dma_start3A_41 : memref<32x128xf32, #tpu.memory_space<vmem>>) offsets(%dma_start3A_43 : memref<32xi32, #tpu.memory_space<vmem>>) semaphore(%arg14 : memref<!tpu.dma_semaphore, #tpu.memory_space<semaphore_mem>>)
    %dma_start3A_47 = arith.constant 64 : i32
    %dma_start3A_48 = arith.constant 0 : i32
    %dma_start3A_49 = tpu.memref_slice %arg10[%dma_start3A_47, %dma_start3A_48] : memref<128x128xf32, #tpu.memory_space<vmem>> -> memref<32x128xf32, #tpu.memory_space<vmem>>
    %dma_start3A_50 = arith.constant 64 : i32
    %dma_start3A_51 = tpu.memref_slice %arg7[%dma_start3A_50] : memref<128xi32, #tpu.memory_space<vmem>> -> memref<32xi32, #tpu.memory_space<vmem>>
    %dma_start3A_52 = arith.constant 0 : i32
    %dma_start3A_53 = arith.constant 0 : i32
    %dma_start3A_54 = tpu.memref_slice %arg2[%dma_start3A_52, %dma_start3A_53] : memref<10000x128xf32, #tpu.memory_space<hbm>> -> memref<10000x128xf32, #tpu.memory_space<hbm>>
    tpu.enqueue_indirect_dma source(%dma_start3A_54 : memref<10000x128xf32, #tpu.memory_space<hbm>>) target(%dma_start3A_49 : memref<32x128xf32, #tpu.memory_space<vmem>>) offsets(%dma_start3A_51 : memref<32xi32, #tpu.memory_space<vmem>>) semaphore(%arg15 : memref<!tpu.dma_semaphore, #tpu.memory_space<semaphore_mem>>)
    %dma_start3A_55 = arith.constant 96 : i32
    %dma_start3A_56 = arith.constant 0 : i32
    %dma_start3A_57 = tpu.memref_slice %arg10[%dma_start3A_55, %dma_start3A_56] : memref<128x128xf32, #tpu.memory_space<vmem>> -> memref<32x128xf32, #tpu.memory_space<vmem>>
    %dma_start3A_58 = arith.constant 96 : i32
    %dma_start3A_59 = tpu.memref_slice %arg7[%dma_start3A_58] : memref<128xi32, #tpu.memory_space<vmem>> -> memref<32xi32, #tpu.memory_space<vmem>>
    %dma_start3A_60 = arith.constant 0 : i32
    %dma_start3A_61 = arith.constant 0 : i32
    %dma_start3A_62 = tpu.memref_slice %arg2[%dma_start3A_60, %dma_start3A_61] : memref<10000x128xf32, #tpu.memory_space<hbm>> -> memref<10000x128xf32, #tpu.memory_space<hbm>>
    tpu.enqueue_indirect_dma source(%dma_start3A_62 : memref<10000x128xf32, #tpu.memory_space<hbm>>) target(%dma_start3A_57 : memref<32x128xf32, #tpu.memory_space<vmem>>) offsets(%dma_start3A_59 : memref<32xi32, #tpu.memory_space<vmem>>) semaphore(%arg16 : memref<!tpu.dma_semaphore, #tpu.memory_space<semaphore_mem>>)
    %dma_start3A_63 = arith.constant 1 : i32
    %dma_start3A_64 = arith.constant 0 : i32
    %dma_start3A_65 = arith.constant 0 : i32
    %dma_start3A_66 = tpu.memref_slice %arg3[%arg0, %arg1, %dma_start3A_63, %dma_start3A_64, %dma_start3A_65] : memref<2x16x80x1x128xi32, #tpu.memory_space<hbm>> -> memref<1x1x1x1x128xi32, #tpu.memory_space<hbm>>
    %dma_start3A_67 = tpu.memref_squeeze %dma_start3A_66 : memref<1x1x1x1x128xi32, #tpu.memory_space<hbm>> -> memref<128xi32, #tpu.memory_space<hbm>>
    %dma_start3A_68 = arith.constant 0 : i32
    %dma_start3A_69 = tpu.memref_slice %arg3[%arg0, %arg1, %dma_start3A_63, %dma_start3A_64, %dma_start3A_68] : memref<2x16x80x1x128xi32, #tpu.memory_space<hbm>> -> memref<1x1x1x1x128xi32, #tpu.memory_space<hbm>>
    %dma_start3A_70 = tpu.memref_squeeze %dma_start3A_69 : memref<1x1x1x1x128xi32, #tpu.memory_space<hbm>> -> memref<128xi32, #tpu.memory_space<hbm>>
    tpu.enqueue_dma source(%dma_start3A_70 : memref<128xi32, #tpu.memory_space<hbm>>) target(%arg8 : memref<128xi32, #tpu.memory_space<vmem>>) target_semaphore(%arg22 : memref<!tpu.dma_semaphore, #tpu.memory_space<semaphore_mem>>)
    %scan3A_71 = arith.constant 0 : i32
    %scan3A_72 = arith.constant 0 : i32
    %scan3A_73 = arith.constant 40 : i32
    %scan3A_74 = arith.addi %scan3A_72, %scan3A_73 : i32
    %scan3A_75 = arith.constant 1 : i32
    %scan3A_76 = scf.for %scan3A_122 = %scan3A_72 to %scan3A_74 step %scan3A_75 iter_args(%scan3A_123 = %scan3A_71) -> (i32)  : i32 {
      %mul3A_124 = arith.constant 2 : i32
      %mul3A_125 = arith.muli %mul3A_124, %scan3A_122 : i32
      %add3A_126 = arith.constant 0 : i32
      %add3A_127 = arith.addi %mul3A_125, %add3A_126 : i32
      %dma_wait3A_128 = arith.constant 0 : i32
      %dma_wait3A_129 = arith.constant 0 : i32
      %dma_wait3A_130 = arith.constant 0 : i32
      %dma_wait3A_131 = tpu.memref_slice %arg3[%arg0, %arg1, %dma_wait3A_128, %dma_wait3A_129, %dma_wait3A_130] : memref<2x16x80x1x128xi32, #tpu.memory_space<hbm>> -> memref<1x1x1x1x128xi32, #tpu.memory_space<hbm>>
      %dma_wait3A_132 = tpu.memref_squeeze %dma_wait3A_131 : memref<1x1x1x1x128xi32, #tpu.memory_space<hbm>> -> memref<128xi32, #tpu.memory_space<hbm>>
      %dma_wait3A_133 = arith.constant 0 : i32
      %dma_wait3A_134 = tpu.memref_slice %arg3[%arg0, %arg1, %dma_wait3A_128, %dma_wait3A_129, %dma_wait3A_133] : memref<2x16x80x1x128xi32, #tpu.memory_space<hbm>> -> memref<1x1x1x1x128xi32, #tpu.memory_space<hbm>>
      %dma_wait3A_135 = tpu.memref_squeeze %dma_wait3A_134 : memref<1x1x1x1x128xi32, #tpu.memory_space<hbm>> -> memref<128xi32, #tpu.memory_space<hbm>>
      tpu.wait_dma2 semaphore(%arg22 : memref<!tpu.dma_semaphore, #tpu.memory_space<semaphore_mem>>) src(%dma_wait3A_135 : memref<128xi32, #tpu.memory_space<hbm>>) dst(%arg8 : memref<128xi32, #tpu.memory_space<vmem>>)
      %dma_start3A_136 = arith.constant 0 : i32
      %dma_start3A_137 = arith.constant 0 : i32
      %dma_start3A_138 = tpu.memref_slice %arg11[%dma_start3A_136, %dma_start3A_137] : memref<128x128xf32, #tpu.memory_space<vmem>> -> memref<32x128xf32, #tpu.memory_space<vmem>>
      %dma_start3A_139 = arith.constant 0 : i32
      %dma_start3A_140 = tpu.memref_slice %arg8[%dma_start3A_139] : memref<128xi32, #tpu.memory_space<vmem>> -> memref<32xi32, #tpu.memory_space<vmem>>
      %dma_start3A_141 = arith.constant 0 : i32
      %dma_start3A_142 = arith.constant 0 : i32
      %dma_start3A_143 = tpu.memref_slice %arg2[%dma_start3A_141, %dma_start3A_142] : memref<10000x128xf32, #tpu.memory_space<hbm>> -> memref<10000x128xf32, #tpu.memory_space<hbm>>
      tpu.enqueue_indirect_dma source(%dma_start3A_143 : memref<10000x128xf32, #tpu.memory_space<hbm>>) target(%dma_start3A_138 : memref<32x128xf32, #tpu.memory_space<vmem>>) offsets(%dma_start3A_140 : memref<32xi32, #tpu.memory_space<vmem>>) semaphore(%arg17 : memref<!tpu.dma_semaphore, #tpu.memory_space<semaphore_mem>>)
      %dma_start3A_144 = arith.constant 32 : i32
      %dma_start3A_145 = arith.constant 0 : i32
      %dma_start3A_146 = tpu.memref_slice %arg11[%dma_start3A_144, %dma_start3A_145] : memref<128x128xf32, #tpu.memory_space<vmem>> -> memref<32x128xf32, #tpu.memory_space<vmem>>
      %dma_start3A_147 = arith.constant 32 : i32
      %dma_start3A_148 = tpu.memref_slice %arg8[%dma_start3A_147] : memref<128xi32, #tpu.memory_space<vmem>> -> memref<32xi32, #tpu.memory_space<vmem>>
      %dma_start3A_149 = arith.constant 0 : i32
      %dma_start3A_150 = arith.constant 0 : i32
      %dma_start3A_151 = tpu.memref_slice %arg2[%dma_start3A_149, %dma_start3A_150] : memref<10000x128xf32, #tpu.memory_space<hbm>> -> memref<10000x128xf32, #tpu.memory_space<hbm>>
      tpu.enqueue_indirect_dma source(%dma_start3A_151 : memref<10000x128xf32, #tpu.memory_space<hbm>>) target(%dma_start3A_146 : memref<32x128xf32, #tpu.memory_space<vmem>>) offsets(%dma_start3A_148 : memref<32xi32, #tpu.memory_space<vmem>>) semaphore(%arg18 : memref<!tpu.dma_semaphore, #tpu.memory_space<semaphore_mem>>)
      %dma_start3A_152 = arith.constant 64 : i32
      %dma_start3A_153 = arith.constant 0 : i32
      %dma_start3A_154 = tpu.memref_slice %arg11[%dma_start3A_152, %dma_start3A_153] : memref<128x128xf32, #tpu.memory_space<vmem>> -> memref<32x128xf32, #tpu.memory_space<vmem>>
      %dma_start3A_155 = arith.constant 64 : i32
      %dma_start3A_156 = tpu.memref_slice %arg8[%dma_start3A_155] : memref<128xi32, #tpu.memory_space<vmem>> -> memref<32xi32, #tpu.memory_space<vmem>>
      %dma_start3A_157 = arith.constant 0 : i32
      %dma_start3A_158 = arith.constant 0 : i32
      %dma_start3A_159 = tpu.memref_slice %arg2[%dma_start3A_157, %dma_start3A_158] : memref<10000x128xf32, #tpu.memory_space<hbm>> -> memref<10000x128xf32, #tpu.memory_space<hbm>>
      tpu.enqueue_indirect_dma source(%dma_start3A_159 : memref<10000x128xf32, #tpu.memory_space<hbm>>) target(%dma_start3A_154 : memref<32x128xf32, #tpu.memory_space<vmem>>) offsets(%dma_start3A_156 : memref<32xi32, #tpu.memory_space<vmem>>) semaphore(%arg19 : memref<!tpu.dma_semaphore, #tpu.memory_space<semaphore_mem>>)
      %dma_start3A_160 = arith.constant 96 : i32
      %dma_start3A_161 = arith.constant 0 : i32
      %dma_start3A_162 = tpu.memref_slice %arg11[%dma_start3A_160, %dma_start3A_161] : memref<128x128xf32, #tpu.memory_space<vmem>> -> memref<32x128xf32, #tpu.memory_space<vmem>>
      %dma_start3A_163 = arith.constant 96 : i32
      %dma_start3A_164 = tpu.memref_slice %arg8[%dma_start3A_163] : memref<128xi32, #tpu.memory_space<vmem>> -> memref<32xi32, #tpu.memory_space<vmem>>
      %dma_start3A_165 = arith.constant 0 : i32
      %dma_start3A_166 = arith.constant 0 : i32
      %dma_start3A_167 = tpu.memref_slice %arg2[%dma_start3A_165, %dma_start3A_166] : memref<10000x128xf32, #tpu.memory_space<hbm>> -> memref<10000x128xf32, #tpu.memory_space<hbm>>
      tpu.enqueue_indirect_dma source(%dma_start3A_167 : memref<10000x128xf32, #tpu.memory_space<hbm>>) target(%dma_start3A_162 : memref<32x128xf32, #tpu.memory_space<vmem>>) offsets(%dma_start3A_164 : memref<32xi32, #tpu.memory_space<vmem>>) semaphore(%arg20 : memref<!tpu.dma_semaphore, #tpu.memory_space<semaphore_mem>>)
      %dma_wait3A_168 = arith.constant 0 : i32
      %dma_wait3A_169 = arith.constant 0 : i32
      %dma_wait3A_170 = tpu.memref_slice %arg10[%dma_wait3A_168, %dma_wait3A_169] : memref<128x128xf32, #tpu.memory_space<vmem>> -> memref<32x128xf32, #tpu.memory_space<vmem>>
      %dma_wait3A_171 = arith.constant 0 : i32
      %dma_wait3A_172 = tpu.memref_slice %arg7[%dma_wait3A_171] : memref<128xi32, #tpu.memory_space<vmem>> -> memref<32xi32, #tpu.memory_space<vmem>>
      %dma_wait3A_173 = arith.constant 0 : i32
      %dma_wait3A_174 = arith.constant 0 : i32
      %dma_wait3A_175 = tpu.memref_slice %arg2[%dma_wait3A_173, %dma_wait3A_174] : memref<10000x128xf32, #tpu.memory_space<hbm>> -> memref<10000x128xf32, #tpu.memory_space<hbm>>
      tpu.wait_indirect_dma semaphore(%arg13 : memref<!tpu.dma_semaphore, #tpu.memory_space<semaphore_mem>>) src(%dma_wait3A_175 : memref<10000x128xf32, #tpu.memory_space<hbm>>) dst(%dma_wait3A_170 : memref<32x128xf32, #tpu.memory_space<vmem>>)
      %dma_wait3A_176 = arith.constant 32 : i32
      %dma_wait3A_177 = arith.constant 0 : i32
      %dma_wait3A_178 = tpu.memref_slice %arg10[%dma_wait3A_176, %dma_wait3A_177] : memref<128x128xf32, #tpu.memory_space<vmem>> -> memref<32x128xf32, #tpu.memory_space<vmem>>
      %dma_wait3A_179 = arith.constant 32 : i32
      %dma_wait3A_180 = tpu.memref_slice %arg7[%dma_wait3A_179] : memref<128xi32, #tpu.memory_space<vmem>> -> memref<32xi32, #tpu.memory_space<vmem>>
      %dma_wait3A_181 = arith.constant 0 : i32
      %dma_wait3A_182 = arith.constant 0 : i32
      %dma_wait3A_183 = tpu.memref_slice %arg2[%dma_wait3A_181, %dma_wait3A_182] : memref<10000x128xf32, #tpu.memory_space<hbm>> -> memref<10000x128xf32, #tpu.memory_space<hbm>>
      tpu.wait_indirect_dma semaphore(%arg14 : memref<!tpu.dma_semaphore, #tpu.memory_space<semaphore_mem>>) src(%dma_wait3A_183 : memref<10000x128xf32, #tpu.memory_space<hbm>>) dst(%dma_wait3A_178 : memref<32x128xf32, #tpu.memory_space<vmem>>)
      %dma_wait3A_184 = arith.constant 64 : i32
      %dma_wait3A_185 = arith.constant 0 : i32
      %dma_wait3A_186 = tpu.memref_slice %arg10[%dma_wait3A_184, %dma_wait3A_185] : memref<128x128xf32, #tpu.memory_space<vmem>> -> memref<32x128xf32, #tpu.memory_space<vmem>>
      %dma_wait3A_187 = arith.constant 64 : i32
      %dma_wait3A_188 = tpu.memref_slice %arg7[%dma_wait3A_187] : memref<128xi32, #tpu.memory_space<vmem>> -> memref<32xi32, #tpu.memory_space<vmem>>
      %dma_wait3A_189 = arith.constant 0 : i32
      %dma_wait3A_190 = arith.constant 0 : i32
      %dma_wait3A_191 = tpu.memref_slice %arg2[%dma_wait3A_189, %dma_wait3A_190] : memref<10000x128xf32, #tpu.memory_space<hbm>> -> memref<10000x128xf32, #tpu.memory_space<hbm>>
      tpu.wait_indirect_dma semaphore(%arg15 : memref<!tpu.dma_semaphore, #tpu.memory_space<semaphore_mem>>) src(%dma_wait3A_191 : memref<10000x128xf32, #tpu.memory_space<hbm>>) dst(%dma_wait3A_186 : memref<32x128xf32, #tpu.memory_space<vmem>>)
      %dma_wait3A_192 = arith.constant 96 : i32
      %dma_wait3A_193 = arith.constant 0 : i32
      %dma_wait3A_194 = tpu.memref_slice %arg10[%dma_wait3A_192, %dma_wait3A_193] : memref<128x128xf32, #tpu.memory_space<vmem>> -> memref<32x128xf32, #tpu.memory_space<vmem>>
      %dma_wait3A_195 = arith.constant 96 : i32
      %dma_wait3A_196 = tpu.memref_slice %arg7[%dma_wait3A_195] : memref<128xi32, #tpu.memory_space<vmem>> -> memref<32xi32, #tpu.memory_space<vmem>>
      %dma_wait3A_197 = arith.constant 0 : i32
      %dma_wait3A_198 = arith.constant 0 : i32
      %dma_wait3A_199 = tpu.memref_slice %arg2[%dma_wait3A_197, %dma_wait3A_198] : memref<10000x128xf32, #tpu.memory_space<hbm>> -> memref<10000x128xf32, #tpu.memory_space<hbm>>
      tpu.wait_indirect_dma semaphore(%arg16 : memref<!tpu.dma_semaphore, #tpu.memory_space<semaphore_mem>>) src(%dma_wait3A_199 : memref<10000x128xf32, #tpu.memory_space<hbm>>) dst(%dma_wait3A_194 : memref<32x128xf32, #tpu.memory_space<vmem>>)
      %add3A_200 = arith.constant 2 : i32
      %add3A_201 = arith.addi %add3A_127, %add3A_200 : i32
      %rem3A = arith.constant 80 : i32
      %rem3A_202 = arith.remsi %add3A_201, %rem3A : i32
      %dma_start3A_203 = arith.constant 0 : i32
      %dma_start3A_204 = arith.constant 0 : i32
      %dma_start3A_205 = tpu.memref_slice %arg3[%arg0, %arg1, %rem3A_202, %dma_start3A_203, %dma_start3A_204] : memref<2x16x80x1x128xi32, #tpu.memory_space<hbm>> -> memref<1x1x1x1x128xi32, #tpu.memory_space<hbm>>
      %dma_start3A_206 = tpu.memref_squeeze %dma_start3A_205 : memref<1x1x1x1x128xi32, #tpu.memory_space<hbm>> -> memref<128xi32, #tpu.memory_space<hbm>>
      %dma_start3A_207 = arith.constant 0 : i32
      %dma_start3A_208 = tpu.memref_slice %arg3[%arg0, %arg1, %rem3A_202, %dma_start3A_203, %dma_start3A_207] : memref<2x16x80x1x128xi32, #tpu.memory_space<hbm>> -> memref<1x1x1x1x128xi32, #tpu.memory_space<hbm>>
      %dma_start3A_209 = tpu.memref_squeeze %dma_start3A_208 : memref<1x1x1x1x128xi32, #tpu.memory_space<hbm>> -> memref<128xi32, #tpu.memory_space<hbm>>
      tpu.enqueue_dma source(%dma_start3A_209 : memref<128xi32, #tpu.memory_space<hbm>>) target(%arg7 : memref<128xi32, #tpu.memory_space<vmem>>) target_semaphore(%arg21 : memref<!tpu.dma_semaphore, #tpu.memory_space<semaphore_mem>>)
      %get3A = arith.index_cast %add3A_127 : i32 to index
      %get3A_210 = arith.constant 0 : index
      %get3A_211 = tpu.vector_load %arg6[%get3A, %get3A_210] {strides = array<i32>} : memref<80x128xi32, #tpu.memory_space<vmem>>, vector<1x16xi32>,
      %get3A_212 = vector.shape_cast %get3A_211 : vector<1x16xi32> to vector<16xi32>
      %swap3A = arith.constant 0 : index
      %swap3A_213 = tpu.vector_load %arg9[%swap3A] {strides = array<i32>} : memref<128xi32, #tpu.memory_space<vmem>>, vector<16xi32>,
      %swap3A_214 = vector.shape_cast %swap3A_213 : vector<16xi32> to vector<16xi32>
      %swap3A_215 = vector.shape_cast %get3A_212 : vector<16xi32> to vector<16xi32>
      tpu.vector_store %arg9[%swap3A], %swap3A_215 {strides = array<i32>} : memref<128xi32, #tpu.memory_space<vmem>>, vector<16xi32>,
      %get3A_216 = arith.index_cast %add3A_127 : i32 to index
      %get3A_217 = arith.constant 16 : index
      %get3A_218 = tpu.vector_load %arg6[%get3A_216, %get3A_217] {strides = array<i32>} : memref<80x128xi32, #tpu.memory_space<vmem>>, vector<1x16xi32>,
      %get3A_219 = vector.shape_cast %get3A_218 : vector<1x16xi32> to vector<16xi32>
      %swap3A_220 = arith.constant 16 : index
      %swap3A_221 = tpu.vector_load %arg9[%swap3A_220] {strides = array<i32>} : memref<128xi32, #tpu.memory_space<vmem>>, vector<16xi32>,
      %swap3A_222 = vector.shape_cast %swap3A_221 : vector<16xi32> to vector<16xi32>
      %swap3A_223 = vector.shape_cast %get3A_219 : vector<16xi32> to vector<16xi32>
      tpu.vector_store %arg9[%swap3A_220], %swap3A_223 {strides = array<i32>} : memref<128xi32, #tpu.memory_space<vmem>>, vector<16xi32>,
      %get3A_224 = arith.index_cast %add3A_127 : i32 to index
      %get3A_225 = arith.constant 32 : index
      %get3A_226 = tpu.vector_load %arg6[%get3A_224, %get3A_225] {strides = array<i32>} : memref<80x128xi32, #tpu.memory_space<vmem>>, vector<1x16xi32>,
      %get3A_227 = vector.shape_cast %get3A_226 : vector<1x16xi32> to vector<16xi32>
      %swap3A_228 = arith.constant 32 : index
      %swap3A_229 = tpu.vector_load %arg9[%swap3A_228] {strides = array<i32>} : memref<128xi32, #tpu.memory_space<vmem>>, vector<16xi32>,
      %swap3A_230 = vector.shape_cast %swap3A_229 : vector<16xi32> to vector<16xi32>
      %swap3A_231 = vector.shape_cast %get3A_227 : vector<16xi32> to vector<16xi32>
      tpu.vector_store %arg9[%swap3A_228], %swap3A_231 {strides = array<i32>} : memref<128xi32, #tpu.memory_space<vmem>>, vector<16xi32>,
      %get3A_232 = arith.index_cast %add3A_127 : i32 to index
      %get3A_233 = arith.constant 48 : index
      %get3A_234 = tpu.vector_load %arg6[%get3A_232, %get3A_233] {strides = array<i32>} : memref<80x128xi32, #tpu.memory_space<vmem>>, vector<1x16xi32>,
      %get3A_235 = vector.shape_cast %get3A_234 : vector<1x16xi32> to vector<16xi32>
      %swap3A_236 = arith.constant 48 : index
      %swap3A_237 = tpu.vector_load %arg9[%swap3A_236] {strides = array<i32>} : memref<128xi32, #tpu.memory_space<vmem>>, vector<16xi32>,
      %swap3A_238 = vector.shape_cast %swap3A_237 : vector<16xi32> to vector<16xi32>
      %swap3A_239 = vector.shape_cast %get3A_235 : vector<16xi32> to vector<16xi32>
      tpu.vector_store %arg9[%swap3A_236], %swap3A_239 {strides = array<i32>} : memref<128xi32, #tpu.memory_space<vmem>>, vector<16xi32>,
      %get3A_240 = arith.index_cast %add3A_127 : i32 to index
      %get3A_241 = arith.constant 64 : index
      %get3A_242 = tpu.vector_load %arg6[%get3A_240, %get3A_241] {strides = array<i32>} : memref<80x128xi32, #tpu.memory_space<vmem>>, vector<1x16xi32>,
      %get3A_243 = vector.shape_cast %get3A_242 : vector<1x16xi32> to vector<16xi32>
      %swap3A_244 = arith.constant 64 : index
      %swap3A_245 = tpu.vector_load %arg9[%swap3A_244] {strides = array<i32>} : memref<128xi32, #tpu.memory_space<vmem>>, vector<16xi32>,
      %swap3A_246 = vector.shape_cast %swap3A_245 : vector<16xi32> to vector<16xi32>
      %swap3A_247 = vector.shape_cast %get3A_243 : vector<16xi32> to vector<16xi32>
      tpu.vector_store %arg9[%swap3A_244], %swap3A_247 {strides = array<i32>} : memref<128xi32, #tpu.memory_space<vmem>>, vector<16xi32>,
      %get3A_248 = arith.index_cast %add3A_127 : i32 to index
      %get3A_249 = arith.constant 80 : index
      %get3A_250 = tpu.vector_load %arg6[%get3A_248, %get3A_249] {strides = array<i32>} : memref<80x128xi32, #tpu.memory_space<vmem>>, vector<1x16xi32>,
      %get3A_251 = vector.shape_cast %get3A_250 : vector<1x16xi32> to vector<16xi32>
      %swap3A_252 = arith.constant 80 : index
      %swap3A_253 = tpu.vector_load %arg9[%swap3A_252] {strides = array<i32>} : memref<128xi32, #tpu.memory_space<vmem>>, vector<16xi32>,
      %swap3A_254 = vector.shape_cast %swap3A_253 : vector<16xi32> to vector<16xi32>
      %swap3A_255 = vector.shape_cast %get3A_251 : vector<16xi32> to vector<16xi32>
      tpu.vector_store %arg9[%swap3A_252], %swap3A_255 {strides = array<i32>} : memref<128xi32, #tpu.memory_space<vmem>>, vector<16xi32>,
      %get3A_256 = arith.index_cast %add3A_127 : i32 to index
      %get3A_257 = arith.constant 96 : index
      %get3A_258 = tpu.vector_load %arg6[%get3A_256, %get3A_257] {strides = array<i32>} : memref<80x128xi32, #tpu.memory_space<vmem>>, vector<1x16xi32>,
      %get3A_259 = vector.shape_cast %get3A_258 : vector<1x16xi32> to vector<16xi32>
      %swap3A_260 = arith.constant 96 : index
      %swap3A_261 = tpu.vector_load %arg9[%swap3A_260] {strides = array<i32>} : memref<128xi32, #tpu.memory_space<vmem>>, vector<16xi32>,
      %swap3A_262 = vector.shape_cast %swap3A_261 : vector<16xi32> to vector<16xi32>
      %swap3A_263 = vector.shape_cast %get3A_259 : vector<16xi32> to vector<16xi32>
      tpu.vector_store %arg9[%swap3A_260], %swap3A_263 {strides = array<i32>} : memref<128xi32, #tpu.memory_space<vmem>>, vector<16xi32>,
      %get3A_264 = arith.index_cast %add3A_127 : i32 to index
      %get3A_265 = arith.constant 112 : index
      %get3A_266 = tpu.vector_load %arg6[%get3A_264, %get3A_265] {strides = array<i32>} : memref<80x128xi32, #tpu.memory_space<vmem>>, vector<1x16xi32>,
      %get3A_267 = vector.shape_cast %get3A_266 : vector<1x16xi32> to vector<16xi32>
      %swap3A_268 = arith.constant 112 : index
      %swap3A_269 = tpu.vector_load %arg9[%swap3A_268] {strides = array<i32>} : memref<128xi32, #tpu.memory_space<vmem>>, vector<16xi32>,
      %swap3A_270 = vector.shape_cast %swap3A_269 : vector<16xi32> to vector<16xi32>
      %swap3A_271 = vector.shape_cast %get3A_267 : vector<16xi32> to vector<16xi32>
      tpu.vector_store %arg9[%swap3A_268], %swap3A_271 {strides = array<i32>} : memref<128xi32, #tpu.memory_space<vmem>>, vector<16xi32>,
      "tpu.region"() ({
        %run_scoped3A_424 = tpu.sem_alloc : memref<!tpu.dma_semaphore, #tpu.memory_space<semaphore_mem>>
        %dma_start3A_425 = arith.constant 0 : i32
        %dma_start3A_426 = arith.constant 0 : i32
        %dma_start3A_427 = tpu.memref_slice %arg12[%dma_start3A_425, %dma_start3A_426] : memref<10112x128xf32, #tpu.memory_space<vmem_shared>> -> memref<10112x128xf32, #tpu.memory_space<vmem_shared>>
        tpu.enqueue_indirect_dma source(%arg10 : memref<128x128xf32, #tpu.memory_space<vmem>>) target(%dma_start3A_427 : memref<10112x128xf32, #tpu.memory_space<vmem_shared>>) offsets(%arg9 : memref<128xi32, #tpu.memory_space<vmem>>) semaphore(%run_scoped3A_424 : memref<!tpu.dma_semaphore, #tpu.memory_space<semaphore_mem>>) {add = true}
        %dma_wait3A_428 = arith.constant 0 : i32
        %dma_wait3A_429 = arith.constant 0 : i32
        %dma_wait3A_430 = tpu.memref_slice %arg12[%dma_wait3A_428, %dma_wait3A_429] : memref<10112x128xf32, #tpu.memory_space<vmem_shared>> -> memref<10112x128xf32, #tpu.memory_space<vmem_shared>>
        tpu.wait_indirect_dma semaphore(%run_scoped3A_424 : memref<!tpu.dma_semaphore, #tpu.memory_space<semaphore_mem>>) src(%arg10 : memref<128x128xf32, #tpu.memory_space<vmem>>) dst(%dma_wait3A_430 : memref<10112x128xf32, #tpu.memory_space<vmem_shared>>)
        tpu.yield
      }) : () -> ()
      %mul3A_272 = arith.constant 2 : i32
      %mul3A_273 = arith.muli %mul3A_272, %scan3A_122 : i32
      %add3A_274 = arith.constant 1 : i32
      %add3A_275 = arith.addi %mul3A_273, %add3A_274 : i32
      %dma_wait3A_276 = arith.constant 0 : i32
      %dma_wait3A_277 = arith.constant 0 : i32
      %dma_wait3A_278 = arith.constant 0 : i32
      %dma_wait3A_279 = tpu.memref_slice %arg3[%arg0, %arg1, %dma_wait3A_276, %dma_wait3A_277, %dma_wait3A_278] : memref<2x16x80x1x128xi32, #tpu.memory_space<hbm>> -> memref<1x1x1x1x128xi32, #tpu.memory_space<hbm>>
      %dma_wait3A_280 = tpu.memref_squeeze %dma_wait3A_279 : memref<1x1x1x1x128xi32, #tpu.memory_space<hbm>> -> memref<128xi32, #tpu.memory_space<hbm>>
      %dma_wait3A_281 = arith.constant 0 : i32
      %dma_wait3A_282 = tpu.memref_slice %arg3[%arg0, %arg1, %dma_wait3A_276, %dma_wait3A_277, %dma_wait3A_281] : memref<2x16x80x1x128xi32, #tpu.memory_space<hbm>> -> memref<1x1x1x1x128xi32, #tpu.memory_space<hbm>>
      %dma_wait3A_283 = tpu.memref_squeeze %dma_wait3A_282 : memref<1x1x1x1x128xi32, #tpu.memory_space<hbm>> -> memref<128xi32, #tpu.memory_space<hbm>>
      tpu.wait_dma2 semaphore(%arg21 : memref<!tpu.dma_semaphore, #tpu.memory_space<semaphore_mem>>) src(%dma_wait3A_283 : memref<128xi32, #tpu.memory_space<hbm>>) dst(%arg7 : memref<128xi32, #tpu.memory_space<vmem>>)
      %dma_start3A_284 = arith.constant 0 : i32
      %dma_start3A_285 = arith.constant 0 : i32
      %dma_start3A_286 = tpu.memref_slice %arg10[%dma_start3A_284, %dma_start3A_285] : memref<128x128xf32, #tpu.memory_space<vmem>> -> memref<32x128xf32, #tpu.memory_space<vmem>>
      %dma_start3A_287 = arith.constant 0 : i32
      %dma_start3A_288 = tpu.memref_slice %arg7[%dma_start3A_287] : memref<128xi32, #tpu.memory_space<vmem>> -> memref<32xi32, #tpu.memory_space<vmem>>
      %dma_start3A_289 = arith.constant 0 : i32
      %dma_start3A_290 = arith.constant 0 : i32
      %dma_start3A_291 = tpu.memref_slice %arg2[%dma_start3A_289, %dma_start3A_290] : memref<10000x128xf32, #tpu.memory_space<hbm>> -> memref<10000x128xf32, #tpu.memory_space<hbm>>
      tpu.enqueue_indirect_dma source(%dma_start3A_291 : memref<10000x128xf32, #tpu.memory_space<hbm>>) target(%dma_start3A_286 : memref<32x128xf32, #tpu.memory_space<vmem>>) offsets(%dma_start3A_288 : memref<32xi32, #tpu.memory_space<vmem>>) semaphore(%arg13 : memref<!tpu.dma_semaphore, #tpu.memory_space<semaphore_mem>>)
      %dma_start3A_292 = arith.constant 32 : i32
      %dma_start3A_293 = arith.constant 0 : i32
      %dma_start3A_294 = tpu.memref_slice %arg10[%dma_start3A_292, %dma_start3A_293] : memref<128x128xf32, #tpu.memory_space<vmem>> -> memref<32x128xf32, #tpu.memory_space<vmem>>
      %dma_start3A_295 = arith.constant 32 : i32
      %dma_start3A_296 = tpu.memref_slice %arg7[%dma_start3A_295] : memref<128xi32, #tpu.memory_space<vmem>> -> memref<32xi32, #tpu.memory_space<vmem>>
      %dma_start3A_297 = arith.constant 0 : i32
      %dma_start3A_298 = arith.constant 0 : i32
      %dma_start3A_299 = tpu.memref_slice %arg2[%dma_start3A_297, %dma_start3A_298] : memref<10000x128xf32, #tpu.memory_space<hbm>> -> memref<10000x128xf32, #tpu.memory_space<hbm>>
      tpu.enqueue_indirect_dma source(%dma_start3A_299 : memref<10000x128xf32, #tpu.memory_space<hbm>>) target(%dma_start3A_294 : memref<32x128xf32, #tpu.memory_space<vmem>>) offsets(%dma_start3A_296 : memref<32xi32, #tpu.memory_space<vmem>>) semaphore(%arg14 : memref<!tpu.dma_semaphore, #tpu.memory_space<semaphore_mem>>)
      %dma_start3A_300 = arith.constant 64 : i32
      %dma_start3A_301 = arith.constant 0 : i32
      %dma_start3A_302 = tpu.memref_slice %arg10[%dma_start3A_300, %dma_start3A_301] : memref<128x128xf32, #tpu.memory_space<vmem>> -> memref<32x128xf32, #tpu.memory_space<vmem>>
      %dma_start3A_303 = arith.constant 64 : i32
      %dma_start3A_304 = tpu.memref_slice %arg7[%dma_start3A_303] : memref<128xi32, #tpu.memory_space<vmem>> -> memref<32xi32, #tpu.memory_space<vmem>>
      %dma_start3A_305 = arith.constant 0 : i32
      %dma_start3A_306 = arith.constant 0 : i32
      %dma_start3A_307 = tpu.memref_slice %arg2[%dma_start3A_305, %dma_start3A_306] : memref<10000x128xf32, #tpu.memory_space<hbm>> -> memref<10000x128xf32, #tpu.memory_space<hbm>>
      tpu.enqueue_indirect_dma source(%dma_start3A_307 : memref<10000x128xf32, #tpu.memory_space<hbm>>) target(%dma_start3A_302 : memref<32x128xf32, #tpu.memory_space<vmem>>) offsets(%dma_start3A_304 : memref<32xi32, #tpu.memory_space<vmem>>) semaphore(%arg15 : memref<!tpu.dma_semaphore, #tpu.memory_space<semaphore_mem>>)
      %dma_start3A_308 = arith.constant 96 : i32
      %dma_start3A_309 = arith.constant 0 : i32
      %dma_start3A_310 = tpu.memref_slice %arg10[%dma_start3A_308, %dma_start3A_309] : memref<128x128xf32, #tpu.memory_space<vmem>> -> memref<32x128xf32, #tpu.memory_space<vmem>>
      %dma_start3A_311 = arith.constant 96 : i32
      %dma_start3A_312 = tpu.memref_slice %arg7[%dma_start3A_311] : memref<128xi32, #tpu.memory_space<vmem>> -> memref<32xi32, #tpu.memory_space<vmem>>
      %dma_start3A_313 = arith.constant 0 : i32
      %dma_start3A_314 = arith.constant 0 : i32
      %dma_start3A_315 = tpu.memref_slice %arg2[%dma_start3A_313, %dma_start3A_314] : memref<10000x128xf32, #tpu.memory_space<hbm>> -> memref<10000x128xf32, #tpu.memory_space<hbm>>
      tpu.enqueue_indirect_dma source(%dma_start3A_315 : memref<10000x128xf32, #tpu.memory_space<hbm>>) target(%dma_start3A_310 : memref<32x128xf32, #tpu.memory_space<vmem>>) offsets(%dma_start3A_312 : memref<32xi32, #tpu.memory_space<vmem>>) semaphore(%arg16 : memref<!tpu.dma_semaphore, #tpu.memory_space<semaphore_mem>>)
      %dma_wait3A_316 = arith.constant 0 : i32
      %dma_wait3A_317 = arith.constant 0 : i32
      %dma_wait3A_318 = tpu.memref_slice %arg11[%dma_wait3A_316, %dma_wait3A_317] : memref<128x128xf32, #tpu.memory_space<vmem>> -> memref<32x128xf32, #tpu.memory_space<vmem>>
      %dma_wait3A_319 = arith.constant 0 : i32
      %dma_wait3A_320 = tpu.memref_slice %arg8[%dma_wait3A_319] : memref<128xi32, #tpu.memory_space<vmem>> -> memref<32xi32, #tpu.memory_space<vmem>>
      %dma_wait3A_321 = arith.constant 0 : i32
      %dma_wait3A_322 = arith.constant 0 : i32
      %dma_wait3A_323 = tpu.memref_slice %arg2[%dma_wait3A_321, %dma_wait3A_322] : memref<10000x128xf32, #tpu.memory_space<hbm>> -> memref<10000x128xf32, #tpu.memory_space<hbm>>
      tpu.wait_indirect_dma semaphore(%arg17 : memref<!tpu.dma_semaphore, #tpu.memory_space<semaphore_mem>>) src(%dma_wait3A_323 : memref<10000x128xf32, #tpu.memory_space<hbm>>) dst(%dma_wait3A_318 : memref<32x128xf32, #tpu.memory_space<vmem>>)
      %dma_wait3A_324 = arith.constant 32 : i32
      %dma_wait3A_325 = arith.constant 0 : i32
      %dma_wait3A_326 = tpu.memref_slice %arg11[%dma_wait3A_324, %dma_wait3A_325] : memref<128x128xf32, #tpu.memory_space<vmem>> -> memref<32x128xf32, #tpu.memory_space<vmem>>
      %dma_wait3A_327 = arith.constant 32 : i32
      %dma_wait3A_328 = tpu.memref_slice %arg8[%dma_wait3A_327] : memref<128xi32, #tpu.memory_space<vmem>> -> memref<32xi32, #tpu.memory_space<vmem>>
      %dma_wait3A_329 = arith.constant 0 : i32
      %dma_wait3A_330 = arith.constant 0 : i32
      %dma_wait3A_331 = tpu.memref_slice %arg2[%dma_wait3A_329, %dma_wait3A_330] : memref<10000x128xf32, #tpu.memory_space<hbm>> -> memref<10000x128xf32, #tpu.memory_space<hbm>>
      tpu.wait_indirect_dma semaphore(%arg18 : memref<!tpu.dma_semaphore, #tpu.memory_space<semaphore_mem>>) src(%dma_wait3A_331 : memref<10000x128xf32, #tpu.memory_space<hbm>>) dst(%dma_wait3A_326 : memref<32x128xf32, #tpu.memory_space<vmem>>)
      %dma_wait3A_332 = arith.constant 64 : i32
      %dma_wait3A_333 = arith.constant 0 : i32
      %dma_wait3A_334 = tpu.memref_slice %arg11[%dma_wait3A_332, %dma_wait3A_333] : memref<128x128xf32, #tpu.memory_space<vmem>> -> memref<32x128xf32, #tpu.memory_space<vmem>>
      %dma_wait3A_335 = arith.constant 64 : i32
      %dma_wait3A_336 = tpu.memref_slice %arg8[%dma_wait3A_335] : memref<128xi32, #tpu.memory_space<vmem>> -> memref<32xi32, #tpu.memory_space<vmem>>
      %dma_wait3A_337 = arith.constant 0 : i32
      %dma_wait3A_338 = arith.constant 0 : i32
      %dma_wait3A_339 = tpu.memref_slice %arg2[%dma_wait3A_337, %dma_wait3A_338] : memref<10000x128xf32, #tpu.memory_space<hbm>> -> memref<10000x128xf32, #tpu.memory_space<hbm>>
      tpu.wait_indirect_dma semaphore(%arg19 : memref<!tpu.dma_semaphore, #tpu.memory_space<semaphore_mem>>) src(%dma_wait3A_339 : memref<10000x128xf32, #tpu.memory_space<hbm>>) dst(%dma_wait3A_334 : memref<32x128xf32, #tpu.memory_space<vmem>>)
      %dma_wait3A_340 = arith.constant 96 : i32
      %dma_wait3A_341 = arith.constant 0 : i32
      %dma_wait3A_342 = tpu.memref_slice %arg11[%dma_wait3A_340, %dma_wait3A_341] : memref<128x128xf32, #tpu.memory_space<vmem>> -> memref<32x128xf32, #tpu.memory_space<vmem>>
      %dma_wait3A_343 = arith.constant 96 : i32
      %dma_wait3A_344 = tpu.memref_slice %arg8[%dma_wait3A_343] : memref<128xi32, #tpu.memory_space<vmem>> -> memref<32xi32, #tpu.memory_space<vmem>>
      %dma_wait3A_345 = arith.constant 0 : i32
      %dma_wait3A_346 = arith.constant 0 : i32
      %dma_wait3A_347 = tpu.memref_slice %arg2[%dma_wait3A_345, %dma_wait3A_346] : memref<10000x128xf32, #tpu.memory_space<hbm>> -> memref<10000x128xf32, #tpu.memory_space<hbm>>
      tpu.wait_indirect_dma semaphore(%arg20 : memref<!tpu.dma_semaphore, #tpu.memory_space<semaphore_mem>>) src(%dma_wait3A_347 : memref<10000x128xf32, #tpu.memory_space<hbm>>) dst(%dma_wait3A_342 : memref<32x128xf32, #tpu.memory_space<vmem>>)
      %add3A_348 = arith.constant 2 : i32
      %add3A_349 = arith.addi %add3A_275, %add3A_348 : i32
      %rem3A_350 = arith.constant 80 : i32
      %rem3A_351 = arith.remsi %add3A_349, %rem3A_350 : i32
      %dma_start3A_352 = arith.constant 0 : i32
      %dma_start3A_353 = arith.constant 0 : i32
      %dma_start3A_354 = tpu.memref_slice %arg3[%arg0, %arg1, %rem3A_351, %dma_start3A_352, %dma_start3A_353] : memref<2x16x80x1x128xi32, #tpu.memory_space<hbm>> -> memref<1x1x1x1x128xi32, #tpu.memory_space<hbm>>
      %dma_start3A_355 = tpu.memref_squeeze %dma_start3A_354 : memref<1x1x1x1x128xi32, #tpu.memory_space<hbm>> -> memref<128xi32, #tpu.memory_space<hbm>>
      %dma_start3A_356 = arith.constant 0 : i32
      %dma_start3A_357 = tpu.memref_slice %arg3[%arg0, %arg1, %rem3A_351, %dma_start3A_352, %dma_start3A_356] : memref<2x16x80x1x128xi32, #tpu.memory_space<hbm>> -> memref<1x1x1x1x128xi32, #tpu.memory_space<hbm>>
      %dma_start3A_358 = tpu.memref_squeeze %dma_start3A_357 : memref<1x1x1x1x128xi32, #tpu.memory_space<hbm>> -> memref<128xi32, #tpu.memory_space<hbm>>
      tpu.enqueue_dma source(%dma_start3A_358 : memref<128xi32, #tpu.memory_space<hbm>>) target(%arg8 : memref<128xi32, #tpu.memory_space<vmem>>) target_semaphore(%arg22 : memref<!tpu.dma_semaphore, #tpu.memory_space<semaphore_mem>>)
      %get3A_359 = arith.index_cast %add3A_275 : i32 to index
      %get3A_360 = arith.constant 0 : index
      %get3A_361 = tpu.vector_load %arg6[%get3A_359, %get3A_360] {strides = array<i32>} : memref<80x128xi32, #tpu.memory_space<vmem>>, vector<1x16xi32>,
      %get3A_362 = vector.shape_cast %get3A_361 : vector<1x16xi32> to vector<16xi32>
      %swap3A_363 = arith.constant 0 : index
      %swap3A_364 = tpu.vector_load %arg9[%swap3A_363] {strides = array<i32>} : memref<128xi32, #tpu.memory_space<vmem>>, vector<16xi32>,
      %swap3A_365 = vector.shape_cast %swap3A_364 : vector<16xi32> to vector<16xi32>
      %swap3A_366 = vector.shape_cast %get3A_362 : vector<16xi32> to vector<16xi32>
      tpu.vector_store %arg9[%swap3A_363], %swap3A_366 {strides = array<i32>} : memref<128xi32, #tpu.memory_space<vmem>>, vector<16xi32>,
      %get3A_367 = arith.index_cast %add3A_275 : i32 to index
      %get3A_368 = arith.constant 16 : index
      %get3A_369 = tpu.vector_load %arg6[%get3A_367, %get3A_368] {strides = array<i32>} : memref<80x128xi32, #tpu.memory_space<vmem>>, vector<1x16xi32>,
      %get3A_370 = vector.shape_cast %get3A_369 : vector<1x16xi32> to vector<16xi32>
      %swap3A_371 = arith.constant 16 : index
      %swap3A_372 = tpu.vector_load %arg9[%swap3A_371] {strides = array<i32>} : memref<128xi32, #tpu.memory_space<vmem>>, vector<16xi32>,
      %swap3A_373 = vector.shape_cast %swap3A_372 : vector<16xi32> to vector<16xi32>
      %swap3A_374 = vector.shape_cast %get3A_370 : vector<16xi32> to vector<16xi32>
      tpu.vector_store %arg9[%swap3A_371], %swap3A_374 {strides = array<i32>} : memref<128xi32, #tpu.memory_space<vmem>>, vector<16xi32>,
      %get3A_375 = arith.index_cast %add3A_275 : i32 to index
      %get3A_376 = arith.constant 32 : index
      %get3A_377 = tpu.vector_load %arg6[%get3A_375, %get3A_376] {strides = array<i32>} : memref<80x128xi32, #tpu.memory_space<vmem>>, vector<1x16xi32>,
      %get3A_378 = vector.shape_cast %get3A_377 : vector<1x16xi32> to vector<16xi32>
      %swap3A_379 = arith.constant 32 : index
      %swap3A_380 = tpu.vector_load %arg9[%swap3A_379] {strides = array<i32>} : memref<128xi32, #tpu.memory_space<vmem>>, vector<16xi32>,
      %swap3A_381 = vector.shape_cast %swap3A_380 : vector<16xi32> to vector<16xi32>
      %swap3A_382 = vector.shape_cast %get3A_378 : vector<16xi32> to vector<16xi32>
      tpu.vector_store %arg9[%swap3A_379], %swap3A_382 {strides = array<i32>} : memref<128xi32, #tpu.memory_space<vmem>>, vector<16xi32>,
      %get3A_383 = arith.index_cast %add3A_275 : i32 to index
      %get3A_384 = arith.constant 48 : index
      %get3A_385 = tpu.vector_load %arg6[%get3A_383, %get3A_384] {strides = array<i32>} : memref<80x128xi32, #tpu.memory_space<vmem>>, vector<1x16xi32>,
      %get3A_386 = vector.shape_cast %get3A_385 : vector<1x16xi32> to vector<16xi32>
      %swap3A_387 = arith.constant 48 : index
      %swap3A_388 = tpu.vector_load %arg9[%swap3A_387] {strides = array<i32>} : memref<128xi32, #tpu.memory_space<vmem>>, vector<16xi32>,
      %swap3A_389 = vector.shape_cast %swap3A_388 : vector<16xi32> to vector<16xi32>
      %swap3A_390 = vector.shape_cast %get3A_386 : vector<16xi32> to vector<16xi32>
      tpu.vector_store %arg9[%swap3A_387], %swap3A_390 {strides = array<i32>} : memref<128xi32, #tpu.memory_space<vmem>>, vector<16xi32>,
      %get3A_391 = arith.index_cast %add3A_275 : i32 to index
      %get3A_392 = arith.constant 64 : index
      %get3A_393 = tpu.vector_load %arg6[%get3A_391, %get3A_392] {strides = array<i32>} : memref<80x128xi32, #tpu.memory_space<vmem>>, vector<1x16xi32>,
      %get3A_394 = vector.shape_cast %get3A_393 : vector<1x16xi32> to vector<16xi32>
      %swap3A_395 = arith.constant 64 : index
      %swap3A_396 = tpu.vector_load %arg9[%swap3A_395] {strides = array<i32>} : memref<128xi32, #tpu.memory_space<vmem>>, vector<16xi32>,
      %swap3A_397 = vector.shape_cast %swap3A_396 : vector<16xi32> to vector<16xi32>
      %swap3A_398 = vector.shape_cast %get3A_394 : vector<16xi32> to vector<16xi32>
      tpu.vector_store %arg9[%swap3A_395], %swap3A_398 {strides = array<i32>} : memref<128xi32, #tpu.memory_space<vmem>>, vector<16xi32>,
      %get3A_399 = arith.index_cast %add3A_275 : i32 to index
      %get3A_400 = arith.constant 80 : index
      %get3A_401 = tpu.vector_load %arg6[%get3A_399, %get3A_400] {strides = array<i32>} : memref<80x128xi32, #tpu.memory_space<vmem>>, vector<1x16xi32>,
      %get3A_402 = vector.shape_cast %get3A_401 : vector<1x16xi32> to vector<16xi32>
      %swap3A_403 = arith.constant 80 : index
      %swap3A_404 = tpu.vector_load %arg9[%swap3A_403] {strides = array<i32>} : memref<128xi32, #tpu.memory_space<vmem>>, vector<16xi32>,
      %swap3A_405 = vector.shape_cast %swap3A_404 : vector<16xi32> to vector<16xi32>
      %swap3A_406 = vector.shape_cast %get3A_402 : vector<16xi32> to vector<16xi32>
      tpu.vector_store %arg9[%swap3A_403], %swap3A_406 {strides = array<i32>} : memref<128xi32, #tpu.memory_space<vmem>>, vector<16xi32>,
      %get3A_407 = arith.index_cast %add3A_275 : i32 to index
      %get3A_408 = arith.constant 96 : index
      %get3A_409 = tpu.vector_load %arg6[%get3A_407, %get3A_408] {strides = array<i32>} : memref<80x128xi32, #tpu.memory_space<vmem>>, vector<1x16xi32>,
      %get3A_410 = vector.shape_cast %get3A_409 : vector<1x16xi32> to vector<16xi32>
      %swap3A_411 = arith.constant 96 : index
      %swap3A_412 = tpu.vector_load %arg9[%swap3A_411] {strides = array<i32>} : memref<128xi32, #tpu.memory_space<vmem>>, vector<16xi32>,
      %swap3A_413 = vector.shape_cast %swap3A_412 : vector<16xi32> to vector<16xi32>
      %swap3A_414 = vector.shape_cast %get3A_410 : vector<16xi32> to vector<16xi32>
      tpu.vector_store %arg9[%swap3A_411], %swap3A_414 {strides = array<i32>} : memref<128xi32, #tpu.memory_space<vmem>>, vector<16xi32>,
      %get3A_415 = arith.index_cast %add3A_275 : i32 to index
      %get3A_416 = arith.constant 112 : index
      %get3A_417 = tpu.vector_load %arg6[%get3A_415, %get3A_416] {strides = array<i32>} : memref<80x128xi32, #tpu.memory_space<vmem>>, vector<1x16xi32>,
      %get3A_418 = vector.shape_cast %get3A_417 : vector<1x16xi32> to vector<16xi32>
      %swap3A_419 = arith.constant 112 : index
      %swap3A_420 = tpu.vector_load %arg9[%swap3A_419] {strides = array<i32>} : memref<128xi32, #tpu.memory_space<vmem>>, vector<16xi32>,
      %swap3A_421 = vector.shape_cast %swap3A_420 : vector<16xi32> to vector<16xi32>
      %swap3A_422 = vector.shape_cast %get3A_418 : vector<16xi32> to vector<16xi32>
      tpu.vector_store %arg9[%swap3A_419], %swap3A_422 {strides = array<i32>} : memref<128xi32, #tpu.memory_space<vmem>>, vector<16xi32>,
      "tpu.region"() ({
        %run_scoped3A_424 = tpu.sem_alloc : memref<!tpu.dma_semaphore, #tpu.memory_space<semaphore_mem>>
        %dma_start3A_425 = arith.constant 0 : i32
        %dma_start3A_426 = arith.constant 0 : i32
        %dma_start3A_427 = tpu.memref_slice %arg12[%dma_start3A_425, %dma_start3A_426] : memref<10112x128xf32, #tpu.memory_space<vmem_shared>> -> memref<10112x128xf32, #tpu.memory_space<vmem_shared>>
        tpu.enqueue_indirect_dma source(%arg11 : memref<128x128xf32, #tpu.memory_space<vmem>>) target(%dma_start3A_427 : memref<10112x128xf32, #tpu.memory_space<vmem_shared>>) offsets(%arg9 : memref<128xi32, #tpu.memory_space<vmem>>) semaphore(%run_scoped3A_424 : memref<!tpu.dma_semaphore, #tpu.memory_space<semaphore_mem>>) {add = true}
        %dma_wait3A_428 = arith.constant 0 : i32
        %dma_wait3A_429 = arith.constant 0 : i32
        %dma_wait3A_430 = tpu.memref_slice %arg12[%dma_wait3A_428, %dma_wait3A_429] : memref<10112x128xf32, #tpu.memory_space<vmem_shared>> -> memref<10112x128xf32, #tpu.memory_space<vmem_shared>>
        tpu.wait_indirect_dma semaphore(%run_scoped3A_424 : memref<!tpu.dma_semaphore, #tpu.memory_space<semaphore_mem>>) src(%arg11 : memref<128x128xf32, #tpu.memory_space<vmem>>) dst(%dma_wait3A_430 : memref<10112x128xf32, #tpu.memory_space<vmem_shared>>)
        tpu.yield
      }) : () -> ()
      %scan3A_423 = arith.constant 0 : i32
      scf.yield %scan3A_423 : i32
    }
    %scan3A_77 = arith.constant 40 : i32
    %dma_wait3A = arith.constant 0 : i32
    %dma_wait3A_78 = arith.constant 0 : i32
    %dma_wait3A_79 = tpu.memref_slice %arg10[%dma_wait3A, %dma_wait3A_78] : memref<128x128xf32, #tpu.memory_space<vmem>> -> memref<32x128xf32, #tpu.memory_space<vmem>>
    %dma_wait3A_80 = arith.constant 0 : i32
    %dma_wait3A_81 = tpu.memref_slice %arg7[%dma_wait3A_80] : memref<128xi32, #tpu.memory_space<vmem>> -> memref<32xi32, #tpu.memory_space<vmem>>
    %dma_wait3A_82 = arith.constant 0 : i32
    %dma_wait3A_83 = arith.constant 0 : i32
    %dma_wait3A_84 = tpu.memref_slice %arg2[%dma_wait3A_82, %dma_wait3A_83] : memref<10000x128xf32, #tpu.memory_space<hbm>> -> memref<10000x128xf32, #tpu.memory_space<hbm>>
    tpu.wait_indirect_dma semaphore(%arg13 : memref<!tpu.dma_semaphore, #tpu.memory_space<semaphore_mem>>) src(%dma_wait3A_84 : memref<10000x128xf32, #tpu.memory_space<hbm>>) dst(%dma_wait3A_79 : memref<32x128xf32, #tpu.memory_space<vmem>>)
    %dma_wait3A_85 = arith.constant 32 : i32
    %dma_wait3A_86 = arith.constant 0 : i32
    %dma_wait3A_87 = tpu.memref_slice %arg10[%dma_wait3A_85, %dma_wait3A_86] : memref<128x128xf32, #tpu.memory_space<vmem>> -> memref<32x128xf32, #tpu.memory_space<vmem>>
    %dma_wait3A_88 = arith.constant 32 : i32
    %dma_wait3A_89 = tpu.memref_slice %arg7[%dma_wait3A_88] : memref<128xi32, #tpu.memory_space<vmem>> -> memref<32xi32, #tpu.memory_space<vmem>>
    %dma_wait3A_90 = arith.constant 0 : i32
    %dma_wait3A_91 = arith.constant 0 : i32
    %dma_wait3A_92 = tpu.memref_slice %arg2[%dma_wait3A_90, %dma_wait3A_91] : memref<10000x128xf32, #tpu.memory_space<hbm>> -> memref<10000x128xf32, #tpu.memory_space<hbm>>
    tpu.wait_indirect_dma semaphore(%arg14 : memref<!tpu.dma_semaphore, #tpu.memory_space<semaphore_mem>>) src(%dma_wait3A_92 : memref<10000x128xf32, #tpu.memory_space<hbm>>) dst(%dma_wait3A_87 : memref<32x128xf32, #tpu.memory_space<vmem>>)
    %dma_wait3A_93 = arith.constant 64 : i32
    %dma_wait3A_94 = arith.constant 0 : i32
    %dma_wait3A_95 = tpu.memref_slice %arg10[%dma_wait3A_93, %dma_wait3A_94] : memref<128x128xf32, #tpu.memory_space<vmem>> -> memref<32x128xf32, #tpu.memory_space<vmem>>
    %dma_wait3A_96 = arith.constant 64 : i32
    %dma_wait3A_97 = tpu.memref_slice %arg7[%dma_wait3A_96] : memref<128xi32, #tpu.memory_space<vmem>> -> memref<32xi32, #tpu.memory_space<vmem>>
    %dma_wait3A_98 = arith.constant 0 : i32
    %dma_wait3A_99 = arith.constant 0 : i32
    %dma_wait3A_100 = tpu.memref_slice %arg2[%dma_wait3A_98, %dma_wait3A_99] : memref<10000x128xf32, #tpu.memory_space<hbm>> -> memref<10000x128xf32, #tpu.memory_space<hbm>>
    tpu.wait_indirect_dma semaphore(%arg15 : memref<!tpu.dma_semaphore, #tpu.memory_space<semaphore_mem>>) src(%dma_wait3A_100 : memref<10000x128xf32, #tpu.memory_space<hbm>>) dst(%dma_wait3A_95 : memref<32x128xf32, #tpu.memory_space<vmem>>)
    %dma_wait3A_101 = arith.constant 96 : i32
    %dma_wait3A_102 = arith.constant 0 : i32
    %dma_wait3A_103 = tpu.memref_slice %arg10[%dma_wait3A_101, %dma_wait3A_102] : memref<128x128xf32, #tpu.memory_space<vmem>> -> memref<32x128xf32, #tpu.memory_space<vmem>>
    %dma_wait3A_104 = arith.constant 96 : i32
    %dma_wait3A_105 = tpu.memref_slice %arg7[%dma_wait3A_104] : memref<128xi32, #tpu.memory_space<vmem>> -> memref<32xi32, #tpu.memory_space<vmem>>
    %dma_wait3A_106 = arith.constant 0 : i32
    %dma_wait3A_107 = arith.constant 0 : i32
    %dma_wait3A_108 = tpu.memref_slice %arg2[%dma_wait3A_106, %dma_wait3A_107] : memref<10000x128xf32, #tpu.memory_space<hbm>> -> memref<10000x128xf32, #tpu.memory_space<hbm>>
    tpu.wait_indirect_dma semaphore(%arg16 : memref<!tpu.dma_semaphore, #tpu.memory_space<semaphore_mem>>) src(%dma_wait3A_108 : memref<10000x128xf32, #tpu.memory_space<hbm>>) dst(%dma_wait3A_103 : memref<32x128xf32, #tpu.memory_space<vmem>>)
    %dma_wait3A_109 = arith.constant 0 : i32
    %dma_wait3A_110 = arith.constant 0 : i32
    %dma_wait3A_111 = arith.constant 0 : i32
    %dma_wait3A_112 = tpu.memref_slice %arg3[%arg0, %arg1, %dma_wait3A_109, %dma_wait3A_110, %dma_wait3A_111] : memref<2x16x80x1x128xi32, #tpu.memory_space<hbm>> -> memref<1x1x1x1x128xi32, #tpu.memory_space<hbm>>
    %dma_wait3A_113 = tpu.memref_squeeze %dma_wait3A_112 : memref<1x1x1x1x128xi32, #tpu.memory_space<hbm>> -> memref<128xi32, #tpu.memory_space<hbm>>
    %dma_wait3A_114 = arith.constant 0 : i32
    %dma_wait3A_115 = tpu.memref_slice %arg3[%arg0, %arg1, %dma_wait3A_109, %dma_wait3A_110, %dma_wait3A_114] : memref<2x16x80x1x128xi32, #tpu.memory_space<hbm>> -> memref<1x1x1x1x128xi32, #tpu.memory_space<hbm>>
    %dma_wait3A_116 = tpu.memref_squeeze %dma_wait3A_115 : memref<1x1x1x1x128xi32, #tpu.memory_space<hbm>> -> memref<128xi32, #tpu.memory_space<hbm>>
    tpu.wait_dma2 semaphore(%arg22 : memref<!tpu.dma_semaphore, #tpu.memory_space<semaphore_mem>>) src(%dma_wait3A_116 : memref<128xi32, #tpu.memory_space<hbm>>) dst(%arg8 : memref<128xi32, #tpu.memory_space<vmem>>)
    %barrier3A_117 = arith.constant 0 : index
    tpu.barrier barrier_id(%barrier3A_117)
    %mul3A_118 = arith.constant 632 : i32
    %mul3A_119 = arith.muli %arg1, %mul3A_118 : i32
    %mul3A_120 = arith.constant 632 : i32
    %mul3A_121 = arith.muli %arg1, %mul3A_120 : i32
    "tpu.region"() ({
      %run_scoped3A_122 = tpu.sem_alloc : memref<!tpu.dma_semaphore, #tpu.memory_space<semaphore_mem>>
      %dma_start3A_123 = arith.constant 0 : i32
      %dma_start3A_124 = tpu.memref_slice %arg5[%arg0, %mul3A_121, %dma_start3A_123] : memref<2x10112x128xf32, #tpu.memory_space<hbm>> -> memref<1x632x128xf32, #tpu.memory_space<hbm>>
      %dma_start3A_125 = tpu.memref_squeeze %dma_start3A_124 : memref<1x632x128xf32, #tpu.memory_space<hbm>> -> memref<632x128xf32, #tpu.memory_space<hbm>>
      %dma_start3A_126 = arith.constant 0 : i32
      %dma_start3A_127 = tpu.memref_slice %arg12[%mul3A_119, %dma_start3A_126] : memref<10112x128xf32, #tpu.memory_space<vmem_shared>> -> memref<632x128xf32, #tpu.memory_space<vmem_shared>>
      tpu.enqueue_dma source(%dma_start3A_127 : memref<632x128xf32, #tpu.memory_space<vmem_shared>>) target(%dma_start3A_125 : memref<632x128xf32, #tpu.memory_space<hbm>>) target_semaphore(%run_scoped3A_122 : memref<!tpu.dma_semaphore, #tpu.memory_space<semaphore_mem>>)
      %dma_wait3A_128 = arith.constant 0 : i32
      %dma_wait3A_129 = tpu.memref_slice %arg5[%arg0, %mul3A_121, %dma_wait3A_128] : memref<2x10112x128xf32, #tpu.memory_space<hbm>> -> memref<1x632x128xf32, #tpu.memory_space<hbm>>
      %dma_wait3A_130 = tpu.memref_squeeze %dma_wait3A_129 : memref<1x632x128xf32, #tpu.memory_space<hbm>> -> memref<632x128xf32, #tpu.memory_space<hbm>>
      %dma_wait3A_131 = arith.constant 0 : i32
      %dma_wait3A_132 = tpu.memref_slice %arg12[%mul3A_119, %dma_wait3A_131] : memref<10112x128xf32, #tpu.memory_space<vmem_shared>> -> memref<632x128xf32, #tpu.memory_space<vmem_shared>>
      tpu.wait_dma2 semaphore(%run_scoped3A_122 : memref<!tpu.dma_semaphore, #tpu.memory_space<semaphore_mem>>) src(%dma_wait3A_132 : memref<632x128xf32, #tpu.memory_space<vmem_shared>>) dst(%dma_wait3A_130 : memref<632x128xf32, #tpu.memory_space<hbm>>)
      tpu.yield
    }) : () -> ()
    return
  }
}

module attributes {stable_mosaic.version = 14 : i64} {
  func.func @_prologue_body(%arg0: i32, %arg1: memref<1000x128xf32, #tpu.memory_space<vmem>>, %arg2: memref<2x1000x128xf32, #tpu.memory_space<vmem>>, %arg3: memref<128x128xf32, #tpu.memory_space<vmem>>, %arg4: memref<1000x128xf32, #tpu.memory_space<vmem>>) attributes {dimension_semantics = [#tpu.dimension_semantics<arbitrary>], iteration_bounds = array<i64: 10>, scalar_prefetch = 0 : i64, scratch_operands = 0 : i64, tpu.core_type = #tpu.core_type<tc>, window_params = [{transform_indices = @transform_0, window_bounds = array<i64: 1000, 128>}, {transform_indices = @transform_1, window_bounds = array<i64: 2, 1000, 128>}, {pipeline_mode = #tpu.pipeline_mode<synchronous>, transform_indices = @transform_2, window_bounds = array<i64: 128, 128>}, {transform_indices = @transform_3, window_bounds = array<i64: 1000, 128>}]} {
    %get3A = arith.constant 0 : index
    %get3A_0 = arith.constant 0 : index
    %get3A_1 = arith.constant 0 : index
    %get3A_2 = vector.load %arg2[%get3A, %get3A_0, %get3A_1] : memref<2x1000x128xf32, #tpu.memory_space<vmem>>, vector<1x1000x128xf32>
    %get3A_3 = vector.shape_cast %get3A_2 : vector<1x1000x128xf32> to vector<1000x128xf32>
    %slice3A = vector.extract_strided_slice %get3A_3 {offsets = [0, 0], sizes = [1000, 1], strides = [1, 1]} : vector<1000x128xf32> to vector<1000x1xf32>
    %get3A_4 = arith.constant 1 : index
    %get3A_5 = arith.constant 0 : index
    %get3A_6 = arith.constant 0 : index
    %get3A_7 = vector.load %arg2[%get3A_4, %get3A_5, %get3A_6] : memref<2x1000x128xf32, #tpu.memory_space<vmem>>, vector<1x1000x128xf32>
    %get3A_8 = vector.shape_cast %get3A_7 : vector<1x1000x128xf32> to vector<1000x128xf32>
    %slice3A_9 = vector.extract_strided_slice %get3A_8 {offsets = [0, 0], sizes = [1000, 1], strides = [1, 1]} : vector<1000x128xf32> to vector<1000x1xf32>
    %add3A = arith.addf %slice3A, %slice3A_9 : vector<1000x1xf32>
    %add3A_10 = arith.constant 1.000000e+00 : f32
    %add3A_11 = vector.broadcast %add3A_10 : f32 to vector<1000x1xf32>
    %add3A_12 = arith.addf %add3A, %add3A_11 : vector<1000x1xf32>
    %rsqrt3A = math.rsqrt %add3A_12 : vector<1000x1xf32>
    %get3A_13 = arith.constant 0 : index
    %get3A_14 = arith.constant 0 : index
    %get3A_15 = vector.load %arg1[%get3A_13, %get3A_14] : memref<1000x128xf32, #tpu.memory_space<vmem>>, vector<1000x128xf32>
    %get3A_16 = arith.constant 0 : index
    %get3A_17 = arith.constant 0 : index
    %get3A_18 = vector.load %arg3[%get3A_16, %get3A_17] : memref<128x128xf32, #tpu.memory_space<vmem>>, vector<128x128xf32>
    %dot_general3A = arith.constant dense<0.000000e+00> : vector<1000x128xf32>
    %dot_general3A_19 = tpu.matmul %get3A_15, %get3A_18, %dot_general3A {dimension_numbers = #tpu.dot_dimension_numbers<[1], [0], [0], [1], [0, 0, 1, 1], [], []>, transpose_lhs_hint = false} : vector<1000x128xf32>, vector<128x128xf32>, vector<1000x128xf32> -> vector<1000x128xf32>
    %mul3A = vector.broadcast %rsqrt3A : vector<1000x1xf32> to vector<1000x128xf32>
    %mul3A_20 = arith.mulf %mul3A, %dot_general3A_19 : vector<1000x128xf32>
    %swap3A = arith.constant 0 : index
    %swap3A_21 = arith.constant 0 : index
    %swap3A_22 = vector.load %arg4[%swap3A, %swap3A_21] : memref<1000x128xf32, #tpu.memory_space<vmem>>, vector<1000x128xf32>
    tpu.vector_store %arg4[%swap3A, %swap3A_21], %mul3A_20 {strides = array<i32>} : memref<1000x128xf32, #tpu.memory_space<vmem>>, vector<1000x128xf32>,
    return
  }
  func.func @transform_0(%arg0: i32) -> (i32, i32) {
    %c0_i32 = arith.constant 0 : i32
    %c0_i32_0 = arith.constant 0 : i32
    return %arg0, %c0_i32 : i32, i32
  }
  func.func @transform_1(%arg0: i32) -> (i32, i32, i32) {
    %c0_i32 = arith.constant 0 : i32
    %c0_i32_0 = arith.constant 0 : i32
    %c0_i32_1 = arith.constant 0 : i32
    return %c0_i32, %arg0, %c0_i32_0 : i32, i32, i32
  }
  func.func @transform_2(%arg0: i32) -> (i32, i32) {
    %c0_i32 = arith.constant 0 : i32
    %c0_i32_0 = arith.constant 0 : i32
    %c0_i32_1 = arith.constant 0 : i32
    return %c0_i32, %c0_i32_0 : i32, i32
  }
  func.func @transform_3(%arg0: i32) -> (i32, i32) {
    %c0_i32 = arith.constant 0 : i32
    %c0_i32_0 = arith.constant 0 : i32
    return %arg0, %c0_i32 : i32, i32
  }
}

module attributes {stable_mosaic.version = 14 : i64} {
  func.func @_epi_body(%arg0: i32, %arg1: memref<2x1000x128xf32, #tpu.memory_space<vmem>>, %arg2: memref<1000x128xf32, #tpu.memory_space<vmem>>, %arg3: memref<2x1000x128xf32, #tpu.memory_space<vmem>>, %arg4: memref<1x128xf32, #tpu.memory_space<vmem>>, %arg5: memref<1x128xf32, #tpu.memory_space<vmem>>, %arg6: memref<1x128xf32, #tpu.memory_space<vmem>>, %arg7: memref<128x128xf32, #tpu.memory_space<vmem>>, %arg8: memref<1000x128xf32, #tpu.memory_space<vmem>>, %arg9: memref<1000x128xf32, #tpu.memory_space<vmem>>) attributes {dimension_semantics = [#tpu.dimension_semantics<arbitrary>], iteration_bounds = array<i64: 10>, scalar_prefetch = 0 : i64, scratch_operands = 0 : i64, tpu.core_type = #tpu.core_type<tc>, window_params = [{transform_indices = @transform_0, window_bounds = array<i64: 2, 1000, 128>}, {transform_indices = @transform_1, window_bounds = array<i64: 1000, 128>}, {transform_indices = @transform_2, window_bounds = array<i64: 2, 1000, 128>}, {pipeline_mode = #tpu.pipeline_mode<synchronous>, transform_indices = @transform_3, window_bounds = array<i64: 1, 128>}, {pipeline_mode = #tpu.pipeline_mode<synchronous>, transform_indices = @transform_4, window_bounds = array<i64: 1, 128>}, {pipeline_mode = #tpu.pipeline_mode<synchronous>, transform_indices = @transform_5, window_bounds = array<i64: 1, 128>}, {pipeline_mode = #tpu.pipeline_mode<synchronous>, transform_indices = @transform_6, window_bounds = array<i64: 128, 128>}, {transform_indices = @transform_7, window_bounds = array<i64: 1000, 128>}, {transform_indices = @transform_8, window_bounds = array<i64: 1000, 128>}]} {
    %get3A = arith.constant 0 : index
    %get3A_0 = arith.constant 0 : index
    %get3A_1 = arith.constant 0 : index
    %get3A_2 = vector.load %arg3[%get3A, %get3A_0, %get3A_1] : memref<2x1000x128xf32, #tpu.memory_space<vmem>>, vector<1x1000x128xf32>
    %get3A_3 = vector.shape_cast %get3A_2 : vector<1x1000x128xf32> to vector<1000x128xf32>
    %slice3A = vector.extract_strided_slice %get3A_3 {offsets = [0, 0], sizes = [1000, 1], strides = [1, 1]} : vector<1000x128xf32> to vector<1000x1xf32>
    %get3A_4 = arith.constant 1 : index
    %get3A_5 = arith.constant 0 : index
    %get3A_6 = arith.constant 0 : index
    %get3A_7 = vector.load %arg3[%get3A_4, %get3A_5, %get3A_6] : memref<2x1000x128xf32, #tpu.memory_space<vmem>>, vector<1x1000x128xf32>
    %get3A_8 = vector.shape_cast %get3A_7 : vector<1x1000x128xf32> to vector<1000x128xf32>
    %slice3A_9 = vector.extract_strided_slice %get3A_8 {offsets = [0, 0], sizes = [1000, 1], strides = [1, 1]} : vector<1000x128xf32> to vector<1000x1xf32>
    %add3A = arith.addf %slice3A, %slice3A_9 : vector<1000x1xf32>
    %add3A_10 = arith.constant 1.000000e+00 : f32
    %add3A_11 = vector.broadcast %add3A_10 : f32 to vector<1000x1xf32>
    %add3A_12 = arith.addf %add3A, %add3A_11 : vector<1000x1xf32>
    %rsqrt3A = math.rsqrt %add3A_12 : vector<1000x1xf32>
    %get3A_13 = arith.constant 0 : index
    %get3A_14 = arith.constant 0 : index
    %get3A_15 = arith.constant 0 : index
    %get3A_16 = vector.load %arg1[%get3A_13, %get3A_14, %get3A_15] : memref<2x1000x128xf32, #tpu.memory_space<vmem>>, vector<1x1000x128xf32>
    %get3A_17 = vector.shape_cast %get3A_16 : vector<1x1000x128xf32> to vector<1000x128xf32>
    %get3A_18 = arith.constant 1 : index
    %get3A_19 = arith.constant 0 : index
    %get3A_20 = arith.constant 0 : index
    %get3A_21 = vector.load %arg1[%get3A_18, %get3A_19, %get3A_20] : memref<2x1000x128xf32, #tpu.memory_space<vmem>>, vector<1x1000x128xf32>
    %get3A_22 = vector.shape_cast %get3A_21 : vector<1x1000x128xf32> to vector<1000x128xf32>
    %add3A_23 = arith.addf %get3A_17, %get3A_22 : vector<1000x128xf32>
    %get3A_24 = arith.constant 0 : index
    %get3A_25 = arith.constant 0 : index
    %get3A_26 = vector.load %arg2[%get3A_24, %get3A_25] : memref<1000x128xf32, #tpu.memory_space<vmem>>, vector<1000x128xf32>
    %add3A_27 = arith.addf %add3A_23, %get3A_26 : vector<1000x128xf32>
    %mul3A = vector.broadcast %rsqrt3A : vector<1000x1xf32> to vector<1000x128xf32>
    %mul3A_28 = arith.mulf %mul3A, %add3A_27 : vector<1000x128xf32>
    %get3A_29 = arith.constant 0 : index
    %get3A_30 = arith.constant 0 : index
    %get3A_31 = vector.load %arg4[%get3A_29, %get3A_30] : memref<1x128xf32, #tpu.memory_space<vmem>>, vector<1x128xf32>
    %add3A_32 = vector.broadcast %get3A_31 : vector<1x128xf32> to vector<1000x128xf32>
    %add3A_33 = arith.addf %mul3A_28, %add3A_32 : vector<1000x128xf32>
    %reduce_sum3A = arith.constant dense<0.000000e+00> : vector<1000xf32>
    %reduce_sum3A_34 = vector.multi_reduction <add>, %add3A_33, %reduce_sum3A [1] : vector<1000x128xf32> to vector<1000xf32>
    %broadcast_in_dim3A = vector.shape_cast %reduce_sum3A_34 : vector<1000xf32> to vector<1000x1xf32>
    %div3A = arith.constant 1.280000e+02 : f32
    %div3A_35 = vector.broadcast %div3A : f32 to vector<1000x1xf32>
    %div3A_36 = arith.divf %broadcast_in_dim3A, %div3A_35 : vector<1000x1xf32>
    %sub3A = vector.broadcast %div3A_36 : vector<1000x1xf32> to vector<1000x128xf32>
    %sub3A_37 = arith.subf %add3A_33, %sub3A : vector<1000x128xf32>
    %mul3A_38 = arith.mulf %sub3A_37, %sub3A_37 : vector<1000x128xf32>
    %reduce_sum3A_39 = arith.constant dense<0.000000e+00> : vector<1000xf32>
    %reduce_sum3A_40 = vector.multi_reduction <add>, %mul3A_38, %reduce_sum3A_39 [1] : vector<1000x128xf32> to vector<1000xf32>
    %broadcast_in_dim3A_41 = vector.shape_cast %reduce_sum3A_40 : vector<1000xf32> to vector<1000x1xf32>
    %div3A_42 = arith.constant 1.280000e+02 : f32
    %div3A_43 = vector.broadcast %div3A_42 : f32 to vector<1000x1xf32>
    %div3A_44 = arith.divf %broadcast_in_dim3A_41, %div3A_43 : vector<1000x1xf32>
    %add3A_45 = arith.constant 9.99999974E-6 : f32
    %add3A_46 = vector.broadcast %add3A_45 : f32 to vector<1000x1xf32>
    %add3A_47 = arith.addf %div3A_44, %add3A_46 : vector<1000x1xf32>
    %rsqrt3A_48 = math.rsqrt %add3A_47 : vector<1000x1xf32>
    %mul3A_49 = vector.broadcast %rsqrt3A_48 : vector<1000x1xf32> to vector<1000x128xf32>
    %mul3A_50 = arith.mulf %sub3A_37, %mul3A_49 : vector<1000x128xf32>
    %get3A_51 = arith.constant 0 : index
    %get3A_52 = arith.constant 0 : index
    %get3A_53 = vector.load %arg5[%get3A_51, %get3A_52] : memref<1x128xf32, #tpu.memory_space<vmem>>, vector<1x128xf32>
    %mul3A_54 = vector.broadcast %get3A_53 : vector<1x128xf32> to vector<1000x128xf32>
    %mul3A_55 = arith.mulf %mul3A_50, %mul3A_54 : vector<1000x128xf32>
    %get3A_56 = arith.constant 0 : index
    %get3A_57 = arith.constant 0 : index
    %get3A_58 = vector.load %arg6[%get3A_56, %get3A_57] : memref<1x128xf32, #tpu.memory_space<vmem>>, vector<1x128xf32>
    %add3A_59 = vector.broadcast %get3A_58 : vector<1x128xf32> to vector<1000x128xf32>
    %add3A_60 = arith.addf %mul3A_55, %add3A_59 : vector<1000x128xf32>
    %gt3A = arith.constant 0.000000e+00 : f32
    %gt3A_61 = vector.broadcast %gt3A : f32 to vector<1000x128xf32>
    %gt3A_62 = arith.cmpf ogt, %add3A_60, %gt3A_61 : vector<1000x128xf32>
    %mul3A_63 = arith.constant 1.000000e-01 : f32
    %mul3A_64 = vector.broadcast %mul3A_63 : f32 to vector<1000x128xf32>
    %mul3A_65 = arith.mulf %mul3A_64, %add3A_60 : vector<1000x128xf32>
    %select_n3A = arith.select %gt3A_62, %add3A_60, %mul3A_65 : vector<1000x128xi1>, vector<1000x128xf32>
    %swap3A = arith.constant 0 : index
    %swap3A_66 = arith.constant 0 : index
    %swap3A_67 = vector.load %arg8[%swap3A, %swap3A_66] : memref<1000x128xf32, #tpu.memory_space<vmem>>, vector<1000x128xf32>
    tpu.vector_store %arg8[%swap3A, %swap3A_66], %select_n3A {strides = array<i32>} : memref<1000x128xf32, #tpu.memory_space<vmem>>, vector<1000x128xf32>,
    %get3A_68 = arith.constant 0 : index
    %get3A_69 = arith.constant 0 : index
    %get3A_70 = vector.load %arg7[%get3A_68, %get3A_69] : memref<128x128xf32, #tpu.memory_space<vmem>>, vector<128x128xf32>
    %dot_general3A = arith.constant dense<0.000000e+00> : vector<1000x128xf32>
    %dot_general3A_71 = tpu.matmul %select_n3A, %get3A_70, %dot_general3A {dimension_numbers = #tpu.dot_dimension_numbers<[1], [0], [0], [1], [0, 0, 1, 1], [], []>, transpose_lhs_hint = false} : vector<1000x128xf32>, vector<128x128xf32>, vector<1000x128xf32> -> vector<1000x128xf32>
    %mul3A_72 = vector.broadcast %rsqrt3A : vector<1000x1xf32> to vector<1000x128xf32>
    %mul3A_73 = arith.mulf %mul3A_72, %dot_general3A_71 : vector<1000x128xf32>
    %swap3A_74 = arith.constant 0 : index
    %swap3A_75 = arith.constant 0 : index
    %swap3A_76 = vector.load %arg9[%swap3A_74, %swap3A_75] : memref<1000x128xf32, #tpu.memory_space<vmem>>, vector<1000x128xf32>
    tpu.vector_store %arg9[%swap3A_74, %swap3A_75], %mul3A_73 {strides = array<i32>} : memref<1000x128xf32, #tpu.memory_space<vmem>>, vector<1000x128xf32>,
    return
  }
  func.func @transform_0(%arg0: i32) -> (i32, i32, i32) {
    %c0_i32 = arith.constant 0 : i32
    %c0_i32_0 = arith.constant 0 : i32
    %c0_i32_1 = arith.constant 0 : i32
    return %c0_i32, %arg0, %c0_i32_0 : i32, i32, i32
  }
  func.func @transform_1(%arg0: i32) -> (i32, i32) {
    %c0_i32 = arith.constant 0 : i32
    %c0_i32_0 = arith.constant 0 : i32
    return %arg0, %c0_i32 : i32, i32
  }
  func.func @transform_2(%arg0: i32) -> (i32, i32, i32) {
    %c0_i32 = arith.constant 0 : i32
    %c0_i32_0 = arith.constant 0 : i32
    %c0_i32_1 = arith.constant 0 : i32
    return %c0_i32, %arg0, %c0_i32_0 : i32, i32, i32
  }
  func.func @transform_3(%arg0: i32) -> (i32, i32) {
    %c0_i32 = arith.constant 0 : i32
    %c0_i32_0 = arith.constant 0 : i32
    %c0_i32_1 = arith.constant 0 : i32
    return %c0_i32, %c0_i32_0 : i32, i32
  }
  func.func @transform_4(%arg0: i32) -> (i32, i32) {
    %c0_i32 = arith.constant 0 : i32
    %c0_i32_0 = arith.constant 0 : i32
    %c0_i32_1 = arith.constant 0 : i32
    return %c0_i32, %c0_i32_0 : i32, i32
  }
  func.func @transform_5(%arg0: i32) -> (i32, i32) {
    %c0_i32 = arith.constant 0 : i32
    %c0_i32_0 = arith.constant 0 : i32
    %c0_i32_1 = arith.constant 0 : i32
    return %c0_i32, %c0_i32_0 : i32, i32
  }
  func.func @transform_6(%arg0: i32) -> (i32, i32) {
    %c0_i32 = arith.constant 0 : i32
    %c0_i32_0 = arith.constant 0 : i32
    %c0_i32_1 = arith.constant 0 : i32
    return %c0_i32, %c0_i32_0 : i32, i32
  }
  func.func @transform_7(%arg0: i32) -> (i32, i32) {
    %c0_i32 = arith.constant 0 : i32
    %c0_i32_0 = arith.constant 0 : i32
    return %arg0, %c0_i32 : i32, i32
  }
  func.func @transform_8(%arg0: i32) -> (i32, i32) {
    %c0_i32 = arith.constant 0 : i32
    %c0_i32_0 = arith.constant 0 : i32
    return %arg0, %c0_i32 : i32, i32
  }
}

module attributes {stable_mosaic.version = 14 : i64} {
  func.func @_epi_body(%arg0: i32, %arg1: memref<2x1000x128xf32, #tpu.memory_space<vmem>>, %arg2: memref<1000x128xf32, #tpu.memory_space<vmem>>, %arg3: memref<2x1000x128xf32, #tpu.memory_space<vmem>>, %arg4: memref<1x128xf32, #tpu.memory_space<vmem>>, %arg5: memref<1x128xf32, #tpu.memory_space<vmem>>, %arg6: memref<1x128xf32, #tpu.memory_space<vmem>>, %arg7: memref<128x128xf32, #tpu.memory_space<vmem>>, %arg8: memref<1000x128xf32, #tpu.memory_space<vmem>>, %arg9: memref<1000x128xf32, #tpu.memory_space<vmem>>, %arg10: memref<1000x128xf32, #tpu.memory_space<vmem>>) attributes {dimension_semantics = [#tpu.dimension_semantics<arbitrary>], iteration_bounds = array<i64: 10>, scalar_prefetch = 0 : i64, scratch_operands = 0 : i64, tpu.core_type = #tpu.core_type<tc>, window_params = [{transform_indices = @transform_0, window_bounds = array<i64: 2, 1000, 128>}, {transform_indices = @transform_1, window_bounds = array<i64: 1000, 128>}, {transform_indices = @transform_2, window_bounds = array<i64: 2, 1000, 128>}, {pipeline_mode = #tpu.pipeline_mode<synchronous>, transform_indices = @transform_3, window_bounds = array<i64: 1, 128>}, {pipeline_mode = #tpu.pipeline_mode<synchronous>, transform_indices = @transform_4, window_bounds = array<i64: 1, 128>}, {pipeline_mode = #tpu.pipeline_mode<synchronous>, transform_indices = @transform_5, window_bounds = array<i64: 1, 128>}, {pipeline_mode = #tpu.pipeline_mode<synchronous>, transform_indices = @transform_6, window_bounds = array<i64: 128, 128>}, {transform_indices = @transform_7, window_bounds = array<i64: 1000, 128>}, {transform_indices = @transform_8, window_bounds = array<i64: 1000, 128>}, {transform_indices = @transform_9, window_bounds = array<i64: 1000, 128>}]} {
    %get3A = arith.constant 0 : index
    %get3A_0 = arith.constant 0 : index
    %get3A_1 = arith.constant 0 : index
    %get3A_2 = vector.load %arg3[%get3A, %get3A_0, %get3A_1] : memref<2x1000x128xf32, #tpu.memory_space<vmem>>, vector<1x1000x128xf32>
    %get3A_3 = vector.shape_cast %get3A_2 : vector<1x1000x128xf32> to vector<1000x128xf32>
    %slice3A = vector.extract_strided_slice %get3A_3 {offsets = [0, 0], sizes = [1000, 1], strides = [1, 1]} : vector<1000x128xf32> to vector<1000x1xf32>
    %get3A_4 = arith.constant 1 : index
    %get3A_5 = arith.constant 0 : index
    %get3A_6 = arith.constant 0 : index
    %get3A_7 = vector.load %arg3[%get3A_4, %get3A_5, %get3A_6] : memref<2x1000x128xf32, #tpu.memory_space<vmem>>, vector<1x1000x128xf32>
    %get3A_8 = vector.shape_cast %get3A_7 : vector<1x1000x128xf32> to vector<1000x128xf32>
    %slice3A_9 = vector.extract_strided_slice %get3A_8 {offsets = [0, 0], sizes = [1000, 1], strides = [1, 1]} : vector<1000x128xf32> to vector<1000x1xf32>
    %add3A = arith.addf %slice3A, %slice3A_9 : vector<1000x1xf32>
    %add3A_10 = arith.constant 1.000000e+00 : f32
    %add3A_11 = vector.broadcast %add3A_10 : f32 to vector<1000x1xf32>
    %add3A_12 = arith.addf %add3A, %add3A_11 : vector<1000x1xf32>
    %rsqrt3A = math.rsqrt %add3A_12 : vector<1000x1xf32>
    %get3A_13 = arith.constant 0 : index
    %get3A_14 = arith.constant 0 : index
    %get3A_15 = arith.constant 0 : index
    %get3A_16 = vector.load %arg1[%get3A_13, %get3A_14, %get3A_15] : memref<2x1000x128xf32, #tpu.memory_space<vmem>>, vector<1x1000x128xf32>
    %get3A_17 = vector.shape_cast %get3A_16 : vector<1x1000x128xf32> to vector<1000x128xf32>
    %get3A_18 = arith.constant 1 : index
    %get3A_19 = arith.constant 0 : index
    %get3A_20 = arith.constant 0 : index
    %get3A_21 = vector.load %arg1[%get3A_18, %get3A_19, %get3A_20] : memref<2x1000x128xf32, #tpu.memory_space<vmem>>, vector<1x1000x128xf32>
    %get3A_22 = vector.shape_cast %get3A_21 : vector<1x1000x128xf32> to vector<1000x128xf32>
    %add3A_23 = arith.addf %get3A_17, %get3A_22 : vector<1000x128xf32>
    %get3A_24 = arith.constant 0 : index
    %get3A_25 = arith.constant 0 : index
    %get3A_26 = vector.load %arg2[%get3A_24, %get3A_25] : memref<1000x128xf32, #tpu.memory_space<vmem>>, vector<1000x128xf32>
    %add3A_27 = arith.addf %add3A_23, %get3A_26 : vector<1000x128xf32>
    %mul3A = vector.broadcast %rsqrt3A : vector<1000x1xf32> to vector<1000x128xf32>
    %mul3A_28 = arith.mulf %mul3A, %add3A_27 : vector<1000x128xf32>
    %get3A_29 = arith.constant 0 : index
    %get3A_30 = arith.constant 0 : index
    %get3A_31 = vector.load %arg4[%get3A_29, %get3A_30] : memref<1x128xf32, #tpu.memory_space<vmem>>, vector<1x128xf32>
    %add3A_32 = vector.broadcast %get3A_31 : vector<1x128xf32> to vector<1000x128xf32>
    %add3A_33 = arith.addf %mul3A_28, %add3A_32 : vector<1000x128xf32>
    %reduce_sum3A = arith.constant dense<0.000000e+00> : vector<1000xf32>
    %reduce_sum3A_34 = vector.multi_reduction <add>, %add3A_33, %reduce_sum3A [1] : vector<1000x128xf32> to vector<1000xf32>
    %broadcast_in_dim3A = vector.shape_cast %reduce_sum3A_34 : vector<1000xf32> to vector<1000x1xf32>
    %div3A = arith.constant 1.280000e+02 : f32
    %div3A_35 = vector.broadcast %div3A : f32 to vector<1000x1xf32>
    %div3A_36 = arith.divf %broadcast_in_dim3A, %div3A_35 : vector<1000x1xf32>
    %sub3A = vector.broadcast %div3A_36 : vector<1000x1xf32> to vector<1000x128xf32>
    %sub3A_37 = arith.subf %add3A_33, %sub3A : vector<1000x128xf32>
    %mul3A_38 = arith.mulf %sub3A_37, %sub3A_37 : vector<1000x128xf32>
    %reduce_sum3A_39 = arith.constant dense<0.000000e+00> : vector<1000xf32>
    %reduce_sum3A_40 = vector.multi_reduction <add>, %mul3A_38, %reduce_sum3A_39 [1] : vector<1000x128xf32> to vector<1000xf32>
    %broadcast_in_dim3A_41 = vector.shape_cast %reduce_sum3A_40 : vector<1000xf32> to vector<1000x1xf32>
    %div3A_42 = arith.constant 1.280000e+02 : f32
    %div3A_43 = vector.broadcast %div3A_42 : f32 to vector<1000x1xf32>
    %div3A_44 = arith.divf %broadcast_in_dim3A_41, %div3A_43 : vector<1000x1xf32>
    %add3A_45 = arith.constant 9.99999974E-6 : f32
    %add3A_46 = vector.broadcast %add3A_45 : f32 to vector<1000x1xf32>
    %add3A_47 = arith.addf %div3A_44, %add3A_46 : vector<1000x1xf32>
    %rsqrt3A_48 = math.rsqrt %add3A_47 : vector<1000x1xf32>
    %mul3A_49 = vector.broadcast %rsqrt3A_48 : vector<1000x1xf32> to vector<1000x128xf32>
    %mul3A_50 = arith.mulf %sub3A_37, %mul3A_49 : vector<1000x128xf32>
    %get3A_51 = arith.constant 0 : index
    %get3A_52 = arith.constant 0 : index
    %get3A_53 = vector.load %arg5[%get3A_51, %get3A_52] : memref<1x128xf32, #tpu.memory_space<vmem>>, vector<1x128xf32>
    %mul3A_54 = vector.broadcast %get3A_53 : vector<1x128xf32> to vector<1000x128xf32>
    %mul3A_55 = arith.mulf %mul3A_50, %mul3A_54 : vector<1000x128xf32>
    %get3A_56 = arith.constant 0 : index
    %get3A_57 = arith.constant 0 : index
    %get3A_58 = vector.load %arg6[%get3A_56, %get3A_57] : memref<1x128xf32, #tpu.memory_space<vmem>>, vector<1x128xf32>
    %add3A_59 = vector.broadcast %get3A_58 : vector<1x128xf32> to vector<1000x128xf32>
    %add3A_60 = arith.addf %mul3A_55, %add3A_59 : vector<1000x128xf32>
    %gt3A = arith.constant 0.000000e+00 : f32
    %gt3A_61 = vector.broadcast %gt3A : f32 to vector<1000x128xf32>
    %gt3A_62 = arith.cmpf ogt, %add3A_60, %gt3A_61 : vector<1000x128xf32>
    %mul3A_63 = arith.constant 1.000000e-01 : f32
    %mul3A_64 = vector.broadcast %mul3A_63 : f32 to vector<1000x128xf32>
    %mul3A_65 = arith.mulf %mul3A_64, %add3A_60 : vector<1000x128xf32>
    %select_n3A = arith.select %gt3A_62, %add3A_60, %mul3A_65 : vector<1000x128xi1>, vector<1000x128xf32>
    %get3A_66 = arith.constant 0 : index
    %get3A_67 = arith.constant 0 : index
    %get3A_68 = vector.load %arg8[%get3A_66, %get3A_67] : memref<1000x128xf32, #tpu.memory_space<vmem>>, vector<1000x128xf32>
    %add3A_69 = arith.addf %select_n3A, %get3A_68 : vector<1000x128xf32>
    %swap3A = arith.constant 0 : index
    %swap3A_70 = arith.constant 0 : index
    %swap3A_71 = vector.load %arg9[%swap3A, %swap3A_70] : memref<1000x128xf32, #tpu.memory_space<vmem>>, vector<1000x128xf32>
    tpu.vector_store %arg9[%swap3A, %swap3A_70], %add3A_69 {strides = array<i32>} : memref<1000x128xf32, #tpu.memory_space<vmem>>, vector<1000x128xf32>,
    %get3A_72 = arith.constant 0 : index
    %get3A_73 = arith.constant 0 : index
    %get3A_74 = vector.load %arg7[%get3A_72, %get3A_73] : memref<128x128xf32, #tpu.memory_space<vmem>>, vector<128x128xf32>
    %dot_general3A = arith.constant dense<0.000000e+00> : vector<1000x128xf32>
    %dot_general3A_75 = tpu.matmul %add3A_69, %get3A_74, %dot_general3A {dimension_numbers = #tpu.dot_dimension_numbers<[1], [0], [0], [1], [0, 0, 1, 1], [], []>, transpose_lhs_hint = false} : vector<1000x128xf32>, vector<128x128xf32>, vector<1000x128xf32> -> vector<1000x128xf32>
    %mul3A_76 = vector.broadcast %rsqrt3A : vector<1000x1xf32> to vector<1000x128xf32>
    %mul3A_77 = arith.mulf %mul3A_76, %dot_general3A_75 : vector<1000x128xf32>
    %swap3A_78 = arith.constant 0 : index
    %swap3A_79 = arith.constant 0 : index
    %swap3A_80 = vector.load %arg10[%swap3A_78, %swap3A_79] : memref<1000x128xf32, #tpu.memory_space<vmem>>, vector<1000x128xf32>
    tpu.vector_store %arg10[%swap3A_78, %swap3A_79], %mul3A_77 {strides = array<i32>} : memref<1000x128xf32, #tpu.memory_space<vmem>>, vector<1000x128xf32>,
    return
  }
  func.func @transform_0(%arg0: i32) -> (i32, i32, i32) {
    %c0_i32 = arith.constant 0 : i32
    %c0_i32_0 = arith.constant 0 : i32
    %c0_i32_1 = arith.constant 0 : i32
    return %c0_i32, %arg0, %c0_i32_0 : i32, i32, i32
  }
  func.func @transform_1(%arg0: i32) -> (i32, i32) {
    %c0_i32 = arith.constant 0 : i32
    %c0_i32_0 = arith.constant 0 : i32
    return %arg0, %c0_i32 : i32, i32
  }
  func.func @transform_2(%arg0: i32) -> (i32, i32, i32) {
    %c0_i32 = arith.constant 0 : i32
    %c0_i32_0 = arith.constant 0 : i32
    %c0_i32_1 = arith.constant 0 : i32
    return %c0_i32, %arg0, %c0_i32_0 : i32, i32, i32
  }
  func.func @transform_3(%arg0: i32) -> (i32, i32) {
    %c0_i32 = arith.constant 0 : i32
    %c0_i32_0 = arith.constant 0 : i32
    %c0_i32_1 = arith.constant 0 : i32
    return %c0_i32, %c0_i32_0 : i32, i32
  }
  func.func @transform_4(%arg0: i32) -> (i32, i32) {
    %c0_i32 = arith.constant 0 : i32
    %c0_i32_0 = arith.constant 0 : i32
    %c0_i32_1 = arith.constant 0 : i32
    return %c0_i32, %c0_i32_0 : i32, i32
  }
  func.func @transform_5(%arg0: i32) -> (i32, i32) {
    %c0_i32 = arith.constant 0 : i32
    %c0_i32_0 = arith.constant 0 : i32
    %c0_i32_1 = arith.constant 0 : i32
    return %c0_i32, %c0_i32_0 : i32, i32
  }
  func.func @transform_6(%arg0: i32) -> (i32, i32) {
    %c0_i32 = arith.constant 0 : i32
    %c0_i32_0 = arith.constant 0 : i32
    %c0_i32_1 = arith.constant 0 : i32
    return %c0_i32, %c0_i32_0 : i32, i32
  }
  func.func @transform_7(%arg0: i32) -> (i32, i32) {
    %c0_i32 = arith.constant 0 : i32
    %c0_i32_0 = arith.constant 0 : i32
    return %arg0, %c0_i32 : i32, i32
  }
  func.func @transform_8(%arg0: i32) -> (i32, i32) {
    %c0_i32 = arith.constant 0 : i32
    %c0_i32_0 = arith.constant 0 : i32
    return %arg0, %c0_i32 : i32, i32
  }
  func.func @transform_9(%arg0: i32) -> (i32, i32) {
    %c0_i32 = arith.constant 0 : i32
    %c0_i32_0 = arith.constant 0 : i32
    return %arg0, %c0_i32 : i32, i32
  }
}

module attributes {stable_mosaic.version = 14 : i64} {
  func.func @_final_body(%arg0: i32, %arg1: memref<2x1000x128xf32, #tpu.memory_space<vmem>>, %arg2: memref<1000x128xf32, #tpu.memory_space<vmem>>, %arg3: memref<2x1000x128xf32, #tpu.memory_space<vmem>>, %arg4: memref<1x128xf32, #tpu.memory_space<vmem>>, %arg5: memref<1x128xf32, #tpu.memory_space<vmem>>, %arg6: memref<1x128xf32, #tpu.memory_space<vmem>>, %arg7: memref<1000x128xf32, #tpu.memory_space<vmem>>, %arg8: memref<1x1000x1xi32, #tpu.memory_space<vmem>>, %arg9: memref<1x1x1000xi32, #tpu.memory_space<vmem>>, %arg10: memref<128x128xf32, #tpu.memory_space<vmem>>, %arg11: memref<128x128xf32, #tpu.memory_space<vmem>>, %arg12: memref<1x128xf32, #tpu.memory_space<vmem>>, %arg13: memref<64x128xf32, #tpu.memory_space<vmem>>, %arg14: memref<64x1x128xf32, #tpu.memory_space<vmem>>, %arg15: memref<64x128xf32, #tpu.memory_space<vmem>>, %arg16: memref<64x128xf32, #tpu.memory_space<vmem>>) attributes {dimension_semantics = [#tpu.dimension_semantics<arbitrary>], iteration_bounds = array<i64: 10>, scalar_prefetch = 0 : i64, scratch_operands = 3 : i64, tpu.core_type = #tpu.core_type<tc>, window_params = [{transform_indices = @transform_0, window_bounds = array<i64: 2, 1000, 128>}, {transform_indices = @transform_1, window_bounds = array<i64: 1000, 128>}, {transform_indices = @transform_2, window_bounds = array<i64: 2, 1000, 128>}, {pipeline_mode = #tpu.pipeline_mode<synchronous>, transform_indices = @transform_3, window_bounds = array<i64: 1, 128>}, {pipeline_mode = #tpu.pipeline_mode<synchronous>, transform_indices = @transform_4, window_bounds = array<i64: 1, 128>}, {pipeline_mode = #tpu.pipeline_mode<synchronous>, transform_indices = @transform_5, window_bounds = array<i64: 1, 128>}, {transform_indices = @transform_6, window_bounds = array<i64: 1000, 128>}, {transform_indices = @transform_7, window_bounds = array<i64: 1, 1000, 1>}, {transform_indices = @transform_8, window_bounds = array<i64: 1, 1, 1000>}, {pipeline_mode = #tpu.pipeline_mode<synchronous>, transform_indices = @transform_9, window_bounds = array<i64: 128, 128>}, {pipeline_mode = #tpu.pipeline_mode<synchronous>, transform_indices = @transform_10, window_bounds = array<i64: 128, 128>}, {pipeline_mode = #tpu.pipeline_mode<synchronous>, transform_indices = @transform_11, window_bounds = array<i64: 1, 128>}, {pipeline_mode = #tpu.pipeline_mode<synchronous>, transform_indices = @transform_12, window_bounds = array<i64: 64, 128>}]} {
    %eq3A = arith.constant 0 : i32
    %eq3A_0 = arith.cmpi eq, %arg0, %eq3A : i32
    %convert_element_type3A = arith.extui %eq3A_0 : i1 to i32
    %cond3A = arith.constant 0 : i32
    %cond3A_1 = arith.cmpi ne, %convert_element_type3A, %cond3A : i32
    scf.if %cond3A_1 {
      %broadcast_in_dim3A_129 = arith.constant 0xFF800000 : f32
      %broadcast_in_dim3A_130 = vector.broadcast %broadcast_in_dim3A_129 : f32 to vector<64x1x128xf32>
      %swap3A_131 = arith.constant 0 : index
      %swap3A_132 = arith.constant 0 : index
      %swap3A_133 = arith.constant 0 : index
      %swap3A_134 = vector.load %arg14[%swap3A_131, %swap3A_132, %swap3A_133] : memref<64x1x128xf32, #tpu.memory_space<vmem>>, vector<64x1x128xf32>
      tpu.vector_store %arg14[%swap3A_131, %swap3A_132, %swap3A_133], %broadcast_in_dim3A_130 {strides = array<i32>} : memref<64x1x128xf32, #tpu.memory_space<vmem>>, vector<64x1x128xf32>,
      %broadcast_in_dim3A_135 = arith.constant 0.000000e+00 : f32
      %broadcast_in_dim3A_136 = vector.broadcast %broadcast_in_dim3A_135 : f32 to vector<64x128xf32>
      %swap3A_137 = arith.constant 0 : index
      %swap3A_138 = arith.constant 0 : index
      %swap3A_139 = vector.load %arg15[%swap3A_137, %swap3A_138] : memref<64x128xf32, #tpu.memory_space<vmem>>, vector<64x128xf32>
      tpu.vector_store %arg15[%swap3A_137, %swap3A_138], %broadcast_in_dim3A_136 {strides = array<i32>} : memref<64x128xf32, #tpu.memory_space<vmem>>, vector<64x128xf32>,
      %broadcast_in_dim3A_140 = arith.constant 0.000000e+00 : f32
      %broadcast_in_dim3A_141 = vector.broadcast %broadcast_in_dim3A_140 : f32 to vector<64x128xf32>
      %swap3A_142 = arith.constant 0 : index
      %swap3A_143 = arith.constant 0 : index
      %swap3A_144 = vector.load %arg16[%swap3A_142, %swap3A_143] : memref<64x128xf32, #tpu.memory_space<vmem>>, vector<64x128xf32>
      tpu.vector_store %arg16[%swap3A_142, %swap3A_143], %broadcast_in_dim3A_141 {strides = array<i32>} : memref<64x128xf32, #tpu.memory_space<vmem>>, vector<64x128xf32>,
    } else {
    }
    %get3A = arith.constant 0 : index
    %get3A_2 = arith.constant 0 : index
    %get3A_3 = arith.constant 0 : index
    %get3A_4 = vector.load %arg3[%get3A, %get3A_2, %get3A_3] : memref<2x1000x128xf32, #tpu.memory_space<vmem>>, vector<1x1000x128xf32>
    %get3A_5 = vector.shape_cast %get3A_4 : vector<1x1000x128xf32> to vector<1000x128xf32>
    %slice3A = vector.extract_strided_slice %get3A_5 {offsets = [0, 0], sizes = [1000, 1], strides = [1, 1]} : vector<1000x128xf32> to vector<1000x1xf32>
    %get3A_6 = arith.constant 1 : index
    %get3A_7 = arith.constant 0 : index
    %get3A_8 = arith.constant 0 : index
    %get3A_9 = vector.load %arg3[%get3A_6, %get3A_7, %get3A_8] : memref<2x1000x128xf32, #tpu.memory_space<vmem>>, vector<1x1000x128xf32>
    %get3A_10 = vector.shape_cast %get3A_9 : vector<1x1000x128xf32> to vector<1000x128xf32>
    %slice3A_11 = vector.extract_strided_slice %get3A_10 {offsets = [0, 0], sizes = [1000, 1], strides = [1, 1]} : vector<1000x128xf32> to vector<1000x1xf32>
    %add3A = arith.addf %slice3A, %slice3A_11 : vector<1000x1xf32>
    %add3A_12 = arith.constant 1.000000e+00 : f32
    %add3A_13 = vector.broadcast %add3A_12 : f32 to vector<1000x1xf32>
    %add3A_14 = arith.addf %add3A, %add3A_13 : vector<1000x1xf32>
    %rsqrt3A = math.rsqrt %add3A_14 : vector<1000x1xf32>
    %get3A_15 = arith.constant 0 : index
    %get3A_16 = arith.constant 0 : index
    %get3A_17 = arith.constant 0 : index
    %get3A_18 = vector.load %arg1[%get3A_15, %get3A_16, %get3A_17] : memref<2x1000x128xf32, #tpu.memory_space<vmem>>, vector<1x1000x128xf32>
    %get3A_19 = vector.shape_cast %get3A_18 : vector<1x1000x128xf32> to vector<1000x128xf32>
    %get3A_20 = arith.constant 1 : index
    %get3A_21 = arith.constant 0 : index
    %get3A_22 = arith.constant 0 : index
    %get3A_23 = vector.load %arg1[%get3A_20, %get3A_21, %get3A_22] : memref<2x1000x128xf32, #tpu.memory_space<vmem>>, vector<1x1000x128xf32>
    %get3A_24 = vector.shape_cast %get3A_23 : vector<1x1000x128xf32> to vector<1000x128xf32>
    %add3A_25 = arith.addf %get3A_19, %get3A_24 : vector<1000x128xf32>
    %get3A_26 = arith.constant 0 : index
    %get3A_27 = arith.constant 0 : index
    %get3A_28 = vector.load %arg2[%get3A_26, %get3A_27] : memref<1000x128xf32, #tpu.memory_space<vmem>>, vector<1000x128xf32>
    %add3A_29 = arith.addf %add3A_25, %get3A_28 : vector<1000x128xf32>
    %mul3A = vector.broadcast %rsqrt3A : vector<1000x1xf32> to vector<1000x128xf32>
    %mul3A_30 = arith.mulf %mul3A, %add3A_29 : vector<1000x128xf32>
    %get3A_31 = arith.constant 0 : index
    %get3A_32 = arith.constant 0 : index
    %get3A_33 = vector.load %arg4[%get3A_31, %get3A_32] : memref<1x128xf32, #tpu.memory_space<vmem>>, vector<1x128xf32>
    %add3A_34 = vector.broadcast %get3A_33 : vector<1x128xf32> to vector<1000x128xf32>
    %add3A_35 = arith.addf %mul3A_30, %add3A_34 : vector<1000x128xf32>
    %reduce_sum3A = arith.constant dense<0.000000e+00> : vector<1000xf32>
    %reduce_sum3A_36 = vector.multi_reduction <add>, %add3A_35, %reduce_sum3A [1] : vector<1000x128xf32> to vector<1000xf32>
    %broadcast_in_dim3A = vector.shape_cast %reduce_sum3A_36 : vector<1000xf32> to vector<1000x1xf32>
    %div3A = arith.constant 1.280000e+02 : f32
    %div3A_37 = vector.broadcast %div3A : f32 to vector<1000x1xf32>
    %div3A_38 = arith.divf %broadcast_in_dim3A, %div3A_37 : vector<1000x1xf32>
    %sub3A = vector.broadcast %div3A_38 : vector<1000x1xf32> to vector<1000x128xf32>
    %sub3A_39 = arith.subf %add3A_35, %sub3A : vector<1000x128xf32>
    %mul3A_40 = arith.mulf %sub3A_39, %sub3A_39 : vector<1000x128xf32>
    %reduce_sum3A_41 = arith.constant dense<0.000000e+00> : vector<1000xf32>
    %reduce_sum3A_42 = vector.multi_reduction <add>, %mul3A_40, %reduce_sum3A_41 [1] : vector<1000x128xf32> to vector<1000xf32>
    %broadcast_in_dim3A_43 = vector.shape_cast %reduce_sum3A_42 : vector<1000xf32> to vector<1000x1xf32>
    %div3A_44 = arith.constant 1.280000e+02 : f32
    %div3A_45 = vector.broadcast %div3A_44 : f32 to vector<1000x1xf32>
    %div3A_46 = arith.divf %broadcast_in_dim3A_43, %div3A_45 : vector<1000x1xf32>
    %add3A_47 = arith.constant 9.99999974E-6 : f32
    %add3A_48 = vector.broadcast %add3A_47 : f32 to vector<1000x1xf32>
    %add3A_49 = arith.addf %div3A_46, %add3A_48 : vector<1000x1xf32>
    %rsqrt3A_50 = math.rsqrt %add3A_49 : vector<1000x1xf32>
    %mul3A_51 = vector.broadcast %rsqrt3A_50 : vector<1000x1xf32> to vector<1000x128xf32>
    %mul3A_52 = arith.mulf %sub3A_39, %mul3A_51 : vector<1000x128xf32>
    %get3A_53 = arith.constant 0 : index
    %get3A_54 = arith.constant 0 : index
    %get3A_55 = vector.load %arg5[%get3A_53, %get3A_54] : memref<1x128xf32, #tpu.memory_space<vmem>>, vector<1x128xf32>
    %mul3A_56 = vector.broadcast %get3A_55 : vector<1x128xf32> to vector<1000x128xf32>
    %mul3A_57 = arith.mulf %mul3A_52, %mul3A_56 : vector<1000x128xf32>
    %get3A_58 = arith.constant 0 : index
    %get3A_59 = arith.constant 0 : index
    %get3A_60 = vector.load %arg6[%get3A_58, %get3A_59] : memref<1x128xf32, #tpu.memory_space<vmem>>, vector<1x128xf32>
    %add3A_61 = vector.broadcast %get3A_60 : vector<1x128xf32> to vector<1000x128xf32>
    %add3A_62 = arith.addf %mul3A_57, %add3A_61 : vector<1000x128xf32>
    %gt3A = arith.constant 0.000000e+00 : f32
    %gt3A_63 = vector.broadcast %gt3A : f32 to vector<1000x128xf32>
    %gt3A_64 = arith.cmpf ogt, %add3A_62, %gt3A_63 : vector<1000x128xf32>
    %mul3A_65 = arith.constant 1.000000e-01 : f32
    %mul3A_66 = vector.broadcast %mul3A_65 : f32 to vector<1000x128xf32>
    %mul3A_67 = arith.mulf %mul3A_66, %add3A_62 : vector<1000x128xf32>
    %select_n3A = arith.select %gt3A_64, %add3A_62, %mul3A_67 : vector<1000x128xi1>, vector<1000x128xf32>
    %get3A_68 = arith.constant 0 : index
    %get3A_69 = arith.constant 0 : index
    %get3A_70 = vector.load %arg7[%get3A_68, %get3A_69] : memref<1000x128xf32, #tpu.memory_space<vmem>>, vector<1000x128xf32>
    %add3A_71 = arith.addf %select_n3A, %get3A_70 : vector<1000x128xf32>
    %get3A_72 = arith.constant 0 : index
    %get3A_73 = arith.constant 0 : index
    %get3A_74 = arith.constant 0 : index
    %get3A_75 = vector.load %arg8[%get3A_72, %get3A_73, %get3A_74] : memref<1x1000x1xi32, #tpu.memory_space<vmem>>, vector<1x1000x1xi32>
    %get3A_76 = vector.shape_cast %get3A_75 : vector<1x1000x1xi32> to vector<1000x1xi32>
    %get3A_77 = arith.constant 0 : index
    %get3A_78 = arith.constant 0 : index
    %get3A_79 = arith.constant 0 : index
    %get3A_80 = vector.load %arg9[%get3A_77, %get3A_78, %get3A_79] : memref<1x1x1000xi32, #tpu.memory_space<vmem>>, vector<1x1x1000xi32>
    %get3A_81 = vector.shape_cast %get3A_80 : vector<1x1x1000xi32> to vector<1x1000xi32>
    %iota3A = tpu.iota {dimensions = array<i32: 0>} : vector<64x1000xi32>
    %eq3A_82 = vector.broadcast %get3A_81 : vector<1x1000xi32> to vector<64x1000xi32>
    %eq3A_83 = arith.cmpi eq, %iota3A, %eq3A_82 : vector<64x1000xi32>
    %convert_element_type3A_84 = arith.extui %eq3A_83 : vector<64x1000xi1> to vector<64x1000xi32>
    %convert_element_type3A_85 = arith.sitofp %convert_element_type3A_84 : vector<64x1000xi32> to vector<64x1000xf32>
    %get3A_86 = arith.constant 0 : index
    %get3A_87 = arith.constant 0 : index
    %get3A_88 = vector.load %arg15[%get3A_86, %get3A_87] : memref<64x128xf32, #tpu.memory_space<vmem>>, vector<64x128xf32>
    %dot_general3A = arith.constant dense<0.000000e+00> : vector<64x128xf32>
    %dot_general3A_89 = tpu.matmul %convert_element_type3A_85, %add3A_71, %dot_general3A {dimension_numbers = #tpu.dot_dimension_numbers<[1], [0], [0], [1], [0, 0, 1, 1], [], []>, transpose_lhs_hint = false} : vector<64x1000xf32>, vector<1000x128xf32>, vector<64x128xf32> -> vector<64x128xf32>
    %add3A_90 = arith.addf %get3A_88, %dot_general3A_89 : vector<64x128xf32>
    %swap3A = arith.constant 0 : index
    %swap3A_91 = arith.constant 0 : index
    %swap3A_92 = vector.load %arg15[%swap3A, %swap3A_91] : memref<64x128xf32, #tpu.memory_space<vmem>>, vector<64x128xf32>
    tpu.vector_store %arg15[%swap3A, %swap3A_91], %add3A_90 {strides = array<i32>} : memref<64x128xf32, #tpu.memory_space<vmem>>, vector<64x128xf32>,
    %get3A_93 = arith.constant 0 : index
    %get3A_94 = arith.constant 0 : index
    %get3A_95 = vector.load %arg16[%get3A_93, %get3A_94] : memref<64x128xf32, #tpu.memory_space<vmem>>, vector<64x128xf32>
    %reduce_sum3A_96 = arith.constant dense<0.000000e+00> : vector<64xf32>
    %reduce_sum3A_97 = vector.multi_reduction <add>, %convert_element_type3A_85, %reduce_sum3A_96 [1] : vector<64x1000xf32> to vector<64xf32>
    %broadcast_in_dim3A_98 = vector.shape_cast %reduce_sum3A_97 : vector<64xf32> to vector<64x1xf32>
    %add3A_99 = vector.broadcast %broadcast_in_dim3A_98 : vector<64x1xf32> to vector<64x128xf32>
    %add3A_100 = arith.addf %get3A_95, %add3A_99 : vector<64x128xf32>
    %swap3A_101 = arith.constant 0 : index
    %swap3A_102 = arith.constant 0 : index
    %swap3A_103 = vector.load %arg16[%swap3A_101, %swap3A_102] : memref<64x128xf32, #tpu.memory_space<vmem>>, vector<64x128xf32>
    tpu.vector_store %arg16[%swap3A_101, %swap3A_102], %add3A_100 {strides = array<i32>} : memref<64x128xf32, #tpu.memory_space<vmem>>, vector<64x128xf32>,
    %reduce_min3A = vector.shape_cast %get3A_76 : vector<1000x1xi32> to vector<1x1000x1xi32>
    %reduce_min3A_104 = arith.constant dense<2147483647> : vector<1xi32>
    %reduce_min3A_105 = vector.multi_reduction <minsi>, %reduce_min3A, %reduce_min3A_104 [1, 2] : vector<1x1000x1xi32> to vector<1xi32>
    %reduce_min3A_106 = vector.shape_cast %reduce_min3A_105 : vector<1xi32> to vector<1x1x1xi32>
    %reduce_min3A_107 = vector.extract %reduce_min3A_106[0, 0, 0] : i32 from vector<1x1x1xi32>
    %reduce_max3A = vector.shape_cast %get3A_76 : vector<1000x1xi32> to vector<1x1000x1xi32>
    %reduce_max3A_108 = arith.constant dense<-2147483648> : vector<1xi32>
    %reduce_max3A_109 = vector.multi_reduction <maxsi>, %reduce_max3A, %reduce_max3A_108 [1, 2] : vector<1x1000x1xi32> to vector<1xi32>
    %reduce_max3A_110 = vector.shape_cast %reduce_max3A_109 : vector<1xi32> to vector<1x1x1xi32>
    %reduce_max3A_111 = vector.extract %reduce_max3A_110[0, 0, 0] : i32 from vector<1x1x1xi32>
    %add3A_112 = arith.constant 1 : i32
    %add3A_113 = arith.addi %reduce_max3A_111, %add3A_112 : i32
    %while3A = arith.constant 0 : i32
    %while3A_114 = arith.subi %add3A_113, %reduce_min3A_107 : i32
    %while3A_115 = arith.addi %reduce_min3A_107, %while3A_114 : i32
    %while3A_116 = arith.constant 1 : i32
    %while3A_117 = arith.divsi %while3A_114, %while3A_116 : i32
    %while3A_118 = arith.muli %while3A_117, %while3A_116 : i32
    %while3A_119 = arith.addi %reduce_min3A_107, %while3A_118 : i32
    %while3A_120 = arith.constant 1 : i32
    %while3A_121 = scf.for %while3A_129 = %reduce_min3A_107 to %while3A_119 step %while3A_120 iter_args(%while3A_130 = %while3A) -> (i32)  : i32 {
      %eq3A_131 = vector.broadcast %while3A_129 : i32 to vector<1000x1xi32>
      %eq3A_132 = arith.cmpi eq, %get3A_76, %eq3A_131 : vector<1000x1xi32>
      %jit3A = arith.constant 0xFF800000 : f32
      %broadcast_in_dim3A_133 = vector.shape_cast %eq3A_132 : vector<1000x1xi1> to vector<1000x1xi1>
      %broadcast_in_dim3A_134 = vector.broadcast %broadcast_in_dim3A_133 : vector<1000x1xi1> to vector<1000x128xi1>
      %broadcast_in_dim3A_135 = vector.broadcast %jit3A : f32 to vector<1000x128xf32>
      %select_n3A_136 = arith.select %broadcast_in_dim3A_134, %add3A_71, %broadcast_in_dim3A_135 : vector<1000x128xi1>, vector<1000x128xf32>
      %reduce_max3A_137 = arith.constant dense<0xFF800000> : vector<128xf32>
      %reduce_max3A_138 = vector.multi_reduction <maximumf>, %select_n3A_136, %reduce_max3A_137 [0] : vector<1000x128xf32> to vector<128xf32>
      %broadcast_in_dim3A_139 = vector.shape_cast %reduce_max3A_138 : vector<128xf32> to vector<1x128xf32>
      %get3A_140 = arith.index_cast %while3A_129 : i32 to index
      %get3A_141 = arith.constant 0 : index
      %get3A_142 = arith.constant 0 : index
      %get3A_143 = vector.load %arg14[%get3A_140, %get3A_141, %get3A_142] : memref<64x1x128xf32, #tpu.memory_space<vmem>>, vector<1x1x128xf32>
      %get3A_144 = vector.shape_cast %get3A_143 : vector<1x1x128xf32> to vector<1x128xf32>
      %max3A = arith.maximumf %get3A_144, %broadcast_in_dim3A_139 : vector<1x128xf32>
      %swap3A_145 = arith.index_cast %while3A_129 : i32 to index
      %swap3A_146 = arith.constant 0 : index
      %swap3A_147 = arith.constant 0 : index
      %swap3A_148 = vector.load %arg14[%swap3A_145, %swap3A_146, %swap3A_147] : memref<64x1x128xf32, #tpu.memory_space<vmem>>, vector<1x1x128xf32>
      %swap3A_149 = vector.shape_cast %swap3A_148 : vector<1x1x128xf32> to vector<1x128xf32>
      %swap3A_150 = vector.shape_cast %max3A : vector<1x128xf32> to vector<1x1x128xf32>
      tpu.vector_store %arg14[%swap3A_145, %swap3A_146, %swap3A_147], %swap3A_150 {strides = array<i32>} : memref<64x1x128xf32, #tpu.memory_space<vmem>>, vector<1x1x128xf32>,
      %while3A_151 = arith.constant 0 : i32
      scf.yield %while3A_151 : i32
    }
    %while3A_122 = arith.constant 1 : i32
    %while3A_123 = scf.for %while3A_129 = %while3A_119 to %while3A_115 step %while3A_122 iter_args(%while3A_130 = %while3A_121) -> (i32)  : i32 {
      %eq3A_131 = vector.broadcast %while3A_129 : i32 to vector<1000x1xi32>
      %eq3A_132 = arith.cmpi eq, %get3A_76, %eq3A_131 : vector<1000x1xi32>
      %jit3A = arith.constant 0xFF800000 : f32
      %broadcast_in_dim3A_133 = vector.shape_cast %eq3A_132 : vector<1000x1xi1> to vector<1000x1xi1>
      %broadcast_in_dim3A_134 = vector.broadcast %broadcast_in_dim3A_133 : vector<1000x1xi1> to vector<1000x128xi1>
      %broadcast_in_dim3A_135 = vector.broadcast %jit3A : f32 to vector<1000x128xf32>
      %select_n3A_136 = arith.select %broadcast_in_dim3A_134, %add3A_71, %broadcast_in_dim3A_135 : vector<1000x128xi1>, vector<1000x128xf32>
      %reduce_max3A_137 = arith.constant dense<0xFF800000> : vector<128xf32>
      %reduce_max3A_138 = vector.multi_reduction <maximumf>, %select_n3A_136, %reduce_max3A_137 [0] : vector<1000x128xf32> to vector<128xf32>
      %broadcast_in_dim3A_139 = vector.shape_cast %reduce_max3A_138 : vector<128xf32> to vector<1x128xf32>
      %get3A_140 = arith.index_cast %while3A_129 : i32 to index
      %get3A_141 = arith.constant 0 : index
      %get3A_142 = arith.constant 0 : index
      %get3A_143 = vector.load %arg14[%get3A_140, %get3A_141, %get3A_142] : memref<64x1x128xf32, #tpu.memory_space<vmem>>, vector<1x1x128xf32>
      %get3A_144 = vector.shape_cast %get3A_143 : vector<1x1x128xf32> to vector<1x128xf32>
      %max3A = arith.maximumf %get3A_144, %broadcast_in_dim3A_139 : vector<1x128xf32>
      %swap3A_145 = arith.index_cast %while3A_129 : i32 to index
      %swap3A_146 = arith.constant 0 : index
      %swap3A_147 = arith.constant 0 : index
      %swap3A_148 = vector.load %arg14[%swap3A_145, %swap3A_146, %swap3A_147] : memref<64x1x128xf32, #tpu.memory_space<vmem>>, vector<1x1x128xf32>
      %swap3A_149 = vector.shape_cast %swap3A_148 : vector<1x1x128xf32> to vector<1x128xf32>
      %swap3A_150 = vector.shape_cast %max3A : vector<1x128xf32> to vector<1x1x128xf32>
      tpu.vector_store %arg14[%swap3A_145, %swap3A_146, %swap3A_147], %swap3A_150 {strides = array<i32>} : memref<64x1x128xf32, #tpu.memory_space<vmem>>, vector<1x1x128xf32>,
      %while3A_151 = arith.constant 0 : i32
      scf.yield %while3A_151 : i32
    }
    %eq3A_124 = arith.constant 9 : i32
    %eq3A_125 = arith.cmpi eq, %arg0, %eq3A_124 : i32
    %convert_element_type3A_126 = arith.extui %eq3A_125 : i1 to i32
    %cond3A_127 = arith.constant 0 : i32
    %cond3A_128 = arith.cmpi ne, %convert_element_type3A_126, %cond3A_127 : i32
    scf.if %cond3A_128 {
      %get3A_129 = arith.constant 0 : index
      %get3A_130 = arith.constant 0 : index
      %get3A_131 = vector.load %arg15[%get3A_129, %get3A_130] : memref<64x128xf32, #tpu.memory_space<vmem>>, vector<64x128xf32>
      %get3A_132 = arith.constant 0 : index
      %get3A_133 = arith.constant 0 : index
      %get3A_134 = vector.load %arg16[%get3A_132, %get3A_133] : memref<64x128xf32, #tpu.memory_space<vmem>>, vector<64x128xf32>
      %max3A = arith.constant 1.000000e+00 : f32
      %max3A_135 = vector.broadcast %max3A : f32 to vector<64x128xf32>
      %max3A_136 = arith.maximumf %get3A_134, %max3A_135 : vector<64x128xf32>
      %div3A_137 = arith.divf %get3A_131, %max3A_136 : vector<64x128xf32>
      %get3A_138 = arith.constant 0 : index
      %get3A_139 = arith.constant 0 : index
      %get3A_140 = arith.constant 0 : index
      %get3A_141 = vector.load %arg14[%get3A_138, %get3A_139, %get3A_140] : memref<64x1x128xf32, #tpu.memory_space<vmem>>, vector<64x1x128xf32>
      %squeeze3A = vector.shape_cast %get3A_141 : vector<64x1x128xf32> to vector<64x128xf32>
      %get3A_142 = arith.constant 0 : index
      %get3A_143 = arith.constant 0 : index
      %get3A_144 = vector.load %arg10[%get3A_142, %get3A_143] : memref<128x128xf32, #tpu.memory_space<vmem>>, vector<128x128xf32>
      %dot_general3A_145 = arith.constant dense<0.000000e+00> : vector<64x128xf32>
      %dot_general3A_146 = tpu.matmul %squeeze3A, %get3A_144, %dot_general3A_145 {dimension_numbers = #tpu.dot_dimension_numbers<[1], [0], [0], [1], [0, 0, 1, 1], [], []>, transpose_lhs_hint = false} : vector<64x128xf32>, vector<128x128xf32>, vector<64x128xf32> -> vector<64x128xf32>
      %get3A_147 = arith.constant 0 : index
      %get3A_148 = arith.constant 0 : index
      %get3A_149 = vector.load %arg11[%get3A_147, %get3A_148] : memref<128x128xf32, #tpu.memory_space<vmem>>, vector<128x128xf32>
      %dot_general3A_150 = arith.constant dense<0.000000e+00> : vector<64x128xf32>
      %dot_general3A_151 = tpu.matmul %div3A_137, %get3A_149, %dot_general3A_150 {dimension_numbers = #tpu.dot_dimension_numbers<[1], [0], [0], [1], [0, 0, 1, 1], [], []>, transpose_lhs_hint = false} : vector<64x128xf32>, vector<128x128xf32>, vector<64x128xf32> -> vector<64x128xf32>
      %add3A_152 = arith.addf %dot_general3A_146, %dot_general3A_151 : vector<64x128xf32>
      %get3A_153 = arith.constant 0 : index
      %get3A_154 = arith.constant 0 : index
      %get3A_155 = vector.load %arg12[%get3A_153, %get3A_154] : memref<1x128xf32, #tpu.memory_space<vmem>>, vector<1x128xf32>
      %add3A_156 = vector.broadcast %get3A_155 : vector<1x128xf32> to vector<64x128xf32>
      %add3A_157 = arith.addf %add3A_152, %add3A_156 : vector<64x128xf32>
      %swap3A_158 = arith.constant 0 : index
      %swap3A_159 = arith.constant 0 : index
      %swap3A_160 = vector.load %arg13[%swap3A_158, %swap3A_159] : memref<64x128xf32, #tpu.memory_space<vmem>>, vector<64x128xf32>
      tpu.vector_store %arg13[%swap3A_158, %swap3A_159], %add3A_157 {strides = array<i32>} : memref<64x128xf32, #tpu.memory_space<vmem>>, vector<64x128xf32>,
    } else {
    }
    return
  }
  func.func @transform_0(%arg0: i32) -> (i32, i32, i32) {
    %c0_i32 = arith.constant 0 : i32
    %c0_i32_0 = arith.constant 0 : i32
    %c0_i32_1 = arith.constant 0 : i32
    return %c0_i32, %arg0, %c0_i32_0 : i32, i32, i32
  }
  func.func @transform_1(%arg0: i32) -> (i32, i32) {
    %c0_i32 = arith.constant 0 : i32
    %c0_i32_0 = arith.constant 0 : i32
    return %arg0, %c0_i32 : i32, i32
  }
  func.func @transform_2(%arg0: i32) -> (i32, i32, i32) {
    %c0_i32 = arith.constant 0 : i32
    %c0_i32_0 = arith.constant 0 : i32
    %c0_i32_1 = arith.constant 0 : i32
    return %c0_i32, %arg0, %c0_i32_0 : i32, i32, i32
  }
  func.func @transform_3(%arg0: i32) -> (i32, i32) {
    %c0_i32 = arith.constant 0 : i32
    %c0_i32_0 = arith.constant 0 : i32
    %c0_i32_1 = arith.constant 0 : i32
    return %c0_i32, %c0_i32_0 : i32, i32
  }
  func.func @transform_4(%arg0: i32) -> (i32, i32) {
    %c0_i32 = arith.constant 0 : i32
    %c0_i32_0 = arith.constant 0 : i32
    %c0_i32_1 = arith.constant 0 : i32
    return %c0_i32, %c0_i32_0 : i32, i32
  }
  func.func @transform_5(%arg0: i32) -> (i32, i32) {
    %c0_i32 = arith.constant 0 : i32
    %c0_i32_0 = arith.constant 0 : i32
    %c0_i32_1 = arith.constant 0 : i32
    return %c0_i32, %c0_i32_0 : i32, i32
  }
  func.func @transform_6(%arg0: i32) -> (i32, i32) {
    %c0_i32 = arith.constant 0 : i32
    %c0_i32_0 = arith.constant 0 : i32
    return %arg0, %c0_i32 : i32, i32
  }
  func.func @transform_7(%arg0: i32) -> (i32, i32, i32) {
    %c0_i32 = arith.constant 0 : i32
    %c0_i32_0 = arith.constant 0 : i32
    %c0_i32_1 = arith.constant 0 : i32
    return %arg0, %c0_i32, %c0_i32_0 : i32, i32, i32
  }
  func.func @transform_8(%arg0: i32) -> (i32, i32, i32) {
    %c0_i32 = arith.constant 0 : i32
    %c0_i32_0 = arith.constant 0 : i32
    %c0_i32_1 = arith.constant 0 : i32
    return %arg0, %c0_i32, %c0_i32_0 : i32, i32, i32
  }
  func.func @transform_9(%arg0: i32) -> (i32, i32) {
    %c0_i32 = arith.constant 0 : i32
    %c0_i32_0 = arith.constant 0 : i32
    %c0_i32_1 = arith.constant 0 : i32
    return %c0_i32, %c0_i32_0 : i32, i32
  }
  func.func @transform_10(%arg0: i32) -> (i32, i32) {
    %c0_i32 = arith.constant 0 : i32
    %c0_i32_0 = arith.constant 0 : i32
    %c0_i32_1 = arith.constant 0 : i32
    return %c0_i32, %c0_i32_0 : i32, i32
  }
  func.func @transform_11(%arg0: i32) -> (i32, i32) {
    %c0_i32 = arith.constant 0 : i32
    %c0_i32_0 = arith.constant 0 : i32
    %c0_i32_1 = arith.constant 0 : i32
    return %c0_i32, %c0_i32_0 : i32, i32
  }
  func.func @transform_12(%arg0: i32) -> (i32, i32) {
    %c0_i32 = arith.constant 0 : i32
    %c0_i32_0 = arith.constant 0 : i32
    %c0_i32_1 = arith.constant 0 : i32
    return %c0_i32, %c0_i32_0 : i32, i32
  }
}

</mosaic_0001>

<sc_bundles>
// kernel: kernel.10.cloned.1.call-start
scs
__scs_entry_jumppad:
0x0: {  	(pc) =	sbr.rel $0x88, $3  }
0x1: {  	(tag) =	ssettag $0x0;
	lr =	simm.s32 $0x1  }
0x2: {  	[smem:$0x3F90] =	sst lr;
	_ =	strace $0xD0000000  }
0x3: {  	_ = 	snop  }
0x4: {  	_ = 	snop  }
0x5: {  	_ = 	snop  }
0x6: {  	_ = 	snop  }
0x7: {  	_ = 	snop  }
__scs_overlays_trampoline_lowered:
0x8: {  	[smem:$0x3F9F] =	sst s0  }
0x9: {  	[smem:$0x3FA0] =	sst s1  }
0xa: {  	[smem:$0x3FA1] =	sst s2  }
0xb: {  	[smem:$0x3FA2] =	sst s3  }
0xc: {  	[smem:$0x3FA3] =	sst s4  }
0xd: {  	[smem:$0x3FA4] =	sst s5  }
0xe: {  	[smem:$0x3FA5] =	sst s6  }
0xf: {  	[smem:$0x3FA6] =	sst s7  }
0x10: {  	[smem:$0x3FA7] =	sst s8  }
0x11: {  	[smem:$0x3FA8] =	sst s9;
	s0 =	simm.s32 @!p0 $0x0  }
0x12: {  	s1 =	sld [smem:$0x3F8E];
	s0 =	simm.s32 @p0 $0x1  }
0x13: {  	[smem:$0x3FA9] =	sst s0;
	s0 =	simm.s32 @!p1 $0x0  }
0x14: {  	s2 =	sld [smem:$0x3F8D];
	s0 =	simm.s32 @p1 $0x1  }
0x15: {  	[smem:$0x3FAA] =	sst s0;
	s0 =	simm.s32 @!p2 $0x0  }
0x16: {  	s3 =	sld [smem:$0x3FDB];
	s0 =	simm.s32 @p2 $0x1  }
0x17: {  	s4 =	simm.s32 $0x1BF5;
	[smem:$0x3FAC] =	sst s0  }
0x18: {  	s0 =	sld [smem:$0x3F8F];
	_ =	swait.ge [sflag:s4], $0x0  }
0x19: {  	s7 =	sld [smem:$0x3F90]  }
0x1a: {  	s8 =	sadd.s32 $0xFFFFE003, lr  }
0x1b: {  	s9 =	sadd.s32 $0xFFFFFEF7, lr;
	s5 =	simm.s32 $0xFFFFFFFF;
	p2 =	slt.u32 s8, $0xFFFFF086  }
0x1c: {  	p1 =	slt.u32 s9, $0xF7A;
	s5 =	simm.s32 @!p2 $0x0  }
0x1d: {  	s5 =	simm.s32 @p1 $0x1;
	p0 =	seq.s32 s7, s2  }
0x1e: {  	s7 =	smul.u32 @!p0 $0xF7A, s2;
	p2 =	seq.s32 @!p0 s5, $0x0  }
0x1f: {  	s9 =	smul.u32 $0xF7A, s1;
	s8 =	simm.s32 @!p0 $0x1BF5;
	p2 =	por !p2, p0  }
0x20: {  	[sflag:s8] =	ssyncset.s32 @!p0 $0xFFFFF086;
	s6 =	sadd.s32 @!p0 s3, s7;
	s7 =	simm.s32 @!p0 $0x108  }
0x21: {  	s3 =	sadd.s32 s3, s9;
	s6 =	sadd.s32 @!p0 $0x88, s6;
	s7 =	simm.s32 @p2 $0x1082  }
0x22: {  	[simem:s7], [sflag:s8] =	dma.local @!p0 [hbm:s6], $0xF7A  }
0x23: {  	s9 =	sor.u32 $0xD0000000, s2;
	s6 =	simm.s32 $0x108;
	_ =	swait.ge @!p0 [sflag:s8], $0x0  }
0x24: {  	s3 =	sadd.s32 $0x88, s3;
	s6 =	simm.s32 @!p1 $0x1082;
	[sflag:s4] =	ssyncset.s32 $0xFFFFF086  }
0x25: {  	[simem:s6], [sflag:s4] =	dma.local [hbm:s3], $0xF7A  }
0x26: {  	[smem:$0x3F90] =	sst s1;
	(tag) =	ssettag s2;
	_ =	strace s9  }
0x27: {  	s1 =	sld [smem:$0x3FA0]  }
0x28: {  	s2 =	sld [smem:$0x3FA1]  }
0x29: {  	s4 =	sld [smem:$0x3FA3]  }
0x2a: {  	p0 =	seq.s32 s5, $0x0;
	s5 =	sld [smem:$0x3FA4]  }
0x2b: {  	s6 =	sld [smem:$0x3FA5]  }
0x2c: {  	s7 =	sld [smem:$0x3FA6]  }
0x2d: {  	s3 =	simm.s32 $0x108;
	s8 =	sld [smem:$0x3FA7]  }
0x2e: {  	s3 =	simm.s32 @!p0 $0x1082;
	s9 =	sld [smem:$0x3FA8]  }
0x2f: {  	lr =	sadd.s32 s0, s3;
	s0 =	sld [smem:$0x3F9F]  }
0x30: {  	s3 =	sld [smem:$0x3FA2]  }
0x31: {  	[smem:$0x3FAB] =	sst s10  }
0x32: {  	s10 =	sld [smem:$0x3FA9];
	_ =	sdelay $0x3  }
0x33: {  	p0 =	seq.s32 s10, $0x1;
	s10 =	sld [smem:$0x3FAB];
	_ =	sdelay $0x3  }
0x34: {  	[smem:$0x3FAB] =	sst s10  }
0x35: {  	s10 =	sld [smem:$0x3FAA];
	_ =	sdelay $0x3  }
0x36: {  	p1 =	seq.s32 s10, $0x1;
	s10 =	sld [smem:$0x3FAB];
	_ =	sdelay $0x3  }
0x37: {  	[smem:$0x3FAB] =	sst s10  }
0x38: {  	s10 =	sld [smem:$0x3FAC]  }
0x39: {  	_ = 	snop;
	(pc) =	sbr.ind lr, $3  }
0x3a: {  	_ = 	snop  }
0x3b: {  	_ = 	snop  }
0x3c: {  	p2 =	seq.s32 s10, $0x1;
	s10 =	sld [smem:$0x3FAB]  }
0x3d: {  	_ =	shalt  }
0x3e: {  	_ =	shalt  }
0x3f: {  	_ =	shalt  }
0x40: {  	_ =	shalt  }
0x41: {  	_ =	shalt  }
0x42: {  	_ =	shalt  }
0x43: {  	_ =	shalt  }
0x44: {  	_ =	shalt  }
0x45: {  	_ =	shalt  }
0x46: {  	_ =	shalt  }
0x47: {  	_ =	shalt  }
0x48: {  	_ =	shalt  }
0x49: {  	_ =	shalt  }
0x4a: {  	_ =	shalt  }
0x4b: {  	_ =	shalt  }
0x4c: {  	_ =	shalt  }
0x4d: {  	_ =	shalt  }
0x4e: {  	_ =	shalt  }
0x4f: {  	_ =	shalt  }
0x50: {  	_ =	shalt  }
0x51: {  	_ =	shalt  }
0x52: {  	_ =	shalt  }
0x53: {  	_ =	shalt  }
0x54: {  	_ =	shalt  }
0x55: {  	_ =	shalt  }
0x56: {  	_ =	shalt  }
0x57: {  	_ =	shalt  }
0x58: {  	_ =	shalt  }
0x59: {  	_ =	shalt  }
0x5a: {  	_ =	shalt  }
0x5b: {  	_ =	shalt  }
0x5c: {  	_ =	shalt  }
0x5d: {  	_ =	shalt  }
0x5e: {  	_ =	shalt  }
0x5f: {  	_ =	shalt  }
0x60: {  	_ =	shalt  }
0x61: {  	_ =	shalt  }
0x62: {  	_ =	shalt  }
0x63: {  	_ =	shalt  }
0x64: {  	_ =	shalt  }
0x65: {  	_ =	shalt  }
0x66: {  	_ =	shalt  }
0x67: {  	_ =	shalt  }
0x68: {  	_ =	shalt  }
0x69: {  	_ =	shalt  }
0x6a: {  	_ =	shalt  }
0x6b: {  	_ =	shalt  }
0x6c: {  	_ =	shalt  }
0x6d: {  	_ =	shalt  }
0x6e: {  	_ =	shalt  }
0x6f: {  	_ =	shalt  }
0x70: {  	_ =	shalt  }
0x71: {  	_ =	shalt  }
0x72: {  	_ =	shalt  }
0x73: {  	_ =	shalt  }
0x74: {  	_ =	shalt  }
0x75: {  	_ =	shalt  }
0x76: {  	_ =	shalt  }
0x77: {  	_ =	shalt  }
0x78: {  	_ =	shalt  }
0x79: {  	_ =	shalt  }
0x7a: {  	_ =	shalt  }
0x7b: {  	_ =	shalt  }
0x7c: {  	_ =	shalt  }
0x7d: {  	_ =	shalt  }
0x7e: {  	_ =	shalt  }
0x7f: {  	_ =	shalt  }
0x80: {  	_ =	shalt  }
0x81: {  	_ =	shalt  }
0x82: {  	_ =	shalt  }
0x83: {  	_ =	shalt  }
0x84: {  	_ =	shalt  }
0x85: {  	_ =	shalt  }
0x86: {  	_ =	shalt  }
0x87: {  	_ =	shalt  }
.Lfunc_end0:
.L_simem_size_0:
called_computation_lowered:
.L_overlay_start_0:
0x88: {  	s2 =	sld [smem:$0x3FD9]  }
0x89: {  	s3 =	sld [smem:$0x3FFE];
	_ =	sdelay $0x1  }
0x8a: {  	s1 =	srdreg.scid  }
0x8b: {  	s0 =	sand.u32 $0x1, s1  }
0x8c: {  	s16 =	sshll.u32 s0, $0xA;
	s2 =	sadd.s32 s3, s2  }
0x8d: {  	s2 =	sadd.s32 s2, s16  }
0x8e: {  	[smem:$0x3FB7] =	sst s2  }
0x8f: {  	_ = 	snop  }
0x90: {  	(tm) =	ssettm $0x1  }
0x91: {  	s17 =	sld [smem:$0x3FFB];
	_ =	sdelay $0x3  }
0x92: {  	_ =	strace s17  }
0x93: {  	s2 =	sld [smem:$0x3FFC];
	_ =	sdelay $0x3  }
0x94: {  	_ =	strace s2  }
0x95: {  	s2 =	sld [smem:$0x3FFD];
	_ =	sdelay $0x3  }
0x96: {  	_ =	strace s2  }
0x97: {  	_ =	strace $0x8FFFFFFF  }
0x98: {  	s18 =	sld [smem:$0x3FDB];
	_ =	sdelay $0x1  }
0x99: {  	s19 =	simm.s32 $_scs_section_size  }
0x9a: {  	s4 =	simm.s32 $_size__tile_overlayer_lowered;
	s5 =	simm.s32 $_tile_overlayer_lowered  }
0x9b: {  	s22 =	simm.s32 $0x1BFF;
	s21 =	sshll.u32 s5, $0x1;
	s2 =	sadd.s32 s19, s18  }
0x9c: {  	s6 =	simm.s32 $0x0;
	s20 =	sshll.u32 s4, $0x1;
	s4 =	sadd.s32 s21, s2  }
0x9d: {  	[timem:s6], [sflag:s22] =	dma.local [hbm:s4], s20  }
0x9e: {  	_ =	swait.ge [sflag:s22], s20  }
0x9f: {  	s3 =	ssub.s32 $0x0, s20;
	[sflag:s22] =	ssyncset.done $0x0  }
0xa0: {  	[sflag:s22] =	ssyncadd.s32 s3;
	_ =	sdelay $0x1  }
0xa1: {  	s23 =	simm.s32 $0x1B8B  }
0xa2: {  	_ =	swait.ge [sflag:s23], $0x1  }
0xa3: {  	[sflag:s23] =	ssyncset.done $0x0  }
0xa4: {  	s25 =	simm.s32 $0x1B8E;
	s24 =	sld [smem:$0x3FFE];
	[sflag:s23] =	ssyncadd.s32 $0xFFFFFFFF  }
0xa5: {  	s26 =	simm.s32 $execute0_lowered;
	[smem:$0x3FD2] =	sst s25  }
0xa6: {  	s4 =	sshll.u32 s26, $0x1;
	_ =	strace $0x80000046;
	[dreg:$0x1] =	wrdreg $0xFFFFFFFF  }
0xa7: {  	s28 =	simm.s32 $_size_execute0_lowered;
	s2 =	sadd.s32 s2, s4;
	[dreg:$0x0] =	wrdreg $0x0  }
0xa8: {  	s4 =	sshll.u32 s28, $0x1;
	[dreg:$0x2] =	wrdreg s2  }
0xa9: {  	[dreg:$0x3] =	wrdreg s4  }
0xaa: {  	[dreg:$0x4] =	wrdreg $0xC0  }
0xab: {  	_ =	task [dreg:s6], $0x5FFFF  }
0xac: {  	[dreg:$0x1] =	wrdreg $0xFFFFFFFF  }
0xad: {  	[dreg:$0x0] =	wrdreg $0x60  }
0xae: {  	[dreg:$0x2] =	wrdreg s24  }
0xaf: {  	[dreg:$0x3] =	wrdreg $0x68800  }
0xb0: {  	[dreg:$0x4] =	wrdreg $0x9  }
0xb1: {  	_ =	task.clear_ibuf [dreg:s6], $0x5FFFF;
	_ =	strace $0x90000046  }
0xb2: {  	s29 =	simm.s32 $0x9;
	_ =	strace $0x80000048  }
0xb3: {  	_ =	swait.ge [sflag:s29], $0x1  }
0xb4: {  	[sflag:s29] =	ssyncadd.s32 $0xFFFFFFFF  }
0xb5: {  	_ =	strace $0x90000048  }
0xb6: {  	_ =	sfence  }
0xb7: {  	s30 =	sld [smem:$0x0];
	_ =	sdelay $0x2  }
0xb8: {  	s31 =	sshll.u32 s1, $0xD;
	s1 =	sshrl.u32 s1, $0x2  }
0xb9: {  	s3 =	sand.u32 $0x4000, s31;
	s1 =	sadd.s32 s1, s30  }
0xba: {  	s0 =	sor.u32 s3, s0;
	s1 =	sshll.u32 s1, $0x11  }
0xbb: {  	s0 =	sor.u32 s1, s0  }
0xbc: {  	s0 =	sadd.s32 $0x8F2B, s0  }
0xbd: {  	[sflag:s0] =	ssyncadd.remote.s32 $0x1  }
0xbe: {  	_ =	sfence.sel $0xFFFF  }
0xbf: {  	[dreg:$0x0] =	wrdreg $0xFFFFFFFF;
	(pc) =	sbr.abs _section_cstart, $3  }
0xc0: {  	[dreg:$0x1] =	wrdreg $0xFFFFFFFF  }
0xc1: {  	_ =	task.clear_ibuf [dreg:s6], $0x2FFFF;
	_ =	strace $0x9FFFFFFF  }
0xc2: {  	(tm) =	ssettm $0x7FFFFFFF  }
0xc3: {  	_ =	shalt  }
tec
execute0_lowered:
.L_overlay_start_1:
0x0: {  	(tag) =	ssettag $0x1  }
0x1: {  	s0 =	srdreg.scid;
	s4 =	rddreg [dreg:$0x0]  }
0x2: {  	s2 =	rddreg [dreg:$0x1];
	s5 =	sand.u32 $0x1, s0  }
0x3: {  	s0 =	stileid.u32;
	s6 =	smul.u32 $0x28000, s5  }
0x4: {  	s1 =	rddreg [dreg:$0x2];
	s3 =	simm.s32 $0x0;
	s7 =	smul.u32 $0x2800, s0  }
0x5: {  	s12 =	simm.s32 $0x1;
	s13 =	simm.s32 $0x2880;
	s8 =	smul.u32 $0x13C000, s5  }
0x6: {  	s14 =	simm.s32 $0x80;
	s15 =	simm.s32 $0x2800;
	s29 =	smul.u32 $0x13C00, s0  }
0x7: {  	[smem:$0x7FF] =	sst s3;
	s9 =	smul.u32 $0x4F000, s0;
	s5 =	ssub.s32 $0x2, s5  }
0x8: {  	_ =	strace $0x80000047;
	s16 =	sshll.u32 s0, $0x6;
	s31 =	sshrl.u32 s5, $0x1  }
0x9: {  	s16 =	sor.u32 $0x1C01, s16;
	s6 =	sadd.s32 s7, s6;
	s7 =	sadd.s32 s29, s8  }
0xa: {  	s30 =	sshrl.u32 s9, $0x2;
	s11 =	ssub.s32 s5, s31;
	s6 =	sshrl.u32 s6, $0x3  }
0xb: {  	s7 =	sshrl.u32 s7, $0x3;
	s11 =	smax.u32 s11, $0x1;
	s6 =	sadd.s32 s6, s4  }
0xc: {  	s10 =	sadd.s32 s7, s4;
	s4 =	sadd.s32 s30, s2;
	s5 =	sadd.s32 $0x4600, s6  }
0xd: {  	s6 =	sadd.s32 $0x4000, s4;
	s7 =	sadd.s32 $0x8000, s4;
	s8 =	sadd.s32 $0xC000, s4  }
0xe: {  	v0 =	vimm.f32 $0.0e+00;
	v1 =	vimm.f32 $1.000000000e+00;
	s9 =	sadd.s32 $0x10000, s4;
	s10 =	sadd.s32 $0xE600, s10;
	s17 =	sshrl.u32 s4, $0x3  }
.LBB2_1:
0xf: {  	s18 =	simm.s32 $0x0;
	s19 =	simm.s32 $0x200  }
.LBB2_2:
0x10: {  	p0 =	sne.s32 s19, $0xFE00;
	[tilespmem:s18+$0x28F0] =	vst v0  }
0x11: {  	[tilespmem:s18+$0x2880] =	vst v0  }
0x12: {  	[tilespmem:s18+$0x2890] =	vst v0  }
.Ltmp0:
0x13: {  	[tilespmem:s18+$0x28A0] =	vst v0;
	(pc) =	sbr.rel @p0 .LBB2_2-.Ltmp0, $4  }
0x14: {  	[tilespmem:s18+$0x28B0] =	vst v0  }
0x15: {  	[tilespmem:s18+$0x28C0] =	vst v0  }
0x16: {  	[tilespmem:s18+$0x28D0] =	vst v0  }
0x17: {  	[tilespmem:s18+$0x28E0] =	vst v0;
	s18 =	sshra.s32 s19, $0x2;
	s19 =	sadd.s32 $0x200, s19  }
0x18: {  	[tilespmem:s18+$0x28F0] =	vst v0  }
0x19: {  	[tilespmem:s18+$0x2880] =	vst v0  }
0x1a: {  	[tilespmem:s18+$0x2890] =	vst v0  }
0x1b: {  	[tilespmem:s18+$0x28A0] =	vst v0  }
0x1c: {  	[tilespmem:s18+$0x28B0] =	vst v0  }
0x1d: {  	[tilespmem:s18+$0x28C0] =	vst v0  }
0x1e: {  	[tilespmem:s18+$0x28D0] =	vst v0  }
0x1f: {  	[tilespmem:s18+$0x28E0] =	vst v0;
	s31 =	simm.s32 $0x0  }
0x20: {  	[tilespmem:s31], [sflag:$0x1] =	stream.linear.gather [hbm4b:s5+s31], $0x2800, $0x38;
	[tilespmem:$0x1A480] =	vst v63  }
0x21: {  	_ =	swait.ge [sflag:s12], $0x2800  }
0x22: {  	[sflag:s12] =	ssyncset.done $0x0  }
0x23: {  	[sflag:s12] =	ssyncadd.s32 $0xFFFFD800  }
0x24: {  	[spmem:s4] =	stream.linear.scatter [tilespmem:s13], [sflag:$0x1], $0x4000, $0x38;
	[tilespmem:$0x1A480] =	vst v63  }
0x25: {  	_ =	swait.ge [sflag:s12], $0x4000  }
0x26: {  	[sflag:s12] =	ssyncset.done $0x0  }
0x27: {  	[sflag:s12] =	ssyncadd.s32 $0xFFFFC000  }
0x28: {  	[spmem:s6] =	stream.linear.scatter [tilespmem:s13], [sflag:$0x1], $0x4000, $0x38;
	[tilespmem:$0x1A480] =	vst v63  }
0x29: {  	_ =	swait.ge [sflag:s12], $0x4000  }
0x2a: {  	[sflag:s12] =	ssyncset.done $0x0  }
0x2b: {  	[sflag:s12] =	ssyncadd.s32 $0xFFFFC000  }
0x2c: {  	[spmem:s7] =	stream.linear.scatter [tilespmem:s13], [sflag:$0x1], $0x4000, $0x38;
	[tilespmem:$0x1A480] =	vst v63  }
0x2d: {  	_ =	swait.ge [sflag:s12], $0x4000  }
0x2e: {  	[sflag:s12] =	ssyncset.done $0x0  }
0x2f: {  	[sflag:s12] =	ssyncadd.s32 $0xFFFFC000  }
0x30: {  	[spmem:s8] =	stream.linear.scatter [tilespmem:s13], [sflag:$0x1], $0x4000, $0x38;
	[tilespmem:$0x1A480] =	vst v63  }
0x31: {  	_ =	swait.ge [sflag:s12], $0x4000  }
0x32: {  	[sflag:s12] =	ssyncset.done $0x0  }
0x33: {  	[sflag:s12] =	ssyncadd.s32 $0xFFFFC000  }
0x34: {  	[spmem:s9] =	stream.linear.scatter [tilespmem:s13], [sflag:$0x1], $0x3C00, $0x38;
	[tilespmem:$0x1A480] =	vst v63  }
0x35: {  	_ =	swait.ge [sflag:s12], $0x3C00  }
0x36: {  	[sflag:s12] =	ssyncset.done $0x0  }
0x37: {  	[sflag:s12] =	ssyncadd.s32 $0xFFFFC400  }
0x38: {  	s18 =	simm.s32 $0x0;
	s19 =	simm.s32 $0x200;
	[bflag:$0x0] =	sbarrier.arrive $0xFFFF  }
.LBB2_4:
0x39: {  	p0 =	sne.s32 s19, $0xFE00;
	[tilespmem:s18+$0x28F0] =	vst v1  }
0x3a: {  	[tilespmem:s18+$0x2880] =	vst v1  }
0x3b: {  	[tilespmem:s18+$0x2890] =	vst v1  }
.Ltmp1:
0x3c: {  	[tilespmem:s18+$0x28A0] =	vst v1;
	(pc) =	sbr.rel @p0 .LBB2_4-.Ltmp1, $4  }
0x3d: {  	[tilespmem:s18+$0x28B0] =	vst v1  }
0x3e: {  	[tilespmem:s18+$0x28C0] =	vst v1  }
0x3f: {  	[tilespmem:s18+$0x28D0] =	vst v1  }
0x40: {  	[tilespmem:s18+$0x28E0] =	vst v1;
	s18 =	sshra.s32 s19, $0x2;
	s19 =	sadd.s32 $0x200, s19  }
0x41: {  	[tilespmem:s18+$0x28F0] =	vst v1  }
0x42: {  	[tilespmem:s18+$0x2880] =	vst v1  }
0x43: {  	[tilespmem:s18+$0x2890] =	vst v1  }
0x44: {  	[tilespmem:s18+$0x28A0] =	vst v1  }
0x45: {  	[tilespmem:s18+$0x28B0] =	vst v1  }
0x46: {  	[tilespmem:s18+$0x28C0] =	vst v1  }
0x47: {  	[tilespmem:s18+$0x28D0] =	vst v1  }
0x48: {  	[tilespmem:s18+$0x28E0] =	vst v1;
	s31 =	simm.s32 $0x0  }
0x49: {  	v2 =	vld [tilespmem:s31+$0x0];
	_ =	sdelay $0x4  }
0x4a: {  	[tilespmem:$0x2800] =	vst v2  }
0x4b: {  	v2 =	vld [tilespmem:s31+$0x10];
	_ =	sdelay $0x4  }
0x4c: {  	[tilespmem:$0x2810] =	vst v2  }
0x4d: {  	v2 =	vld [tilespmem:s31+$0x20];
	_ =	sdelay $0x4  }
0x4e: {  	[tilespmem:$0x2820] =	vst v2  }
0x4f: {  	v2 =	vld [tilespmem:s31+$0x30];
	_ =	sdelay $0x4  }
0x50: {  	[tilespmem:$0x2830] =	vst v2  }
0x51: {  	v2 =	vld [tilespmem:s31+$0x40];
	_ =	sdelay $0x4  }
0x52: {  	[tilespmem:$0x2840] =	vst v2  }
0x53: {  	v2 =	vld [tilespmem:s31+$0x50];
	_ =	sdelay $0x4  }
0x54: {  	[tilespmem:$0x2850] =	vst v2  }
0x55: {  	v2 =	vld [tilespmem:s31+$0x60];
	_ =	sdelay $0x4  }
0x56: {  	[tilespmem:$0x2860] =	vst v2  }
0x57: {  	v2 =	vld [tilespmem:s31+$0x70];
	_ =	sdelay $0x4  }
0x58: {  	[tilespmem:$0x2870] =	vst v2  }
0x59: {  	[spmem:s2] =	stream.indirect.scatter.add.f32 [tilespmem:s13], [sflag:$0x1], $0x80, s15, s14, $0xb8;
	[tilespmem:$0x1A480] =	vst v63  }
0x5a: {  	_ =	swait.ge [sflag:s12], $0x4000  }
0x5b: {  	s18 =	simm.s32 $0x200;
	s20 =	simm.s32 $0x400;
	[sflag:s12] =	ssyncset.done $0x0  }
.LBB2_6:
0x5c: {  	s21 =	sshra.s32 s18, $0x2  }
0x5d: {  	[sflag:s12] =	ssyncadd.s32 $0xFFFFC000;
	s18 =	smov.u32 s20;
	s19 =	sadd.s32 $0x200, s20  }
0x5e: {  	p0 =	sne.s32 s20, $0x9E00;
	v2 =	vld [tilespmem:s21+$0x0];
	_ =	sdelay $0x4  }
0x5f: {  	[tilespmem:$0x2800] =	vst v2  }
0x60: {  	v2 =	vld [tilespmem:s21+$0x10];
	_ =	sdelay $0x4  }
0x61: {  	[tilespmem:$0x2810] =	vst v2  }
0x62: {  	v2 =	vld [tilespmem:s21+$0x20];
	_ =	sdelay $0x4  }
0x63: {  	[tilespmem:$0x2820] =	vst v2  }
0x64: {  	v2 =	vld [tilespmem:s21+$0x30];
	_ =	sdelay $0x4  }
0x65: {  	[tilespmem:$0x2830] =	vst v2  }
0x66: {  	v2 =	vld [tilespmem:s21+$0x40];
	_ =	sdelay $0x4  }
0x67: {  	[tilespmem:$0x2840] =	vst v2  }
0x68: {  	v2 =	vld [tilespmem:s21+$0x50];
	_ =	sdelay $0x4  }
0x69: {  	[tilespmem:$0x2850] =	vst v2  }
0x6a: {  	v2 =	vld [tilespmem:s21+$0x60];
	_ =	sdelay $0x4  }
0x6b: {  	[tilespmem:$0x2860] =	vst v2  }
0x6c: {  	v2 =	vld [tilespmem:s21+$0x70];
	_ =	sdelay $0x3  }
.Ltmp2:
0x6d: {  	(pc) =	sbr.rel @p0 .LBB2_6-.Ltmp2, $4  }
0x6e: {  	[tilespmem:$0x2870] =	vst v2  }
0x6f: {  	[spmem:s2] =	stream.indirect.scatter.add.f32 [tilespmem:s13], [sflag:$0x1], $0x80, s15, s14, $0xb8;
	[tilespmem:$0x1A480] =	vst v63  }
0x70: {  	_ =	swait.ge [sflag:s12], $0x4000  }
0x71: {  	s20 =	smov.u32 s19;
	[sflag:s12] =	ssyncset.done $0x0  }
0x72: {  	s18 =	sshra.s32 s18, $0x2;
	[sflag:s12] =	ssyncadd.s32 $0xFFFFC000  }
0x73: {  	v2 =	vld [tilespmem:s18+$0x0];
	_ =	sdelay $0x4  }
0x74: {  	[tilespmem:$0x2800] =	vst v2  }
0x75: {  	v2 =	vld [tilespmem:s18+$0x10];
	_ =	sdelay $0x4  }
0x76: {  	[tilespmem:$0x2810] =	vst v2  }
0x77: {  	v2 =	vld [tilespmem:s18+$0x20];
	_ =	sdelay $0x4  }
0x78: {  	[tilespmem:$0x2820] =	vst v2  }
0x79: {  	v2 =	vld [tilespmem:s18+$0x30];
	_ =	sdelay $0x4  }
0x7a: {  	[tilespmem:$0x2830] =	vst v2  }
0x7b: {  	v2 =	vld [tilespmem:s18+$0x40];
	_ =	sdelay $0x4  }
0x7c: {  	[tilespmem:$0x2840] =	vst v2  }
0x7d: {  	v2 =	vld [tilespmem:s18+$0x50];
	_ =	sdelay $0x4  }
0x7e: {  	[tilespmem:$0x2850] =	vst v2  }
0x7f: {  	v2 =	vld [tilespmem:s18+$0x60];
	_ =	sdelay $0x4  }
0x80: {  	[tilespmem:$0x2860] =	vst v2  }
0x81: {  	v2 =	vld [tilespmem:s18+$0x70];
	_ =	sdelay $0x4  }
0x82: {  	[tilespmem:$0x2870] =	vst v2  }
0x83: {  	[spmem:s2] =	stream.indirect.scatter.add.f32 [tilespmem:s13], [sflag:$0x1], $0x80, s15, s14, $0xb8;
	[tilespmem:$0x1A480] =	vst v63  }
0x84: {  	_ =	swait.ge [sflag:s12], $0x4000  }
0x85: {  	s3 =	sadd.s32 $0x1, s3;
	[sflag:s12] =	ssyncset.done $0x0  }
0x86: {  	p0 =	sne.s32 s3, s11;
	[sflag:s12] =	ssyncadd.s32 $0xFFFFC000  }
.Ltmp3:
0x87: {  	[bflag:$0x0] =	sbarrier.arrive $0xFFFF;
	(pc) =	sbr.rel @p0 .LBB2_1-.Ltmp3, $4  }
0x88: {  	[hbm:s10], [sflag:s16] =	dma.local [spmem:s17], $0x2780  }
0x89: {  	_ =	swait.ge [sflag:s12], $0x2780  }
0x8a: {  	[sflag:s12] =	ssyncset.done $0x0  }
0x8b: {  	[sflag:s12] =	ssyncadd.s32 $0xFFFFD880  }
0x8c: {  	_ =	sfence.sel $0x180000  }
0x8d: {  	[bflag:$0x0] =	sbarrier.arrive $0xFFFF  }
0x8e: {  	p0 =	sne.s32 s0, $0x0;
	_ =	strace $0x90000047  }
0x8f: {  	s0 =	sadd.s32 @!p0 $0x100000, s1;
	[bflag:$0x2] =	sbarrier.arrive $0xFFFF  }
0x90: {  	[sflag:s0] =	ssyncadd.tile.s32 @!p0 $0x1;
	_ =	shalt  }
.Lfunc_end2:
_tile_overlayer_lowered:
.L_overlay_start_2:
0x91: {  	(tag) =	ssettag $0x2  }
0x92: {  	s0 =	rddreg [dreg:$0x0];
	s2 =	stileid.u32  }
0x93: {  	s1 =	rddreg [dreg:$0x1];
	p0 =	sne.s32 s2, $0x0  }
0x94: {  	s3 =	rddreg [dreg:$0x2];
	[bflag:$0x3] =	sbarrier.arrive $0xFFFF;
	s2 =	simm.s32 @!p0 $0x1C01  }
0x95: {  	[timem:s3], [sflag:s2] =	dma.local @!p0 [hbm:s0], s1  }
0x96: {  	s0 =	simm.s32 @!p0 $0x1  }
0x97: {  	_ =	swait.ge @!p0 [sflag:s0], s1  }
0x98: {  	s1 =	ssub.s32 @!p0 $0x0, s1;
	[sflag:s0] =	ssyncset.done @!p0 $0x0  }
0x99: {  	[sflag:s0] =	ssyncadd.s32 @!p0 s1  }
0x9a: {  	[bflag:$0x3] =	sbarrier.arrive $0xFFFF  }
0x9b: {  	_ =	shalt  }

// kernel: kernel.13.cloned.1.call-start
scs
__scs_entry_jumppad:
0x0: {  	(pc) =	sbr.rel $0x88, $3  }
0x1: {  	(tag) =	ssettag $0x0;
	lr =	simm.s32 $0x1  }
0x2: {  	[smem:$0x3F90] =	sst lr;
	_ =	strace $0xD0000000  }
0x3: {  	_ = 	snop  }
0x4: {  	_ = 	snop  }
0x5: {  	_ = 	snop  }
0x6: {  	_ = 	snop  }
0x7: {  	_ = 	snop  }
__scs_overlays_trampoline_lowered:
0x8: {  	[smem:$0x3F9F] =	sst s0  }
0x9: {  	[smem:$0x3FA0] =	sst s1  }
0xa: {  	[smem:$0x3FA1] =	sst s2  }
0xb: {  	[smem:$0x3FA2] =	sst s3  }
0xc: {  	[smem:$0x3FA3] =	sst s4  }
0xd: {  	[smem:$0x3FA4] =	sst s5  }
0xe: {  	[smem:$0x3FA5] =	sst s6  }
0xf: {  	[smem:$0x3FA6] =	sst s7  }
0x10: {  	[smem:$0x3FA7] =	sst s8  }
0x11: {  	[smem:$0x3FA8] =	sst s9;
	s0 =	simm.s32 @!p0 $0x0  }
0x12: {  	s1 =	sld [smem:$0x3F8E];
	s0 =	simm.s32 @p0 $0x1  }
0x13: {  	[smem:$0x3FA9] =	sst s0;
	s0 =	simm.s32 @!p1 $0x0  }
0x14: {  	s2 =	sld [smem:$0x3F8D];
	s0 =	simm.s32 @p1 $0x1  }
0x15: {  	[smem:$0x3FAA] =	sst s0;
	s0 =	simm.s32 @!p2 $0x0  }
0x16: {  	s3 =	sld [smem:$0x3FDB];
	s0 =	simm.s32 @p2 $0x1  }
0x17: {  	s4 =	simm.s32 $0x1BF5;
	[smem:$0x3FAC] =	sst s0  }
0x18: {  	s0 =	sld [smem:$0x3F8F];
	_ =	swait.ge [sflag:s4], $0x0  }
0x19: {  	s7 =	sld [smem:$0x3F90]  }
0x1a: {  	s8 =	sadd.s32 $0xFFFFE003, lr  }
0x1b: {  	s9 =	sadd.s32 $0xFFFFFEF7, lr;
	s5 =	simm.s32 $0xFFFFFFFF;
	p2 =	slt.u32 s8, $0xFFFFF086  }
0x1c: {  	p1 =	slt.u32 s9, $0xF7A;
	s5 =	simm.s32 @!p2 $0x0  }
0x1d: {  	s5 =	simm.s32 @p1 $0x1;
	p0 =	seq.s32 s7, s2  }
0x1e: {  	s7 =	smul.u32 @!p0 $0xF7A, s2;
	p2 =	seq.s32 @!p0 s5, $0x0  }
0x1f: {  	s9 =	smul.u32 $0xF7A, s1;
	s8 =	simm.s32 @!p0 $0x1BF5;
	p2 =	por !p2, p0  }
0x20: {  	[sflag:s8] =	ssyncset.s32 @!p0 $0xFFFFF086;
	s6 =	sadd.s32 @!p0 s3, s7;
	s7 =	simm.s32 @!p0 $0x108  }
0x21: {  	s3 =	sadd.s32 s3, s9;
	s6 =	sadd.s32 @!p0 $0x88, s6;
	s7 =	simm.s32 @p2 $0x1082  }
0x22: {  	[simem:s7], [sflag:s8] =	dma.local @!p0 [hbm:s6], $0xF7A  }
0x23: {  	s9 =	sor.u32 $0xD0000000, s2;
	s6 =	simm.s32 $0x108;
	_ =	swait.ge @!p0 [sflag:s8], $0x0  }
0x24: {  	s3 =	sadd.s32 $0x88, s3;
	s6 =	simm.s32 @!p1 $0x1082;
	[sflag:s4] =	ssyncset.s32 $0xFFFFF086  }
0x25: {  	[simem:s6], [sflag:s4] =	dma.local [hbm:s3], $0xF7A  }
0x26: {  	[smem:$0x3F90] =	sst s1;
	(tag) =	ssettag s2;
	_ =	strace s9  }
0x27: {  	s1 =	sld [smem:$0x3FA0]  }
0x28: {  	s2 =	sld [smem:$0x3FA1]  }
0x29: {  	s4 =	sld [smem:$0x3FA3]  }
0x2a: {  	p0 =	seq.s32 s5, $0x0;
	s5 =	sld [smem:$0x3FA4]  }
0x2b: {  	s6 =	sld [smem:$0x3FA5]  }
0x2c: {  	s7 =	sld [smem:$0x3FA6]  }
0x2d: {  	s3 =	simm.s32 $0x108;
	s8 =	sld [smem:$0x3FA7]  }
0x2e: {  	s3 =	simm.s32 @!p0 $0x1082;
	s9 =	sld [smem:$0x3FA8]  }
0x2f: {  	lr =	sadd.s32 s0, s3;
	s0 =	sld [smem:$0x3F9F]  }
0x30: {  	s3 =	sld [smem:$0x3FA2]  }
0x31: {  	[smem:$0x3FAB] =	sst s10  }
0x32: {  	s10 =	sld [smem:$0x3FA9];
	_ =	sdelay $0x3  }
0x33: {  	p0 =	seq.s32 s10, $0x1;
	s10 =	sld [smem:$0x3FAB];
	_ =	sdelay $0x3  }
0x34: {  	[smem:$0x3FAB] =	sst s10  }
0x35: {  	s10 =	sld [smem:$0x3FAA];
	_ =	sdelay $0x3  }
0x36: {  	p1 =	seq.s32 s10, $0x1;
	s10 =	sld [smem:$0x3FAB];
	_ =	sdelay $0x3  }
0x37: {  	[smem:$0x3FAB] =	sst s10  }
0x38: {  	s10 =	sld [smem:$0x3FAC]  }
0x39: {  	_ = 	snop;
	(pc) =	sbr.ind lr, $3  }
0x3a: {  	_ = 	snop  }
0x3b: {  	_ = 	snop  }
0x3c: {  	p2 =	seq.s32 s10, $0x1;
	s10 =	sld [smem:$0x3FAB]  }
0x3d: {  	_ =	shalt  }
0x3e: {  	_ =	shalt  }
0x3f: {  	_ =	shalt  }
0x40: {  	_ =	shalt  }
0x41: {  	_ =	shalt  }
0x42: {  	_ =	shalt  }
0x43: {  	_ =	shalt  }
0x44: {  	_ =	shalt  }
0x45: {  	_ =	shalt  }
0x46: {  	_ =	shalt  }
0x47: {  	_ =	shalt  }
0x48: {  	_ =	shalt  }
0x49: {  	_ =	shalt  }
0x4a: {  	_ =	shalt  }
0x4b: {  	_ =	shalt  }
0x4c: {  	_ =	shalt  }
0x4d: {  	_ =	shalt  }
0x4e: {  	_ =	shalt  }
0x4f: {  	_ =	shalt  }
0x50: {  	_ =	shalt  }
0x51: {  	_ =	shalt  }
0x52: {  	_ =	shalt  }
0x53: {  	_ =	shalt  }
0x54: {  	_ =	shalt  }
0x55: {  	_ =	shalt  }
0x56: {  	_ =	shalt  }
0x57: {  	_ =	shalt  }
0x58: {  	_ =	shalt  }
0x59: {  	_ =	shalt  }
0x5a: {  	_ =	shalt  }
0x5b: {  	_ =	shalt  }
0x5c: {  	_ =	shalt  }
0x5d: {  	_ =	shalt  }
0x5e: {  	_ =	shalt  }
0x5f: {  	_ =	shalt  }
0x60: {  	_ =	shalt  }
0x61: {  	_ =	shalt  }
0x62: {  	_ =	shalt  }
0x63: {  	_ =	shalt  }
0x64: {  	_ =	shalt  }
0x65: {  	_ =	shalt  }
0x66: {  	_ =	shalt  }
0x67: {  	_ =	shalt  }
0x68: {  	_ =	shalt  }
0x69: {  	_ =	shalt  }
0x6a: {  	_ =	shalt  }
0x6b: {  	_ =	shalt  }
0x6c: {  	_ =	shalt  }
0x6d: {  	_ =	shalt  }
0x6e: {  	_ =	shalt  }
0x6f: {  	_ =	shalt  }
0x70: {  	_ =	shalt  }
0x71: {  	_ =	shalt  }
0x72: {  	_ =	shalt  }
0x73: {  	_ =	shalt  }
0x74: {  	_ =	shalt  }
0x75: {  	_ =	shalt  }
0x76: {  	_ =	shalt  }
0x77: {  	_ =	shalt  }
0x78: {  	_ =	shalt  }
0x79: {  	_ =	shalt  }
0x7a: {  	_ =	shalt  }
0x7b: {  	_ =	shalt  }
0x7c: {  	_ =	shalt  }
0x7d: {  	_ =	shalt  }
0x7e: {  	_ =	shalt  }
0x7f: {  	_ =	shalt  }
0x80: {  	_ =	shalt  }
0x81: {  	_ =	shalt  }
0x82: {  	_ =	shalt  }
0x83: {  	_ =	shalt  }
0x84: {  	_ =	shalt  }
0x85: {  	_ =	shalt  }
0x86: {  	_ =	shalt  }
0x87: {  	_ =	shalt  }
.Lfunc_end0:
.L_simem_size_0:
called_computation.1_lowered:
.L_overlay_start_0:
0x88: {  	s2 =	sld [smem:$0x3FD9]  }
0x89: {  	s3 =	sld [smem:$0x3FFE];
	_ =	sdelay $0x1  }
0x8a: {  	s1 =	srdreg.scid  }
0x8b: {  	s0 =	sand.u32 $0x1, s1  }
0x8c: {  	s16 =	sshll.u32 s0, $0xA;
	s2 =	sadd.s32 s3, s2  }
0x8d: {  	s2 =	sadd.s32 s2, s16  }
0x8e: {  	[smem:$0x3FB7] =	sst s2  }
0x8f: {  	_ = 	snop  }
0x90: {  	(tm) =	ssettm $0x1  }
0x91: {  	s17 =	sld [smem:$0x3FFB];
	_ =	sdelay $0x3  }
0x92: {  	_ =	strace s17  }
0x93: {  	s2 =	sld [smem:$0x3FFC];
	_ =	sdelay $0x3  }
0x94: {  	_ =	strace s2  }
0x95: {  	s2 =	sld [smem:$0x3FFD];
	_ =	sdelay $0x3  }
0x96: {  	_ =	strace s2  }
0x97: {  	_ =	strace $0x8FFFFFFF  }
0x98: {  	s18 =	sld [smem:$0x3FDB];
	_ =	sdelay $0x1  }
0x99: {  	s19 =	simm.s32 $_scs_section_size  }
0x9a: {  	s4 =	simm.s32 $_size__tile_overlayer_lowered;
	s5 =	simm.s32 $_tile_overlayer_lowered  }
0x9b: {  	s22 =	simm.s32 $0x1BFF;
	s21 =	sshll.u32 s5, $0x1;
	s2 =	sadd.s32 s19, s18  }
0x9c: {  	s6 =	simm.s32 $0x0;
	s20 =	sshll.u32 s4, $0x1;
	s4 =	sadd.s32 s21, s2  }
0x9d: {  	[timem:s6], [sflag:s22] =	dma.local [hbm:s4], s20  }
0x9e: {  	_ =	swait.ge [sflag:s22], s20  }
0x9f: {  	s3 =	ssub.s32 $0x0, s20;
	[sflag:s22] =	ssyncset.done $0x0  }
0xa0: {  	[sflag:s22] =	ssyncadd.s32 s3;
	_ =	sdelay $0x1  }
0xa1: {  	s23 =	simm.s32 $0x1B8B  }
0xa2: {  	_ =	swait.ge [sflag:s23], $0x1  }
0xa3: {  	[sflag:s23] =	ssyncset.done $0x0  }
0xa4: {  	s25 =	simm.s32 $0x1B8E;
	s24 =	sld [smem:$0x3FFE];
	[sflag:s23] =	ssyncadd.s32 $0xFFFFFFFF  }
0xa5: {  	s26 =	simm.s32 $execute0_lowered;
	[smem:$0x3FD2] =	sst s25  }
0xa6: {  	s4 =	sshll.u32 s26, $0x1;
	_ =	strace $0x80000049;
	[dreg:$0x1] =	wrdreg $0xFFFFFFFF  }
0xa7: {  	s28 =	simm.s32 $_size_execute0_lowered;
	s2 =	sadd.s32 s2, s4;
	[dreg:$0x0] =	wrdreg $0x0  }
0xa8: {  	s4 =	sshll.u32 s28, $0x1;
	[dreg:$0x2] =	wrdreg s2  }
0xa9: {  	[dreg:$0x3] =	wrdreg s4  }
0xaa: {  	[dreg:$0x4] =	wrdreg $0xC0  }
0xab: {  	_ =	task [dreg:s6], $0x5FFFF  }
0xac: {  	[dreg:$0x1] =	wrdreg $0xFFFFFFFF  }
0xad: {  	[dreg:$0x0] =	wrdreg $0x60  }
0xae: {  	[dreg:$0x2] =	wrdreg s24  }
0xaf: {  	[dreg:$0x3] =	wrdreg $0xA9800  }
0xb0: {  	[dreg:$0x4] =	wrdreg $0x9  }
0xb1: {  	_ =	task.clear_ibuf [dreg:s6], $0x5FFFF;
	_ =	strace $0x90000049  }
0xb2: {  	s29 =	simm.s32 $0x9;
	_ =	strace $0x8000004B  }
0xb3: {  	_ =	swait.ge [sflag:s29], $0x1  }
0xb4: {  	[sflag:s29] =	ssyncadd.s32 $0xFFFFFFFF  }
0xb5: {  	_ =	strace $0x9000004B  }
0xb6: {  	_ =	sfence  }
0xb7: {  	s30 =	sld [smem:$0x0];
	_ =	sdelay $0x2  }
0xb8: {  	s31 =	sshll.u32 s1, $0xD;
	s1 =	sshrl.u32 s1, $0x2  }
0xb9: {  	s3 =	sand.u32 $0x4000, s31;
	s1 =	sadd.s32 s1, s30  }
0xba: {  	s0 =	sor.u32 s3, s0;
	s1 =	sshll.u32 s1, $0x11  }
0xbb: {  	s0 =	sor.u32 s1, s0  }
0xbc: {  	s0 =	sadd.s32 $0x8F2B, s0  }
0xbd: {  	[sflag:s0] =	ssyncadd.remote.s32 $0x1  }
0xbe: {  	_ =	sfence.sel $0xFFFF  }
0xbf: {  	[dreg:$0x0] =	wrdreg $0xFFFFFFFF;
	(pc) =	sbr.abs _section_cstart, $3  }
0xc0: {  	[dreg:$0x1] =	wrdreg $0xFFFFFFFF  }
0xc1: {  	_ =	task.clear_ibuf [dreg:s6], $0x2FFFF;
	_ =	strace $0x9FFFFFFF  }
0xc2: {  	(tm) =	ssettm $0x7FFFFFFF  }
0xc3: {  	_ =	shalt  }
tec
execute0_lowered:
.L_overlay_start_1:
0x0: {  	(tag) =	ssettag $0x1  }
0x1: {  	s0 =	rddreg [dreg:$0x0]  }
0x2: {  	s1 =	srdreg.scid;
	s3 =	rddreg [dreg:$0x1]  }
0x3: {  	s10 =	stileid.u32;
	s22 =	simm.s32 $0x0;
	s17 =	simm.s32 $0xB  }
0x4: {  	s18 =	simm.s32 $0x2980;
	s19 =	simm.s32 $0x2800;
	s11 =	simm.s32 $0x28A0  }
0x5: {  	s12 =	simm.s32 $0x7980;
	s13 =	simm.s32 $0x28C0;
	s14 =	simm.s32 $0x8980  }
0x6: {  	s15 =	simm.s32 $0x28E0;
	s16 =	simm.s32 $0x9980;
	s28 =	simm.s32 $0x2880  }
0x7: {  	s29 =	simm.s32 $0xA;
	s30 =	simm.s32 $0x6980;
	[smem:$0x7FF] =	sst s22  }
0x8: {  	s7 =	smul.u32 $0x2800, s10;
	_ =	strace $0x8000004A;
	[dreg:$0x3] =	wrdreg s11  }
0x9: {  	s31 =	simm.s32 $0x1;
	s9 =	smul.u32 $0x13C00, s10;
	[dreg:$0x4] =	wrdreg s12  }
0xa: {  	s1 =	sand.u32 $0x1, s1;
	s20 =	smul.u32 $0x4F000, s10;
	[dreg:$0x5] =	wrdreg s13  }
0xb: {  	s4 =	sadd.s32 $0x67600, s0;
	s6 =	smul.u32 $0x28000, s1;
	[dreg:$0x6] =	wrdreg s14  }
0xc: {  	s5 =	sadd.s32 $0x5D600, s0;
	s8 =	smul.u32 $0x13C000, s1;
	[dreg:$0x7] =	wrdreg s15  }
0xd: {  	s1 =	ssub.s32 $0x2, s1;
	[dreg:$0x8] =	wrdreg s16;
	s12 =	simm.s32 $0x9  }
0xe: {  	s13 =	simm.s32 $0x5;
	s14 =	simm.s32 $0x6;
	s15 =	simm.s32 $0x7  }
0xf: {  	s16 =	simm.s32 $0x8;
	s11 =	simm.s32 $0x0;
	s23 =	sshrl.u32 s1, $0x1  }
0x10: {  	s6 =	sadd.s32 s7, s6;
	s8 =	sadd.s32 s9, s8;
	s1 =	ssub.s32 s1, s23  }
0x11: {  	s9 =	sshrl.u32 s20, $0x2;
	s7 =	sshrl.u32 s6, $0x3;
	s10 =	smax.u32 s1, $0x1  }
0x12: {  	s21 =	sadd.s32 s7, s0;
	s7 =	sadd.s32 s5, s7;
	[dreg:$0x12] =	wrdreg s10  }
0x13: {  	s8 =	sshrl.u32 s8, $0x3;
	s24 =	sadd.s32 $0x4600, s21;
	[dreg:$0xd] =	wrdreg s7  }
0x14: {  	s0 =	sadd.s32 s8, s0;
	s7 =	sadd.s32 $0x10, s7;
	[dreg:$0x9] =	wrdreg s24  }
0x15: {  	s20 =	simm.s32 $0x20;
	s0 =	sadd.s32 $0x8E800, s0;
	[dreg:$0x10] =	wrdreg s7  }
0x16: {  	s23 =	simm.s32 $0x2820;
	s21 =	sadd.s32 s9, s3;
	[dreg:$0x11] =	wrdreg s0  }
0x17: {  	s1 =	simm.s32 $0x3;
	s25 =	sadd.s32 $0x4000, s21;
	[dreg:$0xa] =	wrdreg s21  }
0x18: {  	s10 =	simm.s32 $0x2900;
	s26 =	sadd.s32 $0x8000, s21;
	[dreg:$0xb] =	wrdreg s25  }
0x19: {  	s2 =	sadd.s32 $0xC000, s21;
	s9 =	sadd.s32 $0x10000, s21;
	[dreg:$0xc] =	wrdreg s26  }
0x1a: {  	s24 =	simm.s32 $0x3980;
	s0 =	simm.s32 $0x2;
	[dreg:$0xe] =	wrdreg s2  }
0x1b: {  	s7 =	simm.s32 $0x4;
	[dreg:$0xf] =	wrdreg s9;
	s25 =	simm.s32 $0x2840  }
0x1c: {  	v0 =	vimm.f32 $0.0e+00;
	s26 =	simm.s32 $0x4980;
	s2 =	simm.s32 $0x2860;
	s9 =	simm.s32 $0x80  }
.LBB2_1:
0x1d: {  	[dreg:$0x13] =	wrdreg s11;
	s8 =	simm.s32 $0x0;
	s11 =	simm.s32 $0x200  }
.LBB2_2:
0x1e: {  	p0 =	sne.s32 s11, $0xFE00;
	[tilespmem:s8+$0x29F0] =	vst v0  }
0x1f: {  	[tilespmem:s8+$0x2980] =	vst v0  }
0x20: {  	[tilespmem:s8+$0x2990] =	vst v0  }
.Ltmp0:
0x21: {  	[tilespmem:s8+$0x29A0] =	vst v0;
	(pc) =	sbr.rel @p0 .LBB2_2-.Ltmp0, $4  }
0x22: {  	[tilespmem:s8+$0x29B0] =	vst v0  }
0x23: {  	[tilespmem:s8+$0x29C0] =	vst v0  }
0x24: {  	[tilespmem:s8+$0x29D0] =	vst v0  }
0x25: {  	[tilespmem:s8+$0x29E0] =	vst v0;
	s8 =	sshra.s32 s11, $0x2;
	s11 =	sadd.s32 $0x200, s11  }
0x26: {  	[tilespmem:s8+$0x29F0] =	vst v0  }
0x27: {  	[tilespmem:s8+$0x2980] =	vst v0  }
0x28: {  	[tilespmem:s8+$0x2990] =	vst v0  }
0x29: {  	[tilespmem:s8+$0x29A0] =	vst v0  }
0x2a: {  	[tilespmem:s8+$0x29B0] =	vst v0  }
0x2b: {  	[tilespmem:s8+$0x29C0] =	vst v0  }
0x2c: {  	[tilespmem:s8+$0x29D0] =	vst v0  }
0x2d: {  	[tilespmem:s8+$0x29E0] =	vst v0;
	s8 =	simm.s32 $0x0;
	s11 =	simm.s32 $0x200  }
.LBB2_4:
0x2e: {  	p0 =	sne.s32 s11, $0xFE00;
	[tilespmem:s8+$0x69F0] =	vst v0  }
0x2f: {  	[tilespmem:s8+$0x6980] =	vst v0  }
0x30: {  	[tilespmem:s8+$0x6990] =	vst v0  }
.Ltmp1:
0x31: {  	[tilespmem:s8+$0x69A0] =	vst v0;
	(pc) =	sbr.rel @p0 .LBB2_4-.Ltmp1, $4  }
0x32: {  	[tilespmem:s8+$0x69B0] =	vst v0  }
0x33: {  	[tilespmem:s8+$0x69C0] =	vst v0  }
0x34: {  	[tilespmem:s8+$0x69D0] =	vst v0  }
0x35: {  	[tilespmem:s8+$0x69E0] =	vst v0;
	s8 =	sshra.s32 s11, $0x2;
	s11 =	sadd.s32 $0x200, s11  }
0x36: {  	[tilespmem:s8+$0x69F0] =	vst v0  }
0x37: {  	[tilespmem:s8+$0x6980] =	vst v0  }
0x38: {  	[tilespmem:s8+$0x6990] =	vst v0  }
0x39: {  	[tilespmem:s8+$0x69A0] =	vst v0  }
0x3a: {  	[tilespmem:s8+$0x69B0] =	vst v0  }
0x3b: {  	[tilespmem:s8+$0x69C0] =	vst v0  }
0x3c: {  	[tilespmem:s8+$0x69D0] =	vst v0  }
0x3d: {  	[tilespmem:s8+$0x69E0] =	vst v0;
	s11 =	rddreg [dreg:$0x9]  }
0x3e: {  	[tilespmem:s22], [sflag:$0xB] =	stream.linear.gather [hbm4b:s11+s22], $0x2800, $0x38;
	[tilespmem:$0x1E580] =	vst v63  }
0x3f: {  	_ =	swait.ge [sflag:s17], $0x2800  }
0x40: {  	[sflag:s17] =	ssyncset.done $0x0  }
0x41: {  	[sflag:s17] =	ssyncadd.s32 $0xFFFFD800  }
0x42: {  	[spmem:s21] =	stream.linear.scatter [tilespmem:s18], [sflag:$0xB], $0x4000, $0x38;
	[tilespmem:$0x1E580] =	vst v63  }
0x43: {  	_ =	swait.ge [sflag:s17], $0x4000  }
0x44: {  	[sflag:s17] =	ssyncset.done $0x0  }
0x45: {  	s11 =	rddreg [dreg:$0xb];
	[sflag:s17] =	ssyncadd.s32 $0xFFFFC000  }
0x46: {  	[spmem:s11] =	stream.linear.scatter [tilespmem:s18], [sflag:$0xB], $0x4000, $0x38;
	[tilespmem:$0x1E580] =	vst v63  }
0x47: {  	_ =	swait.ge [sflag:s17], $0x4000  }
0x48: {  	[sflag:s17] =	ssyncset.done $0x0  }
0x49: {  	s21 =	rddreg [dreg:$0xc];
	[sflag:s17] =	ssyncadd.s32 $0xFFFFC000  }
0x4a: {  	[spmem:s21] =	stream.linear.scatter [tilespmem:s18], [sflag:$0xB], $0x4000, $0x38;
	[tilespmem:$0x1E580] =	vst v63  }
0x4b: {  	_ =	swait.ge [sflag:s17], $0x4000  }
0x4c: {  	[sflag:s17] =	ssyncset.done $0x0  }
0x4d: {  	s11 =	rddreg [dreg:$0xe];
	[sflag:s17] =	ssyncadd.s32 $0xFFFFC000  }
0x4e: {  	[spmem:s11] =	stream.linear.scatter [tilespmem:s18], [sflag:$0xB], $0x4000, $0x38;
	[tilespmem:$0x1E580] =	vst v63  }
0x4f: {  	_ =	swait.ge [sflag:s17], $0x4000  }
0x50: {  	[sflag:s17] =	ssyncset.done $0x0  }
0x51: {  	s21 =	rddreg [dreg:$0xf];
	[sflag:s17] =	ssyncadd.s32 $0xFFFFC000  }
0x52: {  	[spmem:s21] =	stream.linear.scatter [tilespmem:s18], [sflag:$0xB], $0x3C00, $0x38;
	[tilespmem:$0x1E580] =	vst v63  }
0x53: {  	_ =	swait.ge [sflag:s17], $0x3C00  }
0x54: {  	[sflag:s17] =	ssyncset.done $0x0  }
0x55: {  	[sflag:s17] =	ssyncadd.s32 $0xFFFFC400  }
0x56: {  	[bflag:$0x0] =	sbarrier.arrive $0xFFFF  }
0x57: {  	s11 =	rddreg [dreg:$0xd]  }
0x58: {  	[tilespmem:s19], [sflag:$0xB] =	stream.linear.gather [hbm4b:s11+s22], $0x80, $0x38;
	[tilespmem:$0x1E580] =	vst v63  }
0x59: {  	_ =	swait.ge [sflag:s17], $0x80  }
0x5a: {  	[sflag:s17] =	ssyncset.done $0x0  }
0x5b: {  	[sflag:s17] =	ssyncadd.s32 $0xFFFFFF80  }
0x5c: {  	[tilespmem:s18], [sflag:$0x1] =	stream.indirect.gather [hbm4b:s4+s20], $0x80, s19, s20, $0xb8;
	[tilespmem:$0x1E580] =	vst v63  }
0x5d: {  	_ = 	snop  }
0x5e: {  	[tilespmem:s24], [sflag:$0x2] =	stream.indirect.gather [hbm4b:s4+s20], $0x80, s23, s20, $0xb8;
	[tilespmem:$0x1E580] =	vst v63  }
0x5f: {  	_ = 	snop  }
0x60: {  	[tilespmem:s26], [sflag:$0x3] =	stream.indirect.gather [hbm4b:s4+s20], $0x80, s25, s20, $0xb8;
	[tilespmem:$0x1E580] =	vst v63  }
0x61: {  	s21 =	simm.s32 $0x5980  }
0x62: {  	[tilespmem:s21], [sflag:$0x4] =	stream.indirect.gather [hbm4b:s4+s20], $0x80, s2, s20, $0xb8;
	[tilespmem:$0x1E580] =	vst v63  }
0x63: {  	s11 =	rddreg [dreg:$0x10]  }
0x64: {  	[tilespmem:s28], [sflag:$0xA] =	stream.linear.gather [hbm4b:s11+s22], $0x80, $0x38;
	[tilespmem:$0x1E580] =	vst v63  }
0x65: {  	_ =	swait.ge [sflag:s29], $0x80  }
0x66: {  	s21 =	rddreg [dreg:$0x5]  }
0x67: {  	s11 =	rddreg [dreg:$0x3]  }
0x68: {  	s2 =	rddreg [dreg:$0x4]  }
0x69: {  	[sflag:s29] =	ssyncset.done $0x0;
	s8 =	rddreg [dreg:$0x6]  }
0x6a: {  	[dreg:$0x14] =	wrdreg s21;
	[sflag:s29] =	ssyncadd.s32 $0xFFFFFF80  }
0x6b: {  	[tilespmem:s30], [sflag:$0x5] =	stream.indirect.gather [hbm4b:s4+s20], $0x80, s28, s20, $0xb8;
	[tilespmem:$0x1E580] =	vst v63  }
0x6c: {  	s21 =	rddreg [dreg:$0x8]  }
0x6d: {  	[tilespmem:s2], [sflag:$0x6] =	stream.indirect.gather [hbm4b:s4+s20], $0x80, s11, s20, $0xb8;
	[tilespmem:$0x1E580] =	vst v63  }
0x6e: {  	s2 =	rddreg [dreg:$0x14]  }
0x6f: {  	[tilespmem:s8], [sflag:$0x7] =	stream.indirect.gather [hbm4b:s4+s20], $0x80, s2, s20, $0xb8;
	[tilespmem:$0x1E580] =	vst v63  }
0x70: {  	s11 =	rddreg [dreg:$0x7]  }
0x71: {  	[tilespmem:s21], [sflag:$0x8] =	stream.indirect.gather [hbm4b:s4+s20], $0x80, s11, s20, $0xb8;
	[tilespmem:$0x1E580] =	vst v63  }
0x72: {  	_ =	swait.ge [sflag:s31], $0x1000  }
0x73: {  	[sflag:s31] =	ssyncset.done $0x0  }
0x74: {  	[sflag:s31] =	ssyncadd.s32 $0xFFFFF000  }
0x75: {  	_ =	swait.ge [sflag:s0], $0x1000  }
0x76: {  	[sflag:s0] =	ssyncset.done $0x0  }
0x77: {  	[sflag:s0] =	ssyncadd.s32 $0xFFFFF000  }
0x78: {  	_ =	swait.ge [sflag:s1], $0x1000  }
0x79: {  	p0 =	por $0x0, $0x0;
	s8 =	simm.s32 $0x100;
	[sflag:s1] =	ssyncset.done $0x0  }
0x7a: {  	s8 =	simm.s32 @p0 $0x0;
	[sflag:s1] =	ssyncadd.s32 $0xFFFFF000  }
0x7b: {  	s8 =	sadd.s32 s6, s8;
	_ =	swait.ge [sflag:s7], $0x1000  }
0x7c: {  	s8 =	sshrl.u32 s8, $0x3;
	[sflag:s7] =	ssyncset.done $0x0  }
0x7d: {  	s21 =	simm.s32 $0x80;
	s11 =	sadd.s32 s5, s8;
	[sflag:s7] =	ssyncadd.s32 $0xFFFFF000  }
0x7e: {  	[tilespmem:s19], [sflag:$0x9] =	stream.linear.gather [hbm4b:s11+s22], $0x80, $0x38;
	[tilespmem:$0x1E580] =	vst v63  }
0x7f: {  	v1 =	vld [tilespmem:s21+$0xFFFFFF80];
	_ =	sdelay $0x4  }
0x80: {  	[tilespmem:$0x2900] =	vst v1  }
0x81: {  	v1 =	vld [tilespmem:s21+$0xFFFFFF90];
	_ =	sdelay $0x4  }
0x82: {  	[tilespmem:$0x2910] =	vst v1  }
0x83: {  	v1 =	vld [tilespmem:s21+$0xFFFFFFA0];
	_ =	sdelay $0x4  }
0x84: {  	[tilespmem:$0x2920] =	vst v1  }
0x85: {  	v1 =	vld [tilespmem:s21+$0xFFFFFFB0];
	_ =	sdelay $0x4  }
0x86: {  	[tilespmem:$0x2930] =	vst v1  }
0x87: {  	v1 =	vld [tilespmem:s21+$0xFFFFFFC0];
	_ =	sdelay $0x4  }
0x88: {  	[tilespmem:$0x2940] =	vst v1  }
0x89: {  	v1 =	vld [tilespmem:s21+$0xFFFFFFD0];
	_ =	sdelay $0x4  }
0x8a: {  	[tilespmem:$0x2950] =	vst v1  }
0x8b: {  	v1 =	vld [tilespmem:s21+$0xFFFFFFE0];
	_ =	sdelay $0x4  }
0x8c: {  	[tilespmem:$0x2960] =	vst v1  }
0x8d: {  	v1 =	vld [tilespmem:s21+$0xFFFFFFF0];
	_ =	sdelay $0x4  }
0x8e: {  	[tilespmem:$0x2970] =	vst v1  }
0x8f: {  	[spmem:s3] =	stream.indirect.scatter.add.f32 [tilespmem:s18], [sflag:$0xB], $0x80, s10, s9, $0xb8;
	[tilespmem:$0x1E580] =	vst v63  }
0x90: {  	_ =	swait.ge [sflag:s17], $0x4000  }
0x91: {  	[sflag:s17] =	ssyncset.done $0x0  }
0x92: {  	[sflag:s17] =	ssyncadd.s32 $0xFFFFC000  }
0x93: {  	_ =	swait.ge [sflag:s12], $0x80  }
0x94: {  	[sflag:s12] =	ssyncset.done $0x0  }
0x95: {  	[sflag:s12] =	ssyncadd.s32 $0xFFFFFF80  }
0x96: {  	[tilespmem:s18], [sflag:$0x1] =	stream.indirect.gather [hbm4b:s4+s20], $0x80, s19, s20, $0xb8;
	[tilespmem:$0x1E580] =	vst v63  }
0x97: {  	_ = 	snop  }
0x98: {  	[tilespmem:s24], [sflag:$0x2] =	stream.indirect.gather [hbm4b:s4+s20], $0x80, s23, s20, $0xb8;
	[tilespmem:$0x1E580] =	vst v63  }
0x99: {  	_ = 	snop  }
0x9a: {  	[tilespmem:s26], [sflag:$0x3] =	stream.indirect.gather [hbm4b:s4+s20], $0x80, s25, s20, $0xb8;
	[tilespmem:$0x1E580] =	vst v63  }
0x9b: {  	s25 =	simm.s32 $0x5980;
	s26 =	simm.s32 $0x2860  }
0x9c: {  	[tilespmem:s25], [sflag:$0x4] =	stream.indirect.gather [hbm4b:s4+s20], $0x80, s26, s20, $0xb8;
	[tilespmem:$0x1E580] =	vst v63  }
0x9d: {  	_ =	swait.ge [sflag:s13], $0x1000  }
0x9e: {  	[sflag:s13] =	ssyncset.done $0x0  }
0x9f: {  	[sflag:s13] =	ssyncadd.s32 $0xFFFFF000  }
0xa0: {  	_ =	swait.ge [sflag:s14], $0x1000  }
0xa1: {  	[sflag:s14] =	ssyncset.done $0x0  }
0xa2: {  	[sflag:s14] =	ssyncadd.s32 $0xFFFFF000  }
0xa3: {  	_ =	swait.ge [sflag:s15], $0x1000  }
0xa4: {  	s11 =	simm.s32 $0x180;
	[sflag:s15] =	ssyncset.done $0x0  }
0xa5: {  	s11 =	simm.s32 @p0 $0x80;
	[sflag:s15] =	ssyncadd.s32 $0xFFFFF000  }
0xa6: {  	s11 =	sadd.s32 s6, s11;
	_ =	swait.ge [sflag:s16], $0x1000  }
0xa7: {  	s11 =	sshrl.u32 s11, $0x3;
	[sflag:s16] =	ssyncset.done $0x0  }
0xa8: {  	s11 =	sadd.s32 s5, s11;
	[sflag:s16] =	ssyncadd.s32 $0xFFFFF000  }
0xa9: {  	[tilespmem:s28], [sflag:$0xA] =	stream.linear.gather [hbm4b:s11+s22], $0x80, $0x38;
	[tilespmem:$0x1E580] =	vst v63  }
0xaa: {  	v1 =	vld [tilespmem:s21+$0x0];
	_ =	sdelay $0x4  }
0xab: {  	[tilespmem:$0x2900] =	vst v1  }
0xac: {  	v1 =	vld [tilespmem:s21+$0x10];
	_ =	sdelay $0x4  }
0xad: {  	[tilespmem:$0x2910] =	vst v1  }
0xae: {  	v1 =	vld [tilespmem:s21+$0x20];
	_ =	sdelay $0x4  }
0xaf: {  	[tilespmem:$0x2920] =	vst v1  }
0xb0: {  	v1 =	vld [tilespmem:s21+$0x30];
	_ =	sdelay $0x4  }
0xb1: {  	[tilespmem:$0x2930] =	vst v1  }
0xb2: {  	v1 =	vld [tilespmem:s21+$0x40];
	_ =	sdelay $0x4  }
0xb3: {  	[tilespmem:$0x2940] =	vst v1  }
0xb4: {  	v1 =	vld [tilespmem:s21+$0x50];
	_ =	sdelay $0x4  }
0xb5: {  	[tilespmem:$0x2950] =	vst v1  }
0xb6: {  	v1 =	vld [tilespmem:s21+$0x60];
	_ =	sdelay $0x4  }
0xb7: {  	[tilespmem:$0x2960] =	vst v1  }
0xb8: {  	v1 =	vld [tilespmem:s21+$0x70];
	_ =	sdelay $0x4  }
0xb9: {  	s2 =	simm.s32 $0x0;
	s8 =	simm.s32 $0x280;
	s11 =	simm.s32 $0x180;
	[tilespmem:$0x2970] =	vst v1  }
0xba: {  	[spmem:s3] =	stream.indirect.scatter.add.f32 [tilespmem:s30], [sflag:$0xB], $0x80, s10, s9, $0xb8;
	[tilespmem:$0x1E580] =	vst v63  }
.LBB2_6:
0xbb: {  	_ =	swait.ge [sflag:s17], $0x4000  }
0xbc: {  	[sflag:s17] =	ssyncset.done $0x0  }
0xbd: {  	[sflag:s17] =	ssyncadd.s32 $0xFFFFC000  }
0xbe: {  	_ =	swait.ge [sflag:s29], $0x80  }
0xbf: {  	s22 =	rddreg [dreg:$0x7]  }
0xc0: {  	[sflag:s29] =	ssyncset.done $0x0;
	s23 =	rddreg [dreg:$0x5]  }
0xc1: {  	s24 =	rddreg [dreg:$0x3];
	[sflag:s29] =	ssyncadd.s32 $0xFFFFFF80  }
0xc2: {  	[tilespmem:s30], [sflag:$0x5] =	stream.indirect.gather [hbm4b:s4+s20], $0x80, s28, s20, $0xb8;
	[tilespmem:$0x1E580] =	vst v63  }
0xc3: {  	s25 =	rddreg [dreg:$0x4]  }
0xc4: {  	[tilespmem:s25], [sflag:$0x6] =	stream.indirect.gather [hbm4b:s4+s20], $0x80, s24, s20, $0xb8;
	[tilespmem:$0x1E580] =	vst v63  }
0xc5: {  	s26 =	rddreg [dreg:$0x6]  }
0xc6: {  	[tilespmem:s26], [sflag:$0x7] =	stream.indirect.gather [hbm4b:s4+s20], $0x80, s23, s20, $0xb8;
	[tilespmem:$0x1E580] =	vst v63  }
0xc7: {  	s24 =	rddreg [dreg:$0x8]  }
0xc8: {  	[tilespmem:s24], [sflag:$0x8] =	stream.indirect.gather [hbm4b:s4+s20], $0x80, s22, s20, $0xb8;
	[tilespmem:$0x1E580] =	vst v63  }
0xc9: {  	_ =	swait.ge [sflag:s31], $0x1000  }
0xca: {  	[sflag:s31] =	ssyncset.done $0x0  }
0xcb: {  	[sflag:s31] =	ssyncadd.s32 $0xFFFFF000  }
0xcc: {  	_ =	swait.ge [sflag:s0], $0x1000  }
0xcd: {  	[sflag:s0] =	ssyncset.done $0x0  }
0xce: {  	[sflag:s0] =	ssyncadd.s32 $0xFFFFF000  }
0xcf: {  	s21 =	smov.u32 s8;
	_ =	swait.ge [sflag:s1], $0x1000  }
0xd0: {  	p1 =	seq.s32 s21, $0x2880;
	s22 =	sadd.s32 $0xFFFFFF80, s21;
	[sflag:s1] =	ssyncset.done $0x0  }
0xd1: {  	s22 =	simm.s32 @p1 $0x0;
	[sflag:s1] =	ssyncadd.s32 $0xFFFFF000  }
0xd2: {  	s22 =	sadd.s32 s6, s22;
	_ =	swait.ge [sflag:s7], $0x1000  }
0xd3: {  	s22 =	sshrl.u32 s22, $0x3;
	[sflag:s7] =	ssyncset.done $0x0  }
0xd4: {  	s22 =	sadd.s32 s5, s22;
	[sflag:s7] =	ssyncadd.s32 $0xFFFFF000  }
0xd5: {  	[tilespmem:s19], [sflag:$0x9] =	stream.linear.gather [hbm4b:s22+s2], $0x80, $0x38;
	[tilespmem:$0x1E580] =	vst v63  }
0xd6: {  	v1 =	vld [tilespmem:s11+$0xFFFFFF80];
	_ =	sdelay $0x4  }
0xd7: {  	[tilespmem:$0x2900] =	vst v1  }
0xd8: {  	v1 =	vld [tilespmem:s11+$0xFFFFFF90];
	_ =	sdelay $0x4  }
0xd9: {  	[tilespmem:$0x2910] =	vst v1  }
0xda: {  	v1 =	vld [tilespmem:s11+$0xFFFFFFA0];
	_ =	sdelay $0x4  }
0xdb: {  	[tilespmem:$0x2920] =	vst v1  }
0xdc: {  	v1 =	vld [tilespmem:s11+$0xFFFFFFB0];
	_ =	sdelay $0x4  }
0xdd: {  	[tilespmem:$0x2930] =	vst v1  }
0xde: {  	v1 =	vld [tilespmem:s11+$0xFFFFFFC0];
	_ =	sdelay $0x4  }
0xdf: {  	[tilespmem:$0x2940] =	vst v1  }
0xe0: {  	v1 =	vld [tilespmem:s11+$0xFFFFFFD0];
	_ =	sdelay $0x4  }
0xe1: {  	[tilespmem:$0x2950] =	vst v1  }
0xe2: {  	v1 =	vld [tilespmem:s11+$0xFFFFFFE0];
	_ =	sdelay $0x4  }
0xe3: {  	[tilespmem:$0x2960] =	vst v1  }
0xe4: {  	v1 =	vld [tilespmem:s11+$0xFFFFFFF0];
	_ =	sdelay $0x4  }
0xe5: {  	[tilespmem:$0x2970] =	vst v1  }
0xe6: {  	[spmem:s3] =	stream.indirect.scatter.add.f32 [tilespmem:s18], [sflag:$0xB], $0x80, s10, s9, $0xb8;
	[tilespmem:$0x1E580] =	vst v63  }
0xe7: {  	_ =	swait.ge [sflag:s17], $0x4000  }
0xe8: {  	[sflag:s17] =	ssyncset.done $0x0  }
0xe9: {  	[sflag:s17] =	ssyncadd.s32 $0xFFFFC000  }
0xea: {  	_ =	swait.ge [sflag:s12], $0x80  }
0xeb: {  	[sflag:s12] =	ssyncset.done $0x0  }
0xec: {  	[sflag:s12] =	ssyncadd.s32 $0xFFFFFF80  }
0xed: {  	[tilespmem:s18], [sflag:$0x1] =	stream.indirect.gather [hbm4b:s4+s20], $0x80, s19, s20, $0xb8;
	[tilespmem:$0x1E580] =	vst v63  }
0xee: {  	s23 =	simm.s32 $0x2820;
	s24 =	simm.s32 $0x3980  }
0xef: {  	[tilespmem:s24], [sflag:$0x2] =	stream.indirect.gather [hbm4b:s4+s20], $0x80, s23, s20, $0xb8;
	[tilespmem:$0x1E580] =	vst v63  }
0xf0: {  	s25 =	simm.s32 $0x2840;
	s26 =	simm.s32 $0x4980  }
0xf1: {  	[tilespmem:s26], [sflag:$0x3] =	stream.indirect.gather [hbm4b:s4+s20], $0x80, s25, s20, $0xb8;
	[tilespmem:$0x1E580] =	vst v63  }
0xf2: {  	s22 =	simm.s32 $0x5980;
	s19 =	simm.s32 $0x2860  }
0xf3: {  	[tilespmem:s22], [sflag:$0x4] =	stream.indirect.gather [hbm4b:s4+s20], $0x80, s19, s20, $0xb8;
	[tilespmem:$0x1E580] =	vst v63  }
0xf4: {  	_ =	swait.ge [sflag:s13], $0x1000  }
0xf5: {  	[sflag:s13] =	ssyncset.done $0x0  }
0xf6: {  	[sflag:s13] =	ssyncadd.s32 $0xFFFFF000  }
0xf7: {  	_ =	swait.ge [sflag:s14], $0x1000  }
0xf8: {  	[sflag:s14] =	ssyncset.done $0x0  }
0xf9: {  	[sflag:s14] =	ssyncadd.s32 $0xFFFFF000  }
0xfa: {  	_ =	swait.ge [sflag:s15], $0x1000  }
0xfb: {  	[sflag:s15] =	ssyncset.done $0x0  }
0xfc: {  	s21 =	simm.s32 @p1 $0x80;
	[sflag:s15] =	ssyncadd.s32 $0xFFFFF000  }
0xfd: {  	s21 =	sadd.s32 s6, s21;
	_ =	swait.ge [sflag:s16], $0x1000  }
0xfe: {  	s21 =	sshrl.u32 s21, $0x3;
	[sflag:s16] =	ssyncset.done $0x0  }
0xff: {  	s21 =	sadd.s32 s5, s21;
	[sflag:s16] =	ssyncadd.s32 $0xFFFFF000  }
0x100: {  	[tilespmem:s28], [sflag:$0xA] =	stream.linear.gather [hbm4b:s21+s2], $0x80, $0x38;
	[tilespmem:$0x1E580] =	vst v63  }
0x101: {  	v1 =	vld [tilespmem:s11+$0x0];
	_ =	sdelay $0x4  }
0x102: {  	[tilespmem:$0x2900] =	vst v1  }
0x103: {  	v1 =	vld [tilespmem:s11+$0x10];
	_ =	sdelay $0x4  }
0x104: {  	[tilespmem:$0x2910] =	vst v1  }
0x105: {  	v1 =	vld [tilespmem:s11+$0x20];
	_ =	sdelay $0x4  }
0x106: {  	[tilespmem:$0x2920] =	vst v1  }
0x107: {  	v1 =	vld [tilespmem:s11+$0x30];
	_ =	sdelay $0x4  }
0x108: {  	[tilespmem:$0x2930] =	vst v1  }
0x109: {  	v1 =	vld [tilespmem:s11+$0x40];
	_ =	sdelay $0x4  }
0x10a: {  	[tilespmem:$0x2940] =	vst v1  }
0x10b: {  	v1 =	vld [tilespmem:s11+$0x50];
	_ =	sdelay $0x4  }
0x10c: {  	[tilespmem:$0x2950] =	vst v1  }
0x10d: {  	v1 =	vld [tilespmem:s11+$0x60];
	_ =	sdelay $0x4  }
0x10e: {  	[tilespmem:$0x2960] =	vst v1  }
0x10f: {  	v1 =	vld [tilespmem:s11+$0x70]  }
0x110: {  	p0 =	sne.s32 s8, $0x2880  }
.Ltmp2:
0x111: {  	_ = 	snop;
	(pc) =	sbr.rel @p0 .LBB2_6-.Ltmp2, $3  }
0x112: {  	_ =	sdelay $0x1  }
0x113: {  	s8 =	sadd.s32 $0x100, s8;
	s19 =	simm.s32 $0x2800;
	s11 =	sadd.s32 $0x100, s11;
	[tilespmem:$0x2970] =	vst v1  }
0x114: {  	[spmem:s3] =	stream.indirect.scatter.add.f32 [tilespmem:s30], [sflag:$0xB], $0x80, s10, s9, $0xb8;
	[tilespmem:$0x1E580] =	vst v63  }
0x115: {  	_ =	swait.ge [sflag:s17], $0x4000  }
0x116: {  	[sflag:s17] =	ssyncset.done $0x0  }
0x117: {  	[sflag:s17] =	ssyncadd.s32 $0xFFFFC000  }
0x118: {  	_ =	swait.ge [sflag:s31], $0x1000  }
0x119: {  	[sflag:s31] =	ssyncset.done $0x0  }
0x11a: {  	[sflag:s31] =	ssyncadd.s32 $0xFFFFF000  }
0x11b: {  	_ =	swait.ge [sflag:s0], $0x1000  }
0x11c: {  	[sflag:s0] =	ssyncset.done $0x0  }
0x11d: {  	[sflag:s0] =	ssyncadd.s32 $0xFFFFF000  }
0x11e: {  	_ =	swait.ge [sflag:s1], $0x1000  }
0x11f: {  	[sflag:s1] =	ssyncset.done $0x0  }
0x120: {  	[sflag:s1] =	ssyncadd.s32 $0xFFFFF000  }
0x121: {  	_ =	swait.ge [sflag:s7], $0x1000  }
0x122: {  	[sflag:s7] =	ssyncset.done $0x0  }
0x123: {  	[sflag:s7] =	ssyncadd.s32 $0xFFFFF000  }
0x124: {  	_ =	swait.ge [sflag:s29], $0x80  }
0x125: {  	[sflag:s29] =	ssyncset.done $0x0  }
0x126: {  	[sflag:s29] =	ssyncadd.s32 $0xFFFFFF80  }
0x127: {  	s8 =	stileid.u32;
	[bflag:$0x0] =	sbarrier.arrive $0xFFFF  }
0x128: {  	s8 =	sshll.u32 s8, $0x6;
	s21 =	rddreg [dreg:$0xa]  }
0x129: {  	s8 =	sor.u32 $0x1C0B, s8;
	s22 =	rddreg [dreg:$0x11];
	s11 =	sshrl.u32 s21, $0x3  }
0x12a: {  	[hbm:s22], [sflag:s8] =	dma.local [spmem:s11], $0x2780  }
0x12b: {  	_ =	swait.ge [sflag:s17], $0x2780  }
0x12c: {  	s8 =	rddreg [dreg:$0x13]  }
0x12d: {  	s22 =	rddreg [dreg:$0x12];
	s11 =	sadd.s32 $0x1, s8  }
0x12e: {  	p0 =	sne.s32 s11, s22  }
.Ltmp3:
0x12f: {  	_ = 	snop;
	(pc) =	sbr.rel @p0 .LBB2_1-.Ltmp3, $3  }
0x130: {  	_ =	sdelay $0x1  }
0x131: {  	[sflag:s17] =	ssyncset.done $0x0  }
0x132: {  	s2 =	simm.s32 $0x2860;
	[sflag:s17] =	ssyncadd.s32 $0xFFFFD880;
	s22 =	simm.s32 $0x0  }
0x133: {  	_ =	sfence.sel $0x180000  }
0x134: {  	[bflag:$0x0] =	sbarrier.arrive $0xFFFF  }
0x135: {  	_ =	strace $0x9000004A  }
0x136: {  	s0 =	stileid.u32;
	[bflag:$0x2] =	sbarrier.arrive $0xFFFF  }
0x137: {  	p0 =	sne.s32 s0, $0x0;
	s0 =	rddreg [dreg:$0x2]  }
0x138: {  	s0 =	sadd.s32 @!p0 $0x100000, s0  }
0x139: {  	[sflag:s0] =	ssyncadd.tile.s32 @!p0 $0x1;
	_ =	shalt  }
.Lfunc_end2:
_tile_overlayer_lowered:
.L_overlay_start_2:
0x13a: {  	(tag) =	ssettag $0x2  }
0x13b: {  	s0 =	rddreg [dreg:$0x0];
	s2 =	stileid.u32  }
0x13c: {  	s1 =	rddreg [dreg:$0x1];
	p0 =	sne.s32 s2, $0x0  }
0x13d: {  	s3 =	rddreg [dreg:$0x2];
	[bflag:$0x3] =	sbarrier.arrive $0xFFFF;
	s2 =	simm.s32 @!p0 $0x1C0B  }
0x13e: {  	[timem:s3], [sflag:s2] =	dma.local @!p0 [hbm:s0], s1  }
0x13f: {  	s0 =	simm.s32 @!p0 $0xB  }
0x140: {  	_ =	swait.ge @!p0 [sflag:s0], s1  }
0x141: {  	s1 =	ssub.s32 @!p0 $0x0, s1;
	[sflag:s0] =	ssyncset.done @!p0 $0x0  }
0x142: {  	[sflag:s0] =	ssyncadd.s32 @!p0 s1  }
0x143: {  	[bflag:$0x3] =	sbarrier.arrive $0xFFFF  }
0x144: {  	_ =	shalt  }

// kernel: kernel.16.cloned.1.call-start
scs
__scs_entry_jumppad:
0x0: {  	(pc) =	sbr.rel $0x88, $3  }
0x1: {  	(tag) =	ssettag $0x0;
	lr =	simm.s32 $0x1  }
0x2: {  	[smem:$0x3F90] =	sst lr;
	_ =	strace $0xD0000000  }
0x3: {  	_ = 	snop  }
0x4: {  	_ = 	snop  }
0x5: {  	_ = 	snop  }
0x6: {  	_ = 	snop  }
0x7: {  	_ = 	snop  }
__scs_overlays_trampoline_lowered:
0x8: {  	[smem:$0x3F9F] =	sst s0  }
0x9: {  	[smem:$0x3FA0] =	sst s1  }
0xa: {  	[smem:$0x3FA1] =	sst s2  }
0xb: {  	[smem:$0x3FA2] =	sst s3  }
0xc: {  	[smem:$0x3FA3] =	sst s4  }
0xd: {  	[smem:$0x3FA4] =	sst s5  }
0xe: {  	[smem:$0x3FA5] =	sst s6  }
0xf: {  	[smem:$0x3FA6] =	sst s7  }
0x10: {  	[smem:$0x3FA7] =	sst s8  }
0x11: {  	[smem:$0x3FA8] =	sst s9;
	s0 =	simm.s32 @!p0 $0x0  }
0x12: {  	s1 =	sld [smem:$0x3F8E];
	s0 =	simm.s32 @p0 $0x1  }
0x13: {  	[smem:$0x3FA9] =	sst s0;
	s0 =	simm.s32 @!p1 $0x0  }
0x14: {  	s2 =	sld [smem:$0x3F8D];
	s0 =	simm.s32 @p1 $0x1  }
0x15: {  	[smem:$0x3FAA] =	sst s0;
	s0 =	simm.s32 @!p2 $0x0  }
0x16: {  	s3 =	sld [smem:$0x3FDB];
	s0 =	simm.s32 @p2 $0x1  }
0x17: {  	s4 =	simm.s32 $0x1BF5;
	[smem:$0x3FAC] =	sst s0  }
0x18: {  	s0 =	sld [smem:$0x3F8F];
	_ =	swait.ge [sflag:s4], $0x0  }
0x19: {  	s7 =	sld [smem:$0x3F90]  }
0x1a: {  	s8 =	sadd.s32 $0xFFFFE003, lr  }
0x1b: {  	s9 =	sadd.s32 $0xFFFFFEF7, lr;
	s5 =	simm.s32 $0xFFFFFFFF;
	p2 =	slt.u32 s8, $0xFFFFF086  }
0x1c: {  	p1 =	slt.u32 s9, $0xF7A;
	s5 =	simm.s32 @!p2 $0x0  }
0x1d: {  	s5 =	simm.s32 @p1 $0x1;
	p0 =	seq.s32 s7, s2  }
0x1e: {  	s7 =	smul.u32 @!p0 $0xF7A, s2;
	p2 =	seq.s32 @!p0 s5, $0x0  }
0x1f: {  	s9 =	smul.u32 $0xF7A, s1;
	s8 =	simm.s32 @!p0 $0x1BF5;
	p2 =	por !p2, p0  }
0x20: {  	[sflag:s8] =	ssyncset.s32 @!p0 $0xFFFFF086;
	s6 =	sadd.s32 @!p0 s3, s7;
	s7 =	simm.s32 @!p0 $0x108  }
0x21: {  	s3 =	sadd.s32 s3, s9;
	s6 =	sadd.s32 @!p0 $0x88, s6;
	s7 =	simm.s32 @p2 $0x1082  }
0x22: {  	[simem:s7], [sflag:s8] =	dma.local @!p0 [hbm:s6], $0xF7A  }
0x23: {  	s9 =	sor.u32 $0xD0000000, s2;
	s6 =	simm.s32 $0x108;
	_ =	swait.ge @!p0 [sflag:s8], $0x0  }
0x24: {  	s3 =	sadd.s32 $0x88, s3;
	s6 =	simm.s32 @!p1 $0x1082;
	[sflag:s4] =	ssyncset.s32 $0xFFFFF086  }
0x25: {  	[simem:s6], [sflag:s4] =	dma.local [hbm:s3], $0xF7A  }
0x26: {  	[smem:$0x3F90] =	sst s1;
	(tag) =	ssettag s2;
	_ =	strace s9  }
0x27: {  	s1 =	sld [smem:$0x3FA0]  }
0x28: {  	s2 =	sld [smem:$0x3FA1]  }
0x29: {  	s4 =	sld [smem:$0x3FA3]  }
0x2a: {  	p0 =	seq.s32 s5, $0x0;
	s5 =	sld [smem:$0x3FA4]  }
0x2b: {  	s6 =	sld [smem:$0x3FA5]  }
0x2c: {  	s7 =	sld [smem:$0x3FA6]  }
0x2d: {  	s3 =	simm.s32 $0x108;
	s8 =	sld [smem:$0x3FA7]  }
0x2e: {  	s3 =	simm.s32 @!p0 $0x1082;
	s9 =	sld [smem:$0x3FA8]  }
0x2f: {  	lr =	sadd.s32 s0, s3;
	s0 =	sld [smem:$0x3F9F]  }
0x30: {  	s3 =	sld [smem:$0x3FA2]  }
0x31: {  	[smem:$0x3FAB] =	sst s10  }
0x32: {  	s10 =	sld [smem:$0x3FA9];
	_ =	sdelay $0x3  }
0x33: {  	p0 =	seq.s32 s10, $0x1;
	s10 =	sld [smem:$0x3FAB];
	_ =	sdelay $0x3  }
0x34: {  	[smem:$0x3FAB] =	sst s10  }
0x35: {  	s10 =	sld [smem:$0x3FAA];
	_ =	sdelay $0x3  }
0x36: {  	p1 =	seq.s32 s10, $0x1;
	s10 =	sld [smem:$0x3FAB];
	_ =	sdelay $0x3  }
0x37: {  	[smem:$0x3FAB] =	sst s10  }
0x38: {  	s10 =	sld [smem:$0x3FAC]  }
0x39: {  	_ = 	snop;
	(pc) =	sbr.ind lr, $3  }
0x3a: {  	_ = 	snop  }
0x3b: {  	_ = 	snop  }
0x3c: {  	p2 =	seq.s32 s10, $0x1;
	s10 =	sld [smem:$0x3FAB]  }
0x3d: {  	_ =	shalt  }
0x3e: {  	_ =	shalt  }
0x3f: {  	_ =	shalt  }
0x40: {  	_ =	shalt  }
0x41: {  	_ =	shalt  }
0x42: {  	_ =	shalt  }
0x43: {  	_ =	shalt  }
0x44: {  	_ =	shalt  }
0x45: {  	_ =	shalt  }
0x46: {  	_ =	shalt  }
0x47: {  	_ =	shalt  }
0x48: {  	_ =	shalt  }
0x49: {  	_ =	shalt  }
0x4a: {  	_ =	shalt  }
0x4b: {  	_ =	shalt  }
0x4c: {  	_ =	shalt  }
0x4d: {  	_ =	shalt  }
0x4e: {  	_ =	shalt  }
0x4f: {  	_ =	shalt  }
0x50: {  	_ =	shalt  }
0x51: {  	_ =	shalt  }
0x52: {  	_ =	shalt  }
0x53: {  	_ =	shalt  }
0x54: {  	_ =	shalt  }
0x55: {  	_ =	shalt  }
0x56: {  	_ =	shalt  }
0x57: {  	_ =	shalt  }
0x58: {  	_ =	shalt  }
0x59: {  	_ =	shalt  }
0x5a: {  	_ =	shalt  }
0x5b: {  	_ =	shalt  }
0x5c: {  	_ =	shalt  }
0x5d: {  	_ =	shalt  }
0x5e: {  	_ =	shalt  }
0x5f: {  	_ =	shalt  }
0x60: {  	_ =	shalt  }
0x61: {  	_ =	shalt  }
0x62: {  	_ =	shalt  }
0x63: {  	_ =	shalt  }
0x64: {  	_ =	shalt  }
0x65: {  	_ =	shalt  }
0x66: {  	_ =	shalt  }
0x67: {  	_ =	shalt  }
0x68: {  	_ =	shalt  }
0x69: {  	_ =	shalt  }
0x6a: {  	_ =	shalt  }
0x6b: {  	_ =	shalt  }
0x6c: {  	_ =	shalt  }
0x6d: {  	_ =	shalt  }
0x6e: {  	_ =	shalt  }
0x6f: {  	_ =	shalt  }
0x70: {  	_ =	shalt  }
0x71: {  	_ =	shalt  }
0x72: {  	_ =	shalt  }
0x73: {  	_ =	shalt  }
0x74: {  	_ =	shalt  }
0x75: {  	_ =	shalt  }
0x76: {  	_ =	shalt  }
0x77: {  	_ =	shalt  }
0x78: {  	_ =	shalt  }
0x79: {  	_ =	shalt  }
0x7a: {  	_ =	shalt  }
0x7b: {  	_ =	shalt  }
0x7c: {  	_ =	shalt  }
0x7d: {  	_ =	shalt  }
0x7e: {  	_ =	shalt  }
0x7f: {  	_ =	shalt  }
0x80: {  	_ =	shalt  }
0x81: {  	_ =	shalt  }
0x82: {  	_ =	shalt  }
0x83: {  	_ =	shalt  }
0x84: {  	_ =	shalt  }
0x85: {  	_ =	shalt  }
0x86: {  	_ =	shalt  }
0x87: {  	_ =	shalt  }
.Lfunc_end0:
.L_simem_size_0:
called_computation.2_lowered:
.L_overlay_start_0:
0x88: {  	s2 =	sld [smem:$0x3FD9]  }
0x89: {  	s3 =	sld [smem:$0x3FFE];
	_ =	sdelay $0x1  }
0x8a: {  	s1 =	srdreg.scid  }
0x8b: {  	s0 =	sand.u32 $0x1, s1  }
0x8c: {  	s16 =	sshll.u32 s0, $0xA;
	s2 =	sadd.s32 s3, s2  }
0x8d: {  	s2 =	sadd.s32 s2, s16  }
0x8e: {  	[smem:$0x3FB7] =	sst s2  }
0x8f: {  	_ = 	snop  }
0x90: {  	(tm) =	ssettm $0x1  }
0x91: {  	s17 =	sld [smem:$0x3FFB];
	_ =	sdelay $0x3  }
0x92: {  	_ =	strace s17  }
0x93: {  	s2 =	sld [smem:$0x3FFC];
	_ =	sdelay $0x3  }
0x94: {  	_ =	strace s2  }
0x95: {  	s2 =	sld [smem:$0x3FFD];
	_ =	sdelay $0x3  }
0x96: {  	_ =	strace s2  }
0x97: {  	_ =	strace $0x8FFFFFFF  }
0x98: {  	s18 =	sld [smem:$0x3FDB];
	_ =	sdelay $0x1  }
0x99: {  	s19 =	simm.s32 $_scs_section_size  }
0x9a: {  	s4 =	simm.s32 $_size__tile_overlayer_lowered;
	s5 =	simm.s32 $_tile_overlayer_lowered  }
0x9b: {  	s22 =	simm.s32 $0x1BFF;
	s21 =	sshll.u32 s5, $0x1;
	s2 =	sadd.s32 s19, s18  }
0x9c: {  	s6 =	simm.s32 $0x0;
	s20 =	sshll.u32 s4, $0x1;
	s4 =	sadd.s32 s21, s2  }
0x9d: {  	[timem:s6], [sflag:s22] =	dma.local [hbm:s4], s20  }
0x9e: {  	_ =	swait.ge [sflag:s22], s20  }
0x9f: {  	s3 =	ssub.s32 $0x0, s20;
	[sflag:s22] =	ssyncset.done $0x0  }
0xa0: {  	[sflag:s22] =	ssyncadd.s32 s3;
	_ =	sdelay $0x1  }
0xa1: {  	s23 =	simm.s32 $0x1B8B  }
0xa2: {  	_ =	swait.ge [sflag:s23], $0x1  }
0xa3: {  	[sflag:s23] =	ssyncset.done $0x0  }
0xa4: {  	s25 =	simm.s32 $0x1B8E;
	s24 =	sld [smem:$0x3FFE];
	[sflag:s23] =	ssyncadd.s32 $0xFFFFFFFF  }
0xa5: {  	s26 =	simm.s32 $execute0_lowered;
	[smem:$0x3FD2] =	sst s25  }
0xa6: {  	s4 =	sshll.u32 s26, $0x1;
	_ =	strace $0x8000004C;
	[dreg:$0x1] =	wrdreg $0xFFFFFFFF  }
0xa7: {  	s28 =	simm.s32 $_size_execute0_lowered;
	s2 =	sadd.s32 s2, s4;
	[dreg:$0x0] =	wrdreg $0x0  }
0xa8: {  	s4 =	sshll.u32 s28, $0x1;
	[dreg:$0x2] =	wrdreg s2  }
0xa9: {  	[dreg:$0x3] =	wrdreg s4  }
0xaa: {  	[dreg:$0x4] =	wrdreg $0xC0  }
0xab: {  	_ =	task [dreg:s6], $0x5FFFF  }
0xac: {  	[dreg:$0x1] =	wrdreg $0xFFFFFFFF  }
0xad: {  	[dreg:$0x0] =	wrdreg $0x60  }
0xae: {  	[dreg:$0x2] =	wrdreg s24  }
0xaf: {  	[dreg:$0x3] =	wrdreg $0xA9800  }
0xb0: {  	[dreg:$0x4] =	wrdreg $0x9  }
0xb1: {  	_ =	task.clear_ibuf [dreg:s6], $0x5FFFF;
	_ =	strace $0x9000004C  }
0xb2: {  	s29 =	simm.s32 $0x9;
	_ =	strace $0x8000004E  }
0xb3: {  	_ =	swait.ge [sflag:s29], $0x1  }
0xb4: {  	[sflag:s29] =	ssyncadd.s32 $0xFFFFFFFF  }
0xb5: {  	_ =	strace $0x9000004E  }
0xb6: {  	_ =	sfence  }
0xb7: {  	s30 =	sld [smem:$0x0];
	_ =	sdelay $0x2  }
0xb8: {  	s31 =	sshll.u32 s1, $0xD;
	s1 =	sshrl.u32 s1, $0x2  }
0xb9: {  	s3 =	sand.u32 $0x4000, s31;
	s1 =	sadd.s32 s1, s30  }
0xba: {  	s0 =	sor.u32 s3, s0;
	s1 =	sshll.u32 s1, $0x11  }
0xbb: {  	s0 =	sor.u32 s1, s0  }
0xbc: {  	s0 =	sadd.s32 $0x8F2B, s0  }
0xbd: {  	[sflag:s0] =	ssyncadd.remote.s32 $0x1  }
0xbe: {  	_ =	sfence.sel $0xFFFF  }
0xbf: {  	[dreg:$0x0] =	wrdreg $0xFFFFFFFF;
	(pc) =	sbr.abs _section_cstart, $3  }
0xc0: {  	[dreg:$0x1] =	wrdreg $0xFFFFFFFF  }
0xc1: {  	_ =	task.clear_ibuf [dreg:s6], $0x2FFFF;
	_ =	strace $0x9FFFFFFF  }
0xc2: {  	(tm) =	ssettm $0x7FFFFFFF  }
0xc3: {  	_ =	shalt  }
tec
execute0_lowered:
.L_overlay_start_1:
0x0: {  	(tag) =	ssettag $0x1  }
0x1: {  	s0 =	rddreg [dreg:$0x0]  }
0x2: {  	s1 =	srdreg.scid;
	s3 =	rddreg [dreg:$0x1]  }
0x3: {  	s10 =	stileid.u32;
	s22 =	simm.s32 $0x0;
	s17 =	simm.s32 $0xB  }
0x4: {  	s18 =	simm.s32 $0x2980;
	s19 =	simm.s32 $0x2800;
	s11 =	simm.s32 $0x28A0  }
0x5: {  	s12 =	simm.s32 $0x7980;
	s13 =	simm.s32 $0x28C0;
	s14 =	simm.s32 $0x8980  }
0x6: {  	s15 =	simm.s32 $0x28E0;
	s16 =	simm.s32 $0x9980;
	s28 =	simm.s32 $0x2880  }
0x7: {  	s29 =	simm.s32 $0xA;
	s30 =	simm.s32 $0x6980;
	[smem:$0x7FF] =	sst s22  }
0x8: {  	s7 =	smul.u32 $0x2800, s10;
	_ =	strace $0x8000004D;
	[dreg:$0x3] =	wrdreg s11  }
0x9: {  	s31 =	simm.s32 $0x1;
	s9 =	smul.u32 $0x13C00, s10;
	[dreg:$0x4] =	wrdreg s12  }
0xa: {  	s1 =	sand.u32 $0x1, s1;
	s20 =	smul.u32 $0x4F000, s10;
	[dreg:$0x5] =	wrdreg s13  }
0xb: {  	s4 =	sadd.s32 $0x67600, s0;
	s6 =	smul.u32 $0x28000, s1;
	[dreg:$0x6] =	wrdreg s14  }
0xc: {  	s5 =	sadd.s32 $0x5D600, s0;
	s8 =	smul.u32 $0x13C000, s1;
	[dreg:$0x7] =	wrdreg s15  }
0xd: {  	s1 =	ssub.s32 $0x2, s1;
	[dreg:$0x8] =	wrdreg s16;
	s12 =	simm.s32 $0x9  }
0xe: {  	s13 =	simm.s32 $0x5;
	s14 =	simm.s32 $0x6;
	s15 =	simm.s32 $0x7  }
0xf: {  	s16 =	simm.s32 $0x8;
	s11 =	simm.s32 $0x0;
	s23 =	sshrl.u32 s1, $0x1  }
0x10: {  	s6 =	sadd.s32 s7, s6;
	s8 =	sadd.s32 s9, s8;
	s1 =	ssub.s32 s1, s23  }
0x11: {  	s9 =	sshrl.u32 s20, $0x2;
	s7 =	sshrl.u32 s6, $0x3;
	s10 =	smax.u32 s1, $0x1  }
0x12: {  	s21 =	sadd.s32 s7, s0;
	s7 =	sadd.s32 s5, s7;
	[dreg:$0x12] =	wrdreg s10  }
0x13: {  	s8 =	sshrl.u32 s8, $0x3;
	s24 =	sadd.s32 $0x4600, s21;
	[dreg:$0xd] =	wrdreg s7  }
0x14: {  	s0 =	sadd.s32 s8, s0;
	s7 =	sadd.s32 $0x10, s7;
	[dreg:$0x9] =	wrdreg s24  }
0x15: {  	s20 =	simm.s32 $0x20;
	s0 =	sadd.s32 $0x8E800, s0;
	[dreg:$0x10] =	wrdreg s7  }
0x16: {  	s23 =	simm.s32 $0x2820;
	s21 =	sadd.s32 s9, s3;
	[dreg:$0x11] =	wrdreg s0  }
0x17: {  	s1 =	simm.s32 $0x3;
	s25 =	sadd.s32 $0x4000, s21;
	[dreg:$0xa] =	wrdreg s21  }
0x18: {  	s10 =	simm.s32 $0x2900;
	s26 =	sadd.s32 $0x8000, s21;
	[dreg:$0xb] =	wrdreg s25  }
0x19: {  	s2 =	sadd.s32 $0xC000, s21;
	s9 =	sadd.s32 $0x10000, s21;
	[dreg:$0xc] =	wrdreg s26  }
0x1a: {  	s24 =	simm.s32 $0x3980;
	s0 =	simm.s32 $0x2;
	[dreg:$0xe] =	wrdreg s2  }
0x1b: {  	s7 =	simm.s32 $0x4;
	[dreg:$0xf] =	wrdreg s9;
	s25 =	simm.s32 $0x2840  }
0x1c: {  	v0 =	vimm.f32 $0.0e+00;
	s26 =	simm.s32 $0x4980;
	s2 =	simm.s32 $0x2860;
	s9 =	simm.s32 $0x80  }
.LBB2_1:
0x1d: {  	[dreg:$0x13] =	wrdreg s11;
	s8 =	simm.s32 $0x0;
	s11 =	simm.s32 $0x200  }
.LBB2_2:
0x1e: {  	p0 =	sne.s32 s11, $0xFE00;
	[tilespmem:s8+$0x29F0] =	vst v0  }
0x1f: {  	[tilespmem:s8+$0x2980] =	vst v0  }
0x20: {  	[tilespmem:s8+$0x2990] =	vst v0  }
.Ltmp0:
0x21: {  	[tilespmem:s8+$0x29A0] =	vst v0;
	(pc) =	sbr.rel @p0 .LBB2_2-.Ltmp0, $4  }
0x22: {  	[tilespmem:s8+$0x29B0] =	vst v0  }
0x23: {  	[tilespmem:s8+$0x29C0] =	vst v0  }
0x24: {  	[tilespmem:s8+$0x29D0] =	vst v0  }
0x25: {  	[tilespmem:s8+$0x29E0] =	vst v0;
	s8 =	sshra.s32 s11, $0x2;
	s11 =	sadd.s32 $0x200, s11  }
0x26: {  	[tilespmem:s8+$0x29F0] =	vst v0  }
0x27: {  	[tilespmem:s8+$0x2980] =	vst v0  }
0x28: {  	[tilespmem:s8+$0x2990] =	vst v0  }
0x29: {  	[tilespmem:s8+$0x29A0] =	vst v0  }
0x2a: {  	[tilespmem:s8+$0x29B0] =	vst v0  }
0x2b: {  	[tilespmem:s8+$0x29C0] =	vst v0  }
0x2c: {  	[tilespmem:s8+$0x29D0] =	vst v0  }
0x2d: {  	[tilespmem:s8+$0x29E0] =	vst v0;
	s8 =	simm.s32 $0x0;
	s11 =	simm.s32 $0x200  }
.LBB2_4:
0x2e: {  	p0 =	sne.s32 s11, $0xFE00;
	[tilespmem:s8+$0x69F0] =	vst v0  }
0x2f: {  	[tilespmem:s8+$0x6980] =	vst v0  }
0x30: {  	[tilespmem:s8+$0x6990] =	vst v0  }
.Ltmp1:
0x31: {  	[tilespmem:s8+$0x69A0] =	vst v0;
	(pc) =	sbr.rel @p0 .LBB2_4-.Ltmp1, $4  }
0x32: {  	[tilespmem:s8+$0x69B0] =	vst v0  }
0x33: {  	[tilespmem:s8+$0x69C0] =	vst v0  }
0x34: {  	[tilespmem:s8+$0x69D0] =	vst v0  }
0x35: {  	[tilespmem:s8+$0x69E0] =	vst v0;
	s8 =	sshra.s32 s11, $0x2;
	s11 =	sadd.s32 $0x200, s11  }
0x36: {  	[tilespmem:s8+$0x69F0] =	vst v0  }
0x37: {  	[tilespmem:s8+$0x6980] =	vst v0  }
0x38: {  	[tilespmem:s8+$0x6990] =	vst v0  }
0x39: {  	[tilespmem:s8+$0x69A0] =	vst v0  }
0x3a: {  	[tilespmem:s8+$0x69B0] =	vst v0  }
0x3b: {  	[tilespmem:s8+$0x69C0] =	vst v0  }
0x3c: {  	[tilespmem:s8+$0x69D0] =	vst v0  }
0x3d: {  	[tilespmem:s8+$0x69E0] =	vst v0;
	s11 =	rddreg [dreg:$0x9]  }
0x3e: {  	[tilespmem:s22], [sflag:$0xB] =	stream.linear.gather [hbm4b:s11+s22], $0x2800, $0x38;
	[tilespmem:$0x1E580] =	vst v63  }
0x3f: {  	_ =	swait.ge [sflag:s17], $0x2800  }
0x40: {  	[sflag:s17] =	ssyncset.done $0x0  }
0x41: {  	[sflag:s17] =	ssyncadd.s32 $0xFFFFD800  }
0x42: {  	[spmem:s21] =	stream.linear.scatter [tilespmem:s18], [sflag:$0xB], $0x4000, $0x38;
	[tilespmem:$0x1E580] =	vst v63  }
0x43: {  	_ =	swait.ge [sflag:s17], $0x4000  }
0x44: {  	[sflag:s17] =	ssyncset.done $0x0  }
0x45: {  	s11 =	rddreg [dreg:$0xb];
	[sflag:s17] =	ssyncadd.s32 $0xFFFFC000  }
0x46: {  	[spmem:s11] =	stream.linear.scatter [tilespmem:s18], [sflag:$0xB], $0x4000, $0x38;
	[tilespmem:$0x1E580] =	vst v63  }
0x47: {  	_ =	swait.ge [sflag:s17], $0x4000  }
0x48: {  	[sflag:s17] =	ssyncset.done $0x0  }
0x49: {  	s21 =	rddreg [dreg:$0xc];
	[sflag:s17] =	ssyncadd.s32 $0xFFFFC000  }
0x4a: {  	[spmem:s21] =	stream.linear.scatter [tilespmem:s18], [sflag:$0xB], $0x4000, $0x38;
	[tilespmem:$0x1E580] =	vst v63  }
0x4b: {  	_ =	swait.ge [sflag:s17], $0x4000  }
0x4c: {  	[sflag:s17] =	ssyncset.done $0x0  }
0x4d: {  	s11 =	rddreg [dreg:$0xe];
	[sflag:s17] =	ssyncadd.s32 $0xFFFFC000  }
0x4e: {  	[spmem:s11] =	stream.linear.scatter [tilespmem:s18], [sflag:$0xB], $0x4000, $0x38;
	[tilespmem:$0x1E580] =	vst v63  }
0x4f: {  	_ =	swait.ge [sflag:s17], $0x4000  }
0x50: {  	[sflag:s17] =	ssyncset.done $0x0  }
0x51: {  	s21 =	rddreg [dreg:$0xf];
	[sflag:s17] =	ssyncadd.s32 $0xFFFFC000  }
0x52: {  	[spmem:s21] =	stream.linear.scatter [tilespmem:s18], [sflag:$0xB], $0x3C00, $0x38;
	[tilespmem:$0x1E580] =	vst v63  }
0x53: {  	_ =	swait.ge [sflag:s17], $0x3C00  }
0x54: {  	[sflag:s17] =	ssyncset.done $0x0  }
0x55: {  	[sflag:s17] =	ssyncadd.s32 $0xFFFFC400  }
0x56: {  	[bflag:$0x0] =	sbarrier.arrive $0xFFFF  }
0x57: {  	s11 =	rddreg [dreg:$0xd]  }
0x58: {  	[tilespmem:s19], [sflag:$0xB] =	stream.linear.gather [hbm4b:s11+s22], $0x80, $0x38;
	[tilespmem:$0x1E580] =	vst v63  }
0x59: {  	_ =	swait.ge [sflag:s17], $0x80  }
0x5a: {  	[sflag:s17] =	ssyncset.done $0x0  }
0x5b: {  	[sflag:s17] =	ssyncadd.s32 $0xFFFFFF80  }
0x5c: {  	[tilespmem:s18], [sflag:$0x1] =	stream.indirect.gather [hbm4b:s4+s20], $0x80, s19, s20, $0xb8;
	[tilespmem:$0x1E580] =	vst v63  }
0x5d: {  	_ = 	snop  }
0x5e: {  	[tilespmem:s24], [sflag:$0x2] =	stream.indirect.gather [hbm4b:s4+s20], $0x80, s23, s20, $0xb8;
	[tilespmem:$0x1E580] =	vst v63  }
0x5f: {  	_ = 	snop  }
0x60: {  	[tilespmem:s26], [sflag:$0x3] =	stream.indirect.gather [hbm4b:s4+s20], $0x80, s25, s20, $0xb8;
	[tilespmem:$0x1E580] =	vst v63  }
0x61: {  	s21 =	simm.s32 $0x5980  }
0x62: {  	[tilespmem:s21], [sflag:$0x4] =	stream.indirect.gather [hbm4b:s4+s20], $0x80, s2, s20, $0xb8;
	[tilespmem:$0x1E580] =	vst v63  }
0x63: {  	s11 =	rddreg [dreg:$0x10]  }
0x64: {  	[tilespmem:s28], [sflag:$0xA] =	stream.linear.gather [hbm4b:s11+s22], $0x80, $0x38;
	[tilespmem:$0x1E580] =	vst v63  }
0x65: {  	_ =	swait.ge [sflag:s29], $0x80  }
0x66: {  	s21 =	rddreg [dreg:$0x5]  }
0x67: {  	s11 =	rddreg [dreg:$0x3]  }
0x68: {  	s2 =	rddreg [dreg:$0x4]  }
0x69: {  	[sflag:s29] =	ssyncset.done $0x0;
	s8 =	rddreg [dreg:$0x6]  }
0x6a: {  	[dreg:$0x14] =	wrdreg s21;
	[sflag:s29] =	ssyncadd.s32 $0xFFFFFF80  }
0x6b: {  	[tilespmem:s30], [sflag:$0x5] =	stream.indirect.gather [hbm4b:s4+s20], $0x80, s28, s20, $0xb8;
	[tilespmem:$0x1E580] =	vst v63  }
0x6c: {  	s21 =	rddreg [dreg:$0x8]  }
0x6d: {  	[tilespmem:s2], [sflag:$0x6] =	stream.indirect.gather [hbm4b:s4+s20], $0x80, s11, s20, $0xb8;
	[tilespmem:$0x1E580] =	vst v63  }
0x6e: {  	s2 =	rddreg [dreg:$0x14]  }
0x6f: {  	[tilespmem:s8], [sflag:$0x7] =	stream.indirect.gather [hbm4b:s4+s20], $0x80, s2, s20, $0xb8;
	[tilespmem:$0x1E580] =	vst v63  }
0x70: {  	s11 =	rddreg [dreg:$0x7]  }
0x71: {  	[tilespmem:s21], [sflag:$0x8] =	stream.indirect.gather [hbm4b:s4+s20], $0x80, s11, s20, $0xb8;
	[tilespmem:$0x1E580] =	vst v63  }
0x72: {  	_ =	swait.ge [sflag:s31], $0x1000  }
0x73: {  	[sflag:s31] =	ssyncset.done $0x0  }
0x74: {  	[sflag:s31] =	ssyncadd.s32 $0xFFFFF000  }
0x75: {  	_ =	swait.ge [sflag:s0], $0x1000  }
0x76: {  	[sflag:s0] =	ssyncset.done $0x0  }
0x77: {  	[sflag:s0] =	ssyncadd.s32 $0xFFFFF000  }
0x78: {  	_ =	swait.ge [sflag:s1], $0x1000  }
0x79: {  	p0 =	por $0x0, $0x0;
	s8 =	simm.s32 $0x100;
	[sflag:s1] =	ssyncset.done $0x0  }
0x7a: {  	s8 =	simm.s32 @p0 $0x0;
	[sflag:s1] =	ssyncadd.s32 $0xFFFFF000  }
0x7b: {  	s8 =	sadd.s32 s6, s8;
	_ =	swait.ge [sflag:s7], $0x1000  }
0x7c: {  	s8 =	sshrl.u32 s8, $0x3;
	[sflag:s7] =	ssyncset.done $0x0  }
0x7d: {  	s21 =	simm.s32 $0x80;
	s11 =	sadd.s32 s5, s8;
	[sflag:s7] =	ssyncadd.s32 $0xFFFFF000  }
0x7e: {  	[tilespmem:s19], [sflag:$0x9] =	stream.linear.gather [hbm4b:s11+s22], $0x80, $0x38;
	[tilespmem:$0x1E580] =	vst v63  }
0x7f: {  	v1 =	vld [tilespmem:s21+$0xFFFFFF80];
	_ =	sdelay $0x4  }
0x80: {  	[tilespmem:$0x2900] =	vst v1  }
0x81: {  	v1 =	vld [tilespmem:s21+$0xFFFFFF90];
	_ =	sdelay $0x4  }
0x82: {  	[tilespmem:$0x2910] =	vst v1  }
0x83: {  	v1 =	vld [tilespmem:s21+$0xFFFFFFA0];
	_ =	sdelay $0x4  }
0x84: {  	[tilespmem:$0x2920] =	vst v1  }
0x85: {  	v1 =	vld [tilespmem:s21+$0xFFFFFFB0];
	_ =	sdelay $0x4  }
0x86: {  	[tilespmem:$0x2930] =	vst v1  }
0x87: {  	v1 =	vld [tilespmem:s21+$0xFFFFFFC0];
	_ =	sdelay $0x4  }
0x88: {  	[tilespmem:$0x2940] =	vst v1  }
0x89: {  	v1 =	vld [tilespmem:s21+$0xFFFFFFD0];
	_ =	sdelay $0x4  }
0x8a: {  	[tilespmem:$0x2950] =	vst v1  }
0x8b: {  	v1 =	vld [tilespmem:s21+$0xFFFFFFE0];
	_ =	sdelay $0x4  }
0x8c: {  	[tilespmem:$0x2960] =	vst v1  }
0x8d: {  	v1 =	vld [tilespmem:s21+$0xFFFFFFF0];
	_ =	sdelay $0x4  }
0x8e: {  	[tilespmem:$0x2970] =	vst v1  }
0x8f: {  	[spmem:s3] =	stream.indirect.scatter.add.f32 [tilespmem:s18], [sflag:$0xB], $0x80, s10, s9, $0xb8;
	[tilespmem:$0x1E580] =	vst v63  }
0x90: {  	_ =	swait.ge [sflag:s17], $0x4000  }
0x91: {  	[sflag:s17] =	ssyncset.done $0x0  }
0x92: {  	[sflag:s17] =	ssyncadd.s32 $0xFFFFC000  }
0x93: {  	_ =	swait.ge [sflag:s12], $0x80  }
0x94: {  	[sflag:s12] =	ssyncset.done $0x0  }
0x95: {  	[sflag:s12] =	ssyncadd.s32 $0xFFFFFF80  }
0x96: {  	[tilespmem:s18], [sflag:$0x1] =	stream.indirect.gather [hbm4b:s4+s20], $0x80, s19, s20, $0xb8;
	[tilespmem:$0x1E580] =	vst v63  }
0x97: {  	_ = 	snop  }
0x98: {  	[tilespmem:s24], [sflag:$0x2] =	stream.indirect.gather [hbm4b:s4+s20], $0x80, s23, s20, $0xb8;
	[tilespmem:$0x1E580] =	vst v63  }
0x99: {  	_ = 	snop  }
0x9a: {  	[tilespmem:s26], [sflag:$0x3] =	stream.indirect.gather [hbm4b:s4+s20], $0x80, s25, s20, $0xb8;
	[tilespmem:$0x1E580] =	vst v63  }
0x9b: {  	s25 =	simm.s32 $0x5980;
	s26 =	simm.s32 $0x2860  }
0x9c: {  	[tilespmem:s25], [sflag:$0x4] =	stream.indirect.gather [hbm4b:s4+s20], $0x80, s26, s20, $0xb8;
	[tilespmem:$0x1E580] =	vst v63  }
0x9d: {  	_ =	swait.ge [sflag:s13], $0x1000  }
0x9e: {  	[sflag:s13] =	ssyncset.done $0x0  }
0x9f: {  	[sflag:s13] =	ssyncadd.s32 $0xFFFFF000  }
0xa0: {  	_ =	swait.ge [sflag:s14], $0x1000  }
0xa1: {  	[sflag:s14] =	ssyncset.done $0x0  }
0xa2: {  	[sflag:s14] =	ssyncadd.s32 $0xFFFFF000  }
0xa3: {  	_ =	swait.ge [sflag:s15], $0x1000  }
0xa4: {  	s11 =	simm.s32 $0x180;
	[sflag:s15] =	ssyncset.done $0x0  }
0xa5: {  	s11 =	simm.s32 @p0 $0x80;
	[sflag:s15] =	ssyncadd.s32 $0xFFFFF000  }
0xa6: {  	s11 =	sadd.s32 s6, s11;
	_ =	swait.ge [sflag:s16], $0x1000  }
0xa7: {  	s11 =	sshrl.u32 s11, $0x3;
	[sflag:s16] =	ssyncset.done $0x0  }
0xa8: {  	s11 =	sadd.s32 s5, s11;
	[sflag:s16] =	ssyncadd.s32 $0xFFFFF000  }
0xa9: {  	[tilespmem:s28], [sflag:$0xA] =	stream.linear.gather [hbm4b:s11+s22], $0x80, $0x38;
	[tilespmem:$0x1E580] =	vst v63  }
0xaa: {  	v1 =	vld [tilespmem:s21+$0x0];
	_ =	sdelay $0x4  }
0xab: {  	[tilespmem:$0x2900] =	vst v1  }
0xac: {  	v1 =	vld [tilespmem:s21+$0x10];
	_ =	sdelay $0x4  }
0xad: {  	[tilespmem:$0x2910] =	vst v1  }
0xae: {  	v1 =	vld [tilespmem:s21+$0x20];
	_ =	sdelay $0x4  }
0xaf: {  	[tilespmem:$0x2920] =	vst v1  }
0xb0: {  	v1 =	vld [tilespmem:s21+$0x30];
	_ =	sdelay $0x4  }
0xb1: {  	[tilespmem:$0x2930] =	vst v1  }
0xb2: {  	v1 =	vld [tilespmem:s21+$0x40];
	_ =	sdelay $0x4  }
0xb3: {  	[tilespmem:$0x2940] =	vst v1  }
0xb4: {  	v1 =	vld [tilespmem:s21+$0x50];
	_ =	sdelay $0x4  }
0xb5: {  	[tilespmem:$0x2950] =	vst v1  }
0xb6: {  	v1 =	vld [tilespmem:s21+$0x60];
	_ =	sdelay $0x4  }
0xb7: {  	[tilespmem:$0x2960] =	vst v1  }
0xb8: {  	v1 =	vld [tilespmem:s21+$0x70];
	_ =	sdelay $0x4  }
0xb9: {  	s2 =	simm.s32 $0x0;
	s8 =	simm.s32 $0x280;
	s11 =	simm.s32 $0x180;
	[tilespmem:$0x2970] =	vst v1  }
0xba: {  	[spmem:s3] =	stream.indirect.scatter.add.f32 [tilespmem:s30], [sflag:$0xB], $0x80, s10, s9, $0xb8;
	[tilespmem:$0x1E580] =	vst v63  }
.LBB2_6:
0xbb: {  	_ =	swait.ge [sflag:s17], $0x4000  }
0xbc: {  	[sflag:s17] =	ssyncset.done $0x0  }
0xbd: {  	[sflag:s17] =	ssyncadd.s32 $0xFFFFC000  }
0xbe: {  	_ =	swait.ge [sflag:s29], $0x80  }
0xbf: {  	s22 =	rddreg [dreg:$0x7]  }
0xc0: {  	[sflag:s29] =	ssyncset.done $0x0;
	s23 =	rddreg [dreg:$0x5]  }
0xc1: {  	s24 =	rddreg [dreg:$0x3];
	[sflag:s29] =	ssyncadd.s32 $0xFFFFFF80  }
0xc2: {  	[tilespmem:s30], [sflag:$0x5] =	stream.indirect.gather [hbm4b:s4+s20], $0x80, s28, s20, $0xb8;
	[tilespmem:$0x1E580] =	vst v63  }
0xc3: {  	s25 =	rddreg [dreg:$0x4]  }
0xc4: {  	[tilespmem:s25], [sflag:$0x6] =	stream.indirect.gather [hbm4b:s4+s20], $0x80, s24, s20, $0xb8;
	[tilespmem:$0x1E580] =	vst v63  }
0xc5: {  	s26 =	rddreg [dreg:$0x6]  }
0xc6: {  	[tilespmem:s26], [sflag:$0x7] =	stream.indirect.gather [hbm4b:s4+s20], $0x80, s23, s20, $0xb8;
	[tilespmem:$0x1E580] =	vst v63  }
0xc7: {  	s24 =	rddreg [dreg:$0x8]  }
0xc8: {  	[tilespmem:s24], [sflag:$0x8] =	stream.indirect.gather [hbm4b:s4+s20], $0x80, s22, s20, $0xb8;
	[tilespmem:$0x1E580] =	vst v63  }
0xc9: {  	_ =	swait.ge [sflag:s31], $0x1000  }
0xca: {  	[sflag:s31] =	ssyncset.done $0x0  }
0xcb: {  	[sflag:s31] =	ssyncadd.s32 $0xFFFFF000  }
0xcc: {  	_ =	swait.ge [sflag:s0], $0x1000  }
0xcd: {  	[sflag:s0] =	ssyncset.done $0x0  }
0xce: {  	[sflag:s0] =	ssyncadd.s32 $0xFFFFF000  }
0xcf: {  	s21 =	smov.u32 s8;
	_ =	swait.ge [sflag:s1], $0x1000  }
0xd0: {  	p1 =	seq.s32 s21, $0x2880;
	s22 =	sadd.s32 $0xFFFFFF80, s21;
	[sflag:s1] =	ssyncset.done $0x0  }
0xd1: {  	s22 =	simm.s32 @p1 $0x0;
	[sflag:s1] =	ssyncadd.s32 $0xFFFFF000  }
0xd2: {  	s22 =	sadd.s32 s6, s22;
	_ =	swait.ge [sflag:s7], $0x1000  }
0xd3: {  	s22 =	sshrl.u32 s22, $0x3;
	[sflag:s7] =	ssyncset.done $0x0  }
0xd4: {  	s22 =	sadd.s32 s5, s22;
	[sflag:s7] =	ssyncadd.s32 $0xFFFFF000  }
0xd5: {  	[tilespmem:s19], [sflag:$0x9] =	stream.linear.gather [hbm4b:s22+s2], $0x80, $0x38;
	[tilespmem:$0x1E580] =	vst v63  }
0xd6: {  	v1 =	vld [tilespmem:s11+$0xFFFFFF80];
	_ =	sdelay $0x4  }
0xd7: {  	[tilespmem:$0x2900] =	vst v1  }
0xd8: {  	v1 =	vld [tilespmem:s11+$0xFFFFFF90];
	_ =	sdelay $0x4  }
0xd9: {  	[tilespmem:$0x2910] =	vst v1  }
0xda: {  	v1 =	vld [tilespmem:s11+$0xFFFFFFA0];
	_ =	sdelay $0x4  }
0xdb: {  	[tilespmem:$0x2920] =	vst v1  }
0xdc: {  	v1 =	vld [tilespmem:s11+$0xFFFFFFB0];
	_ =	sdelay $0x4  }
0xdd: {  	[tilespmem:$0x2930] =	vst v1  }
0xde: {  	v1 =	vld [tilespmem:s11+$0xFFFFFFC0];
	_ =	sdelay $0x4  }
0xdf: {  	[tilespmem:$0x2940] =	vst v1  }
0xe0: {  	v1 =	vld [tilespmem:s11+$0xFFFFFFD0];
	_ =	sdelay $0x4  }
0xe1: {  	[tilespmem:$0x2950] =	vst v1  }
0xe2: {  	v1 =	vld [tilespmem:s11+$0xFFFFFFE0];
	_ =	sdelay $0x4  }
0xe3: {  	[tilespmem:$0x2960] =	vst v1  }
0xe4: {  	v1 =	vld [tilespmem:s11+$0xFFFFFFF0];
	_ =	sdelay $0x4  }
0xe5: {  	[tilespmem:$0x2970] =	vst v1  }
0xe6: {  	[spmem:s3] =	stream.indirect.scatter.add.f32 [tilespmem:s18], [sflag:$0xB], $0x80, s10, s9, $0xb8;
	[tilespmem:$0x1E580] =	vst v63  }
0xe7: {  	_ =	swait.ge [sflag:s17], $0x4000  }
0xe8: {  	[sflag:s17] =	ssyncset.done $0x0  }
0xe9: {  	[sflag:s17] =	ssyncadd.s32 $0xFFFFC000  }
0xea: {  	_ =	swait.ge [sflag:s12], $0x80  }
0xeb: {  	[sflag:s12] =	ssyncset.done $0x0  }
0xec: {  	[sflag:s12] =	ssyncadd.s32 $0xFFFFFF80  }
0xed: {  	[tilespmem:s18], [sflag:$0x1] =	stream.indirect.gather [hbm4b:s4+s20], $0x80, s19, s20, $0xb8;
	[tilespmem:$0x1E580] =	vst v63  }
0xee: {  	s23 =	simm.s32 $0x2820;
	s24 =	simm.s32 $0x3980  }
0xef: {  	[tilespmem:s24], [sflag:$0x2] =	stream.indirect.gather [hbm4b:s4+s20], $0x80, s23, s20, $0xb8;
	[tilespmem:$0x1E580] =	vst v63  }
0xf0: {  	s25 =	simm.s32 $0x2840;
	s26 =	simm.s32 $0x4980  }
0xf1: {  	[tilespmem:s26], [sflag:$0x3] =	stream.indirect.gather [hbm4b:s4+s20], $0x80, s25, s20, $0xb8;
	[tilespmem:$0x1E580] =	vst v63  }
0xf2: {  	s22 =	simm.s32 $0x5980;
	s19 =	simm.s32 $0x2860  }
0xf3: {  	[tilespmem:s22], [sflag:$0x4] =	stream.indirect.gather [hbm4b:s4+s20], $0x80, s19, s20, $0xb8;
	[tilespmem:$0x1E580] =	vst v63  }
0xf4: {  	_ =	swait.ge [sflag:s13], $0x1000  }
0xf5: {  	[sflag:s13] =	ssyncset.done $0x0  }
0xf6: {  	[sflag:s13] =	ssyncadd.s32 $0xFFFFF000  }
0xf7: {  	_ =	swait.ge [sflag:s14], $0x1000  }
0xf8: {  	[sflag:s14] =	ssyncset.done $0x0  }
0xf9: {  	[sflag:s14] =	ssyncadd.s32 $0xFFFFF000  }
0xfa: {  	_ =	swait.ge [sflag:s15], $0x1000  }
0xfb: {  	[sflag:s15] =	ssyncset.done $0x0  }
0xfc: {  	s21 =	simm.s32 @p1 $0x80;
	[sflag:s15] =	ssyncadd.s32 $0xFFFFF000  }
0xfd: {  	s21 =	sadd.s32 s6, s21;
	_ =	swait.ge [sflag:s16], $0x1000  }
0xfe: {  	s21 =	sshrl.u32 s21, $0x3;
	[sflag:s16] =	ssyncset.done $0x0  }
0xff: {  	s21 =	sadd.s32 s5, s21;
	[sflag:s16] =	ssyncadd.s32 $0xFFFFF000  }
0x100: {  	[tilespmem:s28], [sflag:$0xA] =	stream.linear.gather [hbm4b:s21+s2], $0x80, $0x38;
	[tilespmem:$0x1E580] =	vst v63  }
0x101: {  	v1 =	vld [tilespmem:s11+$0x0];
	_ =	sdelay $0x4  }
0x102: {  	[tilespmem:$0x2900] =	vst v1  }
0x103: {  	v1 =	vld [tilespmem:s11+$0x10];
	_ =	sdelay $0x4  }
0x104: {  	[tilespmem:$0x2910] =	vst v1  }
0x105: {  	v1 =	vld [tilespmem:s11+$0x20];
	_ =	sdelay $0x4  }
0x106: {  	[tilespmem:$0x2920] =	vst v1  }
0x107: {  	v1 =	vld [tilespmem:s11+$0x30];
	_ =	sdelay $0x4  }
0x108: {  	[tilespmem:$0x2930] =	vst v1  }
0x109: {  	v1 =	vld [tilespmem:s11+$0x40];
	_ =	sdelay $0x4  }
0x10a: {  	[tilespmem:$0x2940] =	vst v1  }
0x10b: {  	v1 =	vld [tilespmem:s11+$0x50];
	_ =	sdelay $0x4  }
0x10c: {  	[tilespmem:$0x2950] =	vst v1  }
0x10d: {  	v1 =	vld [tilespmem:s11+$0x60];
	_ =	sdelay $0x4  }
0x10e: {  	[tilespmem:$0x2960] =	vst v1  }
0x10f: {  	v1 =	vld [tilespmem:s11+$0x70]  }
0x110: {  	p0 =	sne.s32 s8, $0x2880  }
.Ltmp2:
0x111: {  	_ = 	snop;
	(pc) =	sbr.rel @p0 .LBB2_6-.Ltmp2, $3  }
0x112: {  	_ =	sdelay $0x1  }
0x113: {  	s8 =	sadd.s32 $0x100, s8;
	s19 =	simm.s32 $0x2800;
	s11 =	sadd.s32 $0x100, s11;
	[tilespmem:$0x2970] =	vst v1  }
0x114: {  	[spmem:s3] =	stream.indirect.scatter.add.f32 [tilespmem:s30], [sflag:$0xB], $0x80, s10, s9, $0xb8;
	[tilespmem:$0x1E580] =	vst v63  }
0x115: {  	_ =	swait.ge [sflag:s17], $0x4000  }
0x116: {  	[sflag:s17] =	ssyncset.done $0x0  }
0x117: {  	[sflag:s17] =	ssyncadd.s32 $0xFFFFC000  }
0x118: {  	_ =	swait.ge [sflag:s31], $0x1000  }
0x119: {  	[sflag:s31] =	ssyncset.done $0x0  }
0x11a: {  	[sflag:s31] =	ssyncadd.s32 $0xFFFFF000  }
0x11b: {  	_ =	swait.ge [sflag:s0], $0x1000  }
0x11c: {  	[sflag:s0] =	ssyncset.done $0x0  }
0x11d: {  	[sflag:s0] =	ssyncadd.s32 $0xFFFFF000  }
0x11e: {  	_ =	swait.ge [sflag:s1], $0x1000  }
0x11f: {  	[sflag:s1] =	ssyncset.done $0x0  }
0x120: {  	[sflag:s1] =	ssyncadd.s32 $0xFFFFF000  }
0x121: {  	_ =	swait.ge [sflag:s7], $0x1000  }
0x122: {  	[sflag:s7] =	ssyncset.done $0x0  }
0x123: {  	[sflag:s7] =	ssyncadd.s32 $0xFFFFF000  }
0x124: {  	_ =	swait.ge [sflag:s29], $0x80  }
0x125: {  	[sflag:s29] =	ssyncset.done $0x0  }
0x126: {  	[sflag:s29] =	ssyncadd.s32 $0xFFFFFF80  }
0x127: {  	s8 =	stileid.u32;
	[bflag:$0x0] =	sbarrier.arrive $0xFFFF  }
0x128: {  	s8 =	sshll.u32 s8, $0x6;
	s21 =	rddreg [dreg:$0xa]  }
0x129: {  	s8 =	sor.u32 $0x1C0B, s8;
	s22 =	rddreg [dreg:$0x11];
	s11 =	sshrl.u32 s21, $0x3  }
0x12a: {  	[hbm:s22], [sflag:s8] =	dma.local [spmem:s11], $0x2780  }
0x12b: {  	_ =	swait.ge [sflag:s17], $0x2780  }
0x12c: {  	s8 =	rddreg [dreg:$0x13]  }
0x12d: {  	s22 =	rddreg [dreg:$0x12];
	s11 =	sadd.s32 $0x1, s8  }
0x12e: {  	p0 =	sne.s32 s11, s22  }
.Ltmp3:
0x12f: {  	_ = 	snop;
	(pc) =	sbr.rel @p0 .LBB2_1-.Ltmp3, $3  }
0x130: {  	_ =	sdelay $0x1  }
0x131: {  	[sflag:s17] =	ssyncset.done $0x0  }
0x132: {  	s2 =	simm.s32 $0x2860;
	[sflag:s17] =	ssyncadd.s32 $0xFFFFD880;
	s22 =	simm.s32 $0x0  }
0x133: {  	_ =	sfence.sel $0x180000  }
0x134: {  	[bflag:$0x0] =	sbarrier.arrive $0xFFFF  }
0x135: {  	_ =	strace $0x9000004D  }
0x136: {  	s0 =	stileid.u32;
	[bflag:$0x2] =	sbarrier.arrive $0xFFFF  }
0x137: {  	p0 =	sne.s32 s0, $0x0;
	s0 =	rddreg [dreg:$0x2]  }
0x138: {  	s0 =	sadd.s32 @!p0 $0x100000, s0  }
0x139: {  	[sflag:s0] =	ssyncadd.tile.s32 @!p0 $0x1;
	_ =	shalt  }
.Lfunc_end2:
_tile_overlayer_lowered:
.L_overlay_start_2:
0x13a: {  	(tag) =	ssettag $0x2  }
0x13b: {  	s0 =	rddreg [dreg:$0x0];
	s2 =	stileid.u32  }
0x13c: {  	s1 =	rddreg [dreg:$0x1];
	p0 =	sne.s32 s2, $0x0  }
0x13d: {  	s3 =	rddreg [dreg:$0x2];
	[bflag:$0x3] =	sbarrier.arrive $0xFFFF;
	s2 =	simm.s32 @!p0 $0x1C0B  }
0x13e: {  	[timem:s3], [sflag:s2] =	dma.local @!p0 [hbm:s0], s1  }
0x13f: {  	s0 =	simm.s32 @!p0 $0xB  }
0x140: {  	_ =	swait.ge @!p0 [sflag:s0], s1  }
0x141: {  	s1 =	ssub.s32 @!p0 $0x0, s1;
	[sflag:s0] =	ssyncset.done @!p0 $0x0  }
0x142: {  	[sflag:s0] =	ssyncadd.s32 @!p0 s1  }
0x143: {  	[bflag:$0x3] =	sbarrier.arrive $0xFFFF  }
0x144: {  	_ =	shalt  }

// kernel: kernel.19.cloned.1.call-start
scs
__scs_entry_jumppad:
0x0: {  	(pc) =	sbr.rel $0x88, $3  }
0x1: {  	(tag) =	ssettag $0x0;
	lr =	simm.s32 $0x1  }
0x2: {  	[smem:$0x3F90] =	sst lr;
	_ =	strace $0xD0000000  }
0x3: {  	_ = 	snop  }
0x4: {  	_ = 	snop  }
0x5: {  	_ = 	snop  }
0x6: {  	_ = 	snop  }
0x7: {  	_ = 	snop  }
__scs_overlays_trampoline_lowered:
0x8: {  	[smem:$0x3F9F] =	sst s0  }
0x9: {  	[smem:$0x3FA0] =	sst s1  }
0xa: {  	[smem:$0x3FA1] =	sst s2  }
0xb: {  	[smem:$0x3FA2] =	sst s3  }
0xc: {  	[smem:$0x3FA3] =	sst s4  }
0xd: {  	[smem:$0x3FA4] =	sst s5  }
0xe: {  	[smem:$0x3FA5] =	sst s6  }
0xf: {  	[smem:$0x3FA6] =	sst s7  }
0x10: {  	[smem:$0x3FA7] =	sst s8  }
0x11: {  	[smem:$0x3FA8] =	sst s9;
	s0 =	simm.s32 @!p0 $0x0  }
0x12: {  	s1 =	sld [smem:$0x3F8E];
	s0 =	simm.s32 @p0 $0x1  }
0x13: {  	[smem:$0x3FA9] =	sst s0;
	s0 =	simm.s32 @!p1 $0x0  }
0x14: {  	s2 =	sld [smem:$0x3F8D];
	s0 =	simm.s32 @p1 $0x1  }
0x15: {  	[smem:$0x3FAA] =	sst s0;
	s0 =	simm.s32 @!p2 $0x0  }
0x16: {  	s3 =	sld [smem:$0x3FDB];
	s0 =	simm.s32 @p2 $0x1  }
0x17: {  	s4 =	simm.s32 $0x1BF5;
	[smem:$0x3FAC] =	sst s0  }
0x18: {  	s0 =	sld [smem:$0x3F8F];
	_ =	swait.ge [sflag:s4], $0x0  }
0x19: {  	s7 =	sld [smem:$0x3F90]  }
0x1a: {  	s8 =	sadd.s32 $0xFFFFE003, lr  }
0x1b: {  	s9 =	sadd.s32 $0xFFFFFEF7, lr;
	s5 =	simm.s32 $0xFFFFFFFF;
	p2 =	slt.u32 s8, $0xFFFFF086  }
0x1c: {  	p1 =	slt.u32 s9, $0xF7A;
	s5 =	simm.s32 @!p2 $0x0  }
0x1d: {  	s5 =	simm.s32 @p1 $0x1;
	p0 =	seq.s32 s7, s2  }
0x1e: {  	s7 =	smul.u32 @!p0 $0xF7A, s2;
	p2 =	seq.s32 @!p0 s5, $0x0  }
0x1f: {  	s9 =	smul.u32 $0xF7A, s1;
	s8 =	simm.s32 @!p0 $0x1BF5;
	p2 =	por !p2, p0  }
0x20: {  	[sflag:s8] =	ssyncset.s32 @!p0 $0xFFFFF086;
	s6 =	sadd.s32 @!p0 s3, s7;
	s7 =	simm.s32 @!p0 $0x108  }
0x21: {  	s3 =	sadd.s32 s3, s9;
	s6 =	sadd.s32 @!p0 $0x88, s6;
	s7 =	simm.s32 @p2 $0x1082  }
0x22: {  	[simem:s7], [sflag:s8] =	dma.local @!p0 [hbm:s6], $0xF7A  }
0x23: {  	s9 =	sor.u32 $0xD0000000, s2;
	s6 =	simm.s32 $0x108;
	_ =	swait.ge @!p0 [sflag:s8], $0x0  }
0x24: {  	s3 =	sadd.s32 $0x88, s3;
	s6 =	simm.s32 @!p1 $0x1082;
	[sflag:s4] =	ssyncset.s32 $0xFFFFF086  }
0x25: {  	[simem:s6], [sflag:s4] =	dma.local [hbm:s3], $0xF7A  }
0x26: {  	[smem:$0x3F90] =	sst s1;
	(tag) =	ssettag s2;
	_ =	strace s9  }
0x27: {  	s1 =	sld [smem:$0x3FA0]  }
0x28: {  	s2 =	sld [smem:$0x3FA1]  }
0x29: {  	s4 =	sld [smem:$0x3FA3]  }
0x2a: {  	p0 =	seq.s32 s5, $0x0;
	s5 =	sld [smem:$0x3FA4]  }
0x2b: {  	s6 =	sld [smem:$0x3FA5]  }
0x2c: {  	s7 =	sld [smem:$0x3FA6]  }
0x2d: {  	s3 =	simm.s32 $0x108;
	s8 =	sld [smem:$0x3FA7]  }
0x2e: {  	s3 =	simm.s32 @!p0 $0x1082;
	s9 =	sld [smem:$0x3FA8]  }
0x2f: {  	lr =	sadd.s32 s0, s3;
	s0 =	sld [smem:$0x3F9F]  }
0x30: {  	s3 =	sld [smem:$0x3FA2]  }
0x31: {  	[smem:$0x3FAB] =	sst s10  }
0x32: {  	s10 =	sld [smem:$0x3FA9];
	_ =	sdelay $0x3  }
0x33: {  	p0 =	seq.s32 s10, $0x1;
	s10 =	sld [smem:$0x3FAB];
	_ =	sdelay $0x3  }
0x34: {  	[smem:$0x3FAB] =	sst s10  }
0x35: {  	s10 =	sld [smem:$0x3FAA];
	_ =	sdelay $0x3  }
0x36: {  	p1 =	seq.s32 s10, $0x1;
	s10 =	sld [smem:$0x3FAB];
	_ =	sdelay $0x3  }
0x37: {  	[smem:$0x3FAB] =	sst s10  }
0x38: {  	s10 =	sld [smem:$0x3FAC]  }
0x39: {  	_ = 	snop;
	(pc) =	sbr.ind lr, $3  }
0x3a: {  	_ = 	snop  }
0x3b: {  	_ = 	snop  }
0x3c: {  	p2 =	seq.s32 s10, $0x1;
	s10 =	sld [smem:$0x3FAB]  }
0x3d: {  	_ =	shalt  }
0x3e: {  	_ =	shalt  }
0x3f: {  	_ =	shalt  }
0x40: {  	_ =	shalt  }
0x41: {  	_ =	shalt  }
0x42: {  	_ =	shalt  }
0x43: {  	_ =	shalt  }
0x44: {  	_ =	shalt  }
0x45: {  	_ =	shalt  }
0x46: {  	_ =	shalt  }
0x47: {  	_ =	shalt  }
0x48: {  	_ =	shalt  }
0x49: {  	_ =	shalt  }
0x4a: {  	_ =	shalt  }
0x4b: {  	_ =	shalt  }
0x4c: {  	_ =	shalt  }
0x4d: {  	_ =	shalt  }
0x4e: {  	_ =	shalt  }
0x4f: {  	_ =	shalt  }
0x50: {  	_ =	shalt  }
0x51: {  	_ =	shalt  }
0x52: {  	_ =	shalt  }
0x53: {  	_ =	shalt  }
0x54: {  	_ =	shalt  }
0x55: {  	_ =	shalt  }
0x56: {  	_ =	shalt  }
0x57: {  	_ =	shalt  }
0x58: {  	_ =	shalt  }
0x59: {  	_ =	shalt  }
0x5a: {  	_ =	shalt  }
0x5b: {  	_ =	shalt  }
0x5c: {  	_ =	shalt  }
0x5d: {  	_ =	shalt  }
0x5e: {  	_ =	shalt  }
0x5f: {  	_ =	shalt  }
0x60: {  	_ =	shalt  }
0x61: {  	_ =	shalt  }
0x62: {  	_ =	shalt  }
0x63: {  	_ =	shalt  }
0x64: {  	_ =	shalt  }
0x65: {  	_ =	shalt  }
0x66: {  	_ =	shalt  }
0x67: {  	_ =	shalt  }
0x68: {  	_ =	shalt  }
0x69: {  	_ =	shalt  }
0x6a: {  	_ =	shalt  }
0x6b: {  	_ =	shalt  }
0x6c: {  	_ =	shalt  }
0x6d: {  	_ =	shalt  }
0x6e: {  	_ =	shalt  }
0x6f: {  	_ =	shalt  }
0x70: {  	_ =	shalt  }
0x71: {  	_ =	shalt  }
0x72: {  	_ =	shalt  }
0x73: {  	_ =	shalt  }
0x74: {  	_ =	shalt  }
0x75: {  	_ =	shalt  }
0x76: {  	_ =	shalt  }
0x77: {  	_ =	shalt  }
0x78: {  	_ =	shalt  }
0x79: {  	_ =	shalt  }
0x7a: {  	_ =	shalt  }
0x7b: {  	_ =	shalt  }
0x7c: {  	_ =	shalt  }
0x7d: {  	_ =	shalt  }
0x7e: {  	_ =	shalt  }
0x7f: {  	_ =	shalt  }
0x80: {  	_ =	shalt  }
0x81: {  	_ =	shalt  }
0x82: {  	_ =	shalt  }
0x83: {  	_ =	shalt  }
0x84: {  	_ =	shalt  }
0x85: {  	_ =	shalt  }
0x86: {  	_ =	shalt  }
0x87: {  	_ =	shalt  }
.Lfunc_end0:
.L_simem_size_0:
called_computation.3_lowered:
.L_overlay_start_0:
0x88: {  	s2 =	sld [smem:$0x3FD9]  }
0x89: {  	s3 =	sld [smem:$0x3FFE];
	_ =	sdelay $0x1  }
0x8a: {  	s1 =	srdreg.scid  }
0x8b: {  	s0 =	sand.u32 $0x1, s1  }
0x8c: {  	s16 =	sshll.u32 s0, $0xA;
	s2 =	sadd.s32 s3, s2  }
0x8d: {  	s2 =	sadd.s32 s2, s16  }
0x8e: {  	[smem:$0x3FB7] =	sst s2  }
0x8f: {  	_ = 	snop  }
0x90: {  	(tm) =	ssettm $0x1  }
0x91: {  	s17 =	sld [smem:$0x3FFB];
	_ =	sdelay $0x3  }
0x92: {  	_ =	strace s17  }
0x93: {  	s2 =	sld [smem:$0x3FFC];
	_ =	sdelay $0x3  }
0x94: {  	_ =	strace s2  }
0x95: {  	s2 =	sld [smem:$0x3FFD];
	_ =	sdelay $0x3  }
0x96: {  	_ =	strace s2  }
0x97: {  	_ =	strace $0x8FFFFFFF  }
0x98: {  	s18 =	sld [smem:$0x3FDB];
	_ =	sdelay $0x1  }
0x99: {  	s19 =	simm.s32 $_scs_section_size  }
0x9a: {  	s4 =	simm.s32 $_size__tile_overlayer_lowered;
	s5 =	simm.s32 $_tile_overlayer_lowered  }
0x9b: {  	s22 =	simm.s32 $0x1BFF;
	s21 =	sshll.u32 s5, $0x1;
	s2 =	sadd.s32 s19, s18  }
0x9c: {  	s6 =	simm.s32 $0x0;
	s20 =	sshll.u32 s4, $0x1;
	s4 =	sadd.s32 s21, s2  }
0x9d: {  	[timem:s6], [sflag:s22] =	dma.local [hbm:s4], s20  }
0x9e: {  	_ =	swait.ge [sflag:s22], s20  }
0x9f: {  	s3 =	ssub.s32 $0x0, s20;
	[sflag:s22] =	ssyncset.done $0x0  }
0xa0: {  	[sflag:s22] =	ssyncadd.s32 s3;
	_ =	sdelay $0x1  }
0xa1: {  	s23 =	simm.s32 $0x1B8B  }
0xa2: {  	_ =	swait.ge [sflag:s23], $0x1  }
0xa3: {  	[sflag:s23] =	ssyncset.done $0x0  }
0xa4: {  	s25 =	simm.s32 $0x1B8E;
	s24 =	sld [smem:$0x3FFE];
	[sflag:s23] =	ssyncadd.s32 $0xFFFFFFFF  }
0xa5: {  	s26 =	simm.s32 $execute0_lowered;
	[smem:$0x3FD2] =	sst s25  }
0xa6: {  	s4 =	sshll.u32 s26, $0x1;
	_ =	strace $0x8000004F;
	[dreg:$0x1] =	wrdreg $0xFFFFFFFF  }
0xa7: {  	s28 =	simm.s32 $_size_execute0_lowered;
	s2 =	sadd.s32 s2, s4;
	[dreg:$0x0] =	wrdreg $0x0  }
0xa8: {  	s4 =	sshll.u32 s28, $0x1;
	[dreg:$0x2] =	wrdreg s2  }
0xa9: {  	[dreg:$0x3] =	wrdreg s4  }
0xaa: {  	[dreg:$0x4] =	wrdreg $0xC0  }
0xab: {  	_ =	task [dreg:s6], $0x5FFFF  }
0xac: {  	[dreg:$0x1] =	wrdreg $0xFFFFFFFF  }
0xad: {  	[dreg:$0x0] =	wrdreg $0x60  }
0xae: {  	[dreg:$0x2] =	wrdreg s24  }
0xaf: {  	[dreg:$0x3] =	wrdreg $0xA9800  }
0xb0: {  	[dreg:$0x4] =	wrdreg $0x9  }
0xb1: {  	_ =	task.clear_ibuf [dreg:s6], $0x5FFFF;
	_ =	strace $0x9000004F  }
0xb2: {  	s29 =	simm.s32 $0x9;
	_ =	strace $0x80000051  }
0xb3: {  	_ =	swait.ge [sflag:s29], $0x1  }
0xb4: {  	[sflag:s29] =	ssyncadd.s32 $0xFFFFFFFF  }
0xb5: {  	_ =	strace $0x90000051  }
0xb6: {  	_ =	sfence  }
0xb7: {  	s30 =	sld [smem:$0x0];
	_ =	sdelay $0x2  }
0xb8: {  	s31 =	sshll.u32 s1, $0xD;
	s1 =	sshrl.u32 s1, $0x2  }
0xb9: {  	s3 =	sand.u32 $0x4000, s31;
	s1 =	sadd.s32 s1, s30  }
0xba: {  	s0 =	sor.u32 s3, s0;
	s1 =	sshll.u32 s1, $0x11  }
0xbb: {  	s0 =	sor.u32 s1, s0  }
0xbc: {  	s0 =	sadd.s32 $0x8F2B, s0  }
0xbd: {  	[sflag:s0] =	ssyncadd.remote.s32 $0x1  }
0xbe: {  	_ =	sfence.sel $0xFFFF  }
0xbf: {  	[dreg:$0x0] =	wrdreg $0xFFFFFFFF;
	(pc) =	sbr.abs _section_cstart, $3  }
0xc0: {  	[dreg:$0x1] =	wrdreg $0xFFFFFFFF  }
0xc1: {  	_ =	task.clear_ibuf [dreg:s6], $0x2FFFF;
	_ =	strace $0x9FFFFFFF  }
0xc2: {  	(tm) =	ssettm $0x7FFFFFFF  }
0xc3: {  	_ =	shalt  }
tec
execute0_lowered:
.L_overlay_start_1:
0x0: {  	(tag) =	ssettag $0x1  }
0x1: {  	s0 =	rddreg [dreg:$0x0]  }
0x2: {  	s1 =	srdreg.scid;
	s3 =	rddreg [dreg:$0x1]  }
0x3: {  	s10 =	stileid.u32;
	s22 =	simm.s32 $0x0;
	s17 =	simm.s32 $0xB  }
0x4: {  	s18 =	simm.s32 $0x2980;
	s19 =	simm.s32 $0x2800;
	s11 =	simm.s32 $0x28A0  }
0x5: {  	s12 =	simm.s32 $0x7980;
	s13 =	simm.s32 $0x28C0;
	s14 =	simm.s32 $0x8980  }
0x6: {  	s15 =	simm.s32 $0x28E0;
	s16 =	simm.s32 $0x9980;
	s28 =	simm.s32 $0x2880  }
0x7: {  	s29 =	simm.s32 $0xA;
	s30 =	simm.s32 $0x6980;
	[smem:$0x7FF] =	sst s22  }
0x8: {  	s7 =	smul.u32 $0x2800, s10;
	_ =	strace $0x80000050;
	[dreg:$0x3] =	wrdreg s11  }
0x9: {  	s31 =	simm.s32 $0x1;
	s9 =	smul.u32 $0x13C00, s10;
	[dreg:$0x4] =	wrdreg s12  }
0xa: {  	s1 =	sand.u32 $0x1, s1;
	s20 =	smul.u32 $0x4F000, s10;
	[dreg:$0x5] =	wrdreg s13  }
0xb: {  	s4 =	sadd.s32 $0x67600, s0;
	s6 =	smul.u32 $0x28000, s1;
	[dreg:$0x6] =	wrdreg s14  }
0xc: {  	s5 =	sadd.s32 $0x5D600, s0;
	s8 =	smul.u32 $0x13C000, s1;
	[dreg:$0x7] =	wrdreg s15  }
0xd: {  	s1 =	ssub.s32 $0x2, s1;
	[dreg:$0x8] =	wrdreg s16;
	s12 =	simm.s32 $0x9  }
0xe: {  	s13 =	simm.s32 $0x5;
	s14 =	simm.s32 $0x6;
	s15 =	simm.s32 $0x7  }
0xf: {  	s16 =	simm.s32 $0x8;
	s11 =	simm.s32 $0x0;
	s23 =	sshrl.u32 s1, $0x1  }
0x10: {  	s6 =	sadd.s32 s7, s6;
	s8 =	sadd.s32 s9, s8;
	s1 =	ssub.s32 s1, s23  }
0x11: {  	s9 =	sshrl.u32 s20, $0x2;
	s7 =	sshrl.u32 s6, $0x3;
	s10 =	smax.u32 s1, $0x1  }
0x12: {  	s21 =	sadd.s32 s7, s0;
	s7 =	sadd.s32 s5, s7;
	[dreg:$0x12] =	wrdreg s10  }
0x13: {  	s8 =	sshrl.u32 s8, $0x3;
	s24 =	sadd.s32 $0x4600, s21;
	[dreg:$0xd] =	wrdreg s7  }
0x14: {  	s0 =	sadd.s32 s8, s0;
	s7 =	sadd.s32 $0x10, s7;
	[dreg:$0x9] =	wrdreg s24  }
0x15: {  	s20 =	simm.s32 $0x20;
	s0 =	sadd.s32 $0x8E800, s0;
	[dreg:$0x10] =	wrdreg s7  }
0x16: {  	s23 =	simm.s32 $0x2820;
	s21 =	sadd.s32 s9, s3;
	[dreg:$0x11] =	wrdreg s0  }
0x17: {  	s1 =	simm.s32 $0x3;
	s25 =	sadd.s32 $0x4000, s21;
	[dreg:$0xa] =	wrdreg s21  }
0x18: {  	s10 =	simm.s32 $0x2900;
	s26 =	sadd.s32 $0x8000, s21;
	[dreg:$0xb] =	wrdreg s25  }
0x19: {  	s2 =	sadd.s32 $0xC000, s21;
	s9 =	sadd.s32 $0x10000, s21;
	[dreg:$0xc] =	wrdreg s26  }
0x1a: {  	s24 =	simm.s32 $0x3980;
	s0 =	simm.s32 $0x2;
	[dreg:$0xe] =	wrdreg s2  }
0x1b: {  	s7 =	simm.s32 $0x4;
	[dreg:$0xf] =	wrdreg s9;
	s25 =	simm.s32 $0x2840  }
0x1c: {  	v0 =	vimm.f32 $0.0e+00;
	s26 =	simm.s32 $0x4980;
	s2 =	simm.s32 $0x2860;
	s9 =	simm.s32 $0x80  }
.LBB2_1:
0x1d: {  	[dreg:$0x13] =	wrdreg s11;
	s8 =	simm.s32 $0x0;
	s11 =	simm.s32 $0x200  }
.LBB2_2:
0x1e: {  	p0 =	sne.s32 s11, $0xFE00;
	[tilespmem:s8+$0x29F0] =	vst v0  }
0x1f: {  	[tilespmem:s8+$0x2980] =	vst v0  }
0x20: {  	[tilespmem:s8+$0x2990] =	vst v0  }
.Ltmp0:
0x21: {  	[tilespmem:s8+$0x29A0] =	vst v0;
	(pc) =	sbr.rel @p0 .LBB2_2-.Ltmp0, $4  }
0x22: {  	[tilespmem:s8+$0x29B0] =	vst v0  }
0x23: {  	[tilespmem:s8+$0x29C0] =	vst v0  }
0x24: {  	[tilespmem:s8+$0x29D0] =	vst v0  }
0x25: {  	[tilespmem:s8+$0x29E0] =	vst v0;
	s8 =	sshra.s32 s11, $0x2;
	s11 =	sadd.s32 $0x200, s11  }
0x26: {  	[tilespmem:s8+$0x29F0] =	vst v0  }
0x27: {  	[tilespmem:s8+$0x2980] =	vst v0  }
0x28: {  	[tilespmem:s8+$0x2990] =	vst v0  }
0x29: {  	[tilespmem:s8+$0x29A0] =	vst v0  }
0x2a: {  	[tilespmem:s8+$0x29B0] =	vst v0  }
0x2b: {  	[tilespmem:s8+$0x29C0] =	vst v0  }
0x2c: {  	[tilespmem:s8+$0x29D0] =	vst v0  }
0x2d: {  	[tilespmem:s8+$0x29E0] =	vst v0;
	s8 =	simm.s32 $0x0;
	s11 =	simm.s32 $0x200  }
.LBB2_4:
0x2e: {  	p0 =	sne.s32 s11, $0xFE00;
	[tilespmem:s8+$0x69F0] =	vst v0  }
0x2f: {  	[tilespmem:s8+$0x6980] =	vst v0  }
0x30: {  	[tilespmem:s8+$0x6990] =	vst v0  }
.Ltmp1:
0x31: {  	[tilespmem:s8+$0x69A0] =	vst v0;
	(pc) =	sbr.rel @p0 .LBB2_4-.Ltmp1, $4  }
0x32: {  	[tilespmem:s8+$0x69B0] =	vst v0  }
0x33: {  	[tilespmem:s8+$0x69C0] =	vst v0  }
0x34: {  	[tilespmem:s8+$0x69D0] =	vst v0  }
0x35: {  	[tilespmem:s8+$0x69E0] =	vst v0;
	s8 =	sshra.s32 s11, $0x2;
	s11 =	sadd.s32 $0x200, s11  }
0x36: {  	[tilespmem:s8+$0x69F0] =	vst v0  }
0x37: {  	[tilespmem:s8+$0x6980] =	vst v0  }
0x38: {  	[tilespmem:s8+$0x6990] =	vst v0  }
0x39: {  	[tilespmem:s8+$0x69A0] =	vst v0  }
0x3a: {  	[tilespmem:s8+$0x69B0] =	vst v0  }
0x3b: {  	[tilespmem:s8+$0x69C0] =	vst v0  }
0x3c: {  	[tilespmem:s8+$0x69D0] =	vst v0  }
0x3d: {  	[tilespmem:s8+$0x69E0] =	vst v0;
	s11 =	rddreg [dreg:$0x9]  }
0x3e: {  	[tilespmem:s22], [sflag:$0xB] =	stream.linear.gather [hbm4b:s11+s22], $0x2800, $0x38;
	[tilespmem:$0x1E580] =	vst v63  }
0x3f: {  	_ =	swait.ge [sflag:s17], $0x2800  }
0x40: {  	[sflag:s17] =	ssyncset.done $0x0  }
0x41: {  	[sflag:s17] =	ssyncadd.s32 $0xFFFFD800  }
0x42: {  	[spmem:s21] =	stream.linear.scatter [tilespmem:s18], [sflag:$0xB], $0x4000, $0x38;
	[tilespmem:$0x1E580] =	vst v63  }
0x43: {  	_ =	swait.ge [sflag:s17], $0x4000  }
0x44: {  	[sflag:s17] =	ssyncset.done $0x0  }
0x45: {  	s11 =	rddreg [dreg:$0xb];
	[sflag:s17] =	ssyncadd.s32 $0xFFFFC000  }
0x46: {  	[spmem:s11] =	stream.linear.scatter [tilespmem:s18], [sflag:$0xB], $0x4000, $0x38;
	[tilespmem:$0x1E580] =	vst v63  }
0x47: {  	_ =	swait.ge [sflag:s17], $0x4000  }
0x48: {  	[sflag:s17] =	ssyncset.done $0x0  }
0x49: {  	s21 =	rddreg [dreg:$0xc];
	[sflag:s17] =	ssyncadd.s32 $0xFFFFC000  }
0x4a: {  	[spmem:s21] =	stream.linear.scatter [tilespmem:s18], [sflag:$0xB], $0x4000, $0x38;
	[tilespmem:$0x1E580] =	vst v63  }
0x4b: {  	_ =	swait.ge [sflag:s17], $0x4000  }
0x4c: {  	[sflag:s17] =	ssyncset.done $0x0  }
0x4d: {  	s11 =	rddreg [dreg:$0xe];
	[sflag:s17] =	ssyncadd.s32 $0xFFFFC000  }
0x4e: {  	[spmem:s11] =	stream.linear.scatter [tilespmem:s18], [sflag:$0xB], $0x4000, $0x38;
	[tilespmem:$0x1E580] =	vst v63  }
0x4f: {  	_ =	swait.ge [sflag:s17], $0x4000  }
0x50: {  	[sflag:s17] =	ssyncset.done $0x0  }
0x51: {  	s21 =	rddreg [dreg:$0xf];
	[sflag:s17] =	ssyncadd.s32 $0xFFFFC000  }
0x52: {  	[spmem:s21] =	stream.linear.scatter [tilespmem:s18], [sflag:$0xB], $0x3C00, $0x38;
	[tilespmem:$0x1E580] =	vst v63  }
0x53: {  	_ =	swait.ge [sflag:s17], $0x3C00  }
0x54: {  	[sflag:s17] =	ssyncset.done $0x0  }
0x55: {  	[sflag:s17] =	ssyncadd.s32 $0xFFFFC400  }
0x56: {  	[bflag:$0x0] =	sbarrier.arrive $0xFFFF  }
0x57: {  	s11 =	rddreg [dreg:$0xd]  }
0x58: {  	[tilespmem:s19], [sflag:$0xB] =	stream.linear.gather [hbm4b:s11+s22], $0x80, $0x38;
	[tilespmem:$0x1E580] =	vst v63  }
0x59: {  	_ =	swait.ge [sflag:s17], $0x80  }
0x5a: {  	[sflag:s17] =	ssyncset.done $0x0  }
0x5b: {  	[sflag:s17] =	ssyncadd.s32 $0xFFFFFF80  }
0x5c: {  	[tilespmem:s18], [sflag:$0x1] =	stream.indirect.gather [hbm4b:s4+s20], $0x80, s19, s20, $0xb8;
	[tilespmem:$0x1E580] =	vst v63  }
0x5d: {  	_ = 	snop  }
0x5e: {  	[tilespmem:s24], [sflag:$0x2] =	stream.indirect.gather [hbm4b:s4+s20], $0x80, s23, s20, $0xb8;
	[tilespmem:$0x1E580] =	vst v63  }
0x5f: {  	_ = 	snop  }
0x60: {  	[tilespmem:s26], [sflag:$0x3] =	stream.indirect.gather [hbm4b:s4+s20], $0x80, s25, s20, $0xb8;
	[tilespmem:$0x1E580] =	vst v63  }
0x61: {  	s21 =	simm.s32 $0x5980  }
0x62: {  	[tilespmem:s21], [sflag:$0x4] =	stream.indirect.gather [hbm4b:s4+s20], $0x80, s2, s20, $0xb8;
	[tilespmem:$0x1E580] =	vst v63  }
0x63: {  	s11 =	rddreg [dreg:$0x10]  }
0x64: {  	[tilespmem:s28], [sflag:$0xA] =	stream.linear.gather [hbm4b:s11+s22], $0x80, $0x38;
	[tilespmem:$0x1E580] =	vst v63  }
0x65: {  	_ =	swait.ge [sflag:s29], $0x80  }
0x66: {  	s21 =	rddreg [dreg:$0x5]  }
0x67: {  	s11 =	rddreg [dreg:$0x3]  }
0x68: {  	s2 =	rddreg [dreg:$0x4]  }
0x69: {  	[sflag:s29] =	ssyncset.done $0x0;
	s8 =	rddreg [dreg:$0x6]  }
0x6a: {  	[dreg:$0x14] =	wrdreg s21;
	[sflag:s29] =	ssyncadd.s32 $0xFFFFFF80  }
0x6b: {  	[tilespmem:s30], [sflag:$0x5] =	stream.indirect.gather [hbm4b:s4+s20], $0x80, s28, s20, $0xb8;
	[tilespmem:$0x1E580] =	vst v63  }
0x6c: {  	s21 =	rddreg [dreg:$0x8]  }
0x6d: {  	[tilespmem:s2], [sflag:$0x6] =	stream.indirect.gather [hbm4b:s4+s20], $0x80, s11, s20, $0xb8;
	[tilespmem:$0x1E580] =	vst v63  }
0x6e: {  	s2 =	rddreg [dreg:$0x14]  }
0x6f: {  	[tilespmem:s8], [sflag:$0x7] =	stream.indirect.gather [hbm4b:s4+s20], $0x80, s2, s20, $0xb8;
	[tilespmem:$0x1E580] =	vst v63  }
0x70: {  	s11 =	rddreg [dreg:$0x7]  }
0x71: {  	[tilespmem:s21], [sflag:$0x8] =	stream.indirect.gather [hbm4b:s4+s20], $0x80, s11, s20, $0xb8;
	[tilespmem:$0x1E580] =	vst v63  }
0x72: {  	_ =	swait.ge [sflag:s31], $0x1000  }
0x73: {  	[sflag:s31] =	ssyncset.done $0x0  }
0x74: {  	[sflag:s31] =	ssyncadd.s32 $0xFFFFF000  }
0x75: {  	_ =	swait.ge [sflag:s0], $0x1000  }
0x76: {  	[sflag:s0] =	ssyncset.done $0x0  }
0x77: {  	[sflag:s0] =	ssyncadd.s32 $0xFFFFF000  }
0x78: {  	_ =	swait.ge [sflag:s1], $0x1000  }
0x79: {  	p0 =	por $0x0, $0x0;
	s8 =	simm.s32 $0x100;
	[sflag:s1] =	ssyncset.done $0x0  }
0x7a: {  	s8 =	simm.s32 @p0 $0x0;
	[sflag:s1] =	ssyncadd.s32 $0xFFFFF000  }
0x7b: {  	s8 =	sadd.s32 s6, s8;
	_ =	swait.ge [sflag:s7], $0x1000  }
0x7c: {  	s8 =	sshrl.u32 s8, $0x3;
	[sflag:s7] =	ssyncset.done $0x0  }
0x7d: {  	s21 =	simm.s32 $0x80;
	s11 =	sadd.s32 s5, s8;
	[sflag:s7] =	ssyncadd.s32 $0xFFFFF000  }
0x7e: {  	[tilespmem:s19], [sflag:$0x9] =	stream.linear.gather [hbm4b:s11+s22], $0x80, $0x38;
	[tilespmem:$0x1E580] =	vst v63  }
0x7f: {  	v1 =	vld [tilespmem:s21+$0xFFFFFF80];
	_ =	sdelay $0x4  }
0x80: {  	[tilespmem:$0x2900] =	vst v1  }
0x81: {  	v1 =	vld [tilespmem:s21+$0xFFFFFF90];
	_ =	sdelay $0x4  }
0x82: {  	[tilespmem:$0x2910] =	vst v1  }
0x83: {  	v1 =	vld [tilespmem:s21+$0xFFFFFFA0];
	_ =	sdelay $0x4  }
0x84: {  	[tilespmem:$0x2920] =	vst v1  }
0x85: {  	v1 =	vld [tilespmem:s21+$0xFFFFFFB0];
	_ =	sdelay $0x4  }
0x86: {  	[tilespmem:$0x2930] =	vst v1  }
0x87: {  	v1 =	vld [tilespmem:s21+$0xFFFFFFC0];
	_ =	sdelay $0x4  }
0x88: {  	[tilespmem:$0x2940] =	vst v1  }
0x89: {  	v1 =	vld [tilespmem:s21+$0xFFFFFFD0];
	_ =	sdelay $0x4  }
0x8a: {  	[tilespmem:$0x2950] =	vst v1  }
0x8b: {  	v1 =	vld [tilespmem:s21+$0xFFFFFFE0];
	_ =	sdelay $0x4  }
0x8c: {  	[tilespmem:$0x2960] =	vst v1  }
0x8d: {  	v1 =	vld [tilespmem:s21+$0xFFFFFFF0];
	_ =	sdelay $0x4  }
0x8e: {  	[tilespmem:$0x2970] =	vst v1  }
0x8f: {  	[spmem:s3] =	stream.indirect.scatter.add.f32 [tilespmem:s18], [sflag:$0xB], $0x80, s10, s9, $0xb8;
	[tilespmem:$0x1E580] =	vst v63  }
0x90: {  	_ =	swait.ge [sflag:s17], $0x4000  }
0x91: {  	[sflag:s17] =	ssyncset.done $0x0  }
0x92: {  	[sflag:s17] =	ssyncadd.s32 $0xFFFFC000  }
0x93: {  	_ =	swait.ge [sflag:s12], $0x80  }
0x94: {  	[sflag:s12] =	ssyncset.done $0x0  }
0x95: {  	[sflag:s12] =	ssyncadd.s32 $0xFFFFFF80  }
0x96: {  	[tilespmem:s18], [sflag:$0x1] =	stream.indirect.gather [hbm4b:s4+s20], $0x80, s19, s20, $0xb8;
	[tilespmem:$0x1E580] =	vst v63  }
0x97: {  	_ = 	snop  }
0x98: {  	[tilespmem:s24], [sflag:$0x2] =	stream.indirect.gather [hbm4b:s4+s20], $0x80, s23, s20, $0xb8;
	[tilespmem:$0x1E580] =	vst v63  }
0x99: {  	_ = 	snop  }
0x9a: {  	[tilespmem:s26], [sflag:$0x3] =	stream.indirect.gather [hbm4b:s4+s20], $0x80, s25, s20, $0xb8;
	[tilespmem:$0x1E580] =	vst v63  }
0x9b: {  	s25 =	simm.s32 $0x5980;
	s26 =	simm.s32 $0x2860  }
0x9c: {  	[tilespmem:s25], [sflag:$0x4] =	stream.indirect.gather [hbm4b:s4+s20], $0x80, s26, s20, $0xb8;
	[tilespmem:$0x1E580] =	vst v63  }
0x9d: {  	_ =	swait.ge [sflag:s13], $0x1000  }
0x9e: {  	[sflag:s13] =	ssyncset.done $0x0  }
0x9f: {  	[sflag:s13] =	ssyncadd.s32 $0xFFFFF000  }
0xa0: {  	_ =	swait.ge [sflag:s14], $0x1000  }
0xa1: {  	[sflag:s14] =	ssyncset.done $0x0  }
0xa2: {  	[sflag:s14] =	ssyncadd.s32 $0xFFFFF000  }
0xa3: {  	_ =	swait.ge [sflag:s15], $0x1000  }
0xa4: {  	s11 =	simm.s32 $0x180;
	[sflag:s15] =	ssyncset.done $0x0  }
0xa5: {  	s11 =	simm.s32 @p0 $0x80;
	[sflag:s15] =	ssyncadd.s32 $0xFFFFF000  }
0xa6: {  	s11 =	sadd.s32 s6, s11;
	_ =	swait.ge [sflag:s16], $0x1000  }
0xa7: {  	s11 =	sshrl.u32 s11, $0x3;
	[sflag:s16] =	ssyncset.done $0x0  }
0xa8: {  	s11 =	sadd.s32 s5, s11;
	[sflag:s16] =	ssyncadd.s32 $0xFFFFF000  }
0xa9: {  	[tilespmem:s28], [sflag:$0xA] =	stream.linear.gather [hbm4b:s11+s22], $0x80, $0x38;
	[tilespmem:$0x1E580] =	vst v63  }
0xaa: {  	v1 =	vld [tilespmem:s21+$0x0];
	_ =	sdelay $0x4  }
0xab: {  	[tilespmem:$0x2900] =	vst v1  }
0xac: {  	v1 =	vld [tilespmem:s21+$0x10];
	_ =	sdelay $0x4  }
0xad: {  	[tilespmem:$0x2910] =	vst v1  }
0xae: {  	v1 =	vld [tilespmem:s21+$0x20];
	_ =	sdelay $0x4  }
0xaf: {  	[tilespmem:$0x2920] =	vst v1  }
0xb0: {  	v1 =	vld [tilespmem:s21+$0x30];
	_ =	sdelay $0x4  }
0xb1: {  	[tilespmem:$0x2930] =	vst v1  }
0xb2: {  	v1 =	vld [tilespmem:s21+$0x40];
	_ =	sdelay $0x4  }
0xb3: {  	[tilespmem:$0x2940] =	vst v1  }
0xb4: {  	v1 =	vld [tilespmem:s21+$0x50];
	_ =	sdelay $0x4  }
0xb5: {  	[tilespmem:$0x2950] =	vst v1  }
0xb6: {  	v1 =	vld [tilespmem:s21+$0x60];
	_ =	sdelay $0x4  }
0xb7: {  	[tilespmem:$0x2960] =	vst v1  }
0xb8: {  	v1 =	vld [tilespmem:s21+$0x70];
	_ =	sdelay $0x4  }
0xb9: {  	s2 =	simm.s32 $0x0;
	s8 =	simm.s32 $0x280;
	s11 =	simm.s32 $0x180;
	[tilespmem:$0x2970] =	vst v1  }
0xba: {  	[spmem:s3] =	stream.indirect.scatter.add.f32 [tilespmem:s30], [sflag:$0xB], $0x80, s10, s9, $0xb8;
	[tilespmem:$0x1E580] =	vst v63  }
.LBB2_6:
0xbb: {  	_ =	swait.ge [sflag:s17], $0x4000  }
0xbc: {  	[sflag:s17] =	ssyncset.done $0x0  }
0xbd: {  	[sflag:s17] =	ssyncadd.s32 $0xFFFFC000  }
0xbe: {  	_ =	swait.ge [sflag:s29], $0x80  }
0xbf: {  	s22 =	rddreg [dreg:$0x7]  }
0xc0: {  	[sflag:s29] =	ssyncset.done $0x0;
	s23 =	rddreg [dreg:$0x5]  }
0xc1: {  	s24 =	rddreg [dreg:$0x3];
	[sflag:s29] =	ssyncadd.s32 $0xFFFFFF80  }
0xc2: {  	[tilespmem:s30], [sflag:$0x5] =	stream.indirect.gather [hbm4b:s4+s20], $0x80, s28, s20, $0xb8;
	[tilespmem:$0x1E580] =	vst v63  }
0xc3: {  	s25 =	rddreg [dreg:$0x4]  }
0xc4: {  	[tilespmem:s25], [sflag:$0x6] =	stream.indirect.gather [hbm4b:s4+s20], $0x80, s24, s20, $0xb8;
	[tilespmem:$0x1E580] =	vst v63  }
0xc5: {  	s26 =	rddreg [dreg:$0x6]  }
0xc6: {  	[tilespmem:s26], [sflag:$0x7] =	stream.indirect.gather [hbm4b:s4+s20], $0x80, s23, s20, $0xb8;
	[tilespmem:$0x1E580] =	vst v63  }
0xc7: {  	s24 =	rddreg [dreg:$0x8]  }
0xc8: {  	[tilespmem:s24], [sflag:$0x8] =	stream.indirect.gather [hbm4b:s4+s20], $0x80, s22, s20, $0xb8;
	[tilespmem:$0x1E580] =	vst v63  }
0xc9: {  	_ =	swait.ge [sflag:s31], $0x1000  }
0xca: {  	[sflag:s31] =	ssyncset.done $0x0  }
0xcb: {  	[sflag:s31] =	ssyncadd.s32 $0xFFFFF000  }
0xcc: {  	_ =	swait.ge [sflag:s0], $0x1000  }
0xcd: {  	[sflag:s0] =	ssyncset.done $0x0  }
0xce: {  	[sflag:s0] =	ssyncadd.s32 $0xFFFFF000  }
0xcf: {  	s21 =	smov.u32 s8;
	_ =	swait.ge [sflag:s1], $0x1000  }
0xd0: {  	p1 =	seq.s32 s21, $0x2880;
	s22 =	sadd.s32 $0xFFFFFF80, s21;
	[sflag:s1] =	ssyncset.done $0x0  }
0xd1: {  	s22 =	simm.s32 @p1 $0x0;
	[sflag:s1] =	ssyncadd.s32 $0xFFFFF000  }
0xd2: {  	s22 =	sadd.s32 s6, s22;
	_ =	swait.ge [sflag:s7], $0x1000  }
0xd3: {  	s22 =	sshrl.u32 s22, $0x3;
	[sflag:s7] =	ssyncset.done $0x0  }
0xd4: {  	s22 =	sadd.s32 s5, s22;
	[sflag:s7] =	ssyncadd.s32 $0xFFFFF000  }
0xd5: {  	[tilespmem:s19], [sflag:$0x9] =	stream.linear.gather [hbm4b:s22+s2], $0x80, $0x38;
	[tilespmem:$0x1E580] =	vst v63  }
0xd6: {  	v1 =	vld [tilespmem:s11+$0xFFFFFF80];
	_ =	sdelay $0x4  }
0xd7: {  	[tilespmem:$0x2900] =	vst v1  }
0xd8: {  	v1 =	vld [tilespmem:s11+$0xFFFFFF90];
	_ =	sdelay $0x4  }
0xd9: {  	[tilespmem:$0x2910] =	vst v1  }
0xda: {  	v1 =	vld [tilespmem:s11+$0xFFFFFFA0];
	_ =	sdelay $0x4  }
0xdb: {  	[tilespmem:$0x2920] =	vst v1  }
0xdc: {  	v1 =	vld [tilespmem:s11+$0xFFFFFFB0];
	_ =	sdelay $0x4  }
0xdd: {  	[tilespmem:$0x2930] =	vst v1  }
0xde: {  	v1 =	vld [tilespmem:s11+$0xFFFFFFC0];
	_ =	sdelay $0x4  }
0xdf: {  	[tilespmem:$0x2940] =	vst v1  }
0xe0: {  	v1 =	vld [tilespmem:s11+$0xFFFFFFD0];
	_ =	sdelay $0x4  }
0xe1: {  	[tilespmem:$0x2950] =	vst v1  }
0xe2: {  	v1 =	vld [tilespmem:s11+$0xFFFFFFE0];
	_ =	sdelay $0x4  }
0xe3: {  	[tilespmem:$0x2960] =	vst v1  }
0xe4: {  	v1 =	vld [tilespmem:s11+$0xFFFFFFF0];
	_ =	sdelay $0x4  }
0xe5: {  	[tilespmem:$0x2970] =	vst v1  }
0xe6: {  	[spmem:s3] =	stream.indirect.scatter.add.f32 [tilespmem:s18], [sflag:$0xB], $0x80, s10, s9, $0xb8;
	[tilespmem:$0x1E580] =	vst v63  }
0xe7: {  	_ =	swait.ge [sflag:s17], $0x4000  }
0xe8: {  	[sflag:s17] =	ssyncset.done $0x0  }
0xe9: {  	[sflag:s17] =	ssyncadd.s32 $0xFFFFC000  }
0xea: {  	_ =	swait.ge [sflag:s12], $0x80  }
0xeb: {  	[sflag:s12] =	ssyncset.done $0x0  }
0xec: {  	[sflag:s12] =	ssyncadd.s32 $0xFFFFFF80  }
0xed: {  	[tilespmem:s18], [sflag:$0x1] =	stream.indirect.gather [hbm4b:s4+s20], $0x80, s19, s20, $0xb8;
	[tilespmem:$0x1E580] =	vst v63  }
0xee: {  	s23 =	simm.s32 $0x2820;
	s24 =	simm.s32 $0x3980  }
0xef: {  	[tilespmem:s24], [sflag:$0x2] =	stream.indirect.gather [hbm4b:s4+s20], $0x80, s23, s20, $0xb8;
	[tilespmem:$0x1E580] =	vst v63  }
0xf0: {  	s25 =	simm.s32 $0x2840;
	s26 =	simm.s32 $0x4980  }
0xf1: {  	[tilespmem:s26], [sflag:$0x3] =	stream.indirect.gather [hbm4b:s4+s20], $0x80, s25, s20, $0xb8;
	[tilespmem:$0x1E580] =	vst v63  }
0xf2: {  	s22 =	simm.s32 $0x5980;
	s19 =	simm.s32 $0x2860  }
0xf3: {  	[tilespmem:s22], [sflag:$0x4] =	stream.indirect.gather [hbm4b:s4+s20], $0x80, s19, s20, $0xb8;
	[tilespmem:$0x1E580] =	vst v63  }
0xf4: {  	_ =	swait.ge [sflag:s13], $0x1000  }
0xf5: {  	[sflag:s13] =	ssyncset.done $0x0  }
0xf6: {  	[sflag:s13] =	ssyncadd.s32 $0xFFFFF000  }
0xf7: {  	_ =	swait.ge [sflag:s14], $0x1000  }
0xf8: {  	[sflag:s14] =	ssyncset.done $0x0  }
0xf9: {  	[sflag:s14] =	ssyncadd.s32 $0xFFFFF000  }
0xfa: {  	_ =	swait.ge [sflag:s15], $0x1000  }
0xfb: {  	[sflag:s15] =	ssyncset.done $0x0  }
0xfc: {  	s21 =	simm.s32 @p1 $0x80;
	[sflag:s15] =	ssyncadd.s32 $0xFFFFF000  }
0xfd: {  	s21 =	sadd.s32 s6, s21;
	_ =	swait.ge [sflag:s16], $0x1000  }
0xfe: {  	s21 =	sshrl.u32 s21, $0x3;
	[sflag:s16] =	ssyncset.done $0x0  }
0xff: {  	s21 =	sadd.s32 s5, s21;
	[sflag:s16] =	ssyncadd.s32 $0xFFFFF000  }
0x100: {  	[tilespmem:s28], [sflag:$0xA] =	stream.linear.gather [hbm4b:s21+s2], $0x80, $0x38;
	[tilespmem:$0x1E580] =	vst v63  }
0x101: {  	v1 =	vld [tilespmem:s11+$0x0];
	_ =	sdelay $0x4  }
0x102: {  	[tilespmem:$0x2900] =	vst v1  }
0x103: {  	v1 =	vld [tilespmem:s11+$0x10];
	_ =	sdelay $0x4  }
0x104: {  	[tilespmem:$0x2910] =	vst v1  }
0x105: {  	v1 =	vld [tilespmem:s11+$0x20];
	_ =	sdelay $0x4  }
0x106: {  	[tilespmem:$0x2920] =	vst v1  }
0x107: {  	v1 =	vld [tilespmem:s11+$0x30];
	_ =	sdelay $0x4  }
0x108: {  	[tilespmem:$0x2930] =	vst v1  }
0x109: {  	v1 =	vld [tilespmem:s11+$0x40];
	_ =	sdelay $0x4  }
0x10a: {  	[tilespmem:$0x2940] =	vst v1  }
0x10b: {  	v1 =	vld [tilespmem:s11+$0x50];
	_ =	sdelay $0x4  }
0x10c: {  	[tilespmem:$0x2950] =	vst v1  }
0x10d: {  	v1 =	vld [tilespmem:s11+$0x60];
	_ =	sdelay $0x4  }
0x10e: {  	[tilespmem:$0x2960] =	vst v1  }
0x10f: {  	v1 =	vld [tilespmem:s11+$0x70]  }
0x110: {  	p0 =	sne.s32 s8, $0x2880  }
.Ltmp2:
0x111: {  	_ = 	snop;
	(pc) =	sbr.rel @p0 .LBB2_6-.Ltmp2, $3  }
0x112: {  	_ =	sdelay $0x1  }
0x113: {  	s8 =	sadd.s32 $0x100, s8;
	s19 =	simm.s32 $0x2800;
	s11 =	sadd.s32 $0x100, s11;
	[tilespmem:$0x2970] =	vst v1  }
0x114: {  	[spmem:s3] =	stream.indirect.scatter.add.f32 [tilespmem:s30], [sflag:$0xB], $0x80, s10, s9, $0xb8;
	[tilespmem:$0x1E580] =	vst v63  }
0x115: {  	_ =	swait.ge [sflag:s17], $0x4000  }
0x116: {  	[sflag:s17] =	ssyncset.done $0x0  }
0x117: {  	[sflag:s17] =	ssyncadd.s32 $0xFFFFC000  }
0x118: {  	_ =	swait.ge [sflag:s31], $0x1000  }
0x119: {  	[sflag:s31] =	ssyncset.done $0x0  }
0x11a: {  	[sflag:s31] =	ssyncadd.s32 $0xFFFFF000  }
0x11b: {  	_ =	swait.ge [sflag:s0], $0x1000  }
0x11c: {  	[sflag:s0] =	ssyncset.done $0x0  }
0x11d: {  	[sflag:s0] =	ssyncadd.s32 $0xFFFFF000  }
0x11e: {  	_ =	swait.ge [sflag:s1], $0x1000  }
0x11f: {  	[sflag:s1] =	ssyncset.done $0x0  }
0x120: {  	[sflag:s1] =	ssyncadd.s32 $0xFFFFF000  }
0x121: {  	_ =	swait.ge [sflag:s7], $0x1000  }
0x122: {  	[sflag:s7] =	ssyncset.done $0x0  }
0x123: {  	[sflag:s7] =	ssyncadd.s32 $0xFFFFF000  }
0x124: {  	_ =	swait.ge [sflag:s29], $0x80  }
0x125: {  	[sflag:s29] =	ssyncset.done $0x0  }
0x126: {  	[sflag:s29] =	ssyncadd.s32 $0xFFFFFF80  }
0x127: {  	s8 =	stileid.u32;
	[bflag:$0x0] =	sbarrier.arrive $0xFFFF  }
0x128: {  	s8 =	sshll.u32 s8, $0x6;
	s21 =	rddreg [dreg:$0xa]  }
0x129: {  	s8 =	sor.u32 $0x1C0B, s8;
	s22 =	rddreg [dreg:$0x11];
	s11 =	sshrl.u32 s21, $0x3  }
0x12a: {  	[hbm:s22], [sflag:s8] =	dma.local [spmem:s11], $0x2780  }
0x12b: {  	_ =	swait.ge [sflag:s17], $0x2780  }
0x12c: {  	s8 =	rddreg [dreg:$0x13]  }
0x12d: {  	s22 =	rddreg [dreg:$0x12];
	s11 =	sadd.s32 $0x1, s8  }
0x12e: {  	p0 =	sne.s32 s11, s22  }
.Ltmp3:
0x12f: {  	_ = 	snop;
	(pc) =	sbr.rel @p0 .LBB2_1-.Ltmp3, $3  }
0x130: {  	_ =	sdelay $0x1  }
0x131: {  	[sflag:s17] =	ssyncset.done $0x0  }
0x132: {  	s2 =	simm.s32 $0x2860;
	[sflag:s17] =	ssyncadd.s32 $0xFFFFD880;
	s22 =	simm.s32 $0x0  }
0x133: {  	_ =	sfence.sel $0x180000  }
0x134: {  	[bflag:$0x0] =	sbarrier.arrive $0xFFFF  }
0x135: {  	_ =	strace $0x90000050  }
0x136: {  	s0 =	stileid.u32;
	[bflag:$0x2] =	sbarrier.arrive $0xFFFF  }
0x137: {  	p0 =	sne.s32 s0, $0x0;
	s0 =	rddreg [dreg:$0x2]  }
0x138: {  	s0 =	sadd.s32 @!p0 $0x100000, s0  }
0x139: {  	[sflag:s0] =	ssyncadd.tile.s32 @!p0 $0x1;
	_ =	shalt  }
.Lfunc_end2:
_tile_overlayer_lowered:
.L_overlay_start_2:
0x13a: {  	(tag) =	ssettag $0x2  }
0x13b: {  	s0 =	rddreg [dreg:$0x0];
	s2 =	stileid.u32  }
0x13c: {  	s1 =	rddreg [dreg:$0x1];
	p0 =	sne.s32 s2, $0x0  }
0x13d: {  	s3 =	rddreg [dreg:$0x2];
	[bflag:$0x3] =	sbarrier.arrive $0xFFFF;
	s2 =	simm.s32 @!p0 $0x1C0B  }
0x13e: {  	[timem:s3], [sflag:s2] =	dma.local @!p0 [hbm:s0], s1  }
0x13f: {  	s0 =	simm.s32 @!p0 $0xB  }
0x140: {  	_ =	swait.ge @!p0 [sflag:s0], s1  }
0x141: {  	s1 =	ssub.s32 @!p0 $0x0, s1;
	[sflag:s0] =	ssyncset.done @!p0 $0x0  }
0x142: {  	[sflag:s0] =	ssyncadd.s32 @!p0 s1  }
0x143: {  	[bflag:$0x3] =	sbarrier.arrive $0xFFFF  }
0x144: {  	_ =	shalt  }

</sc_bundles>
